<compile_context>
chip_gen: v7x
topology: tpu7x:2x2x1
jax: 0.10.2.dev20260603
libtpu: 0.0.44.dev20260713+nightly
codegen_flags: <defaults>
</compile_context>

<pallas_src>
import functools
import jax
import jax.numpy as jnp
from jax import lax
from jax.experimental import pallas as pl
from jax.experimental.pallas import tpu as pltpu
from jax.experimental.pallas import tpu_sc as plsc

N = 10000
E = 320000
D = 128
H = 128

NC = 2
NS = 16
NW = NC * NS
CH = 128

N_PAD = 10240
CHUNKS = 80
E_PAD = CHUNKS * NW * CH
ROWS_PER_TILE = N_PAD // NS

_mesh = plsc.VectorSubcoreMesh(core_axis_name="c", subcore_axis_name="s")


@functools.partial(
    pl.kernel,
    out_type=(
        jax.ShapeDtypeStruct((NC, N_PAD), jnp.float32),
        jax.ShapeDtypeStruct((NC, N_PAD), jnp.float32),
    ),
    mesh=_mesh,
    compiler_params=pltpu.CompilerParams(needs_layout_passes=False),
    scratch_types=[
        pltpu.VMEM((CHUNKS, CH), jnp.int32),
        pltpu.VMEM((CHUNKS, CH), jnp.int32),
        pltpu.VMEM((CHUNKS, CH), jnp.float32),
        pltpu.VMEM((CHUNKS, CH), jnp.float32),
        pltpu.VMEM((ROWS_PER_TILE,), jnp.float32),
        pltpu.VMEM_SHARED((N_PAD,), jnp.float32),
        pltpu.VMEM_SHARED((N_PAD,), jnp.float32),
    ],
)
def _sc_edge_scalars(src_hbm, dst_hbm, w_hbm, deg_out, craw_out,
                     srcr, dstr, wr, wzr, stage, deg_s, craw_s):
    cid = lax.axis_index("c")
    sid = lax.axis_index("s")
    wid = sid * NC + cid

    def zero_body(i, _):
        stage[pl.ds(i * 16, 16)] = jnp.zeros((16,), jnp.float32)
        return 0
    lax.fori_loop(0, ROWS_PER_TILE // 16, zero_body, 0)
    base = sid * ROWS_PER_TILE
    pltpu.sync_copy(stage, deg_s.at[pl.ds(base, ROWS_PER_TILE)])
    pltpu.sync_copy(stage, craw_s.at[pl.ds(base, ROWS_PER_TILE)])

    row0 = wid * CHUNKS
    pltpu.sync_copy(src_hbm.at[pl.ds(row0, CHUNKS), :], srcr)
    pltpu.sync_copy(dst_hbm.at[pl.ds(row0, CHUNKS), :], dstr)
    pltpu.sync_copy(w_hbm.at[pl.ds(row0, CHUNKS), :], wr)

    def mask_body(i, _):
        for j in range(CH // 16):
            sl = pl.ds(j * 16, 16)
            m = dstr[i, sl] == 0
            wzr[i, sl] = jnp.where(m, wr[i, sl], jnp.zeros((16,), jnp.float32))
        return 0
    lax.fori_loop(0, CHUNKS, mask_body, 0)

    plsc.subcore_barrier()

    def body(i, _):
        pltpu.sync_copy(wr.at[i], deg_s.at[dstr.at[i]], add=True)
        pltpu.sync_copy(wzr.at[i], craw_s.at[srcr.at[i]], add=True)
        return 0
    lax.fori_loop(0, CHUNKS, body, 0)
    plsc.subcore_barrier()

    pltpu.sync_copy(deg_s.at[pl.ds(base, ROWS_PER_TILE)], stage)
    pltpu.sync_copy(stage, deg_out.at[cid, pl.ds(base, ROWS_PER_TILE)])
    pltpu.sync_copy(craw_s.at[pl.ds(base, ROWS_PER_TILE)], stage)
    pltpu.sync_copy(stage, craw_out.at[cid, pl.ds(base, ROWS_PER_TILE)])


SEG = 8


@functools.partial(
    pl.kernel,
    out_type=(
        jax.ShapeDtypeStruct((NC * N_PAD, H), jnp.float32),
        jax.ShapeDtypeStruct((NW, CHUNKS + 2, 1, CH), jnp.int32),
        jax.ShapeDtypeStruct((NW, CHUNKS + 2, 1, CH), jnp.int32),
        jax.ShapeDtypeStruct((NW, CHUNKS + 2, 1, CH), jnp.float32),
    ),
    mesh=_mesh,
    compiler_params=pltpu.CompilerParams(needs_layout_passes=False),
    scratch_types=[
        pltpu.VMEM((SEG, CH), jnp.int32),
        pltpu.VMEM((SEG, CH), jnp.int32),
        pltpu.VMEM((SEG, CH), jnp.float32),
        pltpu.VMEM((N_PAD,), jnp.float32),
        pltpu.VMEM((N_PAD,), jnp.float32),
        pltpu.VMEM((2, CH), jnp.int32),
        pltpu.VMEM((2, CH), jnp.int32),
        pltpu.VMEM((2, CH), jnp.float32),
        pltpu.VMEM((1, CH), jnp.int32),
        pltpu.VMEM((1, CH), jnp.int32),
        pltpu.VMEM((1, CH), jnp.float32),
        pltpu.VMEM((CH, H), jnp.float32),
        pltpu.VMEM((ROWS_PER_TILE // CH, CH), jnp.int32),
        pltpu.VMEM((ROWS_PER_TILE // CH, CH), jnp.int32),
        pltpu.VMEM_SHARED((N_PAD, H), jnp.float32),
        pltpu.SemaphoreType.DMA,
    ],
)
def _sc_scatter_rows(src_hbm, dst_hbm, w_hbm, tab_hbm, flag_hbm, rs_hbm,
                     s_out, srcc_hbm, dstc_hbm, wc_hbm,
                     srcr, dstr, wr, flagv, rsv, srcs, dsts, ws,
                     srcv, dstv, wv, rows, rowids, rowidg, s_s, sem):
    cid = lax.axis_index("c")
    sid = lax.axis_index("s")
    wid = sid * NC + cid

    def zrow(i, _):
        for r in range(H // 16):
            rows[i, pl.ds(r * 16, 16)] = jnp.zeros((16,), jnp.float32)
        return 0
    lax.fori_loop(0, CH, zrow, 0)
    base = sid * ROWS_PER_TILE

    pltpu.sync_copy(flag_hbm, flagv)
    pltpu.sync_copy(rs_hbm, rsv)

    iota = lax.iota(jnp.int32, 16)
    basev = jnp.broadcast_to(base, (16,))
    basegv = jnp.broadcast_to(base + cid * N_PAD, (16,))
    def fill_ids(g, _):
        i = lax.shift_right_logical(g, 3)
        j = lax.shift_left(lax.bitwise_and(g, 7), 4)
        rowids[i, pl.ds(j, 16)] = basev
        rowidg[i, pl.ds(j, 16)] = basegv
        return 0
    lax.fori_loop(0, (ROWS_PER_TILE // CH) * (CH // 16), fill_ids, 0)

    def scan_flags(g, off):
        rid16 = base + g * 16 + iota
        f16 = flagv[pl.ds(base + g * 16, 16)]
        m = f16 != 0.0
        cum = plsc.cumsum(jnp.where(m, 1, 0))
        pos = off + cum - 1
        prow = lax.shift_right_logical(pos, 7)
        pcol = lax.bitwise_and(pos, 127)
        plsc.store_scatter(rowids, [prow, pcol], rid16, mask=m)
        plsc.store_scatter(rowidg, [prow, pcol], rid16 + cid * N_PAD, mask=m)
        return off + cum[15]
    nr = lax.fori_loop(0, ROWS_PER_TILE // 16, scan_flags, 0)
    nrch = lax.shift_right_logical(nr + (CH - 1), 7)

    def zero_flagged(q, _):
        pltpu.sync_copy(rows, s_s.at[rowids.at[q]])
        return 0
    lax.fori_loop(0, nrch, zero_flagged, 0)

    def flush(r):
        sl = lax.bitwise_and(r, 1)
        pltpu.sync_copy(srcs.at[sl], srcc_hbm.at[wid, r, 0])
        pltpu.sync_copy(dsts.at[sl], dstc_hbm.at[wid, r, 0])
        pltpu.sync_copy(ws.at[sl], wc_hbm.at[wid, r, 0])

    def seg_body(s, off):
        row0 = wid * CHUNKS + s * SEG
        pltpu.sync_copy(src_hbm.at[pl.ds(row0, SEG), :], srcr)
        pltpu.sync_copy(dst_hbm.at[pl.ds(row0, SEG), :], dstr)
        pltpu.sync_copy(w_hbm.at[pl.ds(row0, SEG), :], wr)

        def compact(g, off):
            i = lax.shift_right_logical(g, 3)
            j = lax.shift_left(lax.bitwise_and(g, 7), 4)
            sl = pl.ds(j, 16)
            d16 = dstr[i, sl]
            f16 = plsc.load_gather(flagv, [d16])
            m = f16 != 0.0
            pc = plsc.all_reduce_population_count(m)[0]
            new_off = off + pc

            @pl.when(pc > 0)
            def _():
                s16 = srcr[i, sl]
                w16 = wr[i, sl]
                rs16 = plsc.load_gather(rsv, [s16])
                cum = plsc.cumsum(jnp.where(m, 1, 0))
                pos = off + cum - 1
                prow = lax.bitwise_and(lax.shift_right_logical(pos, 7), 1)
                pcol = lax.bitwise_and(pos, 127)
                plsc.store_scatter(srcs, [prow, pcol], s16, mask=m)
                plsc.store_scatter(dsts, [prow, pcol], d16, mask=m)
                plsc.store_scatter(ws, [prow, pcol], w16 * rs16, mask=m)
                r_old = lax.shift_right_logical(off, 7)

                @pl.when(lax.shift_right_logical(new_off, 7) > r_old)
                def _():
                    flush(r_old)
            return new_off
        return lax.fori_loop(0, SEG * (CH // 16), compact, off)
    cnt = lax.fori_loop(0, CHUNKS // SEG, seg_body, 0)

    zi = jnp.zeros((16,), jnp.int32)
    zf = jnp.zeros((16,), jnp.float32)

    def dummy(t, off):
        pos = off + iota
        prow = lax.bitwise_and(lax.shift_right_logical(pos, 7), 1)
        pcol = lax.bitwise_and(pos, 127)
        plsc.store_scatter(srcs, [prow, pcol], t * 16 + iota)
        plsc.store_scatter(dsts, [prow, pcol],
                           (N_PAD - CH) + t * 16 + iota)
        plsc.store_scatter(ws, [prow, pcol], zf)
        new_off = off + 16
        r_old = lax.shift_right_logical(off, 7)

        @pl.when(lax.shift_right_logical(new_off, 7) > r_old)
        def _():
            flush(r_old)
        return new_off
    end = lax.fori_loop(0, CH // 16, dummy, cnt)
    flush(lax.shift_right_logical(end, 7))

    nch = lax.shift_right_logical(cnt + (CH - 1), 7)

    def body(i, _):
        pltpu.sync_copy(srcc_hbm.at[wid, i, 0], srcv.at[0])
        pltpu.sync_copy(dstc_hbm.at[wid, i, 0], dstv.at[0])
        pltpu.sync_copy(wc_hbm.at[wid, i, 0], wv.at[0])
        pltpu.async_copy(tab_hbm.at[srcv.at[0]], rows, sem).wait()

        def scale(g, _):
            w16 = wv[0, pl.ds(g * 16, 16)]
            for k in range(16):
                wk = jnp.broadcast_to(w16[k], (16,))
                j = g * 16 + k
                for r in range(H // 16):
                    sl = pl.ds(r * 16, 16)
                    rows[j, sl] = rows[j, sl] * wk
            return 0
        lax.fori_loop(0, CH // 16, scale, 0)
        pltpu.sync_copy(rows, s_s.at[dstv.at[0]], add=True)
        return 0
    lax.fori_loop(0, nch, body, 0)
    plsc.subcore_barrier()

    def copy_out(q, _):
        pltpu.async_copy(s_s.at[rowids.at[q]], rows, sem).wait()
        pltpu.async_copy(rows, s_out.at[rowidg.at[q]], sem).wait()
        return 0
    lax.fori_loop(0, nrch, copy_out, 0)


def _tc_scalars_body(deg_ref, craw_ref, rs_ref, cw_ref, flag_ref):
    deg = deg_ref[0] + deg_ref[1] + 1.0
    rs = lax.rsqrt(deg)
    craw = craw_ref[0] + craw_ref[1]
    rs_ref[...] = rs
    cw_ref[...] = craw * rs
    r = deg.shape[0]
    flat = (lax.broadcasted_iota(jnp.int32, (r, 128), 0) * 128
            + lax.broadcasted_iota(jnp.int32, (r, 128), 1))
    flag_ref[...] = jnp.where((craw != 0.0) | (flat == 0), 1.0, 0.0)


def _tc_scalars(deg_p, craw_p):
    r = N_PAD // 128
    return pl.pallas_call(
        _tc_scalars_body,
        out_shape=(
            jax.ShapeDtypeStruct((r, 128), jnp.float32),
            jax.ShapeDtypeStruct((r, 128), jnp.float32),
            jax.ShapeDtypeStruct((r, 128), jnp.float32),
        ),
    )(deg_p.reshape(NC, r, 128), craw_p.reshape(NC, r, 128))


_BLK = 1000


def _tc_matmul_body(x_ref, g_ref, wp_ref, w1_ref, bp_ref, b1_ref,
                    out_ref, wf_ref, bf_ref):
    @pl.when(pl.program_id(0) == 0)
    def _():
        wf_ref[...] = jnp.dot(wp_ref[...], w1_ref[...],
                              preferred_element_type=jnp.float32)
        bf_ref[...] = jnp.dot(bp_ref[...], w1_ref[...],
                              preferred_element_type=jnp.float32) + b1_ref[...]
    xg = x_ref[...] * g_ref[...]
    lin = jnp.dot(xg, wf_ref[...], preferred_element_type=jnp.float32)
    out_ref[...] = lin + bf_ref[...]


def _tc_matmul(x, g, Wp, W1, bp, b1):
    grid = N // _BLK
    return pl.pallas_call(
        _tc_matmul_body,
        grid=(grid,),
        in_specs=[
            pl.BlockSpec((_BLK, D), lambda i: (i, 0)),
            pl.BlockSpec((1, D), lambda i: (0, 0)),
            pl.BlockSpec((D, H), lambda i: (0, 0)),
            pl.BlockSpec((H, H), lambda i: (0, 0)),
            pl.BlockSpec((1, H), lambda i: (0, 0)),
            pl.BlockSpec((1, H), lambda i: (0, 0)),
        ],
        out_specs=pl.BlockSpec((_BLK, H), lambda i: (i, 0)),
        out_shape=jax.ShapeDtypeStruct((N, H), jnp.float32),
        scratch_shapes=[
            pltpu.VMEM((D, H), jnp.float32),
            pltpu.VMEM((1, H), jnp.float32),
        ],
    )(x, g, Wp, W1, bp, b1)


def _tc_final_body(s0_ref, s1_ref, tab_ref, rs_ref, cw_ref, w2_ref, b2_ref,
                   out_ref, t_acc, h1r0, scal):
    i = pl.program_id(0)
    n = pl.num_programs(0)
    rs = rs_ref[...]
    cwb = cw_ref[...]
    h1 = jnp.maximum(rs * (s0_ref[...] + s1_ref[...]) + rs * rs * tab_ref[...],
                     0.0)
    h1g = jnp.where(cwb != 0.0, h1, 0.0)
    part = jnp.sum(cwb * h1g, axis=0, keepdims=True)
    ns = jnp.sum(cwb)

    @pl.when(i == 0)
    def _():
        t_acc[...] = part
        h1r0[...] = h1[0:1, :]
        scal[0] = ns
        scal[1] = rs_ref[0, 0]

    @pl.when(i > 0)
    def _():
        t_acc[...] = t_acc[...] + part
        scal[0] = scal[0] + ns

    @pl.when(i == n - 1)
    def _():
        rs0 = scal[1]
        nsum = scal[0]
        lin2_self = jnp.dot(h1r0[...], w2_ref[...],
                            preferred_element_type=jnp.float32) + b2_ref[...]
        agg2 = (rs0 * jnp.dot(t_acc[...], w2_ref[...],
                              preferred_element_type=jnp.float32)
                + (rs0 * nsum) * b2_ref[...]
                + lin2_self * (rs0 * rs0))
        out_ref[0:1, :] = h1r0[...]
        out_ref[1:2, :] = jnp.maximum(agg2, 0.0)


def _tc_final(s0, s1, tab, rs_col, cw_col, W2, b2):
    grid = N // _BLK
    return pl.pallas_call(
        _tc_final_body,
        grid=(grid,),
        in_specs=[
            pl.BlockSpec((_BLK, H), lambda i: (i, 0)),
            pl.BlockSpec((_BLK, H), lambda i: (i, 0)),
            pl.BlockSpec((_BLK, H), lambda i: (i, 0)),
            pl.BlockSpec((_BLK, 1), lambda i: (i, 0)),
            pl.BlockSpec((_BLK, 1), lambda i: (i, 0)),
            pl.BlockSpec((H, H), lambda i: (0, 0)),
            pl.BlockSpec((1, H), lambda i: (0, 0)),
        ],
        out_specs=pl.BlockSpec((2, H), lambda i: (0, 0)),
        out_shape=jax.ShapeDtypeStruct((2, H), jnp.float32),
        scratch_shapes=[
            pltpu.VMEM((1, H), jnp.float32),
            pltpu.VMEM((1, H), jnp.float32),
            pltpu.SMEM((2,), jnp.float32),
        ],
    )(s0, s1, tab, rs_col, cw_col, W2, b2)


@jax.jit
def kernel(x, edge_index, feat_gate, edge_gate, W_proj, b_proj, W1, b1, W2,
           b2):
    src = edge_index[0]
    dst = edge_index[1]
    pad = E_PAD - E
    if pad:
        src = jnp.concatenate([src, jnp.zeros((pad,), jnp.int32)])
        dst = jnp.concatenate([dst, jnp.full((pad,), N_PAD - 1, jnp.int32)])
        w = jnp.concatenate([edge_gate, jnp.zeros((pad,), jnp.float32)])
    else:
        w = edge_gate
    src2d = src.reshape(E_PAD // CH, CH)
    dst2d = dst.reshape(E_PAD // CH, CH)
    w2d = w.reshape(E_PAD // CH, CH)

    deg_p, craw_p = _sc_edge_scalars(src2d, dst2d, w2d)
    rs, cw, flagf = _tc_scalars(deg_p, craw_p)
    rs_flat = rs.reshape(N_PAD)
    rs_col = rs_flat[:N].reshape(N, 1)
    cw_col = cw.reshape(N_PAD, 1)[:N]

    tab = _tc_matmul(x, feat_gate.reshape(1, D), W_proj, W1,
                     b_proj.reshape(1, H), b1.reshape(1, H))

    s_p, _, _, _ = _sc_scatter_rows(src2d, dst2d, w2d, tab,
                                    flagf.reshape(N_PAD), rs_flat)
    s_p = s_p.reshape(NC, N_PAD, H)
    out2 = _tc_final(s_p[0, :N], s_p[1, :N], tab, rs_col, cw_col, W2,
                     b2.reshape(1, H))
    return out2.reshape(2 * H)

# --- scband reference (transcript-rebuilt; emitter-appended) ---
"""Pipeline reference for scband-e2-emask-opt-wrapper-42640435314993 (READ-ONLY COPY).

The authoritative reference and input builder live on the scoring server;
editing this copy changes nothing except your own understanding.
"""

import jax, jax.numpy as jnp
import numpy as np

N = 10000
E = 320000
D = 128
H = 128
TARGET = 0

def setup_inputs(seed: int = 0) -> dict:
    key = jax.random.key(seed)
    ks = jax.random.split(key, 8)
    x = jax.random.normal(ks[0], (N, D), dtype=jnp.float32)
    edge_index = jax.random.randint(ks[1], (2, E), 0, N, dtype=jnp.int32)
    feat_gate = jax.random.uniform(ks[2], (D,), dtype=jnp.float32)
    edge_gate = jax.random.uniform(ks[3], (E,), dtype=jnp.float32)
    W_proj = jax.random.normal(ks[4], (D, H), dtype=jnp.float32) * 0.05
    b_proj = jnp.zeros((H,), dtype=jnp.float32)
    W1 = jax.random.normal(ks[5], (H, H), dtype=jnp.float32) * 0.05
    b1 = jnp.zeros((H,), dtype=jnp.float32)
    W2 = jax.random.normal(ks[6], (H, H), dtype=jnp.float32) * 0.05
    b2 = jnp.zeros((H,), dtype=jnp.float32)
    return {"x": x, "edge_index": edge_index, "feat_gate": feat_gate,
            "edge_gate": edge_gate, "W_proj": W_proj, "b_proj": b_proj,
            "W1": W1, "b1": b1, "W2": W2, "b2": b2}

def reference(x, edge_index, feat_gate, edge_gate, W_proj, b_proj, W1, b1, W2, b2):
    # _apply_feature_gate with feat_mask_scope='all': elementwise feature gating
    xg = x * feat_gate.reshape(1, -1)
    # model.projection_layer
    p = xg @ W_proj + b_proj
    src = edge_index[0]
    dst = edge_index[1]
    # _make_edge_weight with edge_mask_scope='all': per-edge gate as edge_weight
    w = edge_gate
    def gcn_conv(h, W, b):
        lin = h @ W + b
        # GCNConv-style symmetric normalization with self loops, weighted degree
        deg = jnp.zeros((N,), dtype=h.dtype).at[dst].add(w) + 1.0
        norm = w / jnp.sqrt(deg[src] * deg[dst])
        agg = jnp.zeros_like(lin).at[dst].add(norm[:, None] * lin[src])
        agg = agg + lin / deg[:, None]  # self-loop contribution
        return jax.nn.relu(agg)
    # _gcn_forward_concat: run each conv, relu, concat layer outputs
    h1 = gcn_conv(p, W1, b1)
    h2 = gcn_conv(h1, W2, b2)
    out_cat = jnp.concatenate([h1, h2], axis=1)
    # explanation objective uses embedding of the target node
    return out_cat[TARGET]

if __name__ == "__main__":
    import jax
    _d = setup_inputs()
    print(jax.jit(kernel)(*tuple(_d.values())))

</pallas_src>

<mosaic_0001>
#map = affine_map<(d0, d1) -> (0, 0)>
module attributes {stable_mosaic.version = 14 : i64} {
  func.func @_sc_edge_scalars(%arg0: i32, %arg1: i32, %arg2: memref<2560x128xi32, #tpu.memory_space<hbm>>, %arg3: memref<2560x128xi32, #tpu.memory_space<hbm>>, %arg4: memref<2560x128xf32, #tpu.memory_space<hbm>>, %arg5: memref<2x10240xf32, #tpu.memory_space<hbm>>, %arg6: memref<2x10240xf32, #tpu.memory_space<hbm>>, %arg7: memref<80x128xi32, #tpu.memory_space<vmem>>, %arg8: memref<80x128xi32, #tpu.memory_space<vmem>>, %arg9: memref<80x128xf32, #tpu.memory_space<vmem>>, %arg10: memref<80x128xf32, #tpu.memory_space<vmem>>, %arg11: memref<640xf32, #tpu.memory_space<vmem>>, %arg12: memref<10240xf32, #tpu.memory_space<vmem_shared>>, %arg13: memref<10240xf32, #tpu.memory_space<vmem_shared>>) attributes {dimension_semantics = [#tpu.dimension_semantics<core_parallel>, #tpu.dimension_semantics<subcore_parallel>], iteration_bounds = array<i64: 2, 16>, scalar_prefetch = 0 : i64, scratch_operands = 7 : i64, tpu.core_type = #tpu.core_type<sc_vector_subcore>, window_params = [{transform_indices = #map}, {transform_indices = #map}, {transform_indices = #map}, {transform_indices = #map}, {transform_indices = #map}]} {
    %mul3A = arith.constant 2 : i32
    %mul3A_0 = arith.muli %arg1, %mul3A : i32
    %add3A = arith.addi %mul3A_0, %arg0 : i32
    %scan3A = arith.constant 0 : i32
    %scan3A_1 = arith.constant 0 : i32
    %scan3A_2 = arith.constant 40 : i32
    %scan3A_3 = arith.addi %scan3A_1, %scan3A_2 : i32
    %scan3A_4 = arith.constant 1 : i32
    %scan3A_5 = scf.for %scan3A_26 = %scan3A_1 to %scan3A_3 step %scan3A_4 iter_args(%scan3A_27 = %scan3A) -> (i32)  : i32 {
      %broadcast_in_dim3A = arith.constant 0.000000e+00 : f32
      %broadcast_in_dim3A_28 = vector.broadcast %broadcast_in_dim3A : f32 to vector<16xf32>
      %mul3A_29 = arith.constant 16 : i32
      %mul3A_30 = arith.muli %scan3A_26, %mul3A_29 : i32
      %swap3A = arith.index_cast %mul3A_30 : i32 to index
      %swap3A_31 = tpu.vector_load %arg11[%swap3A] {strides = array<i32>} : memref<640xf32, #tpu.memory_space<vmem>>, vector<16xf32>,
      tpu.vector_store %arg11[%swap3A], %broadcast_in_dim3A_28 {strides = array<i32>} : memref<640xf32, #tpu.memory_space<vmem>>, vector<16xf32>,
      %scan3A_32 = arith.constant 0 : i32
      scf.yield %scan3A_32 : i32
    }
    %scan3A_6 = arith.constant 40 : i32
    %mul3A_7 = arith.constant 640 : i32
    %mul3A_8 = arith.muli %arg1, %mul3A_7 : i32
    "tpu.region"() ({
      %run_scoped3A = tpu.sem_alloc : memref<!tpu.dma_semaphore, #tpu.memory_space<semaphore_mem>>
      %dma_start3A = tpu.memref_slice %arg12[%mul3A_8] : memref<10240xf32, #tpu.memory_space<vmem_shared>> -> memref<640xf32, #tpu.memory_space<vmem_shared>>
      %dma_start3A_26 = tpu.memref_slice %arg12[%mul3A_8] : memref<10240xf32, #tpu.memory_space<vmem_shared>> -> memref<640xf32, #tpu.memory_space<vmem_shared>>
      tpu.enqueue_dma source(%arg11 : memref<640xf32, #tpu.memory_space<vmem>>) target(%dma_start3A_26 : memref<640xf32, #tpu.memory_space<vmem_shared>>) target_semaphore(%run_scoped3A : memref<!tpu.dma_semaphore, #tpu.memory_space<semaphore_mem>>)
      %dma_wait3A = tpu.memref_slice %arg12[%mul3A_8] : memref<10240xf32, #tpu.memory_space<vmem_shared>> -> memref<640xf32, #tpu.memory_space<vmem_shared>>
      %dma_wait3A_27 = tpu.memref_slice %arg12[%mul3A_8] : memref<10240xf32, #tpu.memory_space<vmem_shared>> -> memref<640xf32, #tpu.memory_space<vmem_shared>>
      tpu.wait_dma2 semaphore(%run_scoped3A : memref<!tpu.dma_semaphore, #tpu.memory_space<semaphore_mem>>) src(%arg11 : memref<640xf32, #tpu.memory_space<vmem>>) dst(%dma_wait3A_27 : memref<640xf32, #tpu.memory_space<vmem_shared>>)
      tpu.yield
    }) : () -> ()
    "tpu.region"() ({
      %run_scoped3A = tpu.sem_alloc : memref<!tpu.dma_semaphore, #tpu.memory_space<semaphore_mem>>
      %dma_start3A = tpu.memref_slice %arg13[%mul3A_8] : memref<10240xf32, #tpu.memory_space<vmem_shared>> -> memref<640xf32, #tpu.memory_space<vmem_shared>>
      %dma_start3A_26 = tpu.memref_slice %arg13[%mul3A_8] : memref<10240xf32, #tpu.memory_space<vmem_shared>> -> memref<640xf32, #tpu.memory_space<vmem_shared>>
      tpu.enqueue_dma source(%arg11 : memref<640xf32, #tpu.memory_space<vmem>>) target(%dma_start3A_26 : memref<640xf32, #tpu.memory_space<vmem_shared>>) target_semaphore(%run_scoped3A : memref<!tpu.dma_semaphore, #tpu.memory_space<semaphore_mem>>)
      %dma_wait3A = tpu.memref_slice %arg13[%mul3A_8] : memref<10240xf32, #tpu.memory_space<vmem_shared>> -> memref<640xf32, #tpu.memory_space<vmem_shared>>
      %dma_wait3A_27 = tpu.memref_slice %arg13[%mul3A_8] : memref<10240xf32, #tpu.memory_space<vmem_shared>> -> memref<640xf32, #tpu.memory_space<vmem_shared>>
      tpu.wait_dma2 semaphore(%run_scoped3A : memref<!tpu.dma_semaphore, #tpu.memory_space<semaphore_mem>>) src(%arg11 : memref<640xf32, #tpu.memory_space<vmem>>) dst(%dma_wait3A_27 : memref<640xf32, #tpu.memory_space<vmem_shared>>)
      tpu.yield
    }) : () -> ()
    %mul3A_9 = arith.constant 80 : i32
    %mul3A_10 = arith.muli %add3A, %mul3A_9 : i32
    "tpu.region"() ({
      %run_scoped3A = tpu.sem_alloc : memref<!tpu.dma_semaphore, #tpu.memory_space<semaphore_mem>>
      %dma_start3A = arith.constant 0 : i32
      %dma_start3A_26 = tpu.memref_slice %arg2[%mul3A_10, %dma_start3A] : memref<2560x128xi32, #tpu.memory_space<hbm>> -> memref<80x128xi32, #tpu.memory_space<hbm>>
      %dma_start3A_27 = arith.constant 0 : i32
      %dma_start3A_28 = tpu.memref_slice %arg2[%mul3A_10, %dma_start3A_27] : memref<2560x128xi32, #tpu.memory_space<hbm>> -> memref<80x128xi32, #tpu.memory_space<hbm>>
      tpu.enqueue_dma source(%dma_start3A_28 : memref<80x128xi32, #tpu.memory_space<hbm>>) target(%arg7 : memref<80x128xi32, #tpu.memory_space<vmem>>) target_semaphore(%run_scoped3A : memref<!tpu.dma_semaphore, #tpu.memory_space<semaphore_mem>>)
      %dma_wait3A = arith.constant 0 : i32
      %dma_wait3A_29 = tpu.memref_slice %arg2[%mul3A_10, %dma_wait3A] : memref<2560x128xi32, #tpu.memory_space<hbm>> -> memref<80x128xi32, #tpu.memory_space<hbm>>
      %dma_wait3A_30 = arith.constant 0 : i32
      %dma_wait3A_31 = tpu.memref_slice %arg2[%mul3A_10, %dma_wait3A_30] : memref<2560x128xi32, #tpu.memory_space<hbm>> -> memref<80x128xi32, #tpu.memory_space<hbm>>
      tpu.wait_dma2 semaphore(%run_scoped3A : memref<!tpu.dma_semaphore, #tpu.memory_space<semaphore_mem>>) src(%dma_wait3A_31 : memref<80x128xi32, #tpu.memory_space<hbm>>) dst(%arg7 : memref<80x128xi32, #tpu.memory_space<vmem>>)
      tpu.yield
    }) : () -> ()
    "tpu.region"() ({
      %run_scoped3A = tpu.sem_alloc : memref<!tpu.dma_semaphore, #tpu.memory_space<semaphore_mem>>
      %dma_start3A = arith.constant 0 : i32
      %dma_start3A_26 = tpu.memref_slice %arg3[%mul3A_10, %dma_start3A] : memref<2560x128xi32, #tpu.memory_space<hbm>> -> memref<80x128xi32, #tpu.memory_space<hbm>>
      %dma_start3A_27 = arith.constant 0 : i32
      %dma_start3A_28 = tpu.memref_slice %arg3[%mul3A_10, %dma_start3A_27] : memref<2560x128xi32, #tpu.memory_space<hbm>> -> memref<80x128xi32, #tpu.memory_space<hbm>>
      tpu.enqueue_dma source(%dma_start3A_28 : memref<80x128xi32, #tpu.memory_space<hbm>>) target(%arg8 : memref<80x128xi32, #tpu.memory_space<vmem>>) target_semaphore(%run_scoped3A : memref<!tpu.dma_semaphore, #tpu.memory_space<semaphore_mem>>)
      %dma_wait3A = arith.constant 0 : i32
      %dma_wait3A_29 = tpu.memref_slice %arg3[%mul3A_10, %dma_wait3A] : memref<2560x128xi32, #tpu.memory_space<hbm>> -> memref<80x128xi32, #tpu.memory_space<hbm>>
      %dma_wait3A_30 = arith.constant 0 : i32
      %dma_wait3A_31 = tpu.memref_slice %arg3[%mul3A_10, %dma_wait3A_30] : memref<2560x128xi32, #tpu.memory_space<hbm>> -> memref<80x128xi32, #tpu.memory_space<hbm>>
      tpu.wait_dma2 semaphore(%run_scoped3A : memref<!tpu.dma_semaphore, #tpu.memory_space<semaphore_mem>>) src(%dma_wait3A_31 : memref<80x128xi32, #tpu.memory_space<hbm>>) dst(%arg8 : memref<80x128xi32, #tpu.memory_space<vmem>>)
      tpu.yield
    }) : () -> ()
    "tpu.region"() ({
      %run_scoped3A = tpu.sem_alloc : memref<!tpu.dma_semaphore, #tpu.memory_space<semaphore_mem>>
      %dma_start3A = arith.constant 0 : i32
      %dma_start3A_26 = tpu.memref_slice %arg4[%mul3A_10, %dma_start3A] : memref<2560x128xf32, #tpu.memory_space<hbm>> -> memref<80x128xf32, #tpu.memory_space<hbm>>
      %dma_start3A_27 = arith.constant 0 : i32
      %dma_start3A_28 = tpu.memref_slice %arg4[%mul3A_10, %dma_start3A_27] : memref<2560x128xf32, #tpu.memory_space<hbm>> -> memref<80x128xf32, #tpu.memory_space<hbm>>
      tpu.enqueue_dma source(%dma_start3A_28 : memref<80x128xf32, #tpu.memory_space<hbm>>) target(%arg9 : memref<80x128xf32, #tpu.memory_space<vmem>>) target_semaphore(%run_scoped3A : memref<!tpu.dma_semaphore, #tpu.memory_space<semaphore_mem>>)
      %dma_wait3A = arith.constant 0 : i32
      %dma_wait3A_29 = tpu.memref_slice %arg4[%mul3A_10, %dma_wait3A] : memref<2560x128xf32, #tpu.memory_space<hbm>> -> memref<80x128xf32, #tpu.memory_space<hbm>>
      %dma_wait3A_30 = arith.constant 0 : i32
      %dma_wait3A_31 = tpu.memref_slice %arg4[%mul3A_10, %dma_wait3A_30] : memref<2560x128xf32, #tpu.memory_space<hbm>> -> memref<80x128xf32, #tpu.memory_space<hbm>>
      tpu.wait_dma2 semaphore(%run_scoped3A : memref<!tpu.dma_semaphore, #tpu.memory_space<semaphore_mem>>) src(%dma_wait3A_31 : memref<80x128xf32, #tpu.memory_space<hbm>>) dst(%arg9 : memref<80x128xf32, #tpu.memory_space<vmem>>)
      tpu.yield
    }) : () -> ()
    %scan3A_11 = arith.constant 0 : i32
    %scan3A_12 = arith.constant 0 : i32
    %scan3A_13 = arith.constant 80 : i32
    %scan3A_14 = arith.addi %scan3A_12, %scan3A_13 : i32
    %scan3A_15 = arith.constant 1 : i32
    %scan3A_16 = scf.for %scan3A_26 = %scan3A_12 to %scan3A_14 step %scan3A_15 iter_args(%scan3A_27 = %scan3A_11) -> (i32)  : i32 {
      %get3A = arith.index_cast %scan3A_26 : i32 to index
      %get3A_28 = arith.constant 0 : index
      %get3A_29 = tpu.vector_load %arg8[%get3A, %get3A_28] {strides = array<i32>} : memref<80x128xi32, #tpu.memory_space<vmem>>, vector<16xi32>,
      %eq3A = arith.constant 0 : i32
      %eq3A_30 = vector.broadcast %eq3A : i32 to vector<16xi32>
      %eq3A_31 = arith.cmpi eq, %get3A_29, %eq3A_30 : vector<16xi32>
      %get3A_32 = arith.index_cast %scan3A_26 : i32 to index
      %get3A_33 = arith.constant 0 : index
      %get3A_34 = tpu.vector_load %arg9[%get3A_32, %get3A_33] {strides = array<i32>} : memref<80x128xf32, #tpu.memory_space<vmem>>, vector<16xf32>,
      %broadcast_in_dim3A = arith.constant 0.000000e+00 : f32
      %broadcast_in_dim3A_35 = vector.broadcast %broadcast_in_dim3A : f32 to vector<16xf32>
      %select_n3A = arith.select %eq3A_31, %get3A_34, %broadcast_in_dim3A_35 : vector<16xi1>, vector<16xf32>
      %swap3A = arith.index_cast %scan3A_26 : i32 to index
      %swap3A_36 = arith.constant 0 : index
      %swap3A_37 = tpu.vector_load %arg10[%swap3A, %swap3A_36] {strides = array<i32>} : memref<80x128xf32, #tpu.memory_space<vmem>>, vector<16xf32>,
      tpu.vector_store %arg10[%swap3A, %swap3A_36], %select_n3A {strides = array<i32>} : memref<80x128xf32, #tpu.memory_space<vmem>>, vector<16xf32>,
      %get3A_38 = arith.index_cast %scan3A_26 : i32 to index
      %get3A_39 = arith.constant 16 : index
      %get3A_40 = tpu.vector_load %arg8[%get3A_38, %get3A_39] {strides = array<i32>} : memref<80x128xi32, #tpu.memory_space<vmem>>, vector<16xi32>,
      %eq3A_41 = arith.constant 0 : i32
      %eq3A_42 = vector.broadcast %eq3A_41 : i32 to vector<16xi32>
      %eq3A_43 = arith.cmpi eq, %get3A_40, %eq3A_42 : vector<16xi32>
      %get3A_44 = arith.index_cast %scan3A_26 : i32 to index
      %get3A_45 = arith.constant 16 : index
      %get3A_46 = tpu.vector_load %arg9[%get3A_44, %get3A_45] {strides = array<i32>} : memref<80x128xf32, #tpu.memory_space<vmem>>, vector<16xf32>,
      %broadcast_in_dim3A_47 = arith.constant 0.000000e+00 : f32
      %broadcast_in_dim3A_48 = vector.broadcast %broadcast_in_dim3A_47 : f32 to vector<16xf32>
      %select_n3A_49 = arith.select %eq3A_43, %get3A_46, %broadcast_in_dim3A_48 : vector<16xi1>, vector<16xf32>
      %swap3A_50 = arith.index_cast %scan3A_26 : i32 to index
      %swap3A_51 = arith.constant 16 : index
      %swap3A_52 = tpu.vector_load %arg10[%swap3A_50, %swap3A_51] {strides = array<i32>} : memref<80x128xf32, #tpu.memory_space<vmem>>, vector<16xf32>,
      tpu.vector_store %arg10[%swap3A_50, %swap3A_51], %select_n3A_49 {strides = array<i32>} : memref<80x128xf32, #tpu.memory_space<vmem>>, vector<16xf32>,
      %get3A_53 = arith.index_cast %scan3A_26 : i32 to index
      %get3A_54 = arith.constant 32 : index
      %get3A_55 = tpu.vector_load %arg8[%get3A_53, %get3A_54] {strides = array<i32>} : memref<80x128xi32, #tpu.memory_space<vmem>>, vector<16xi32>,
      %eq3A_56 = arith.constant 0 : i32
      %eq3A_57 = vector.broadcast %eq3A_56 : i32 to vector<16xi32>
      %eq3A_58 = arith.cmpi eq, %get3A_55, %eq3A_57 : vector<16xi32>
      %get3A_59 = arith.index_cast %scan3A_26 : i32 to index
      %get3A_60 = arith.constant 32 : index
      %get3A_61 = tpu.vector_load %arg9[%get3A_59, %get3A_60] {strides = array<i32>} : memref<80x128xf32, #tpu.memory_space<vmem>>, vector<16xf32>,
      %broadcast_in_dim3A_62 = arith.constant 0.000000e+00 : f32
      %broadcast_in_dim3A_63 = vector.broadcast %broadcast_in_dim3A_62 : f32 to vector<16xf32>
      %select_n3A_64 = arith.select %eq3A_58, %get3A_61, %broadcast_in_dim3A_63 : vector<16xi1>, vector<16xf32>
      %swap3A_65 = arith.index_cast %scan3A_26 : i32 to index
      %swap3A_66 = arith.constant 32 : index
      %swap3A_67 = tpu.vector_load %arg10[%swap3A_65, %swap3A_66] {strides = array<i32>} : memref<80x128xf32, #tpu.memory_space<vmem>>, vector<16xf32>,
      tpu.vector_store %arg10[%swap3A_65, %swap3A_66], %select_n3A_64 {strides = array<i32>} : memref<80x128xf32, #tpu.memory_space<vmem>>, vector<16xf32>,
      %get3A_68 = arith.index_cast %scan3A_26 : i32 to index
      %get3A_69 = arith.constant 48 : index
      %get3A_70 = tpu.vector_load %arg8[%get3A_68, %get3A_69] {strides = array<i32>} : memref<80x128xi32, #tpu.memory_space<vmem>>, vector<16xi32>,
      %eq3A_71 = arith.constant 0 : i32
      %eq3A_72 = vector.broadcast %eq3A_71 : i32 to vector<16xi32>
      %eq3A_73 = arith.cmpi eq, %get3A_70, %eq3A_72 : vector<16xi32>
      %get3A_74 = arith.index_cast %scan3A_26 : i32 to index
      %get3A_75 = arith.constant 48 : index
      %get3A_76 = tpu.vector_load %arg9[%get3A_74, %get3A_75] {strides = array<i32>} : memref<80x128xf32, #tpu.memory_space<vmem>>, vector<16xf32>,
      %broadcast_in_dim3A_77 = arith.constant 0.000000e+00 : f32
      %broadcast_in_dim3A_78 = vector.broadcast %broadcast_in_dim3A_77 : f32 to vector<16xf32>
      %select_n3A_79 = arith.select %eq3A_73, %get3A_76, %broadcast_in_dim3A_78 : vector<16xi1>, vector<16xf32>
      %swap3A_80 = arith.index_cast %scan3A_26 : i32 to index
      %swap3A_81 = arith.constant 48 : index
      %swap3A_82 = tpu.vector_load %arg10[%swap3A_80, %swap3A_81] {strides = array<i32>} : memref<80x128xf32, #tpu.memory_space<vmem>>, vector<16xf32>,
      tpu.vector_store %arg10[%swap3A_80, %swap3A_81], %select_n3A_79 {strides = array<i32>} : memref<80x128xf32, #tpu.memory_space<vmem>>, vector<16xf32>,
      %get3A_83 = arith.index_cast %scan3A_26 : i32 to index
      %get3A_84 = arith.constant 64 : index
      %get3A_85 = tpu.vector_load %arg8[%get3A_83, %get3A_84] {strides = array<i32>} : memref<80x128xi32, #tpu.memory_space<vmem>>, vector<16xi32>,
      %eq3A_86 = arith.constant 0 : i32
      %eq3A_87 = vector.broadcast %eq3A_86 : i32 to vector<16xi32>
      %eq3A_88 = arith.cmpi eq, %get3A_85, %eq3A_87 : vector<16xi32>
      %get3A_89 = arith.index_cast %scan3A_26 : i32 to index
      %get3A_90 = arith.constant 64 : index
      %get3A_91 = tpu.vector_load %arg9[%get3A_89, %get3A_90] {strides = array<i32>} : memref<80x128xf32, #tpu.memory_space<vmem>>, vector<16xf32>,
      %broadcast_in_dim3A_92 = arith.constant 0.000000e+00 : f32
      %broadcast_in_dim3A_93 = vector.broadcast %broadcast_in_dim3A_92 : f32 to vector<16xf32>
      %select_n3A_94 = arith.select %eq3A_88, %get3A_91, %broadcast_in_dim3A_93 : vector<16xi1>, vector<16xf32>
      %swap3A_95 = arith.index_cast %scan3A_26 : i32 to index
      %swap3A_96 = arith.constant 64 : index
      %swap3A_97 = tpu.vector_load %arg10[%swap3A_95, %swap3A_96] {strides = array<i32>} : memref<80x128xf32, #tpu.memory_space<vmem>>, vector<16xf32>,
      tpu.vector_store %arg10[%swap3A_95, %swap3A_96], %select_n3A_94 {strides = array<i32>} : memref<80x128xf32, #tpu.memory_space<vmem>>, vector<16xf32>,
      %get3A_98 = arith.index_cast %scan3A_26 : i32 to index
      %get3A_99 = arith.constant 80 : index
      %get3A_100 = tpu.vector_load %arg8[%get3A_98, %get3A_99] {strides = array<i32>} : memref<80x128xi32, #tpu.memory_space<vmem>>, vector<16xi32>,
      %eq3A_101 = arith.constant 0 : i32
      %eq3A_102 = vector.broadcast %eq3A_101 : i32 to vector<16xi32>
      %eq3A_103 = arith.cmpi eq, %get3A_100, %eq3A_102 : vector<16xi32>
      %get3A_104 = arith.index_cast %scan3A_26 : i32 to index
      %get3A_105 = arith.constant 80 : index
      %get3A_106 = tpu.vector_load %arg9[%get3A_104, %get3A_105] {strides = array<i32>} : memref<80x128xf32, #tpu.memory_space<vmem>>, vector<16xf32>,
      %broadcast_in_dim3A_107 = arith.constant 0.000000e+00 : f32
      %broadcast_in_dim3A_108 = vector.broadcast %broadcast_in_dim3A_107 : f32 to vector<16xf32>
      %select_n3A_109 = arith.select %eq3A_103, %get3A_106, %broadcast_in_dim3A_108 : vector<16xi1>, vector<16xf32>
      %swap3A_110 = arith.index_cast %scan3A_26 : i32 to index
      %swap3A_111 = arith.constant 80 : index
      %swap3A_112 = tpu.vector_load %arg10[%swap3A_110, %swap3A_111] {strides = array<i32>} : memref<80x128xf32, #tpu.memory_space<vmem>>, vector<16xf32>,
      tpu.vector_store %arg10[%swap3A_110, %swap3A_111], %select_n3A_109 {strides = array<i32>} : memref<80x128xf32, #tpu.memory_space<vmem>>, vector<16xf32>,
      %get3A_113 = arith.index_cast %scan3A_26 : i32 to index
      %get3A_114 = arith.constant 96 : index
      %get3A_115 = tpu.vector_load %arg8[%get3A_113, %get3A_114] {strides = array<i32>} : memref<80x128xi32, #tpu.memory_space<vmem>>, vector<16xi32>,
      %eq3A_116 = arith.constant 0 : i32
      %eq3A_117 = vector.broadcast %eq3A_116 : i32 to vector<16xi32>
      %eq3A_118 = arith.cmpi eq, %get3A_115, %eq3A_117 : vector<16xi32>
      %get3A_119 = arith.index_cast %scan3A_26 : i32 to index
      %get3A_120 = arith.constant 96 : index
      %get3A_121 = tpu.vector_load %arg9[%get3A_119, %get3A_120] {strides = array<i32>} : memref<80x128xf32, #tpu.memory_space<vmem>>, vector<16xf32>,
      %broadcast_in_dim3A_122 = arith.constant 0.000000e+00 : f32
      %broadcast_in_dim3A_123 = vector.broadcast %broadcast_in_dim3A_122 : f32 to vector<16xf32>
      %select_n3A_124 = arith.select %eq3A_118, %get3A_121, %broadcast_in_dim3A_123 : vector<16xi1>, vector<16xf32>
      %swap3A_125 = arith.index_cast %scan3A_26 : i32 to index
      %swap3A_126 = arith.constant 96 : index
      %swap3A_127 = tpu.vector_load %arg10[%swap3A_125, %swap3A_126] {strides = array<i32>} : memref<80x128xf32, #tpu.memory_space<vmem>>, vector<16xf32>,
      tpu.vector_store %arg10[%swap3A_125, %swap3A_126], %select_n3A_124 {strides = array<i32>} : memref<80x128xf32, #tpu.memory_space<vmem>>, vector<16xf32>,
      %get3A_128 = arith.index_cast %scan3A_26 : i32 to index
      %get3A_129 = arith.constant 112 : index
      %get3A_130 = tpu.vector_load %arg8[%get3A_128, %get3A_129] {strides = array<i32>} : memref<80x128xi32, #tpu.memory_space<vmem>>, vector<16xi32>,
      %eq3A_131 = arith.constant 0 : i32
      %eq3A_132 = vector.broadcast %eq3A_131 : i32 to vector<16xi32>
      %eq3A_133 = arith.cmpi eq, %get3A_130, %eq3A_132 : vector<16xi32>
      %get3A_134 = arith.index_cast %scan3A_26 : i32 to index
      %get3A_135 = arith.constant 112 : index
      %get3A_136 = tpu.vector_load %arg9[%get3A_134, %get3A_135] {strides = array<i32>} : memref<80x128xf32, #tpu.memory_space<vmem>>, vector<16xf32>,
      %broadcast_in_dim3A_137 = arith.constant 0.000000e+00 : f32
      %broadcast_in_dim3A_138 = vector.broadcast %broadcast_in_dim3A_137 : f32 to vector<16xf32>
      %select_n3A_139 = arith.select %eq3A_133, %get3A_136, %broadcast_in_dim3A_138 : vector<16xi1>, vector<16xf32>
      %swap3A_140 = arith.index_cast %scan3A_26 : i32 to index
      %swap3A_141 = arith.constant 112 : index
      %swap3A_142 = tpu.vector_load %arg10[%swap3A_140, %swap3A_141] {strides = array<i32>} : memref<80x128xf32, #tpu.memory_space<vmem>>, vector<16xf32>,
      tpu.vector_store %arg10[%swap3A_140, %swap3A_141], %select_n3A_139 {strides = array<i32>} : memref<80x128xf32, #tpu.memory_space<vmem>>, vector<16xf32>,
      %scan3A_143 = arith.constant 0 : i32
      scf.yield %scan3A_143 : i32
    }
    %scan3A_17 = arith.constant 80 : i32
    %barrier3A = arith.constant 0 : index
    tpu.barrier barrier_id(%barrier3A)
    %scan3A_18 = arith.constant 0 : i32
    %scan3A_19 = arith.constant 0 : i32
    %scan3A_20 = arith.constant 80 : i32
    %scan3A_21 = arith.addi %scan3A_19, %scan3A_20 : i32
    %scan3A_22 = arith.constant 1 : i32
    %scan3A_23 = scf.for %scan3A_26 = %scan3A_19 to %scan3A_21 step %scan3A_22 iter_args(%scan3A_27 = %scan3A_18) -> (i32)  : i32 {
      "tpu.region"() ({
        %run_scoped3A = tpu.sem_alloc : memref<!tpu.dma_semaphore, #tpu.memory_space<semaphore_mem>>
        %dma_start3A = arith.constant 0 : i32
        %dma_start3A_29 = tpu.memref_slice %arg9[%scan3A_26, %dma_start3A] : memref<80x128xf32, #tpu.memory_space<vmem>> -> memref<1x128xf32, #tpu.memory_space<vmem>>
        %dma_start3A_30 = tpu.memref_squeeze %dma_start3A_29 : memref<1x128xf32, #tpu.memory_space<vmem>> -> memref<128xf32, #tpu.memory_space<vmem>>
        %dma_start3A_31 = arith.constant 0 : i32
        %dma_start3A_32 = tpu.memref_slice %arg8[%scan3A_26, %dma_start3A_31] : memref<80x128xi32, #tpu.memory_space<vmem>> -> memref<1x128xi32, #tpu.memory_space<vmem>>
        %dma_start3A_33 = tpu.memref_squeeze %dma_start3A_32 : memref<1x128xi32, #tpu.memory_space<vmem>> -> memref<128xi32, #tpu.memory_space<vmem>>
        %dma_start3A_34 = arith.constant 0 : i32
        %dma_start3A_35 = tpu.memref_slice %arg12[%dma_start3A_34] : memref<10240xf32, #tpu.memory_space<vmem_shared>> -> memref<10240xf32, #tpu.memory_space<vmem_shared>>
        tpu.enqueue_indirect_dma source(%dma_start3A_30 : memref<128xf32, #tpu.memory_space<vmem>>) target(%dma_start3A_35 : memref<10240xf32, #tpu.memory_space<vmem_shared>>) offsets(%dma_start3A_33 : memref<128xi32, #tpu.memory_space<vmem>>) semaphore(%run_scoped3A : memref<!tpu.dma_semaphore, #tpu.memory_space<semaphore_mem>>) {add = true}
        %dma_wait3A = arith.constant 0 : i32
        %dma_wait3A_36 = tpu.memref_slice %arg9[%scan3A_26, %dma_wait3A] : memref<80x128xf32, #tpu.memory_space<vmem>> -> memref<1x128xf32, #tpu.memory_space<vmem>>
        %dma_wait3A_37 = tpu.memref_squeeze %dma_wait3A_36 : memref<1x128xf32, #tpu.memory_space<vmem>> -> memref<128xf32, #tpu.memory_space<vmem>>
        %dma_wait3A_38 = arith.constant 0 : i32
        %dma_wait3A_39 = tpu.memref_slice %arg8[%scan3A_26, %dma_wait3A_38] : memref<80x128xi32, #tpu.memory_space<vmem>> -> memref<1x128xi32, #tpu.memory_space<vmem>>
        %dma_wait3A_40 = tpu.memref_squeeze %dma_wait3A_39 : memref<1x128xi32, #tpu.memory_space<vmem>> -> memref<128xi32, #tpu.memory_space<vmem>>
        %dma_wait3A_41 = arith.constant 0 : i32
        %dma_wait3A_42 = tpu.memref_slice %arg12[%dma_wait3A_41] : memref<10240xf32, #tpu.memory_space<vmem_shared>> -> memref<10240xf32, #tpu.memory_space<vmem_shared>>
        tpu.wait_indirect_dma semaphore(%run_scoped3A : memref<!tpu.dma_semaphore, #tpu.memory_space<semaphore_mem>>) src(%dma_wait3A_37 : memref<128xf32, #tpu.memory_space<vmem>>) dst(%dma_wait3A_42 : memref<10240xf32, #tpu.memory_space<vmem_shared>>)
        tpu.yield
      }) : () -> ()
      "tpu.region"() ({
        %run_scoped3A = tpu.sem_alloc : memref<!tpu.dma_semaphore, #tpu.memory_space<semaphore_mem>>
        %dma_start3A = arith.constant 0 : i32
        %dma_start3A_29 = tpu.memref_slice %arg10[%scan3A_26, %dma_start3A] : memref<80x128xf32, #tpu.memory_space<vmem>> -> memref<1x128xf32, #tpu.memory_space<vmem>>
        %dma_start3A_30 = tpu.memref_squeeze %dma_start3A_29 : memref<1x128xf32, #tpu.memory_space<vmem>> -> memref<128xf32, #tpu.memory_space<vmem>>
        %dma_start3A_31 = arith.constant 0 : i32
        %dma_start3A_32 = tpu.memref_slice %arg7[%scan3A_26, %dma_start3A_31] : memref<80x128xi32, #tpu.memory_space<vmem>> -> memref<1x128xi32, #tpu.memory_space<vmem>>
        %dma_start3A_33 = tpu.memref_squeeze %dma_start3A_32 : memref<1x128xi32, #tpu.memory_space<vmem>> -> memref<128xi32, #tpu.memory_space<vmem>>
        %dma_start3A_34 = arith.constant 0 : i32
        %dma_start3A_35 = tpu.memref_slice %arg13[%dma_start3A_34] : memref<10240xf32, #tpu.memory_space<vmem_shared>> -> memref<10240xf32, #tpu.memory_space<vmem_shared>>
        tpu.enqueue_indirect_dma source(%dma_start3A_30 : memref<128xf32, #tpu.memory_space<vmem>>) target(%dma_start3A_35 : memref<10240xf32, #tpu.memory_space<vmem_shared>>) offsets(%dma_start3A_33 : memref<128xi32, #tpu.memory_space<vmem>>) semaphore(%run_scoped3A : memref<!tpu.dma_semaphore, #tpu.memory_space<semaphore_mem>>) {add = true}
        %dma_wait3A = arith.constant 0 : i32
        %dma_wait3A_36 = tpu.memref_slice %arg10[%scan3A_26, %dma_wait3A] : memref<80x128xf32, #tpu.memory_space<vmem>> -> memref<1x128xf32, #tpu.memory_space<vmem>>
        %dma_wait3A_37 = tpu.memref_squeeze %dma_wait3A_36 : memref<1x128xf32, #tpu.memory_space<vmem>> -> memref<128xf32, #tpu.memory_space<vmem>>
        %dma_wait3A_38 = arith.constant 0 : i32
        %dma_wait3A_39 = tpu.memref_slice %arg7[%scan3A_26, %dma_wait3A_38] : memref<80x128xi32, #tpu.memory_space<vmem>> -> memref<1x128xi32, #tpu.memory_space<vmem>>
        %dma_wait3A_40 = tpu.memref_squeeze %dma_wait3A_39 : memref<1x128xi32, #tpu.memory_space<vmem>> -> memref<128xi32, #tpu.memory_space<vmem>>
        %dma_wait3A_41 = arith.constant 0 : i32
        %dma_wait3A_42 = tpu.memref_slice %arg13[%dma_wait3A_41] : memref<10240xf32, #tpu.memory_space<vmem_shared>> -> memref<10240xf32, #tpu.memory_space<vmem_shared>>
        tpu.wait_indirect_dma semaphore(%run_scoped3A : memref<!tpu.dma_semaphore, #tpu.memory_space<semaphore_mem>>) src(%dma_wait3A_37 : memref<128xf32, #tpu.memory_space<vmem>>) dst(%dma_wait3A_42 : memref<10240xf32, #tpu.memory_space<vmem_shared>>)
        tpu.yield
      }) : () -> ()
      %scan3A_28 = arith.constant 0 : i32
      scf.yield %scan3A_28 : i32
    }
    %scan3A_24 = arith.constant 80 : i32
    %barrier3A_25 = arith.constant 0 : index
    tpu.barrier barrier_id(%barrier3A_25)
    "tpu.region"() ({
      %run_scoped3A = tpu.sem_alloc : memref<!tpu.dma_semaphore, #tpu.memory_space<semaphore_mem>>
      %dma_start3A = tpu.memref_slice %arg12[%mul3A_8] : memref<10240xf32, #tpu.memory_space<vmem_shared>> -> memref<640xf32, #tpu.memory_space<vmem_shared>>
      %dma_start3A_26 = tpu.memref_slice %arg12[%mul3A_8] : memref<10240xf32, #tpu.memory_space<vmem_shared>> -> memref<640xf32, #tpu.memory_space<vmem_shared>>
      tpu.enqueue_dma source(%dma_start3A_26 : memref<640xf32, #tpu.memory_space<vmem_shared>>) target(%arg11 : memref<640xf32, #tpu.memory_space<vmem>>) target_semaphore(%run_scoped3A : memref<!tpu.dma_semaphore, #tpu.memory_space<semaphore_mem>>)
      %dma_wait3A = tpu.memref_slice %arg12[%mul3A_8] : memref<10240xf32, #tpu.memory_space<vmem_shared>> -> memref<640xf32, #tpu.memory_space<vmem_shared>>
      %dma_wait3A_27 = tpu.memref_slice %arg12[%mul3A_8] : memref<10240xf32, #tpu.memory_space<vmem_shared>> -> memref<640xf32, #tpu.memory_space<vmem_shared>>
      tpu.wait_dma2 semaphore(%run_scoped3A : memref<!tpu.dma_semaphore, #tpu.memory_space<semaphore_mem>>) src(%dma_wait3A_27 : memref<640xf32, #tpu.memory_space<vmem_shared>>) dst(%arg11 : memref<640xf32, #tpu.memory_space<vmem>>)
      tpu.yield
    }) : () -> ()
    "tpu.region"() ({
      %run_scoped3A = tpu.sem_alloc : memref<!tpu.dma_semaphore, #tpu.memory_space<semaphore_mem>>
      %dma_start3A = tpu.memref_slice %arg5[%arg0, %mul3A_8] : memref<2x10240xf32, #tpu.memory_space<hbm>> -> memref<1x640xf32, #tpu.memory_space<hbm>>
      %dma_start3A_26 = tpu.memref_squeeze %dma_start3A : memref<1x640xf32, #tpu.memory_space<hbm>> -> memref<640xf32, #tpu.memory_space<hbm>>
      %dma_start3A_27 = tpu.memref_slice %arg5[%arg0, %mul3A_8] : memref<2x10240xf32, #tpu.memory_space<hbm>> -> memref<1x640xf32, #tpu.memory_space<hbm>>
      %dma_start3A_28 = tpu.memref_squeeze %dma_start3A_27 : memref<1x640xf32, #tpu.memory_space<hbm>> -> memref<640xf32, #tpu.memory_space<hbm>>
      tpu.enqueue_dma source(%arg11 : memref<640xf32, #tpu.memory_space<vmem>>) target(%dma_start3A_28 : memref<640xf32, #tpu.memory_space<hbm>>) target_semaphore(%run_scoped3A : memref<!tpu.dma_semaphore, #tpu.memory_space<semaphore_mem>>)
      %dma_wait3A = tpu.memref_slice %arg5[%arg0, %mul3A_8] : memref<2x10240xf32, #tpu.memory_space<hbm>> -> memref<1x640xf32, #tpu.memory_space<hbm>>
      %dma_wait3A_29 = tpu.memref_squeeze %dma_wait3A : memref<1x640xf32, #tpu.memory_space<hbm>> -> memref<640xf32, #tpu.memory_space<hbm>>
      %dma_wait3A_30 = tpu.memref_slice %arg5[%arg0, %mul3A_8] : memref<2x10240xf32, #tpu.memory_space<hbm>> -> memref<1x640xf32, #tpu.memory_space<hbm>>
      %dma_wait3A_31 = tpu.memref_squeeze %dma_wait3A_30 : memref<1x640xf32, #tpu.memory_space<hbm>> -> memref<640xf32, #tpu.memory_space<hbm>>
      tpu.wait_dma2 semaphore(%run_scoped3A : memref<!tpu.dma_semaphore, #tpu.memory_space<semaphore_mem>>) src(%arg11 : memref<640xf32, #tpu.memory_space<vmem>>) dst(%dma_wait3A_31 : memref<640xf32, #tpu.memory_space<hbm>>)
      tpu.yield
    }) : () -> ()
    "tpu.region"() ({
      %run_scoped3A = tpu.sem_alloc : memref<!tpu.dma_semaphore, #tpu.memory_space<semaphore_mem>>
      %dma_start3A = tpu.memref_slice %arg13[%mul3A_8] : memref<10240xf32, #tpu.memory_space<vmem_shared>> -> memref<640xf32, #tpu.memory_space<vmem_shared>>
      %dma_start3A_26 = tpu.memref_slice %arg13[%mul3A_8] : memref<10240xf32, #tpu.memory_space<vmem_shared>> -> memref<640xf32, #tpu.memory_space<vmem_shared>>
      tpu.enqueue_dma source(%dma_start3A_26 : memref<640xf32, #tpu.memory_space<vmem_shared>>) target(%arg11 : memref<640xf32, #tpu.memory_space<vmem>>) target_semaphore(%run_scoped3A : memref<!tpu.dma_semaphore, #tpu.memory_space<semaphore_mem>>)
      %dma_wait3A = tpu.memref_slice %arg13[%mul3A_8] : memref<10240xf32, #tpu.memory_space<vmem_shared>> -> memref<640xf32, #tpu.memory_space<vmem_shared>>
      %dma_wait3A_27 = tpu.memref_slice %arg13[%mul3A_8] : memref<10240xf32, #tpu.memory_space<vmem_shared>> -> memref<640xf32, #tpu.memory_space<vmem_shared>>
      tpu.wait_dma2 semaphore(%run_scoped3A : memref<!tpu.dma_semaphore, #tpu.memory_space<semaphore_mem>>) src(%dma_wait3A_27 : memref<640xf32, #tpu.memory_space<vmem_shared>>) dst(%arg11 : memref<640xf32, #tpu.memory_space<vmem>>)
      tpu.yield
    }) : () -> ()
    "tpu.region"() ({
      %run_scoped3A = tpu.sem_alloc : memref<!tpu.dma_semaphore, #tpu.memory_space<semaphore_mem>>
      %dma_start3A = tpu.memref_slice %arg6[%arg0, %mul3A_8] : memref<2x10240xf32, #tpu.memory_space<hbm>> -> memref<1x640xf32, #tpu.memory_space<hbm>>
      %dma_start3A_26 = tpu.memref_squeeze %dma_start3A : memref<1x640xf32, #tpu.memory_space<hbm>> -> memref<640xf32, #tpu.memory_space<hbm>>
      %dma_start3A_27 = tpu.memref_slice %arg6[%arg0, %mul3A_8] : memref<2x10240xf32, #tpu.memory_space<hbm>> -> memref<1x640xf32, #tpu.memory_space<hbm>>
      %dma_start3A_28 = tpu.memref_squeeze %dma_start3A_27 : memref<1x640xf32, #tpu.memory_space<hbm>> -> memref<640xf32, #tpu.memory_space<hbm>>
      tpu.enqueue_dma source(%arg11 : memref<640xf32, #tpu.memory_space<vmem>>) target(%dma_start3A_28 : memref<640xf32, #tpu.memory_space<hbm>>) target_semaphore(%run_scoped3A : memref<!tpu.dma_semaphore, #tpu.memory_space<semaphore_mem>>)
      %dma_wait3A = tpu.memref_slice %arg6[%arg0, %mul3A_8] : memref<2x10240xf32, #tpu.memory_space<hbm>> -> memref<1x640xf32, #tpu.memory_space<hbm>>
      %dma_wait3A_29 = tpu.memref_squeeze %dma_wait3A : memref<1x640xf32, #tpu.memory_space<hbm>> -> memref<640xf32, #tpu.memory_space<hbm>>
      %dma_wait3A_30 = tpu.memref_slice %arg6[%arg0, %mul3A_8] : memref<2x10240xf32, #tpu.memory_space<hbm>> -> memref<1x640xf32, #tpu.memory_space<hbm>>
      %dma_wait3A_31 = tpu.memref_squeeze %dma_wait3A_30 : memref<1x640xf32, #tpu.memory_space<hbm>> -> memref<640xf32, #tpu.memory_space<hbm>>
      tpu.wait_dma2 semaphore(%run_scoped3A : memref<!tpu.dma_semaphore, #tpu.memory_space<semaphore_mem>>) src(%arg11 : memref<640xf32, #tpu.memory_space<vmem>>) dst(%dma_wait3A_31 : memref<640xf32, #tpu.memory_space<hbm>>)
      tpu.yield
    }) : () -> ()
    return
  }
}

#map = affine_map<(d0, d1) -> (0, 0)>
#map1 = affine_map<(d0, d1) -> (0)>
#map2 = affine_map<(d0, d1) -> (0, 0, 0, 0)>
module attributes {stable_mosaic.version = 14 : i64} {
  func.func @_sc_scatter_rows(%arg0: i32, %arg1: i32, %arg2: memref<2560x128xi32, #tpu.memory_space<hbm>>, %arg3: memref<2560x128xi32, #tpu.memory_space<hbm>>, %arg4: memref<2560x128xf32, #tpu.memory_space<hbm>>, %arg5: memref<10000x128xf32, #tpu.memory_space<hbm>>, %arg6: memref<10240xf32, #tpu.memory_space<hbm>>, %arg7: memref<10240xf32, #tpu.memory_space<hbm>>, %arg8: memref<20480x128xf32, #tpu.memory_space<hbm>>, %arg9: memref<32x82x1x128xi32, #tpu.memory_space<hbm>>, %arg10: memref<32x82x1x128xi32, #tpu.memory_space<hbm>>, %arg11: memref<32x82x1x128xf32, #tpu.memory_space<hbm>>, %arg12: memref<8x128xi32, #tpu.memory_space<vmem>>, %arg13: memref<8x128xi32, #tpu.memory_space<vmem>>, %arg14: memref<8x128xf32, #tpu.memory_space<vmem>>, %arg15: memref<10240xf32, #tpu.memory_space<vmem>>, %arg16: memref<10240xf32, #tpu.memory_space<vmem>>, %arg17: memref<2x128xi32, #tpu.memory_space<vmem>>, %arg18: memref<2x128xi32, #tpu.memory_space<vmem>>, %arg19: memref<2x128xf32, #tpu.memory_space<vmem>>, %arg20: memref<1x128xi32, #tpu.memory_space<vmem>>, %arg21: memref<1x128xi32, #tpu.memory_space<vmem>>, %arg22: memref<1x128xf32, #tpu.memory_space<vmem>>, %arg23: memref<128x128xf32, #tpu.memory_space<vmem>>, %arg24: memref<5x128xi32, #tpu.memory_space<vmem>>, %arg25: memref<5x128xi32, #tpu.memory_space<vmem>>, %arg26: memref<10240x128xf32, #tpu.memory_space<vmem_shared>>, %arg27: memref<!tpu.dma_semaphore, #tpu.memory_space<semaphore_mem>>) attributes {dimension_semantics = [#tpu.dimension_semantics<core_parallel>, #tpu.dimension_semantics<subcore_parallel>], iteration_bounds = array<i64: 2, 16>, scalar_prefetch = 0 : i64, scratch_operands = 16 : i64, tpu.core_type = #tpu.core_type<sc_vector_subcore>, window_params = [{transform_indices = #map}, {transform_indices = #map}, {transform_indices = #map}, {transform_indices = #map}, {transform_indices = #map1}, {transform_indices = #map1}, {transform_indices = #map}, {transform_indices = #map2}, {transform_indices = #map2}, {transform_indices = #map2}]} {
    %mul3A = arith.constant 2 : i32
    %mul3A_0 = arith.muli %arg1, %mul3A : i32
    %add3A = arith.addi %mul3A_0, %arg0 : i32
    %scan3A = arith.constant 0 : i32
    %scan3A_1 = arith.constant 0 : i32
    %scan3A_2 = arith.constant 128 : i32
    %scan3A_3 = arith.addi %scan3A_1, %scan3A_2 : i32
    %scan3A_4 = arith.constant 1 : i32
    %scan3A_5 = scf.for %scan3A_91 = %scan3A_1 to %scan3A_3 step %scan3A_4 iter_args(%scan3A_92 = %scan3A) -> (i32)  : i32 {
      %broadcast_in_dim3A_93 = arith.constant 0.000000e+00 : f32
      %broadcast_in_dim3A_94 = vector.broadcast %broadcast_in_dim3A_93 : f32 to vector<16xf32>
      %swap3A = arith.index_cast %scan3A_91 : i32 to index
      %swap3A_95 = arith.constant 0 : index
      %swap3A_96 = tpu.vector_load %arg23[%swap3A, %swap3A_95] {strides = array<i32>} : memref<128x128xf32, #tpu.memory_space<vmem>>, vector<16xf32>,
      tpu.vector_store %arg23[%swap3A, %swap3A_95], %broadcast_in_dim3A_94 {strides = array<i32>} : memref<128x128xf32, #tpu.memory_space<vmem>>, vector<16xf32>,
      %broadcast_in_dim3A_97 = arith.constant 0.000000e+00 : f32
      %broadcast_in_dim3A_98 = vector.broadcast %broadcast_in_dim3A_97 : f32 to vector<16xf32>
      %swap3A_99 = arith.index_cast %scan3A_91 : i32 to index
      %swap3A_100 = arith.constant 16 : index
      %swap3A_101 = tpu.vector_load %arg23[%swap3A_99, %swap3A_100] {strides = array<i32>} : memref<128x128xf32, #tpu.memory_space<vmem>>, vector<16xf32>,
      tpu.vector_store %arg23[%swap3A_99, %swap3A_100], %broadcast_in_dim3A_98 {strides = array<i32>} : memref<128x128xf32, #tpu.memory_space<vmem>>, vector<16xf32>,
      %broadcast_in_dim3A_102 = arith.constant 0.000000e+00 : f32
      %broadcast_in_dim3A_103 = vector.broadcast %broadcast_in_dim3A_102 : f32 to vector<16xf32>
      %swap3A_104 = arith.index_cast %scan3A_91 : i32 to index
      %swap3A_105 = arith.constant 32 : index
      %swap3A_106 = tpu.vector_load %arg23[%swap3A_104, %swap3A_105] {strides = array<i32>} : memref<128x128xf32, #tpu.memory_space<vmem>>, vector<16xf32>,
      tpu.vector_store %arg23[%swap3A_104, %swap3A_105], %broadcast_in_dim3A_103 {strides = array<i32>} : memref<128x128xf32, #tpu.memory_space<vmem>>, vector<16xf32>,
      %broadcast_in_dim3A_107 = arith.constant 0.000000e+00 : f32
      %broadcast_in_dim3A_108 = vector.broadcast %broadcast_in_dim3A_107 : f32 to vector<16xf32>
      %swap3A_109 = arith.index_cast %scan3A_91 : i32 to index
      %swap3A_110 = arith.constant 48 : index
      %swap3A_111 = tpu.vector_load %arg23[%swap3A_109, %swap3A_110] {strides = array<i32>} : memref<128x128xf32, #tpu.memory_space<vmem>>, vector<16xf32>,
      tpu.vector_store %arg23[%swap3A_109, %swap3A_110], %broadcast_in_dim3A_108 {strides = array<i32>} : memref<128x128xf32, #tpu.memory_space<vmem>>, vector<16xf32>,
      %broadcast_in_dim3A_112 = arith.constant 0.000000e+00 : f32
      %broadcast_in_dim3A_113 = vector.broadcast %broadcast_in_dim3A_112 : f32 to vector<16xf32>
      %swap3A_114 = arith.index_cast %scan3A_91 : i32 to index
      %swap3A_115 = arith.constant 64 : index
      %swap3A_116 = tpu.vector_load %arg23[%swap3A_114, %swap3A_115] {strides = array<i32>} : memref<128x128xf32, #tpu.memory_space<vmem>>, vector<16xf32>,
      tpu.vector_store %arg23[%swap3A_114, %swap3A_115], %broadcast_in_dim3A_113 {strides = array<i32>} : memref<128x128xf32, #tpu.memory_space<vmem>>, vector<16xf32>,
      %broadcast_in_dim3A_117 = arith.constant 0.000000e+00 : f32
      %broadcast_in_dim3A_118 = vector.broadcast %broadcast_in_dim3A_117 : f32 to vector<16xf32>
      %swap3A_119 = arith.index_cast %scan3A_91 : i32 to index
      %swap3A_120 = arith.constant 80 : index
      %swap3A_121 = tpu.vector_load %arg23[%swap3A_119, %swap3A_120] {strides = array<i32>} : memref<128x128xf32, #tpu.memory_space<vmem>>, vector<16xf32>,
      tpu.vector_store %arg23[%swap3A_119, %swap3A_120], %broadcast_in_dim3A_118 {strides = array<i32>} : memref<128x128xf32, #tpu.memory_space<vmem>>, vector<16xf32>,
      %broadcast_in_dim3A_122 = arith.constant 0.000000e+00 : f32
      %broadcast_in_dim3A_123 = vector.broadcast %broadcast_in_dim3A_122 : f32 to vector<16xf32>
      %swap3A_124 = arith.index_cast %scan3A_91 : i32 to index
      %swap3A_125 = arith.constant 96 : index
      %swap3A_126 = tpu.vector_load %arg23[%swap3A_124, %swap3A_125] {strides = array<i32>} : memref<128x128xf32, #tpu.memory_space<vmem>>, vector<16xf32>,
      tpu.vector_store %arg23[%swap3A_124, %swap3A_125], %broadcast_in_dim3A_123 {strides = array<i32>} : memref<128x128xf32, #tpu.memory_space<vmem>>, vector<16xf32>,
      %broadcast_in_dim3A_127 = arith.constant 0.000000e+00 : f32
      %broadcast_in_dim3A_128 = vector.broadcast %broadcast_in_dim3A_127 : f32 to vector<16xf32>
      %swap3A_129 = arith.index_cast %scan3A_91 : i32 to index
      %swap3A_130 = arith.constant 112 : index
      %swap3A_131 = tpu.vector_load %arg23[%swap3A_129, %swap3A_130] {strides = array<i32>} : memref<128x128xf32, #tpu.memory_space<vmem>>, vector<16xf32>,
      tpu.vector_store %arg23[%swap3A_129, %swap3A_130], %broadcast_in_dim3A_128 {strides = array<i32>} : memref<128x128xf32, #tpu.memory_space<vmem>>, vector<16xf32>,
      %scan3A_132 = arith.constant 0 : i32
      scf.yield %scan3A_132 : i32
    }
    %scan3A_6 = arith.constant 128 : i32
    %mul3A_7 = arith.constant 640 : i32
    %mul3A_8 = arith.muli %arg1, %mul3A_7 : i32
    "tpu.region"() ({
      %run_scoped3A_91 = tpu.sem_alloc : memref<!tpu.dma_semaphore, #tpu.memory_space<semaphore_mem>>
      tpu.enqueue_dma source(%arg6 : memref<10240xf32, #tpu.memory_space<hbm>>) target(%arg15 : memref<10240xf32, #tpu.memory_space<vmem>>) target_semaphore(%run_scoped3A_91 : memref<!tpu.dma_semaphore, #tpu.memory_space<semaphore_mem>>)
      tpu.wait_dma2 semaphore(%run_scoped3A_91 : memref<!tpu.dma_semaphore, #tpu.memory_space<semaphore_mem>>) src(%arg6 : memref<10240xf32, #tpu.memory_space<hbm>>) dst(%arg15 : memref<10240xf32, #tpu.memory_space<vmem>>)
      tpu.yield
    }) : () -> ()
    "tpu.region"() ({
      %run_scoped3A_91 = tpu.sem_alloc : memref<!tpu.dma_semaphore, #tpu.memory_space<semaphore_mem>>
      tpu.enqueue_dma source(%arg7 : memref<10240xf32, #tpu.memory_space<hbm>>) target(%arg16 : memref<10240xf32, #tpu.memory_space<vmem>>) target_semaphore(%run_scoped3A_91 : memref<!tpu.dma_semaphore, #tpu.memory_space<semaphore_mem>>)
      tpu.wait_dma2 semaphore(%run_scoped3A_91 : memref<!tpu.dma_semaphore, #tpu.memory_space<semaphore_mem>>) src(%arg7 : memref<10240xf32, #tpu.memory_space<hbm>>) dst(%arg16 : memref<10240xf32, #tpu.memory_space<vmem>>)
      tpu.yield
    }) : () -> ()
    %iota3A = tpu.iota {dimensions = array<i32: 0>} : vector<16xi32>
    %broadcast_in_dim3A = vector.broadcast %mul3A_8 : i32 to vector<16xi32>
    %mul3A_9 = arith.constant 10240 : i32
    %mul3A_10 = arith.muli %arg0, %mul3A_9 : i32
    %add3A_11 = arith.addi %mul3A_8, %mul3A_10 : i32
    %broadcast_in_dim3A_12 = vector.broadcast %add3A_11 : i32 to vector<16xi32>
    %scan3A_13 = arith.constant 0 : i32
    %scan3A_14 = arith.constant 0 : i32
    %scan3A_15 = arith.constant 40 : i32
    %scan3A_16 = arith.addi %scan3A_14, %scan3A_15 : i32
    %scan3A_17 = arith.constant 1 : i32
    %scan3A_18 = scf.for %scan3A_91 = %scan3A_14 to %scan3A_16 step %scan3A_17 iter_args(%scan3A_92 = %scan3A_13) -> (i32)  : i32 {
      %shift_right_logical3A_93 = arith.constant 3 : i32
      %shift_right_logical3A_94 = arith.shrui %scan3A_91, %shift_right_logical3A_93 : i32
      %and3A_95 = arith.constant 7 : i32
      %and3A_96 = arith.andi %scan3A_91, %and3A_95 : i32
      %shift_left3A = arith.constant 4 : i32
      %shift_left3A_97 = arith.shli %and3A_96, %shift_left3A : i32
      %swap3A = arith.index_cast %shift_right_logical3A_94 : i32 to index
      %swap3A_98 = arith.index_cast %shift_left3A_97 : i32 to index
      %swap3A_99 = tpu.vector_load %arg24[%swap3A, %swap3A_98] {strides = array<i32>} : memref<5x128xi32, #tpu.memory_space<vmem>>, vector<16xi32>,
      tpu.vector_store %arg24[%swap3A, %swap3A_98], %broadcast_in_dim3A {strides = array<i32>} : memref<5x128xi32, #tpu.memory_space<vmem>>, vector<16xi32>,
      %swap3A_100 = arith.index_cast %shift_right_logical3A_94 : i32 to index
      %swap3A_101 = arith.index_cast %shift_left3A_97 : i32 to index
      %swap3A_102 = tpu.vector_load %arg25[%swap3A_100, %swap3A_101] {strides = array<i32>} : memref<5x128xi32, #tpu.memory_space<vmem>>, vector<16xi32>,
      tpu.vector_store %arg25[%swap3A_100, %swap3A_101], %broadcast_in_dim3A_12 {strides = array<i32>} : memref<5x128xi32, #tpu.memory_space<vmem>>, vector<16xi32>,
      %scan3A_103 = arith.constant 0 : i32
      scf.yield %scan3A_103 : i32
    }
    %scan3A_19 = arith.constant 40 : i32
    %scan3A_20 = arith.constant 0 : i32
    %scan3A_21 = arith.constant 0 : i32
    %scan3A_22 = arith.constant 40 : i32
    %scan3A_23 = arith.addi %scan3A_21, %scan3A_22 : i32
    %scan3A_24 = arith.constant 1 : i32
    %scan3A_25 = scf.for %scan3A_91 = %scan3A_21 to %scan3A_23 step %scan3A_24 iter_args(%scan3A_92 = %scan3A_20) -> (i32)  : i32 {
      %mul3A_93 = arith.constant 16 : i32
      %mul3A_94 = arith.muli %scan3A_91, %mul3A_93 : i32
      %add3A_95 = arith.addi %mul3A_8, %mul3A_94 : i32
      %add3A_96 = vector.broadcast %add3A_95 : i32 to vector<16xi32>
      %add3A_97 = arith.addi %add3A_96, %iota3A : vector<16xi32>
      %mul3A_98 = arith.constant 16 : i32
      %mul3A_99 = arith.muli %scan3A_91, %mul3A_98 : i32
      %add3A_100 = arith.addi %mul3A_8, %mul3A_99 : i32
      %get3A = arith.index_cast %add3A_100 : i32 to index
      %get3A_101 = tpu.vector_load %arg15[%get3A] {strides = array<i32>} : memref<10240xf32, #tpu.memory_space<vmem>>, vector<16xf32>,
      %ne3A = arith.constant 0.000000e+00 : f32
      %ne3A_102 = vector.broadcast %ne3A : f32 to vector<16xf32>
      %ne3A_103 = arith.cmpf one, %get3A_101, %ne3A_102 : vector<16xf32>
      %jit3A = arith.constant 1 : i32
      %jit3A_104 = arith.constant 0 : i32
      %broadcast_in_dim3A_105 = vector.broadcast %jit3A : i32 to vector<16xi32>
      %broadcast_in_dim3A_106 = vector.broadcast %jit3A_104 : i32 to vector<16xi32>
      %select_n3A = arith.select %ne3A_103, %broadcast_in_dim3A_105, %broadcast_in_dim3A_106 : vector<16xi1>, vector<16xi32>
      %broadcast_in_dim3A_107 = arith.constant true
      %broadcast_in_dim3A_108 = vector.broadcast %broadcast_in_dim3A_107 : i1 to vector<16xi1>
      %masked_cumsum3A = tpu.scan <sum>, %select_n3A masked %broadcast_in_dim3A_108 : vector<16xi32>, vector<16xi1> -> vector<16xi32>
      %add3A_109 = vector.broadcast %scan3A_92 : i32 to vector<16xi32>
      %add3A_110 = arith.addi %add3A_109, %masked_cumsum3A : vector<16xi32>
      %sub3A = arith.constant 1 : i32
      %sub3A_111 = vector.broadcast %sub3A : i32 to vector<16xi32>
      %sub3A_112 = arith.subi %add3A_110, %sub3A_111 : vector<16xi32>
      %shift_right_logical3A_113 = arith.constant 7 : i32
      %shift_right_logical3A_114 = vector.broadcast %shift_right_logical3A_113 : i32 to vector<16xi32>
      %shift_right_logical3A_115 = arith.shrui %sub3A_112, %shift_right_logical3A_114 : vector<16xi32>
      %and3A_116 = arith.constant 127 : i32
      %and3A_117 = vector.broadcast %and3A_116 : i32 to vector<16xi32>
      %and3A_118 = arith.andi %sub3A_112, %and3A_117 : vector<16xi32>
      tpu.vector_store_idx %arg24[%shift_right_logical3A_115, %and3A_118], %add3A_97 masked %ne3A_103 : memref<5x128xi32, #tpu.memory_space<vmem>>[vector<16xi32>, vector<16xi32>], vector<16xi32>, vector<16xi1>
      %mul3A_119 = arith.constant 10240 : i32
      %mul3A_120 = arith.muli %arg0, %mul3A_119 : i32
      %add3A_121 = vector.broadcast %mul3A_120 : i32 to vector<16xi32>
      %add3A_122 = arith.addi %add3A_97, %add3A_121 : vector<16xi32>
      tpu.vector_store_idx %arg25[%shift_right_logical3A_115, %and3A_118], %add3A_122 masked %ne3A_103 : memref<5x128xi32, #tpu.memory_space<vmem>>[vector<16xi32>, vector<16xi32>], vector<16xi32>, vector<16xi1>
      %slice3A = vector.extract_strided_slice %masked_cumsum3A {offsets = [15], sizes = [1], strides = [1]} : vector<16xi32> to vector<1xi32>
      %squeeze3A = vector.extract %slice3A[0] : i32 from vector<1xi32>
      %add3A_123 = arith.addi %scan3A_92, %squeeze3A : i32
      scf.yield %add3A_123 : i32
    }
    %scan3A_26 = arith.constant 40 : i32
    %add3A_27 = arith.constant 127 : i32
    %add3A_28 = arith.addi %scan3A_25, %add3A_27 : i32
    %shift_right_logical3A = arith.constant 7 : i32
    %shift_right_logical3A_29 = arith.shrui %add3A_28, %shift_right_logical3A : i32
    %while3A = arith.constant 0 : i32
    %while3A_30 = arith.constant 0 : i32
    %while3A_31 = arith.subi %shift_right_logical3A_29, %while3A : i32
    %while3A_32 = arith.addi %while3A, %while3A_31 : i32
    %while3A_33 = arith.constant 1 : i32
    %while3A_34 = arith.divsi %while3A_31, %while3A_33 : i32
    %while3A_35 = arith.muli %while3A_34, %while3A_33 : i32
    %while3A_36 = arith.addi %while3A, %while3A_35 : i32
    %while3A_37 = arith.constant 1 : i32
    %while3A_38 = scf.for %while3A_91 = %while3A to %while3A_36 step %while3A_37 iter_args(%while3A_92 = %while3A_30) -> (i32)  : i32 {
      "tpu.region"() ({
        %run_scoped3A_94 = tpu.sem_alloc : memref<!tpu.dma_semaphore, #tpu.memory_space<semaphore_mem>>
        %dma_start3A = arith.constant 0 : i32
        %dma_start3A_95 = tpu.memref_slice %arg24[%while3A_91, %dma_start3A] : memref<5x128xi32, #tpu.memory_space<vmem>> -> memref<1x128xi32, #tpu.memory_space<vmem>>
        %dma_start3A_96 = tpu.memref_squeeze %dma_start3A_95 : memref<1x128xi32, #tpu.memory_space<vmem>> -> memref<128xi32, #tpu.memory_space<vmem>>
        %dma_start3A_97 = arith.constant 0 : i32
        %dma_start3A_98 = arith.constant 0 : i32
        %dma_start3A_99 = tpu.memref_slice %arg26[%dma_start3A_97, %dma_start3A_98] : memref<10240x128xf32, #tpu.memory_space<vmem_shared>> -> memref<10240x128xf32, #tpu.memory_space<vmem_shared>>
        tpu.enqueue_indirect_dma source(%arg23 : memref<128x128xf32, #tpu.memory_space<vmem>>) target(%dma_start3A_99 : memref<10240x128xf32, #tpu.memory_space<vmem_shared>>) offsets(%dma_start3A_96 : memref<128xi32, #tpu.memory_space<vmem>>) semaphore(%run_scoped3A_94 : memref<!tpu.dma_semaphore, #tpu.memory_space<semaphore_mem>>)
        %dma_wait3A = arith.constant 0 : i32
        %dma_wait3A_100 = tpu.memref_slice %arg24[%while3A_91, %dma_wait3A] : memref<5x128xi32, #tpu.memory_space<vmem>> -> memref<1x128xi32, #tpu.memory_space<vmem>>
        %dma_wait3A_101 = tpu.memref_squeeze %dma_wait3A_100 : memref<1x128xi32, #tpu.memory_space<vmem>> -> memref<128xi32, #tpu.memory_space<vmem>>
        %dma_wait3A_102 = arith.constant 0 : i32
        %dma_wait3A_103 = arith.constant 0 : i32
        %dma_wait3A_104 = tpu.memref_slice %arg26[%dma_wait3A_102, %dma_wait3A_103] : memref<10240x128xf32, #tpu.memory_space<vmem_shared>> -> memref<10240x128xf32, #tpu.memory_space<vmem_shared>>
        tpu.wait_indirect_dma semaphore(%run_scoped3A_94 : memref<!tpu.dma_semaphore, #tpu.memory_space<semaphore_mem>>) src(%arg23 : memref<128x128xf32, #tpu.memory_space<vmem>>) dst(%dma_wait3A_104 : memref<10240x128xf32, #tpu.memory_space<vmem_shared>>)
        tpu.yield
      }) : () -> ()
      %while3A_93 = arith.constant 0 : i32
      scf.yield %while3A_93 : i32
    }
    %while3A_39 = arith.constant 1 : i32
    %while3A_40 = scf.for %while3A_91 = %while3A_36 to %while3A_32 step %while3A_39 iter_args(%while3A_92 = %while3A_38) -> (i32)  : i32 {
      "tpu.region"() ({
        %run_scoped3A_94 = tpu.sem_alloc : memref<!tpu.dma_semaphore, #tpu.memory_space<semaphore_mem>>
        %dma_start3A = arith.constant 0 : i32
        %dma_start3A_95 = tpu.memref_slice %arg24[%while3A_91, %dma_start3A] : memref<5x128xi32, #tpu.memory_space<vmem>> -> memref<1x128xi32, #tpu.memory_space<vmem>>
        %dma_start3A_96 = tpu.memref_squeeze %dma_start3A_95 : memref<1x128xi32, #tpu.memory_space<vmem>> -> memref<128xi32, #tpu.memory_space<vmem>>
        %dma_start3A_97 = arith.constant 0 : i32
        %dma_start3A_98 = arith.constant 0 : i32
        %dma_start3A_99 = tpu.memref_slice %arg26[%dma_start3A_97, %dma_start3A_98] : memref<10240x128xf32, #tpu.memory_space<vmem_shared>> -> memref<10240x128xf32, #tpu.memory_space<vmem_shared>>
        tpu.enqueue_indirect_dma source(%arg23 : memref<128x128xf32, #tpu.memory_space<vmem>>) target(%dma_start3A_99 : memref<10240x128xf32, #tpu.memory_space<vmem_shared>>) offsets(%dma_start3A_96 : memref<128xi32, #tpu.memory_space<vmem>>) semaphore(%run_scoped3A_94 : memref<!tpu.dma_semaphore, #tpu.memory_space<semaphore_mem>>)
        %dma_wait3A = arith.constant 0 : i32
        %dma_wait3A_100 = tpu.memref_slice %arg24[%while3A_91, %dma_wait3A] : memref<5x128xi32, #tpu.memory_space<vmem>> -> memref<1x128xi32, #tpu.memory_space<vmem>>
        %dma_wait3A_101 = tpu.memref_squeeze %dma_wait3A_100 : memref<1x128xi32, #tpu.memory_space<vmem>> -> memref<128xi32, #tpu.memory_space<vmem>>
        %dma_wait3A_102 = arith.constant 0 : i32
        %dma_wait3A_103 = arith.constant 0 : i32
        %dma_wait3A_104 = tpu.memref_slice %arg26[%dma_wait3A_102, %dma_wait3A_103] : memref<10240x128xf32, #tpu.memory_space<vmem_shared>> -> memref<10240x128xf32, #tpu.memory_space<vmem_shared>>
        tpu.wait_indirect_dma semaphore(%run_scoped3A_94 : memref<!tpu.dma_semaphore, #tpu.memory_space<semaphore_mem>>) src(%arg23 : memref<128x128xf32, #tpu.memory_space<vmem>>) dst(%dma_wait3A_104 : memref<10240x128xf32, #tpu.memory_space<vmem_shared>>)
        tpu.yield
      }) : () -> ()
      %while3A_93 = arith.constant 0 : i32
      scf.yield %while3A_93 : i32
    }
    %scan3A_41 = arith.constant 0 : i32
    %scan3A_42 = arith.constant 0 : i32
    %scan3A_43 = arith.constant 10 : i32
    %scan3A_44 = arith.addi %scan3A_42, %scan3A_43 : i32
    %scan3A_45 = arith.constant 1 : i32
    %scan3A_46 = scf.for %scan3A_91 = %scan3A_42 to %scan3A_44 step %scan3A_45 iter_args(%scan3A_92 = %scan3A_41) -> (i32)  : i32 {
      %mul3A_93 = arith.constant 80 : i32
      %mul3A_94 = arith.muli %add3A, %mul3A_93 : i32
      %mul3A_95 = arith.constant 8 : i32
      %mul3A_96 = arith.muli %scan3A_91, %mul3A_95 : i32
      %add3A_97 = arith.addi %mul3A_94, %mul3A_96 : i32
      "tpu.region"() ({
        %run_scoped3A_104 = tpu.sem_alloc : memref<!tpu.dma_semaphore, #tpu.memory_space<semaphore_mem>>
        %dma_start3A = arith.constant 0 : i32
        %dma_start3A_105 = tpu.memref_slice %arg2[%add3A_97, %dma_start3A] : memref<2560x128xi32, #tpu.memory_space<hbm>> -> memref<8x128xi32, #tpu.memory_space<hbm>>
        %dma_start3A_106 = arith.constant 0 : i32
        %dma_start3A_107 = tpu.memref_slice %arg2[%add3A_97, %dma_start3A_106] : memref<2560x128xi32, #tpu.memory_space<hbm>> -> memref<8x128xi32, #tpu.memory_space<hbm>>
        tpu.enqueue_dma source(%dma_start3A_107 : memref<8x128xi32, #tpu.memory_space<hbm>>) target(%arg12 : memref<8x128xi32, #tpu.memory_space<vmem>>) target_semaphore(%run_scoped3A_104 : memref<!tpu.dma_semaphore, #tpu.memory_space<semaphore_mem>>)
        %dma_wait3A = arith.constant 0 : i32
        %dma_wait3A_108 = tpu.memref_slice %arg2[%add3A_97, %dma_wait3A] : memref<2560x128xi32, #tpu.memory_space<hbm>> -> memref<8x128xi32, #tpu.memory_space<hbm>>
        %dma_wait3A_109 = arith.constant 0 : i32
        %dma_wait3A_110 = tpu.memref_slice %arg2[%add3A_97, %dma_wait3A_109] : memref<2560x128xi32, #tpu.memory_space<hbm>> -> memref<8x128xi32, #tpu.memory_space<hbm>>
        tpu.wait_dma2 semaphore(%run_scoped3A_104 : memref<!tpu.dma_semaphore, #tpu.memory_space<semaphore_mem>>) src(%dma_wait3A_110 : memref<8x128xi32, #tpu.memory_space<hbm>>) dst(%arg12 : memref<8x128xi32, #tpu.memory_space<vmem>>)
        tpu.yield
      }) : () -> ()
      "tpu.region"() ({
        %run_scoped3A_104 = tpu.sem_alloc : memref<!tpu.dma_semaphore, #tpu.memory_space<semaphore_mem>>
        %dma_start3A = arith.constant 0 : i32
        %dma_start3A_105 = tpu.memref_slice %arg3[%add3A_97, %dma_start3A] : memref<2560x128xi32, #tpu.memory_space<hbm>> -> memref<8x128xi32, #tpu.memory_space<hbm>>
        %dma_start3A_106 = arith.constant 0 : i32
        %dma_start3A_107 = tpu.memref_slice %arg3[%add3A_97, %dma_start3A_106] : memref<2560x128xi32, #tpu.memory_space<hbm>> -> memref<8x128xi32, #tpu.memory_space<hbm>>
        tpu.enqueue_dma source(%dma_start3A_107 : memref<8x128xi32, #tpu.memory_space<hbm>>) target(%arg13 : memref<8x128xi32, #tpu.memory_space<vmem>>) target_semaphore(%run_scoped3A_104 : memref<!tpu.dma_semaphore, #tpu.memory_space<semaphore_mem>>)
        %dma_wait3A = arith.constant 0 : i32
        %dma_wait3A_108 = tpu.memref_slice %arg3[%add3A_97, %dma_wait3A] : memref<2560x128xi32, #tpu.memory_space<hbm>> -> memref<8x128xi32, #tpu.memory_space<hbm>>
        %dma_wait3A_109 = arith.constant 0 : i32
        %dma_wait3A_110 = tpu.memref_slice %arg3[%add3A_97, %dma_wait3A_109] : memref<2560x128xi32, #tpu.memory_space<hbm>> -> memref<8x128xi32, #tpu.memory_space<hbm>>
        tpu.wait_dma2 semaphore(%run_scoped3A_104 : memref<!tpu.dma_semaphore, #tpu.memory_space<semaphore_mem>>) src(%dma_wait3A_110 : memref<8x128xi32, #tpu.memory_space<hbm>>) dst(%arg13 : memref<8x128xi32, #tpu.memory_space<vmem>>)
        tpu.yield
      }) : () -> ()
      "tpu.region"() ({
        %run_scoped3A_104 = tpu.sem_alloc : memref<!tpu.dma_semaphore, #tpu.memory_space<semaphore_mem>>
        %dma_start3A = arith.constant 0 : i32
        %dma_start3A_105 = tpu.memref_slice %arg4[%add3A_97, %dma_start3A] : memref<2560x128xf32, #tpu.memory_space<hbm>> -> memref<8x128xf32, #tpu.memory_space<hbm>>
        %dma_start3A_106 = arith.constant 0 : i32
        %dma_start3A_107 = tpu.memref_slice %arg4[%add3A_97, %dma_start3A_106] : memref<2560x128xf32, #tpu.memory_space<hbm>> -> memref<8x128xf32, #tpu.memory_space<hbm>>
        tpu.enqueue_dma source(%dma_start3A_107 : memref<8x128xf32, #tpu.memory_space<hbm>>) target(%arg14 : memref<8x128xf32, #tpu.memory_space<vmem>>) target_semaphore(%run_scoped3A_104 : memref<!tpu.dma_semaphore, #tpu.memory_space<semaphore_mem>>)
        %dma_wait3A = arith.constant 0 : i32
        %dma_wait3A_108 = tpu.memref_slice %arg4[%add3A_97, %dma_wait3A] : memref<2560x128xf32, #tpu.memory_space<hbm>> -> memref<8x128xf32, #tpu.memory_space<hbm>>
        %dma_wait3A_109 = arith.constant 0 : i32
        %dma_wait3A_110 = tpu.memref_slice %arg4[%add3A_97, %dma_wait3A_109] : memref<2560x128xf32, #tpu.memory_space<hbm>> -> memref<8x128xf32, #tpu.memory_space<hbm>>
        tpu.wait_dma2 semaphore(%run_scoped3A_104 : memref<!tpu.dma_semaphore, #tpu.memory_space<semaphore_mem>>) src(%dma_wait3A_110 : memref<8x128xf32, #tpu.memory_space<hbm>>) dst(%arg14 : memref<8x128xf32, #tpu.memory_space<vmem>>)
        tpu.yield
      }) : () -> ()
      %scan3A_98 = arith.constant 0 : i32
      %scan3A_99 = arith.constant 64 : i32
      %scan3A_100 = arith.addi %scan3A_98, %scan3A_99 : i32
      %scan3A_101 = arith.constant 1 : i32
      %scan3A_102 = scf.for %scan3A_104 = %scan3A_98 to %scan3A_100 step %scan3A_101 iter_args(%scan3A_105 = %scan3A_92) -> (i32)  : i32 {
        %shift_right_logical3A_106 = arith.constant 3 : i32
        %shift_right_logical3A_107 = arith.shrui %scan3A_104, %shift_right_logical3A_106 : i32
        %and3A_108 = arith.constant 7 : i32
        %and3A_109 = arith.andi %scan3A_104, %and3A_108 : i32
        %shift_left3A = arith.constant 4 : i32
        %shift_left3A_110 = arith.shli %and3A_109, %shift_left3A : i32
        %get3A = arith.index_cast %shift_right_logical3A_107 : i32 to index
        %get3A_111 = arith.index_cast %shift_left3A_110 : i32 to index
        %get3A_112 = tpu.vector_load %arg13[%get3A, %get3A_111] {strides = array<i32>} : memref<8x128xi32, #tpu.memory_space<vmem>>, vector<16xi32>,
        %gather3A = tpu.vector_load_idx %arg15[%get3A_112] : memref<10240xf32, #tpu.memory_space<vmem>>[vector<16xi32>], vector<16xf32>,
        %ne3A = arith.constant 0.000000e+00 : f32
        %ne3A_113 = vector.broadcast %ne3A : f32 to vector<16xf32>
        %ne3A_114 = arith.cmpf one, %gather3A, %ne3A_113 : vector<16xf32>
        %all_reduce_population_count3A = tpu.all_reduce %ne3A_114 {dim = 0 : i64, kind = #tpu.reduction_kind<sum>} : vector<16xi1> -> vector<16xi32>
        %slice3A = vector.extract_strided_slice %all_reduce_population_count3A {offsets = [0], sizes = [1], strides = [1]} : vector<16xi32> to vector<1xi32>
        %squeeze3A = vector.extract %slice3A[0] : i32 from vector<1xi32>
        %add3A_115 = arith.addi %scan3A_105, %squeeze3A : i32
        %gt3A = arith.constant 0 : i32
        %gt3A_116 = arith.cmpi sgt, %squeeze3A, %gt3A : i32
        %convert_element_type3A = arith.extui %gt3A_116 : i1 to i32
        %cond3A = arith.constant 0 : i32
        %cond3A_117 = arith.cmpi ne, %convert_element_type3A, %cond3A : i32
        scf.if %cond3A_117 {
          %get3A_118 = arith.index_cast %shift_right_logical3A_107 : i32 to index
          %get3A_119 = arith.index_cast %shift_left3A_110 : i32 to index
          %get3A_120 = tpu.vector_load %arg12[%get3A_118, %get3A_119] {strides = array<i32>} : memref<8x128xi32, #tpu.memory_space<vmem>>, vector<16xi32>,
          %get3A_121 = arith.index_cast %shift_right_logical3A_107 : i32 to index
          %get3A_122 = arith.index_cast %shift_left3A_110 : i32 to index
          %get3A_123 = tpu.vector_load %arg14[%get3A_121, %get3A_122] {strides = array<i32>} : memref<8x128xf32, #tpu.memory_space<vmem>>, vector<16xf32>,
          %gather3A_124 = tpu.vector_load_idx %arg16[%get3A_120] : memref<10240xf32, #tpu.memory_space<vmem>>[vector<16xi32>], vector<16xf32>,
          %jit3A = arith.constant 1 : i32
          %jit3A_125 = arith.constant 0 : i32
          %broadcast_in_dim3A_126 = vector.broadcast %jit3A : i32 to vector<16xi32>
          %broadcast_in_dim3A_127 = vector.broadcast %jit3A_125 : i32 to vector<16xi32>
          %select_n3A = arith.select %ne3A_114, %broadcast_in_dim3A_126, %broadcast_in_dim3A_127 : vector<16xi1>, vector<16xi32>
          %broadcast_in_dim3A_128 = arith.constant true
          %broadcast_in_dim3A_129 = vector.broadcast %broadcast_in_dim3A_128 : i1 to vector<16xi1>
          %masked_cumsum3A = tpu.scan <sum>, %select_n3A masked %broadcast_in_dim3A_129 : vector<16xi32>, vector<16xi1> -> vector<16xi32>
          %add3A_130 = vector.broadcast %scan3A_105 : i32 to vector<16xi32>
          %add3A_131 = arith.addi %add3A_130, %masked_cumsum3A : vector<16xi32>
          %sub3A = arith.constant 1 : i32
          %sub3A_132 = vector.broadcast %sub3A : i32 to vector<16xi32>
          %sub3A_133 = arith.subi %add3A_131, %sub3A_132 : vector<16xi32>
          %shift_right_logical3A_134 = arith.constant 7 : i32
          %shift_right_logical3A_135 = vector.broadcast %shift_right_logical3A_134 : i32 to vector<16xi32>
          %shift_right_logical3A_136 = arith.shrui %sub3A_133, %shift_right_logical3A_135 : vector<16xi32>
          %and3A_137 = arith.constant 1 : i32
          %and3A_138 = vector.broadcast %and3A_137 : i32 to vector<16xi32>
          %and3A_139 = arith.andi %shift_right_logical3A_136, %and3A_138 : vector<16xi32>
          %and3A_140 = arith.constant 127 : i32
          %and3A_141 = vector.broadcast %and3A_140 : i32 to vector<16xi32>
          %and3A_142 = arith.andi %sub3A_133, %and3A_141 : vector<16xi32>
          tpu.vector_store_idx %arg17[%and3A_139, %and3A_142], %get3A_120 masked %ne3A_114 : memref<2x128xi32, #tpu.memory_space<vmem>>[vector<16xi32>, vector<16xi32>], vector<16xi32>, vector<16xi1>
          tpu.vector_store_idx %arg18[%and3A_139, %and3A_142], %get3A_112 masked %ne3A_114 : memref<2x128xi32, #tpu.memory_space<vmem>>[vector<16xi32>, vector<16xi32>], vector<16xi32>, vector<16xi1>
          %mul3A_143 = arith.mulf %get3A_123, %gather3A_124 : vector<16xf32>
          tpu.vector_store_idx %arg19[%and3A_139, %and3A_142], %mul3A_143 masked %ne3A_114 : memref<2x128xf32, #tpu.memory_space<vmem>>[vector<16xi32>, vector<16xi32>], vector<16xf32>, vector<16xi1>
          %shift_right_logical3A_144 = arith.constant 7 : i32
          %shift_right_logical3A_145 = arith.shrui %scan3A_105, %shift_right_logical3A_144 : i32
          %shift_right_logical3A_146 = arith.constant 7 : i32
          %shift_right_logical3A_147 = arith.shrui %add3A_115, %shift_right_logical3A_146 : i32
          %gt3A_148 = arith.cmpi sgt, %shift_right_logical3A_147, %shift_right_logical3A_145 : i32
          %convert_element_type3A_149 = arith.extui %gt3A_148 : i1 to i32
          %cond3A_150 = arith.constant 0 : i32
          %cond3A_151 = arith.cmpi ne, %convert_element_type3A_149, %cond3A_150 : i32
          scf.if %cond3A_151 {
            %and3A_152 = arith.constant 1 : i32
            %and3A_153 = arith.andi %shift_right_logical3A_145, %and3A_152 : i32
            %run_scoped3A_154 = arith.constant 0 : i32
            "tpu.region"() ({
              %run_scoped3A_157 = tpu.sem_alloc : memref<!tpu.dma_semaphore, #tpu.memory_space<semaphore_mem>>
              %dma_start3A = arith.constant 0 : i32
              %dma_start3A_158 = tpu.memref_slice %arg17[%and3A_153, %dma_start3A] : memref<2x128xi32, #tpu.memory_space<vmem>> -> memref<1x128xi32, #tpu.memory_space<vmem>>
              %dma_start3A_159 = tpu.memref_squeeze %dma_start3A_158 : memref<1x128xi32, #tpu.memory_space<vmem>> -> memref<128xi32, #tpu.memory_space<vmem>>
              %dma_start3A_160 = arith.constant 0 : i32
              %dma_start3A_161 = tpu.memref_slice %arg9[%add3A, %shift_right_logical3A_145, %run_scoped3A_154, %dma_start3A_160] : memref<32x82x1x128xi32, #tpu.memory_space<hbm>> -> memref<1x1x1x128xi32, #tpu.memory_space<hbm>>
              %dma_start3A_162 = tpu.memref_squeeze %dma_start3A_161 : memref<1x1x1x128xi32, #tpu.memory_space<hbm>> -> memref<128xi32, #tpu.memory_space<hbm>>
              %dma_start3A_163 = arith.constant 0 : i32
              %dma_start3A_164 = tpu.memref_slice %arg9[%add3A, %shift_right_logical3A_145, %run_scoped3A_154, %dma_start3A_163] : memref<32x82x1x128xi32, #tpu.memory_space<hbm>> -> memref<1x1x1x128xi32, #tpu.memory_space<hbm>>
              %dma_start3A_165 = tpu.memref_squeeze %dma_start3A_164 : memref<1x1x1x128xi32, #tpu.memory_space<hbm>> -> memref<128xi32, #tpu.memory_space<hbm>>
              %dma_start3A_166 = arith.constant 0 : i32
              %dma_start3A_167 = tpu.memref_slice %arg17[%and3A_153, %dma_start3A_166] : memref<2x128xi32, #tpu.memory_space<vmem>> -> memref<1x128xi32, #tpu.memory_space<vmem>>
              %dma_start3A_168 = tpu.memref_squeeze %dma_start3A_167 : memref<1x128xi32, #tpu.memory_space<vmem>> -> memref<128xi32, #tpu.memory_space<vmem>>
              tpu.enqueue_dma source(%dma_start3A_168 : memref<128xi32, #tpu.memory_space<vmem>>) target(%dma_start3A_165 : memref<128xi32, #tpu.memory_space<hbm>>) target_semaphore(%run_scoped3A_157 : memref<!tpu.dma_semaphore, #tpu.memory_space<semaphore_mem>>)
              %dma_wait3A = arith.constant 0 : i32
              %dma_wait3A_169 = tpu.memref_slice %arg17[%and3A_153, %dma_wait3A] : memref<2x128xi32, #tpu.memory_space<vmem>> -> memref<1x128xi32, #tpu.memory_space<vmem>>
              %dma_wait3A_170 = tpu.memref_squeeze %dma_wait3A_169 : memref<1x128xi32, #tpu.memory_space<vmem>> -> memref<128xi32, #tpu.memory_space<vmem>>
              %dma_wait3A_171 = arith.constant 0 : i32
              %dma_wait3A_172 = tpu.memref_slice %arg9[%add3A, %shift_right_logical3A_145, %run_scoped3A_154, %dma_wait3A_171] : memref<32x82x1x128xi32, #tpu.memory_space<hbm>> -> memref<1x1x1x128xi32, #tpu.memory_space<hbm>>
              %dma_wait3A_173 = tpu.memref_squeeze %dma_wait3A_172 : memref<1x1x1x128xi32, #tpu.memory_space<hbm>> -> memref<128xi32, #tpu.memory_space<hbm>>
              %dma_wait3A_174 = arith.constant 0 : i32
              %dma_wait3A_175 = tpu.memref_slice %arg9[%add3A, %shift_right_logical3A_145, %run_scoped3A_154, %dma_wait3A_174] : memref<32x82x1x128xi32, #tpu.memory_space<hbm>> -> memref<1x1x1x128xi32, #tpu.memory_space<hbm>>
              %dma_wait3A_176 = tpu.memref_squeeze %dma_wait3A_175 : memref<1x1x1x128xi32, #tpu.memory_space<hbm>> -> memref<128xi32, #tpu.memory_space<hbm>>
              %dma_wait3A_177 = arith.constant 0 : i32
              %dma_wait3A_178 = tpu.memref_slice %arg17[%and3A_153, %dma_wait3A_177] : memref<2x128xi32, #tpu.memory_space<vmem>> -> memref<1x128xi32, #tpu.memory_space<vmem>>
              %dma_wait3A_179 = tpu.memref_squeeze %dma_wait3A_178 : memref<1x128xi32, #tpu.memory_space<vmem>> -> memref<128xi32, #tpu.memory_space<vmem>>
              tpu.wait_dma2 semaphore(%run_scoped3A_157 : memref<!tpu.dma_semaphore, #tpu.memory_space<semaphore_mem>>) src(%dma_wait3A_179 : memref<128xi32, #tpu.memory_space<vmem>>) dst(%dma_wait3A_176 : memref<128xi32, #tpu.memory_space<hbm>>)
              tpu.yield
            }) : () -> ()
            %run_scoped3A_155 = arith.constant 0 : i32
            "tpu.region"() ({
              %run_scoped3A_157 = tpu.sem_alloc : memref<!tpu.dma_semaphore, #tpu.memory_space<semaphore_mem>>
              %dma_start3A = arith.constant 0 : i32
              %dma_start3A_158 = tpu.memref_slice %arg18[%and3A_153, %dma_start3A] : memref<2x128xi32, #tpu.memory_space<vmem>> -> memref<1x128xi32, #tpu.memory_space<vmem>>
              %dma_start3A_159 = tpu.memref_squeeze %dma_start3A_158 : memref<1x128xi32, #tpu.memory_space<vmem>> -> memref<128xi32, #tpu.memory_space<vmem>>
              %dma_start3A_160 = arith.constant 0 : i32
              %dma_start3A_161 = tpu.memref_slice %arg10[%add3A, %shift_right_logical3A_145, %run_scoped3A_155, %dma_start3A_160] : memref<32x82x1x128xi32, #tpu.memory_space<hbm>> -> memref<1x1x1x128xi32, #tpu.memory_space<hbm>>
              %dma_start3A_162 = tpu.memref_squeeze %dma_start3A_161 : memref<1x1x1x128xi32, #tpu.memory_space<hbm>> -> memref<128xi32, #tpu.memory_space<hbm>>
              %dma_start3A_163 = arith.constant 0 : i32
              %dma_start3A_164 = tpu.memref_slice %arg10[%add3A, %shift_right_logical3A_145, %run_scoped3A_155, %dma_start3A_163] : memref<32x82x1x128xi32, #tpu.memory_space<hbm>> -> memref<1x1x1x128xi32, #tpu.memory_space<hbm>>
              %dma_start3A_165 = tpu.memref_squeeze %dma_start3A_164 : memref<1x1x1x128xi32, #tpu.memory_space<hbm>> -> memref<128xi32, #tpu.memory_space<hbm>>
              %dma_start3A_166 = arith.constant 0 : i32
              %dma_start3A_167 = tpu.memref_slice %arg18[%and3A_153, %dma_start3A_166] : memref<2x128xi32, #tpu.memory_space<vmem>> -> memref<1x128xi32, #tpu.memory_space<vmem>>
              %dma_start3A_168 = tpu.memref_squeeze %dma_start3A_167 : memref<1x128xi32, #tpu.memory_space<vmem>> -> memref<128xi32, #tpu.memory_space<vmem>>
              tpu.enqueue_dma source(%dma_start3A_168 : memref<128xi32, #tpu.memory_space<vmem>>) target(%dma_start3A_165 : memref<128xi32, #tpu.memory_space<hbm>>) target_semaphore(%run_scoped3A_157 : memref<!tpu.dma_semaphore, #tpu.memory_space<semaphore_mem>>)
              %dma_wait3A = arith.constant 0 : i32
              %dma_wait3A_169 = tpu.memref_slice %arg18[%and3A_153, %dma_wait3A] : memref<2x128xi32, #tpu.memory_space<vmem>> -> memref<1x128xi32, #tpu.memory_space<vmem>>
              %dma_wait3A_170 = tpu.memref_squeeze %dma_wait3A_169 : memref<1x128xi32, #tpu.memory_space<vmem>> -> memref<128xi32, #tpu.memory_space<vmem>>
              %dma_wait3A_171 = arith.constant 0 : i32
              %dma_wait3A_172 = tpu.memref_slice %arg10[%add3A, %shift_right_logical3A_145, %run_scoped3A_155, %dma_wait3A_171] : memref<32x82x1x128xi32, #tpu.memory_space<hbm>> -> memref<1x1x1x128xi32, #tpu.memory_space<hbm>>
              %dma_wait3A_173 = tpu.memref_squeeze %dma_wait3A_172 : memref<1x1x1x128xi32, #tpu.memory_space<hbm>> -> memref<128xi32, #tpu.memory_space<hbm>>
              %dma_wait3A_174 = arith.constant 0 : i32
              %dma_wait3A_175 = tpu.memref_slice %arg10[%add3A, %shift_right_logical3A_145, %run_scoped3A_155, %dma_wait3A_174] : memref<32x82x1x128xi32, #tpu.memory_space<hbm>> -> memref<1x1x1x128xi32, #tpu.memory_space<hbm>>
              %dma_wait3A_176 = tpu.memref_squeeze %dma_wait3A_175 : memref<1x1x1x128xi32, #tpu.memory_space<hbm>> -> memref<128xi32, #tpu.memory_space<hbm>>
              %dma_wait3A_177 = arith.constant 0 : i32
              %dma_wait3A_178 = tpu.memref_slice %arg18[%and3A_153, %dma_wait3A_177] : memref<2x128xi32, #tpu.memory_space<vmem>> -> memref<1x128xi32, #tpu.memory_space<vmem>>
              %dma_wait3A_179 = tpu.memref_squeeze %dma_wait3A_178 : memref<1x128xi32, #tpu.memory_space<vmem>> -> memref<128xi32, #tpu.memory_space<vmem>>
              tpu.wait_dma2 semaphore(%run_scoped3A_157 : memref<!tpu.dma_semaphore, #tpu.memory_space<semaphore_mem>>) src(%dma_wait3A_179 : memref<128xi32, #tpu.memory_space<vmem>>) dst(%dma_wait3A_176 : memref<128xi32, #tpu.memory_space<hbm>>)
              tpu.yield
            }) : () -> ()
            %run_scoped3A_156 = arith.constant 0 : i32
            "tpu.region"() ({
              %run_scoped3A_157 = tpu.sem_alloc : memref<!tpu.dma_semaphore, #tpu.memory_space<semaphore_mem>>
              %dma_start3A = arith.constant 0 : i32
              %dma_start3A_158 = tpu.memref_slice %arg19[%and3A_153, %dma_start3A] : memref<2x128xf32, #tpu.memory_space<vmem>> -> memref<1x128xf32, #tpu.memory_space<vmem>>
              %dma_start3A_159 = tpu.memref_squeeze %dma_start3A_158 : memref<1x128xf32, #tpu.memory_space<vmem>> -> memref<128xf32, #tpu.memory_space<vmem>>
              %dma_start3A_160 = arith.constant 0 : i32
              %dma_start3A_161 = tpu.memref_slice %arg11[%add3A, %shift_right_logical3A_145, %run_scoped3A_156, %dma_start3A_160] : memref<32x82x1x128xf32, #tpu.memory_space<hbm>> -> memref<1x1x1x128xf32, #tpu.memory_space<hbm>>
              %dma_start3A_162 = tpu.memref_squeeze %dma_start3A_161 : memref<1x1x1x128xf32, #tpu.memory_space<hbm>> -> memref<128xf32, #tpu.memory_space<hbm>>
              %dma_start3A_163 = arith.constant 0 : i32
              %dma_start3A_164 = tpu.memref_slice %arg11[%add3A, %shift_right_logical3A_145, %run_scoped3A_156, %dma_start3A_163] : memref<32x82x1x128xf32, #tpu.memory_space<hbm>> -> memref<1x1x1x128xf32, #tpu.memory_space<hbm>>
              %dma_start3A_165 = tpu.memref_squeeze %dma_start3A_164 : memref<1x1x1x128xf32, #tpu.memory_space<hbm>> -> memref<128xf32, #tpu.memory_space<hbm>>
              %dma_start3A_166 = arith.constant 0 : i32
              %dma_start3A_167 = tpu.memref_slice %arg19[%and3A_153, %dma_start3A_166] : memref<2x128xf32, #tpu.memory_space<vmem>> -> memref<1x128xf32, #tpu.memory_space<vmem>>
              %dma_start3A_168 = tpu.memref_squeeze %dma_start3A_167 : memref<1x128xf32, #tpu.memory_space<vmem>> -> memref<128xf32, #tpu.memory_space<vmem>>
              tpu.enqueue_dma source(%dma_start3A_168 : memref<128xf32, #tpu.memory_space<vmem>>) target(%dma_start3A_165 : memref<128xf32, #tpu.memory_space<hbm>>) target_semaphore(%run_scoped3A_157 : memref<!tpu.dma_semaphore, #tpu.memory_space<semaphore_mem>>)
              %dma_wait3A = arith.constant 0 : i32
              %dma_wait3A_169 = tpu.memref_slice %arg19[%and3A_153, %dma_wait3A] : memref<2x128xf32, #tpu.memory_space<vmem>> -> memref<1x128xf32, #tpu.memory_space<vmem>>
              %dma_wait3A_170 = tpu.memref_squeeze %dma_wait3A_169 : memref<1x128xf32, #tpu.memory_space<vmem>> -> memref<128xf32, #tpu.memory_space<vmem>>
              %dma_wait3A_171 = arith.constant 0 : i32
              %dma_wait3A_172 = tpu.memref_slice %arg11[%add3A, %shift_right_logical3A_145, %run_scoped3A_156, %dma_wait3A_171] : memref<32x82x1x128xf32, #tpu.memory_space<hbm>> -> memref<1x1x1x128xf32, #tpu.memory_space<hbm>>
              %dma_wait3A_173 = tpu.memref_squeeze %dma_wait3A_172 : memref<1x1x1x128xf32, #tpu.memory_space<hbm>> -> memref<128xf32, #tpu.memory_space<hbm>>
              %dma_wait3A_174 = arith.constant 0 : i32
              %dma_wait3A_175 = tpu.memref_slice %arg11[%add3A, %shift_right_logical3A_145, %run_scoped3A_156, %dma_wait3A_174] : memref<32x82x1x128xf32, #tpu.memory_space<hbm>> -> memref<1x1x1x128xf32, #tpu.memory_space<hbm>>
              %dma_wait3A_176 = tpu.memref_squeeze %dma_wait3A_175 : memref<1x1x1x128xf32, #tpu.memory_space<hbm>> -> memref<128xf32, #tpu.memory_space<hbm>>
              %dma_wait3A_177 = arith.constant 0 : i32
              %dma_wait3A_178 = tpu.memref_slice %arg19[%and3A_153, %dma_wait3A_177] : memref<2x128xf32, #tpu.memory_space<vmem>> -> memref<1x128xf32, #tpu.memory_space<vmem>>
              %dma_wait3A_179 = tpu.memref_squeeze %dma_wait3A_178 : memref<1x128xf32, #tpu.memory_space<vmem>> -> memref<128xf32, #tpu.memory_space<vmem>>
              tpu.wait_dma2 semaphore(%run_scoped3A_157 : memref<!tpu.dma_semaphore, #tpu.memory_space<semaphore_mem>>) src(%dma_wait3A_179 : memref<128xf32, #tpu.memory_space<vmem>>) dst(%dma_wait3A_176 : memref<128xf32, #tpu.memory_space<hbm>>)
              tpu.yield
            }) : () -> ()
          } else {
          }
        } else {
        }
        scf.yield %add3A_115 : i32
      }
      %scan3A_103 = arith.constant 64 : i32
      scf.yield %scan3A_102 : i32
    }
    %scan3A_47 = arith.constant 10 : i32
    %broadcast_in_dim3A_48 = arith.constant 0 : i32
    %broadcast_in_dim3A_49 = vector.broadcast %broadcast_in_dim3A_48 : i32 to vector<16xi32>
    %broadcast_in_dim3A_50 = arith.constant 0.000000e+00 : f32
    %broadcast_in_dim3A_51 = vector.broadcast %broadcast_in_dim3A_50 : f32 to vector<16xf32>
    %scan3A_52 = arith.constant 0 : i32
    %scan3A_53 = arith.constant 8 : i32
    %scan3A_54 = arith.addi %scan3A_52, %scan3A_53 : i32
    %scan3A_55 = arith.constant 1 : i32
    %scan3A_56 = scf.for %scan3A_91 = %scan3A_52 to %scan3A_54 step %scan3A_55 iter_args(%scan3A_92 = %scan3A_46) -> (i32)  : i32 {
      %add3A_93 = vector.broadcast %scan3A_92 : i32 to vector<16xi32>
      %add3A_94 = arith.addi %add3A_93, %iota3A : vector<16xi32>
      %shift_right_logical3A_95 = arith.constant 7 : i32
      %shift_right_logical3A_96 = vector.broadcast %shift_right_logical3A_95 : i32 to vector<16xi32>
      %shift_right_logical3A_97 = arith.shrui %add3A_94, %shift_right_logical3A_96 : vector<16xi32>
      %and3A_98 = arith.constant 1 : i32
      %and3A_99 = vector.broadcast %and3A_98 : i32 to vector<16xi32>
      %and3A_100 = arith.andi %shift_right_logical3A_97, %and3A_99 : vector<16xi32>
      %and3A_101 = arith.constant 127 : i32
      %and3A_102 = vector.broadcast %and3A_101 : i32 to vector<16xi32>
      %and3A_103 = arith.andi %add3A_94, %and3A_102 : vector<16xi32>
      %mul3A_104 = arith.constant 16 : i32
      %mul3A_105 = arith.muli %scan3A_91, %mul3A_104 : i32
      %add3A_106 = vector.broadcast %mul3A_105 : i32 to vector<16xi32>
      %add3A_107 = arith.addi %add3A_106, %iota3A : vector<16xi32>
      tpu.vector_store_idx %arg17[%and3A_100, %and3A_103], %add3A_107 : memref<2x128xi32, #tpu.memory_space<vmem>>[vector<16xi32>, vector<16xi32>], vector<16xi32>,
      %mul3A_108 = arith.constant 16 : i32
      %mul3A_109 = arith.muli %scan3A_91, %mul3A_108 : i32
      %add3A_110 = arith.constant 10112 : i32
      %add3A_111 = arith.addi %add3A_110, %mul3A_109 : i32
      %add3A_112 = vector.broadcast %add3A_111 : i32 to vector<16xi32>
      %add3A_113 = arith.addi %add3A_112, %iota3A : vector<16xi32>
      tpu.vector_store_idx %arg18[%and3A_100, %and3A_103], %add3A_113 : memref<2x128xi32, #tpu.memory_space<vmem>>[vector<16xi32>, vector<16xi32>], vector<16xi32>,
      tpu.vector_store_idx %arg19[%and3A_100, %and3A_103], %broadcast_in_dim3A_51 : memref<2x128xf32, #tpu.memory_space<vmem>>[vector<16xi32>, vector<16xi32>], vector<16xf32>,
      %add3A_114 = arith.constant 16 : i32
      %add3A_115 = arith.addi %scan3A_92, %add3A_114 : i32
      %shift_right_logical3A_116 = arith.constant 7 : i32
      %shift_right_logical3A_117 = arith.shrui %scan3A_92, %shift_right_logical3A_116 : i32
      %shift_right_logical3A_118 = arith.constant 7 : i32
      %shift_right_logical3A_119 = arith.shrui %add3A_115, %shift_right_logical3A_118 : i32
      %gt3A = arith.cmpi sgt, %shift_right_logical3A_119, %shift_right_logical3A_117 : i32
      %convert_element_type3A = arith.extui %gt3A : i1 to i32
      %cond3A = arith.constant 0 : i32
      %cond3A_120 = arith.cmpi ne, %convert_element_type3A, %cond3A : i32
      scf.if %cond3A_120 {
        %and3A_121 = arith.constant 1 : i32
        %and3A_122 = arith.andi %shift_right_logical3A_117, %and3A_121 : i32
        %run_scoped3A_123 = arith.constant 0 : i32
        "tpu.region"() ({
          %run_scoped3A_126 = tpu.sem_alloc : memref<!tpu.dma_semaphore, #tpu.memory_space<semaphore_mem>>
          %dma_start3A = arith.constant 0 : i32
          %dma_start3A_127 = tpu.memref_slice %arg17[%and3A_122, %dma_start3A] : memref<2x128xi32, #tpu.memory_space<vmem>> -> memref<1x128xi32, #tpu.memory_space<vmem>>
          %dma_start3A_128 = tpu.memref_squeeze %dma_start3A_127 : memref<1x128xi32, #tpu.memory_space<vmem>> -> memref<128xi32, #tpu.memory_space<vmem>>
          %dma_start3A_129 = arith.constant 0 : i32
          %dma_start3A_130 = tpu.memref_slice %arg9[%add3A, %shift_right_logical3A_117, %run_scoped3A_123, %dma_start3A_129] : memref<32x82x1x128xi32, #tpu.memory_space<hbm>> -> memref<1x1x1x128xi32, #tpu.memory_space<hbm>>
          %dma_start3A_131 = tpu.memref_squeeze %dma_start3A_130 : memref<1x1x1x128xi32, #tpu.memory_space<hbm>> -> memref<128xi32, #tpu.memory_space<hbm>>
          %dma_start3A_132 = arith.constant 0 : i32
          %dma_start3A_133 = tpu.memref_slice %arg9[%add3A, %shift_right_logical3A_117, %run_scoped3A_123, %dma_start3A_132] : memref<32x82x1x128xi32, #tpu.memory_space<hbm>> -> memref<1x1x1x128xi32, #tpu.memory_space<hbm>>
          %dma_start3A_134 = tpu.memref_squeeze %dma_start3A_133 : memref<1x1x1x128xi32, #tpu.memory_space<hbm>> -> memref<128xi32, #tpu.memory_space<hbm>>
          %dma_start3A_135 = arith.constant 0 : i32
          %dma_start3A_136 = tpu.memref_slice %arg17[%and3A_122, %dma_start3A_135] : memref<2x128xi32, #tpu.memory_space<vmem>> -> memref<1x128xi32, #tpu.memory_space<vmem>>
          %dma_start3A_137 = tpu.memref_squeeze %dma_start3A_136 : memref<1x128xi32, #tpu.memory_space<vmem>> -> memref<128xi32, #tpu.memory_space<vmem>>
          tpu.enqueue_dma source(%dma_start3A_137 : memref<128xi32, #tpu.memory_space<vmem>>) target(%dma_start3A_134 : memref<128xi32, #tpu.memory_space<hbm>>) target_semaphore(%run_scoped3A_126 : memref<!tpu.dma_semaphore, #tpu.memory_space<semaphore_mem>>)
          %dma_wait3A = arith.constant 0 : i32
          %dma_wait3A_138 = tpu.memref_slice %arg17[%and3A_122, %dma_wait3A] : memref<2x128xi32, #tpu.memory_space<vmem>> -> memref<1x128xi32, #tpu.memory_space<vmem>>
          %dma_wait3A_139 = tpu.memref_squeeze %dma_wait3A_138 : memref<1x128xi32, #tpu.memory_space<vmem>> -> memref<128xi32, #tpu.memory_space<vmem>>
          %dma_wait3A_140 = arith.constant 0 : i32
          %dma_wait3A_141 = tpu.memref_slice %arg9[%add3A, %shift_right_logical3A_117, %run_scoped3A_123, %dma_wait3A_140] : memref<32x82x1x128xi32, #tpu.memory_space<hbm>> -> memref<1x1x1x128xi32, #tpu.memory_space<hbm>>
          %dma_wait3A_142 = tpu.memref_squeeze %dma_wait3A_141 : memref<1x1x1x128xi32, #tpu.memory_space<hbm>> -> memref<128xi32, #tpu.memory_space<hbm>>
          %dma_wait3A_143 = arith.constant 0 : i32
          %dma_wait3A_144 = tpu.memref_slice %arg9[%add3A, %shift_right_logical3A_117, %run_scoped3A_123, %dma_wait3A_143] : memref<32x82x1x128xi32, #tpu.memory_space<hbm>> -> memref<1x1x1x128xi32, #tpu.memory_space<hbm>>
          %dma_wait3A_145 = tpu.memref_squeeze %dma_wait3A_144 : memref<1x1x1x128xi32, #tpu.memory_space<hbm>> -> memref<128xi32, #tpu.memory_space<hbm>>
          %dma_wait3A_146 = arith.constant 0 : i32
          %dma_wait3A_147 = tpu.memref_slice %arg17[%and3A_122, %dma_wait3A_146] : memref<2x128xi32, #tpu.memory_space<vmem>> -> memref<1x128xi32, #tpu.memory_space<vmem>>
          %dma_wait3A_148 = tpu.memref_squeeze %dma_wait3A_147 : memref<1x128xi32, #tpu.memory_space<vmem>> -> memref<128xi32, #tpu.memory_space<vmem>>
          tpu.wait_dma2 semaphore(%run_scoped3A_126 : memref<!tpu.dma_semaphore, #tpu.memory_space<semaphore_mem>>) src(%dma_wait3A_148 : memref<128xi32, #tpu.memory_space<vmem>>) dst(%dma_wait3A_145 : memref<128xi32, #tpu.memory_space<hbm>>)
          tpu.yield
        }) : () -> ()
        %run_scoped3A_124 = arith.constant 0 : i32
        "tpu.region"() ({
          %run_scoped3A_126 = tpu.sem_alloc : memref<!tpu.dma_semaphore, #tpu.memory_space<semaphore_mem>>
          %dma_start3A = arith.constant 0 : i32
          %dma_start3A_127 = tpu.memref_slice %arg18[%and3A_122, %dma_start3A] : memref<2x128xi32, #tpu.memory_space<vmem>> -> memref<1x128xi32, #tpu.memory_space<vmem>>
          %dma_start3A_128 = tpu.memref_squeeze %dma_start3A_127 : memref<1x128xi32, #tpu.memory_space<vmem>> -> memref<128xi32, #tpu.memory_space<vmem>>
          %dma_start3A_129 = arith.constant 0 : i32
          %dma_start3A_130 = tpu.memref_slice %arg10[%add3A, %shift_right_logical3A_117, %run_scoped3A_124, %dma_start3A_129] : memref<32x82x1x128xi32, #tpu.memory_space<hbm>> -> memref<1x1x1x128xi32, #tpu.memory_space<hbm>>
          %dma_start3A_131 = tpu.memref_squeeze %dma_start3A_130 : memref<1x1x1x128xi32, #tpu.memory_space<hbm>> -> memref<128xi32, #tpu.memory_space<hbm>>
          %dma_start3A_132 = arith.constant 0 : i32
          %dma_start3A_133 = tpu.memref_slice %arg10[%add3A, %shift_right_logical3A_117, %run_scoped3A_124, %dma_start3A_132] : memref<32x82x1x128xi32, #tpu.memory_space<hbm>> -> memref<1x1x1x128xi32, #tpu.memory_space<hbm>>
          %dma_start3A_134 = tpu.memref_squeeze %dma_start3A_133 : memref<1x1x1x128xi32, #tpu.memory_space<hbm>> -> memref<128xi32, #tpu.memory_space<hbm>>
          %dma_start3A_135 = arith.constant 0 : i32
          %dma_start3A_136 = tpu.memref_slice %arg18[%and3A_122, %dma_start3A_135] : memref<2x128xi32, #tpu.memory_space<vmem>> -> memref<1x128xi32, #tpu.memory_space<vmem>>
          %dma_start3A_137 = tpu.memref_squeeze %dma_start3A_136 : memref<1x128xi32, #tpu.memory_space<vmem>> -> memref<128xi32, #tpu.memory_space<vmem>>
          tpu.enqueue_dma source(%dma_start3A_137 : memref<128xi32, #tpu.memory_space<vmem>>) target(%dma_start3A_134 : memref<128xi32, #tpu.memory_space<hbm>>) target_semaphore(%run_scoped3A_126 : memref<!tpu.dma_semaphore, #tpu.memory_space<semaphore_mem>>)
          %dma_wait3A = arith.constant 0 : i32
          %dma_wait3A_138 = tpu.memref_slice %arg18[%and3A_122, %dma_wait3A] : memref<2x128xi32, #tpu.memory_space<vmem>> -> memref<1x128xi32, #tpu.memory_space<vmem>>
          %dma_wait3A_139 = tpu.memref_squeeze %dma_wait3A_138 : memref<1x128xi32, #tpu.memory_space<vmem>> -> memref<128xi32, #tpu.memory_space<vmem>>
          %dma_wait3A_140 = arith.constant 0 : i32
          %dma_wait3A_141 = tpu.memref_slice %arg10[%add3A, %shift_right_logical3A_117, %run_scoped3A_124, %dma_wait3A_140] : memref<32x82x1x128xi32, #tpu.memory_space<hbm>> -> memref<1x1x1x128xi32, #tpu.memory_space<hbm>>
          %dma_wait3A_142 = tpu.memref_squeeze %dma_wait3A_141 : memref<1x1x1x128xi32, #tpu.memory_space<hbm>> -> memref<128xi32, #tpu.memory_space<hbm>>
          %dma_wait3A_143 = arith.constant 0 : i32
          %dma_wait3A_144 = tpu.memref_slice %arg10[%add3A, %shift_right_logical3A_117, %run_scoped3A_124, %dma_wait3A_143] : memref<32x82x1x128xi32, #tpu.memory_space<hbm>> -> memref<1x1x1x128xi32, #tpu.memory_space<hbm>>
          %dma_wait3A_145 = tpu.memref_squeeze %dma_wait3A_144 : memref<1x1x1x128xi32, #tpu.memory_space<hbm>> -> memref<128xi32, #tpu.memory_space<hbm>>
          %dma_wait3A_146 = arith.constant 0 : i32
          %dma_wait3A_147 = tpu.memref_slice %arg18[%and3A_122, %dma_wait3A_146] : memref<2x128xi32, #tpu.memory_space<vmem>> -> memref<1x128xi32, #tpu.memory_space<vmem>>
          %dma_wait3A_148 = tpu.memref_squeeze %dma_wait3A_147 : memref<1x128xi32, #tpu.memory_space<vmem>> -> memref<128xi32, #tpu.memory_space<vmem>>
          tpu.wait_dma2 semaphore(%run_scoped3A_126 : memref<!tpu.dma_semaphore, #tpu.memory_space<semaphore_mem>>) src(%dma_wait3A_148 : memref<128xi32, #tpu.memory_space<vmem>>) dst(%dma_wait3A_145 : memref<128xi32, #tpu.memory_space<hbm>>)
          tpu.yield
        }) : () -> ()
        %run_scoped3A_125 = arith.constant 0 : i32
        "tpu.region"() ({
          %run_scoped3A_126 = tpu.sem_alloc : memref<!tpu.dma_semaphore, #tpu.memory_space<semaphore_mem>>
          %dma_start3A = arith.constant 0 : i32
          %dma_start3A_127 = tpu.memref_slice %arg19[%and3A_122, %dma_start3A] : memref<2x128xf32, #tpu.memory_space<vmem>> -> memref<1x128xf32, #tpu.memory_space<vmem>>
          %dma_start3A_128 = tpu.memref_squeeze %dma_start3A_127 : memref<1x128xf32, #tpu.memory_space<vmem>> -> memref<128xf32, #tpu.memory_space<vmem>>
          %dma_start3A_129 = arith.constant 0 : i32
          %dma_start3A_130 = tpu.memref_slice %arg11[%add3A, %shift_right_logical3A_117, %run_scoped3A_125, %dma_start3A_129] : memref<32x82x1x128xf32, #tpu.memory_space<hbm>> -> memref<1x1x1x128xf32, #tpu.memory_space<hbm>>
          %dma_start3A_131 = tpu.memref_squeeze %dma_start3A_130 : memref<1x1x1x128xf32, #tpu.memory_space<hbm>> -> memref<128xf32, #tpu.memory_space<hbm>>
          %dma_start3A_132 = arith.constant 0 : i32
          %dma_start3A_133 = tpu.memref_slice %arg11[%add3A, %shift_right_logical3A_117, %run_scoped3A_125, %dma_start3A_132] : memref<32x82x1x128xf32, #tpu.memory_space<hbm>> -> memref<1x1x1x128xf32, #tpu.memory_space<hbm>>
          %dma_start3A_134 = tpu.memref_squeeze %dma_start3A_133 : memref<1x1x1x128xf32, #tpu.memory_space<hbm>> -> memref<128xf32, #tpu.memory_space<hbm>>
          %dma_start3A_135 = arith.constant 0 : i32
          %dma_start3A_136 = tpu.memref_slice %arg19[%and3A_122, %dma_start3A_135] : memref<2x128xf32, #tpu.memory_space<vmem>> -> memref<1x128xf32, #tpu.memory_space<vmem>>
          %dma_start3A_137 = tpu.memref_squeeze %dma_start3A_136 : memref<1x128xf32, #tpu.memory_space<vmem>> -> memref<128xf32, #tpu.memory_space<vmem>>
          tpu.enqueue_dma source(%dma_start3A_137 : memref<128xf32, #tpu.memory_space<vmem>>) target(%dma_start3A_134 : memref<128xf32, #tpu.memory_space<hbm>>) target_semaphore(%run_scoped3A_126 : memref<!tpu.dma_semaphore, #tpu.memory_space<semaphore_mem>>)
          %dma_wait3A = arith.constant 0 : i32
          %dma_wait3A_138 = tpu.memref_slice %arg19[%and3A_122, %dma_wait3A] : memref<2x128xf32, #tpu.memory_space<vmem>> -> memref<1x128xf32, #tpu.memory_space<vmem>>
          %dma_wait3A_139 = tpu.memref_squeeze %dma_wait3A_138 : memref<1x128xf32, #tpu.memory_space<vmem>> -> memref<128xf32, #tpu.memory_space<vmem>>
          %dma_wait3A_140 = arith.constant 0 : i32
          %dma_wait3A_141 = tpu.memref_slice %arg11[%add3A, %shift_right_logical3A_117, %run_scoped3A_125, %dma_wait3A_140] : memref<32x82x1x128xf32, #tpu.memory_space<hbm>> -> memref<1x1x1x128xf32, #tpu.memory_space<hbm>>
          %dma_wait3A_142 = tpu.memref_squeeze %dma_wait3A_141 : memref<1x1x1x128xf32, #tpu.memory_space<hbm>> -> memref<128xf32, #tpu.memory_space<hbm>>
          %dma_wait3A_143 = arith.constant 0 : i32
          %dma_wait3A_144 = tpu.memref_slice %arg11[%add3A, %shift_right_logical3A_117, %run_scoped3A_125, %dma_wait3A_143] : memref<32x82x1x128xf32, #tpu.memory_space<hbm>> -> memref<1x1x1x128xf32, #tpu.memory_space<hbm>>
          %dma_wait3A_145 = tpu.memref_squeeze %dma_wait3A_144 : memref<1x1x1x128xf32, #tpu.memory_space<hbm>> -> memref<128xf32, #tpu.memory_space<hbm>>
          %dma_wait3A_146 = arith.constant 0 : i32
          %dma_wait3A_147 = tpu.memref_slice %arg19[%and3A_122, %dma_wait3A_146] : memref<2x128xf32, #tpu.memory_space<vmem>> -> memref<1x128xf32, #tpu.memory_space<vmem>>
          %dma_wait3A_148 = tpu.memref_squeeze %dma_wait3A_147 : memref<1x128xf32, #tpu.memory_space<vmem>> -> memref<128xf32, #tpu.memory_space<vmem>>
          tpu.wait_dma2 semaphore(%run_scoped3A_126 : memref<!tpu.dma_semaphore, #tpu.memory_space<semaphore_mem>>) src(%dma_wait3A_148 : memref<128xf32, #tpu.memory_space<vmem>>) dst(%dma_wait3A_145 : memref<128xf32, #tpu.memory_space<hbm>>)
          tpu.yield
        }) : () -> ()
      } else {
      }
      scf.yield %add3A_115 : i32
    }
    %scan3A_57 = arith.constant 8 : i32
    %shift_right_logical3A_58 = arith.constant 7 : i32
    %shift_right_logical3A_59 = arith.shrui %scan3A_56, %shift_right_logical3A_58 : i32
    %and3A = arith.constant 1 : i32
    %and3A_60 = arith.andi %shift_right_logical3A_59, %and3A : i32
    %run_scoped3A = arith.constant 0 : i32
    "tpu.region"() ({
      %run_scoped3A_91 = tpu.sem_alloc : memref<!tpu.dma_semaphore, #tpu.memory_space<semaphore_mem>>
      %dma_start3A = arith.constant 0 : i32
      %dma_start3A_92 = tpu.memref_slice %arg17[%and3A_60, %dma_start3A] : memref<2x128xi32, #tpu.memory_space<vmem>> -> memref<1x128xi32, #tpu.memory_space<vmem>>
      %dma_start3A_93 = tpu.memref_squeeze %dma_start3A_92 : memref<1x128xi32, #tpu.memory_space<vmem>> -> memref<128xi32, #tpu.memory_space<vmem>>
      %dma_start3A_94 = arith.constant 0 : i32
      %dma_start3A_95 = tpu.memref_slice %arg9[%add3A, %shift_right_logical3A_59, %run_scoped3A, %dma_start3A_94] : memref<32x82x1x128xi32, #tpu.memory_space<hbm>> -> memref<1x1x1x128xi32, #tpu.memory_space<hbm>>
      %dma_start3A_96 = tpu.memref_squeeze %dma_start3A_95 : memref<1x1x1x128xi32, #tpu.memory_space<hbm>> -> memref<128xi32, #tpu.memory_space<hbm>>
      %dma_start3A_97 = arith.constant 0 : i32
      %dma_start3A_98 = tpu.memref_slice %arg9[%add3A, %shift_right_logical3A_59, %run_scoped3A, %dma_start3A_97] : memref<32x82x1x128xi32, #tpu.memory_space<hbm>> -> memref<1x1x1x128xi32, #tpu.memory_space<hbm>>
      %dma_start3A_99 = tpu.memref_squeeze %dma_start3A_98 : memref<1x1x1x128xi32, #tpu.memory_space<hbm>> -> memref<128xi32, #tpu.memory_space<hbm>>
      %dma_start3A_100 = arith.constant 0 : i32
      %dma_start3A_101 = tpu.memref_slice %arg17[%and3A_60, %dma_start3A_100] : memref<2x128xi32, #tpu.memory_space<vmem>> -> memref<1x128xi32, #tpu.memory_space<vmem>>
      %dma_start3A_102 = tpu.memref_squeeze %dma_start3A_101 : memref<1x128xi32, #tpu.memory_space<vmem>> -> memref<128xi32, #tpu.memory_space<vmem>>
      tpu.enqueue_dma source(%dma_start3A_102 : memref<128xi32, #tpu.memory_space<vmem>>) target(%dma_start3A_99 : memref<128xi32, #tpu.memory_space<hbm>>) target_semaphore(%run_scoped3A_91 : memref<!tpu.dma_semaphore, #tpu.memory_space<semaphore_mem>>)
      %dma_wait3A = arith.constant 0 : i32
      %dma_wait3A_103 = tpu.memref_slice %arg17[%and3A_60, %dma_wait3A] : memref<2x128xi32, #tpu.memory_space<vmem>> -> memref<1x128xi32, #tpu.memory_space<vmem>>
      %dma_wait3A_104 = tpu.memref_squeeze %dma_wait3A_103 : memref<1x128xi32, #tpu.memory_space<vmem>> -> memref<128xi32, #tpu.memory_space<vmem>>
      %dma_wait3A_105 = arith.constant 0 : i32
      %dma_wait3A_106 = tpu.memref_slice %arg9[%add3A, %shift_right_logical3A_59, %run_scoped3A, %dma_wait3A_105] : memref<32x82x1x128xi32, #tpu.memory_space<hbm>> -> memref<1x1x1x128xi32, #tpu.memory_space<hbm>>
      %dma_wait3A_107 = tpu.memref_squeeze %dma_wait3A_106 : memref<1x1x1x128xi32, #tpu.memory_space<hbm>> -> memref<128xi32, #tpu.memory_space<hbm>>
      %dma_wait3A_108 = arith.constant 0 : i32
      %dma_wait3A_109 = tpu.memref_slice %arg9[%add3A, %shift_right_logical3A_59, %run_scoped3A, %dma_wait3A_108] : memref<32x82x1x128xi32, #tpu.memory_space<hbm>> -> memref<1x1x1x128xi32, #tpu.memory_space<hbm>>
      %dma_wait3A_110 = tpu.memref_squeeze %dma_wait3A_109 : memref<1x1x1x128xi32, #tpu.memory_space<hbm>> -> memref<128xi32, #tpu.memory_space<hbm>>
      %dma_wait3A_111 = arith.constant 0 : i32
      %dma_wait3A_112 = tpu.memref_slice %arg17[%and3A_60, %dma_wait3A_111] : memref<2x128xi32, #tpu.memory_space<vmem>> -> memref<1x128xi32, #tpu.memory_space<vmem>>
      %dma_wait3A_113 = tpu.memref_squeeze %dma_wait3A_112 : memref<1x128xi32, #tpu.memory_space<vmem>> -> memref<128xi32, #tpu.memory_space<vmem>>
      tpu.wait_dma2 semaphore(%run_scoped3A_91 : memref<!tpu.dma_semaphore, #tpu.memory_space<semaphore_mem>>) src(%dma_wait3A_113 : memref<128xi32, #tpu.memory_space<vmem>>) dst(%dma_wait3A_110 : memref<128xi32, #tpu.memory_space<hbm>>)
      tpu.yield
    }) : () -> ()
    %run_scoped3A_61 = arith.constant 0 : i32
    "tpu.region"() ({
      %run_scoped3A_91 = tpu.sem_alloc : memref<!tpu.dma_semaphore, #tpu.memory_space<semaphore_mem>>
      %dma_start3A = arith.constant 0 : i32
      %dma_start3A_92 = tpu.memref_slice %arg18[%and3A_60, %dma_start3A] : memref<2x128xi32, #tpu.memory_space<vmem>> -> memref<1x128xi32, #tpu.memory_space<vmem>>
      %dma_start3A_93 = tpu.memref_squeeze %dma_start3A_92 : memref<1x128xi32, #tpu.memory_space<vmem>> -> memref<128xi32, #tpu.memory_space<vmem>>
      %dma_start3A_94 = arith.constant 0 : i32
      %dma_start3A_95 = tpu.memref_slice %arg10[%add3A, %shift_right_logical3A_59, %run_scoped3A_61, %dma_start3A_94] : memref<32x82x1x128xi32, #tpu.memory_space<hbm>> -> memref<1x1x1x128xi32, #tpu.memory_space<hbm>>
      %dma_start3A_96 = tpu.memref_squeeze %dma_start3A_95 : memref<1x1x1x128xi32, #tpu.memory_space<hbm>> -> memref<128xi32, #tpu.memory_space<hbm>>
      %dma_start3A_97 = arith.constant 0 : i32
      %dma_start3A_98 = tpu.memref_slice %arg10[%add3A, %shift_right_logical3A_59, %run_scoped3A_61, %dma_start3A_97] : memref<32x82x1x128xi32, #tpu.memory_space<hbm>> -> memref<1x1x1x128xi32, #tpu.memory_space<hbm>>
      %dma_start3A_99 = tpu.memref_squeeze %dma_start3A_98 : memref<1x1x1x128xi32, #tpu.memory_space<hbm>> -> memref<128xi32, #tpu.memory_space<hbm>>
      %dma_start3A_100 = arith.constant 0 : i32
      %dma_start3A_101 = tpu.memref_slice %arg18[%and3A_60, %dma_start3A_100] : memref<2x128xi32, #tpu.memory_space<vmem>> -> memref<1x128xi32, #tpu.memory_space<vmem>>
      %dma_start3A_102 = tpu.memref_squeeze %dma_start3A_101 : memref<1x128xi32, #tpu.memory_space<vmem>> -> memref<128xi32, #tpu.memory_space<vmem>>
      tpu.enqueue_dma source(%dma_start3A_102 : memref<128xi32, #tpu.memory_space<vmem>>) target(%dma_start3A_99 : memref<128xi32, #tpu.memory_space<hbm>>) target_semaphore(%run_scoped3A_91 : memref<!tpu.dma_semaphore, #tpu.memory_space<semaphore_mem>>)
      %dma_wait3A = arith.constant 0 : i32
      %dma_wait3A_103 = tpu.memref_slice %arg18[%and3A_60, %dma_wait3A] : memref<2x128xi32, #tpu.memory_space<vmem>> -> memref<1x128xi32, #tpu.memory_space<vmem>>
      %dma_wait3A_104 = tpu.memref_squeeze %dma_wait3A_103 : memref<1x128xi32, #tpu.memory_space<vmem>> -> memref<128xi32, #tpu.memory_space<vmem>>
      %dma_wait3A_105 = arith.constant 0 : i32
      %dma_wait3A_106 = tpu.memref_slice %arg10[%add3A, %shift_right_logical3A_59, %run_scoped3A_61, %dma_wait3A_105] : memref<32x82x1x128xi32, #tpu.memory_space<hbm>> -> memref<1x1x1x128xi32, #tpu.memory_space<hbm>>
      %dma_wait3A_107 = tpu.memref_squeeze %dma_wait3A_106 : memref<1x1x1x128xi32, #tpu.memory_space<hbm>> -> memref<128xi32, #tpu.memory_space<hbm>>
      %dma_wait3A_108 = arith.constant 0 : i32
      %dma_wait3A_109 = tpu.memref_slice %arg10[%add3A, %shift_right_logical3A_59, %run_scoped3A_61, %dma_wait3A_108] : memref<32x82x1x128xi32, #tpu.memory_space<hbm>> -> memref<1x1x1x128xi32, #tpu.memory_space<hbm>>
      %dma_wait3A_110 = tpu.memref_squeeze %dma_wait3A_109 : memref<1x1x1x128xi32, #tpu.memory_space<hbm>> -> memref<128xi32, #tpu.memory_space<hbm>>
      %dma_wait3A_111 = arith.constant 0 : i32
      %dma_wait3A_112 = tpu.memref_slice %arg18[%and3A_60, %dma_wait3A_111] : memref<2x128xi32, #tpu.memory_space<vmem>> -> memref<1x128xi32, #tpu.memory_space<vmem>>
      %dma_wait3A_113 = tpu.memref_squeeze %dma_wait3A_112 : memref<1x128xi32, #tpu.memory_space<vmem>> -> memref<128xi32, #tpu.memory_space<vmem>>
      tpu.wait_dma2 semaphore(%run_scoped3A_91 : memref<!tpu.dma_semaphore, #tpu.memory_space<semaphore_mem>>) src(%dma_wait3A_113 : memref<128xi32, #tpu.memory_space<vmem>>) dst(%dma_wait3A_110 : memref<128xi32, #tpu.memory_space<hbm>>)
      tpu.yield
    }) : () -> ()
    %run_scoped3A_62 = arith.constant 0 : i32
    "tpu.region"() ({
      %run_scoped3A_91 = tpu.sem_alloc : memref<!tpu.dma_semaphore, #tpu.memory_space<semaphore_mem>>
      %dma_start3A = arith.constant 0 : i32
      %dma_start3A_92 = tpu.memref_slice %arg19[%and3A_60, %dma_start3A] : memref<2x128xf32, #tpu.memory_space<vmem>> -> memref<1x128xf32, #tpu.memory_space<vmem>>
      %dma_start3A_93 = tpu.memref_squeeze %dma_start3A_92 : memref<1x128xf32, #tpu.memory_space<vmem>> -> memref<128xf32, #tpu.memory_space<vmem>>
      %dma_start3A_94 = arith.constant 0 : i32
      %dma_start3A_95 = tpu.memref_slice %arg11[%add3A, %shift_right_logical3A_59, %run_scoped3A_62, %dma_start3A_94] : memref<32x82x1x128xf32, #tpu.memory_space<hbm>> -> memref<1x1x1x128xf32, #tpu.memory_space<hbm>>
      %dma_start3A_96 = tpu.memref_squeeze %dma_start3A_95 : memref<1x1x1x128xf32, #tpu.memory_space<hbm>> -> memref<128xf32, #tpu.memory_space<hbm>>
      %dma_start3A_97 = arith.constant 0 : i32
      %dma_start3A_98 = tpu.memref_slice %arg11[%add3A, %shift_right_logical3A_59, %run_scoped3A_62, %dma_start3A_97] : memref<32x82x1x128xf32, #tpu.memory_space<hbm>> -> memref<1x1x1x128xf32, #tpu.memory_space<hbm>>
      %dma_start3A_99 = tpu.memref_squeeze %dma_start3A_98 : memref<1x1x1x128xf32, #tpu.memory_space<hbm>> -> memref<128xf32, #tpu.memory_space<hbm>>
      %dma_start3A_100 = arith.constant 0 : i32
      %dma_start3A_101 = tpu.memref_slice %arg19[%and3A_60, %dma_start3A_100] : memref<2x128xf32, #tpu.memory_space<vmem>> -> memref<1x128xf32, #tpu.memory_space<vmem>>
      %dma_start3A_102 = tpu.memref_squeeze %dma_start3A_101 : memref<1x128xf32, #tpu.memory_space<vmem>> -> memref<128xf32, #tpu.memory_space<vmem>>
      tpu.enqueue_dma source(%dma_start3A_102 : memref<128xf32, #tpu.memory_space<vmem>>) target(%dma_start3A_99 : memref<128xf32, #tpu.memory_space<hbm>>) target_semaphore(%run_scoped3A_91 : memref<!tpu.dma_semaphore, #tpu.memory_space<semaphore_mem>>)
      %dma_wait3A = arith.constant 0 : i32
      %dma_wait3A_103 = tpu.memref_slice %arg19[%and3A_60, %dma_wait3A] : memref<2x128xf32, #tpu.memory_space<vmem>> -> memref<1x128xf32, #tpu.memory_space<vmem>>
      %dma_wait3A_104 = tpu.memref_squeeze %dma_wait3A_103 : memref<1x128xf32, #tpu.memory_space<vmem>> -> memref<128xf32, #tpu.memory_space<vmem>>
      %dma_wait3A_105 = arith.constant 0 : i32
      %dma_wait3A_106 = tpu.memref_slice %arg11[%add3A, %shift_right_logical3A_59, %run_scoped3A_62, %dma_wait3A_105] : memref<32x82x1x128xf32, #tpu.memory_space<hbm>> -> memref<1x1x1x128xf32, #tpu.memory_space<hbm>>
      %dma_wait3A_107 = tpu.memref_squeeze %dma_wait3A_106 : memref<1x1x1x128xf32, #tpu.memory_space<hbm>> -> memref<128xf32, #tpu.memory_space<hbm>>
      %dma_wait3A_108 = arith.constant 0 : i32
      %dma_wait3A_109 = tpu.memref_slice %arg11[%add3A, %shift_right_logical3A_59, %run_scoped3A_62, %dma_wait3A_108] : memref<32x82x1x128xf32, #tpu.memory_space<hbm>> -> memref<1x1x1x128xf32, #tpu.memory_space<hbm>>
      %dma_wait3A_110 = tpu.memref_squeeze %dma_wait3A_109 : memref<1x1x1x128xf32, #tpu.memory_space<hbm>> -> memref<128xf32, #tpu.memory_space<hbm>>
      %dma_wait3A_111 = arith.constant 0 : i32
      %dma_wait3A_112 = tpu.memref_slice %arg19[%and3A_60, %dma_wait3A_111] : memref<2x128xf32, #tpu.memory_space<vmem>> -> memref<1x128xf32, #tpu.memory_space<vmem>>
      %dma_wait3A_113 = tpu.memref_squeeze %dma_wait3A_112 : memref<1x128xf32, #tpu.memory_space<vmem>> -> memref<128xf32, #tpu.memory_space<vmem>>
      tpu.wait_dma2 semaphore(%run_scoped3A_91 : memref<!tpu.dma_semaphore, #tpu.memory_space<semaphore_mem>>) src(%dma_wait3A_113 : memref<128xf32, #tpu.memory_space<vmem>>) dst(%dma_wait3A_110 : memref<128xf32, #tpu.memory_space<hbm>>)
      tpu.yield
    }) : () -> ()
    %add3A_63 = arith.constant 127 : i32
    %add3A_64 = arith.addi %scan3A_46, %add3A_63 : i32
    %shift_right_logical3A_65 = arith.constant 7 : i32
    %shift_right_logical3A_66 = arith.shrui %add3A_64, %shift_right_logical3A_65 : i32
    %while3A_67 = arith.constant 0 : i32
    %while3A_68 = arith.constant 0 : i32
    %while3A_69 = arith.subi %shift_right_logical3A_66, %while3A_67 : i32
    %while3A_70 = arith.addi %while3A_67, %while3A_69 : i32
    %while3A_71 = arith.constant 1 : i32
    %while3A_72 = arith.divsi %while3A_69, %while3A_71 : i32
    %while3A_73 = arith.muli %while3A_72, %while3A_71 : i32
    %while3A_74 = arith.addi %while3A_67, %while3A_73 : i32
    %while3A_75 = arith.constant 1 : i32
    %while3A_76 = scf.for %while3A_91 = %while3A_67 to %while3A_74 step %while3A_75 iter_args(%while3A_92 = %while3A_68) -> (i32)  : i32 {
      %run_scoped3A_93 = arith.constant 0 : i32
      %run_scoped3A_94 = arith.constant 0 : i32
      "tpu.region"() ({
        %run_scoped3A_120 = tpu.sem_alloc : memref<!tpu.dma_semaphore, #tpu.memory_space<semaphore_mem>>
        %dma_start3A_121 = arith.constant 0 : i32
        %dma_start3A_122 = tpu.memref_slice %arg20[%run_scoped3A_94, %dma_start3A_121] : memref<1x128xi32, #tpu.memory_space<vmem>> -> memref<1x128xi32, #tpu.memory_space<vmem>>
        %dma_start3A_123 = tpu.memref_squeeze %dma_start3A_122 : memref<1x128xi32, #tpu.memory_space<vmem>> -> memref<128xi32, #tpu.memory_space<vmem>>
        %dma_start3A_124 = arith.constant 0 : i32
        %dma_start3A_125 = tpu.memref_slice %arg9[%add3A, %while3A_91, %run_scoped3A_93, %dma_start3A_124] : memref<32x82x1x128xi32, #tpu.memory_space<hbm>> -> memref<1x1x1x128xi32, #tpu.memory_space<hbm>>
        %dma_start3A_126 = tpu.memref_squeeze %dma_start3A_125 : memref<1x1x1x128xi32, #tpu.memory_space<hbm>> -> memref<128xi32, #tpu.memory_space<hbm>>
        %dma_start3A_127 = arith.constant 0 : i32
        %dma_start3A_128 = tpu.memref_slice %arg20[%run_scoped3A_94, %dma_start3A_127] : memref<1x128xi32, #tpu.memory_space<vmem>> -> memref<1x128xi32, #tpu.memory_space<vmem>>
        %dma_start3A_129 = tpu.memref_squeeze %dma_start3A_128 : memref<1x128xi32, #tpu.memory_space<vmem>> -> memref<128xi32, #tpu.memory_space<vmem>>
        %dma_start3A_130 = arith.constant 0 : i32
        %dma_start3A_131 = tpu.memref_slice %arg9[%add3A, %while3A_91, %run_scoped3A_93, %dma_start3A_130] : memref<32x82x1x128xi32, #tpu.memory_space<hbm>> -> memref<1x1x1x128xi32, #tpu.memory_space<hbm>>
        %dma_start3A_132 = tpu.memref_squeeze %dma_start3A_131 : memref<1x1x1x128xi32, #tpu.memory_space<hbm>> -> memref<128xi32, #tpu.memory_space<hbm>>
        tpu.enqueue_dma source(%dma_start3A_132 : memref<128xi32, #tpu.memory_space<hbm>>) target(%dma_start3A_129 : memref<128xi32, #tpu.memory_space<vmem>>) target_semaphore(%run_scoped3A_120 : memref<!tpu.dma_semaphore, #tpu.memory_space<semaphore_mem>>)
        %dma_wait3A_133 = arith.constant 0 : i32
        %dma_wait3A_134 = tpu.memref_slice %arg20[%run_scoped3A_94, %dma_wait3A_133] : memref<1x128xi32, #tpu.memory_space<vmem>> -> memref<1x128xi32, #tpu.memory_space<vmem>>
        %dma_wait3A_135 = tpu.memref_squeeze %dma_wait3A_134 : memref<1x128xi32, #tpu.memory_space<vmem>> -> memref<128xi32, #tpu.memory_space<vmem>>
        %dma_wait3A_136 = arith.constant 0 : i32
        %dma_wait3A_137 = tpu.memref_slice %arg9[%add3A, %while3A_91, %run_scoped3A_93, %dma_wait3A_136] : memref<32x82x1x128xi32, #tpu.memory_space<hbm>> -> memref<1x1x1x128xi32, #tpu.memory_space<hbm>>
        %dma_wait3A_138 = tpu.memref_squeeze %dma_wait3A_137 : memref<1x1x1x128xi32, #tpu.memory_space<hbm>> -> memref<128xi32, #tpu.memory_space<hbm>>
        %dma_wait3A_139 = arith.constant 0 : i32
        %dma_wait3A_140 = tpu.memref_slice %arg20[%run_scoped3A_94, %dma_wait3A_139] : memref<1x128xi32, #tpu.memory_space<vmem>> -> memref<1x128xi32, #tpu.memory_space<vmem>>
        %dma_wait3A_141 = tpu.memref_squeeze %dma_wait3A_140 : memref<1x128xi32, #tpu.memory_space<vmem>> -> memref<128xi32, #tpu.memory_space<vmem>>
        %dma_wait3A_142 = arith.constant 0 : i32
        %dma_wait3A_143 = tpu.memref_slice %arg9[%add3A, %while3A_91, %run_scoped3A_93, %dma_wait3A_142] : memref<32x82x1x128xi32, #tpu.memory_space<hbm>> -> memref<1x1x1x128xi32, #tpu.memory_space<hbm>>
        %dma_wait3A_144 = tpu.memref_squeeze %dma_wait3A_143 : memref<1x1x1x128xi32, #tpu.memory_space<hbm>> -> memref<128xi32, #tpu.memory_space<hbm>>
        tpu.wait_dma2 semaphore(%run_scoped3A_120 : memref<!tpu.dma_semaphore, #tpu.memory_space<semaphore_mem>>) src(%dma_wait3A_144 : memref<128xi32, #tpu.memory_space<hbm>>) dst(%dma_wait3A_141 : memref<128xi32, #tpu.memory_space<vmem>>)
        tpu.yield
      }) : () -> ()
      %run_scoped3A_95 = arith.constant 0 : i32
      %run_scoped3A_96 = arith.constant 0 : i32
      "tpu.region"() ({
        %run_scoped3A_120 = tpu.sem_alloc : memref<!tpu.dma_semaphore, #tpu.memory_space<semaphore_mem>>
        %dma_start3A_121 = arith.constant 0 : i32
        %dma_start3A_122 = tpu.memref_slice %arg21[%run_scoped3A_96, %dma_start3A_121] : memref<1x128xi32, #tpu.memory_space<vmem>> -> memref<1x128xi32, #tpu.memory_space<vmem>>
        %dma_start3A_123 = tpu.memref_squeeze %dma_start3A_122 : memref<1x128xi32, #tpu.memory_space<vmem>> -> memref<128xi32, #tpu.memory_space<vmem>>
        %dma_start3A_124 = arith.constant 0 : i32
        %dma_start3A_125 = tpu.memref_slice %arg10[%add3A, %while3A_91, %run_scoped3A_95, %dma_start3A_124] : memref<32x82x1x128xi32, #tpu.memory_space<hbm>> -> memref<1x1x1x128xi32, #tpu.memory_space<hbm>>
        %dma_start3A_126 = tpu.memref_squeeze %dma_start3A_125 : memref<1x1x1x128xi32, #tpu.memory_space<hbm>> -> memref<128xi32, #tpu.memory_space<hbm>>
        %dma_start3A_127 = arith.constant 0 : i32
        %dma_start3A_128 = tpu.memref_slice %arg21[%run_scoped3A_96, %dma_start3A_127] : memref<1x128xi32, #tpu.memory_space<vmem>> -> memref<1x128xi32, #tpu.memory_space<vmem>>
        %dma_start3A_129 = tpu.memref_squeeze %dma_start3A_128 : memref<1x128xi32, #tpu.memory_space<vmem>> -> memref<128xi32, #tpu.memory_space<vmem>>
        %dma_start3A_130 = arith.constant 0 : i32
        %dma_start3A_131 = tpu.memref_slice %arg10[%add3A, %while3A_91, %run_scoped3A_95, %dma_start3A_130] : memref<32x82x1x128xi32, #tpu.memory_space<hbm>> -> memref<1x1x1x128xi32, #tpu.memory_space<hbm>>
        %dma_start3A_132 = tpu.memref_squeeze %dma_start3A_131 : memref<1x1x1x128xi32, #tpu.memory_space<hbm>> -> memref<128xi32, #tpu.memory_space<hbm>>
        tpu.enqueue_dma source(%dma_start3A_132 : memref<128xi32, #tpu.memory_space<hbm>>) target(%dma_start3A_129 : memref<128xi32, #tpu.memory_space<vmem>>) target_semaphore(%run_scoped3A_120 : memref<!tpu.dma_semaphore, #tpu.memory_space<semaphore_mem>>)
        %dma_wait3A_133 = arith.constant 0 : i32
        %dma_wait3A_134 = tpu.memref_slice %arg21[%run_scoped3A_96, %dma_wait3A_133] : memref<1x128xi32, #tpu.memory_space<vmem>> -> memref<1x128xi32, #tpu.memory_space<vmem>>
        %dma_wait3A_135 = tpu.memref_squeeze %dma_wait3A_134 : memref<1x128xi32, #tpu.memory_space<vmem>> -> memref<128xi32, #tpu.memory_space<vmem>>
        %dma_wait3A_136 = arith.constant 0 : i32
        %dma_wait3A_137 = tpu.memref_slice %arg10[%add3A, %while3A_91, %run_scoped3A_95, %dma_wait3A_136] : memref<32x82x1x128xi32, #tpu.memory_space<hbm>> -> memref<1x1x1x128xi32, #tpu.memory_space<hbm>>
        %dma_wait3A_138 = tpu.memref_squeeze %dma_wait3A_137 : memref<1x1x1x128xi32, #tpu.memory_space<hbm>> -> memref<128xi32, #tpu.memory_space<hbm>>
        %dma_wait3A_139 = arith.constant 0 : i32
        %dma_wait3A_140 = tpu.memref_slice %arg21[%run_scoped3A_96, %dma_wait3A_139] : memref<1x128xi32, #tpu.memory_space<vmem>> -> memref<1x128xi32, #tpu.memory_space<vmem>>
        %dma_wait3A_141 = tpu.memref_squeeze %dma_wait3A_140 : memref<1x128xi32, #tpu.memory_space<vmem>> -> memref<128xi32, #tpu.memory_space<vmem>>
        %dma_wait3A_142 = arith.constant 0 : i32
        %dma_wait3A_143 = tpu.memref_slice %arg10[%add3A, %while3A_91, %run_scoped3A_95, %dma_wait3A_142] : memref<32x82x1x128xi32, #tpu.memory_space<hbm>> -> memref<1x1x1x128xi32, #tpu.memory_space<hbm>>
        %dma_wait3A_144 = tpu.memref_squeeze %dma_wait3A_143 : memref<1x1x1x128xi32, #tpu.memory_space<hbm>> -> memref<128xi32, #tpu.memory_space<hbm>>
        tpu.wait_dma2 semaphore(%run_scoped3A_120 : memref<!tpu.dma_semaphore, #tpu.memory_space<semaphore_mem>>) src(%dma_wait3A_144 : memref<128xi32, #tpu.memory_space<hbm>>) dst(%dma_wait3A_141 : memref<128xi32, #tpu.memory_space<vmem>>)
        tpu.yield
      }) : () -> ()
      %run_scoped3A_97 = arith.constant 0 : i32
      %run_scoped3A_98 = arith.constant 0 : i32
      "tpu.region"() ({
        %run_scoped3A_120 = tpu.sem_alloc : memref<!tpu.dma_semaphore, #tpu.memory_space<semaphore_mem>>
        %dma_start3A_121 = arith.constant 0 : i32
        %dma_start3A_122 = tpu.memref_slice %arg22[%run_scoped3A_98, %dma_start3A_121] : memref<1x128xf32, #tpu.memory_space<vmem>> -> memref<1x128xf32, #tpu.memory_space<vmem>>
        %dma_start3A_123 = tpu.memref_squeeze %dma_start3A_122 : memref<1x128xf32, #tpu.memory_space<vmem>> -> memref<128xf32, #tpu.memory_space<vmem>>
        %dma_start3A_124 = arith.constant 0 : i32
        %dma_start3A_125 = tpu.memref_slice %arg11[%add3A, %while3A_91, %run_scoped3A_97, %dma_start3A_124] : memref<32x82x1x128xf32, #tpu.memory_space<hbm>> -> memref<1x1x1x128xf32, #tpu.memory_space<hbm>>
        %dma_start3A_126 = tpu.memref_squeeze %dma_start3A_125 : memref<1x1x1x128xf32, #tpu.memory_space<hbm>> -> memref<128xf32, #tpu.memory_space<hbm>>
        %dma_start3A_127 = arith.constant 0 : i32
        %dma_start3A_128 = tpu.memref_slice %arg22[%run_scoped3A_98, %dma_start3A_127] : memref<1x128xf32, #tpu.memory_space<vmem>> -> memref<1x128xf32, #tpu.memory_space<vmem>>
        %dma_start3A_129 = tpu.memref_squeeze %dma_start3A_128 : memref<1x128xf32, #tpu.memory_space<vmem>> -> memref<128xf32, #tpu.memory_space<vmem>>
        %dma_start3A_130 = arith.constant 0 : i32
        %dma_start3A_131 = tpu.memref_slice %arg11[%add3A, %while3A_91, %run_scoped3A_97, %dma_start3A_130] : memref<32x82x1x128xf32, #tpu.memory_space<hbm>> -> memref<1x1x1x128xf32, #tpu.memory_space<hbm>>
        %dma_start3A_132 = tpu.memref_squeeze %dma_start3A_131 : memref<1x1x1x128xf32, #tpu.memory_space<hbm>> -> memref<128xf32, #tpu.memory_space<hbm>>
        tpu.enqueue_dma source(%dma_start3A_132 : memref<128xf32, #tpu.memory_space<hbm>>) target(%dma_start3A_129 : memref<128xf32, #tpu.memory_space<vmem>>) target_semaphore(%run_scoped3A_120 : memref<!tpu.dma_semaphore, #tpu.memory_space<semaphore_mem>>)
        %dma_wait3A_133 = arith.constant 0 : i32
        %dma_wait3A_134 = tpu.memref_slice %arg22[%run_scoped3A_98, %dma_wait3A_133] : memref<1x128xf32, #tpu.memory_space<vmem>> -> memref<1x128xf32, #tpu.memory_space<vmem>>
        %dma_wait3A_135 = tpu.memref_squeeze %dma_wait3A_134 : memref<1x128xf32, #tpu.memory_space<vmem>> -> memref<128xf32, #tpu.memory_space<vmem>>
        %dma_wait3A_136 = arith.constant 0 : i32
        %dma_wait3A_137 = tpu.memref_slice %arg11[%add3A, %while3A_91, %run_scoped3A_97, %dma_wait3A_136] : memref<32x82x1x128xf32, #tpu.memory_space<hbm>> -> memref<1x1x1x128xf32, #tpu.memory_space<hbm>>
        %dma_wait3A_138 = tpu.memref_squeeze %dma_wait3A_137 : memref<1x1x1x128xf32, #tpu.memory_space<hbm>> -> memref<128xf32, #tpu.memory_space<hbm>>
        %dma_wait3A_139 = arith.constant 0 : i32
        %dma_wait3A_140 = tpu.memref_slice %arg22[%run_scoped3A_98, %dma_wait3A_139] : memref<1x128xf32, #tpu.memory_space<vmem>> -> memref<1x128xf32, #tpu.memory_space<vmem>>
        %dma_wait3A_141 = tpu.memref_squeeze %dma_wait3A_140 : memref<1x128xf32, #tpu.memory_space<vmem>> -> memref<128xf32, #tpu.memory_space<vmem>>
        %dma_wait3A_142 = arith.constant 0 : i32
        %dma_wait3A_143 = tpu.memref_slice %arg11[%add3A, %while3A_91, %run_scoped3A_97, %dma_wait3A_142] : memref<32x82x1x128xf32, #tpu.memory_space<hbm>> -> memref<1x1x1x128xf32, #tpu.memory_space<hbm>>
        %dma_wait3A_144 = tpu.memref_squeeze %dma_wait3A_143 : memref<1x1x1x128xf32, #tpu.memory_space<hbm>> -> memref<128xf32, #tpu.memory_space<hbm>>
        tpu.wait_dma2 semaphore(%run_scoped3A_120 : memref<!tpu.dma_semaphore, #tpu.memory_space<semaphore_mem>>) src(%dma_wait3A_144 : memref<128xf32, #tpu.memory_space<hbm>>) dst(%dma_wait3A_141 : memref<128xf32, #tpu.memory_space<vmem>>)
        tpu.yield
      }) : () -> ()
      %dma_start3A = arith.constant 0 : i32
      %dma_start3A_99 = arith.constant 0 : i32
      %dma_start3A_100 = tpu.memref_slice %arg20[%dma_start3A, %dma_start3A_99] : memref<1x128xi32, #tpu.memory_space<vmem>> -> memref<1x128xi32, #tpu.memory_space<vmem>>
      %dma_start3A_101 = tpu.memref_squeeze %dma_start3A_100 : memref<1x128xi32, #tpu.memory_space<vmem>> -> memref<128xi32, #tpu.memory_space<vmem>>
      %dma_start3A_102 = arith.constant 0 : i32
      %dma_start3A_103 = arith.constant 0 : i32
      %dma_start3A_104 = tpu.memref_slice %arg5[%dma_start3A_102, %dma_start3A_103] : memref<10000x128xf32, #tpu.memory_space<hbm>> -> memref<10000x128xf32, #tpu.memory_space<hbm>>
      tpu.enqueue_indirect_dma source(%dma_start3A_104 : memref<10000x128xf32, #tpu.memory_space<hbm>>) target(%arg23 : memref<128x128xf32, #tpu.memory_space<vmem>>) offsets(%dma_start3A_101 : memref<128xi32, #tpu.memory_space<vmem>>) semaphore(%arg27 : memref<!tpu.dma_semaphore, #tpu.memory_space<semaphore_mem>>)
      %dma_wait3A = arith.constant 0 : i32
      %dma_wait3A_105 = arith.constant 0 : i32
      %dma_wait3A_106 = tpu.memref_slice %arg20[%dma_wait3A, %dma_wait3A_105] : memref<1x128xi32, #tpu.memory_space<vmem>> -> memref<1x128xi32, #tpu.memory_space<vmem>>
      %dma_wait3A_107 = tpu.memref_squeeze %dma_wait3A_106 : memref<1x128xi32, #tpu.memory_space<vmem>> -> memref<128xi32, #tpu.memory_space<vmem>>
      %dma_wait3A_108 = arith.constant 0 : i32
      %dma_wait3A_109 = arith.constant 0 : i32
      %dma_wait3A_110 = tpu.memref_slice %arg5[%dma_wait3A_108, %dma_wait3A_109] : memref<10000x128xf32, #tpu.memory_space<hbm>> -> memref<10000x128xf32, #tpu.memory_space<hbm>>
      tpu.wait_indirect_dma semaphore(%arg27 : memref<!tpu.dma_semaphore, #tpu.memory_space<semaphore_mem>>) src(%dma_wait3A_110 : memref<10000x128xf32, #tpu.memory_space<hbm>>) dst(%arg23 : memref<128x128xf32, #tpu.memory_space<vmem>>)
      %scan3A_111 = arith.constant 0 : i32
      %scan3A_112 = arith.constant 0 : i32
      %scan3A_113 = arith.constant 8 : i32
      %scan3A_114 = arith.addi %scan3A_112, %scan3A_113 : i32
      %scan3A_115 = arith.constant 1 : i32
      %scan3A_116 = scf.for %scan3A_120 = %scan3A_112 to %scan3A_114 step %scan3A_115 iter_args(%scan3A_121 = %scan3A_111) -> (i32)  : i32 {
        %mul3A_122 = arith.constant 16 : i32
        %mul3A_123 = arith.muli %scan3A_120, %mul3A_122 : i32
        %get3A = arith.constant 0 : i32
        %get3A_124 = arith.index_cast %get3A : i32 to index
        %get3A_125 = arith.index_cast %mul3A_123 : i32 to index
        %get3A_126 = tpu.vector_load %arg22[%get3A_124, %get3A_125] {strides = array<i32>} : memref<1x128xf32, #tpu.memory_space<vmem>>, vector<16xf32>,
        %slice3A = vector.extract_strided_slice %get3A_126 {offsets = [0], sizes = [1], strides = [1]} : vector<16xf32> to vector<1xf32>
        %squeeze3A = vector.extract %slice3A[0] : f32 from vector<1xf32>
        %broadcast_in_dim3A_127 = vector.broadcast %squeeze3A : f32 to vector<16xf32>
        %mul3A_128 = arith.constant 16 : i32
        %mul3A_129 = arith.muli %scan3A_120, %mul3A_128 : i32
        %add3A_130 = arith.constant 0 : i32
        %add3A_131 = arith.addi %mul3A_129, %add3A_130 : i32
        %get3A_132 = arith.index_cast %add3A_131 : i32 to index
        %get3A_133 = arith.constant 0 : index
        %get3A_134 = tpu.vector_load %arg23[%get3A_132, %get3A_133] {strides = array<i32>} : memref<128x128xf32, #tpu.memory_space<vmem>>, vector<16xf32>,
        %mul3A_135 = arith.mulf %get3A_134, %broadcast_in_dim3A_127 : vector<16xf32>
        %swap3A = arith.index_cast %add3A_131 : i32 to index
        %swap3A_136 = arith.constant 0 : index
        %swap3A_137 = tpu.vector_load %arg23[%swap3A, %swap3A_136] {strides = array<i32>} : memref<128x128xf32, #tpu.memory_space<vmem>>, vector<16xf32>,
        tpu.vector_store %arg23[%swap3A, %swap3A_136], %mul3A_135 {strides = array<i32>} : memref<128x128xf32, #tpu.memory_space<vmem>>, vector<16xf32>,
        %get3A_138 = arith.index_cast %add3A_131 : i32 to index
        %get3A_139 = arith.constant 16 : index
        %get3A_140 = tpu.vector_load %arg23[%get3A_138, %get3A_139] {strides = array<i32>} : memref<128x128xf32, #tpu.memory_space<vmem>>, vector<16xf32>,
        %mul3A_141 = arith.mulf %get3A_140, %broadcast_in_dim3A_127 : vector<16xf32>
        %swap3A_142 = arith.index_cast %add3A_131 : i32 to index
        %swap3A_143 = arith.constant 16 : index
        %swap3A_144 = tpu.vector_load %arg23[%swap3A_142, %swap3A_143] {strides = array<i32>} : memref<128x128xf32, #tpu.memory_space<vmem>>, vector<16xf32>,
        tpu.vector_store %arg23[%swap3A_142, %swap3A_143], %mul3A_141 {strides = array<i32>} : memref<128x128xf32, #tpu.memory_space<vmem>>, vector<16xf32>,
        %get3A_145 = arith.index_cast %add3A_131 : i32 to index
        %get3A_146 = arith.constant 32 : index
        %get3A_147 = tpu.vector_load %arg23[%get3A_145, %get3A_146] {strides = array<i32>} : memref<128x128xf32, #tpu.memory_space<vmem>>, vector<16xf32>,
        %mul3A_148 = arith.mulf %get3A_147, %broadcast_in_dim3A_127 : vector<16xf32>
        %swap3A_149 = arith.index_cast %add3A_131 : i32 to index
        %swap3A_150 = arith.constant 32 : index
        %swap3A_151 = tpu.vector_load %arg23[%swap3A_149, %swap3A_150] {strides = array<i32>} : memref<128x128xf32, #tpu.memory_space<vmem>>, vector<16xf32>,
        tpu.vector_store %arg23[%swap3A_149, %swap3A_150], %mul3A_148 {strides = array<i32>} : memref<128x128xf32, #tpu.memory_space<vmem>>, vector<16xf32>,
        %get3A_152 = arith.index_cast %add3A_131 : i32 to index
        %get3A_153 = arith.constant 48 : index
        %get3A_154 = tpu.vector_load %arg23[%get3A_152, %get3A_153] {strides = array<i32>} : memref<128x128xf32, #tpu.memory_space<vmem>>, vector<16xf32>,
        %mul3A_155 = arith.mulf %get3A_154, %broadcast_in_dim3A_127 : vector<16xf32>
        %swap3A_156 = arith.index_cast %add3A_131 : i32 to index
        %swap3A_157 = arith.constant 48 : index
        %swap3A_158 = tpu.vector_load %arg23[%swap3A_156, %swap3A_157] {strides = array<i32>} : memref<128x128xf32, #tpu.memory_space<vmem>>, vector<16xf32>,
        tpu.vector_store %arg23[%swap3A_156, %swap3A_157], %mul3A_155 {strides = array<i32>} : memref<128x128xf32, #tpu.memory_space<vmem>>, vector<16xf32>,
        %get3A_159 = arith.index_cast %add3A_131 : i32 to index
        %get3A_160 = arith.constant 64 : index
        %get3A_161 = tpu.vector_load %arg23[%get3A_159, %get3A_160] {strides = array<i32>} : memref<128x128xf32, #tpu.memory_space<vmem>>, vector<16xf32>,
        %mul3A_162 = arith.mulf %get3A_161, %broadcast_in_dim3A_127 : vector<16xf32>
        %swap3A_163 = arith.index_cast %add3A_131 : i32 to index
        %swap3A_164 = arith.constant 64 : index
        %swap3A_165 = tpu.vector_load %arg23[%swap3A_163, %swap3A_164] {strides = array<i32>} : memref<128x128xf32, #tpu.memory_space<vmem>>, vector<16xf32>,
        tpu.vector_store %arg23[%swap3A_163, %swap3A_164], %mul3A_162 {strides = array<i32>} : memref<128x128xf32, #tpu.memory_space<vmem>>, vector<16xf32>,
        %get3A_166 = arith.index_cast %add3A_131 : i32 to index
        %get3A_167 = arith.constant 80 : index
        %get3A_168 = tpu.vector_load %arg23[%get3A_166, %get3A_167] {strides = array<i32>} : memref<128x128xf32, #tpu.memory_space<vmem>>, vector<16xf32>,
        %mul3A_169 = arith.mulf %get3A_168, %broadcast_in_dim3A_127 : vector<16xf32>
        %swap3A_170 = arith.index_cast %add3A_131 : i32 to index
        %swap3A_171 = arith.constant 80 : index
        %swap3A_172 = tpu.vector_load %arg23[%swap3A_170, %swap3A_171] {strides = array<i32>} : memref<128x128xf32, #tpu.memory_space<vmem>>, vector<16xf32>,
        tpu.vector_store %arg23[%swap3A_170, %swap3A_171], %mul3A_169 {strides = array<i32>} : memref<128x128xf32, #tpu.memory_space<vmem>>, vector<16xf32>,
        %get3A_173 = arith.index_cast %add3A_131 : i32 to index
        %get3A_174 = arith.constant 96 : index
        %get3A_175 = tpu.vector_load %arg23[%get3A_173, %get3A_174] {strides = array<i32>} : memref<128x128xf32, #tpu.memory_space<vmem>>, vector<16xf32>,
        %mul3A_176 = arith.mulf %get3A_175, %broadcast_in_dim3A_127 : vector<16xf32>
        %swap3A_177 = arith.index_cast %add3A_131 : i32 to index
        %swap3A_178 = arith.constant 96 : index
        %swap3A_179 = tpu.vector_load %arg23[%swap3A_177, %swap3A_178] {strides = array<i32>} : memref<128x128xf32, #tpu.memory_space<vmem>>, vector<16xf32>,
        tpu.vector_store %arg23[%swap3A_177, %swap3A_178], %mul3A_176 {strides = array<i32>} : memref<128x128xf32, #tpu.memory_space<vmem>>, vector<16xf32>,
        %get3A_180 = arith.index_cast %add3A_131 : i32 to index
        %get3A_181 = arith.constant 112 : index
        %get3A_182 = tpu.vector_load %arg23[%get3A_180, %get3A_181] {strides = array<i32>} : memref<128x128xf32, #tpu.memory_space<vmem>>, vector<16xf32>,
        %mul3A_183 = arith.mulf %get3A_182, %broadcast_in_dim3A_127 : vector<16xf32>
        %swap3A_184 = arith.index_cast %add3A_131 : i32 to index
        %swap3A_185 = arith.constant 112 : index
        %swap3A_186 = tpu.vector_load %arg23[%swap3A_184, %swap3A_185] {strides = array<i32>} : memref<128x128xf32, #tpu.memory_space<vmem>>, vector<16xf32>,
        tpu.vector_store %arg23[%swap3A_184, %swap3A_185], %mul3A_183 {strides = array<i32>} : memref<128x128xf32, #tpu.memory_space<vmem>>, vector<16xf32>,
        %slice3A_187 = vector.extract_strided_slice %get3A_126 {offsets = [1], sizes = [1], strides = [1]} : vector<16xf32> to vector<1xf32>
        %squeeze3A_188 = vector.extract %slice3A_187[0] : f32 from vector<1xf32>
        %broadcast_in_dim3A_189 = vector.broadcast %squeeze3A_188 : f32 to vector<16xf32>
        %mul3A_190 = arith.constant 16 : i32
        %mul3A_191 = arith.muli %scan3A_120, %mul3A_190 : i32
        %add3A_192 = arith.constant 1 : i32
        %add3A_193 = arith.addi %mul3A_191, %add3A_192 : i32
        %get3A_194 = arith.index_cast %add3A_193 : i32 to index
        %get3A_195 = arith.constant 0 : index
        %get3A_196 = tpu.vector_load %arg23[%get3A_194, %get3A_195] {strides = array<i32>} : memref<128x128xf32, #tpu.memory_space<vmem>>, vector<16xf32>,
        %mul3A_197 = arith.mulf %get3A_196, %broadcast_in_dim3A_189 : vector<16xf32>
        %swap3A_198 = arith.index_cast %add3A_193 : i32 to index
        %swap3A_199 = arith.constant 0 : index
        %swap3A_200 = tpu.vector_load %arg23[%swap3A_198, %swap3A_199] {strides = array<i32>} : memref<128x128xf32, #tpu.memory_space<vmem>>, vector<16xf32>,
        tpu.vector_store %arg23[%swap3A_198, %swap3A_199], %mul3A_197 {strides = array<i32>} : memref<128x128xf32, #tpu.memory_space<vmem>>, vector<16xf32>,
        %get3A_201 = arith.index_cast %add3A_193 : i32 to index
        %get3A_202 = arith.constant 16 : index
        %get3A_203 = tpu.vector_load %arg23[%get3A_201, %get3A_202] {strides = array<i32>} : memref<128x128xf32, #tpu.memory_space<vmem>>, vector<16xf32>,
        %mul3A_204 = arith.mulf %get3A_203, %broadcast_in_dim3A_189 : vector<16xf32>
        %swap3A_205 = arith.index_cast %add3A_193 : i32 to index
        %swap3A_206 = arith.constant 16 : index
        %swap3A_207 = tpu.vector_load %arg23[%swap3A_205, %swap3A_206] {strides = array<i32>} : memref<128x128xf32, #tpu.memory_space<vmem>>, vector<16xf32>,
        tpu.vector_store %arg23[%swap3A_205, %swap3A_206], %mul3A_204 {strides = array<i32>} : memref<128x128xf32, #tpu.memory_space<vmem>>, vector<16xf32>,
        %get3A_208 = arith.index_cast %add3A_193 : i32 to index
        %get3A_209 = arith.constant 32 : index
        %get3A_210 = tpu.vector_load %arg23[%get3A_208, %get3A_209] {strides = array<i32>} : memref<128x128xf32, #tpu.memory_space<vmem>>, vector<16xf32>,
        %mul3A_211 = arith.mulf %get3A_210, %broadcast_in_dim3A_189 : vector<16xf32>
        %swap3A_212 = arith.index_cast %add3A_193 : i32 to index
        %swap3A_213 = arith.constant 32 : index
        %swap3A_214 = tpu.vector_load %arg23[%swap3A_212, %swap3A_213] {strides = array<i32>} : memref<128x128xf32, #tpu.memory_space<vmem>>, vector<16xf32>,
        tpu.vector_store %arg23[%swap3A_212, %swap3A_213], %mul3A_211 {strides = array<i32>} : memref<128x128xf32, #tpu.memory_space<vmem>>, vector<16xf32>,
        %get3A_215 = arith.index_cast %add3A_193 : i32 to index
        %get3A_216 = arith.constant 48 : index
        %get3A_217 = tpu.vector_load %arg23[%get3A_215, %get3A_216] {strides = array<i32>} : memref<128x128xf32, #tpu.memory_space<vmem>>, vector<16xf32>,
        %mul3A_218 = arith.mulf %get3A_217, %broadcast_in_dim3A_189 : vector<16xf32>
        %swap3A_219 = arith.index_cast %add3A_193 : i32 to index
        %swap3A_220 = arith.constant 48 : index
        %swap3A_221 = tpu.vector_load %arg23[%swap3A_219, %swap3A_220] {strides = array<i32>} : memref<128x128xf32, #tpu.memory_space<vmem>>, vector<16xf32>,
        tpu.vector_store %arg23[%swap3A_219, %swap3A_220], %mul3A_218 {strides = array<i32>} : memref<128x128xf32, #tpu.memory_space<vmem>>, vector<16xf32>,
        %get3A_222 = arith.index_cast %add3A_193 : i32 to index
        %get3A_223 = arith.constant 64 : index
        %get3A_224 = tpu.vector_load %arg23[%get3A_222, %get3A_223] {strides = array<i32>} : memref<128x128xf32, #tpu.memory_space<vmem>>, vector<16xf32>,
        %mul3A_225 = arith.mulf %get3A_224, %broadcast_in_dim3A_189 : vector<16xf32>
        %swap3A_226 = arith.index_cast %add3A_193 : i32 to index
        %swap3A_227 = arith.constant 64 : index
        %swap3A_228 = tpu.vector_load %arg23[%swap3A_226, %swap3A_227] {strides = array<i32>} : memref<128x128xf32, #tpu.memory_space<vmem>>, vector<16xf32>,
        tpu.vector_store %arg23[%swap3A_226, %swap3A_227], %mul3A_225 {strides = array<i32>} : memref<128x128xf32, #tpu.memory_space<vmem>>, vector<16xf32>,
        %get3A_229 = arith.index_cast %add3A_193 : i32 to index
        %get3A_230 = arith.constant 80 : index
        %get3A_231 = tpu.vector_load %arg23[%get3A_229, %get3A_230] {strides = array<i32>} : memref<128x128xf32, #tpu.memory_space<vmem>>, vector<16xf32>,
        %mul3A_232 = arith.mulf %get3A_231, %broadcast_in_dim3A_189 : vector<16xf32>
        %swap3A_233 = arith.index_cast %add3A_193 : i32 to index
        %swap3A_234 = arith.constant 80 : index
        %swap3A_235 = tpu.vector_load %arg23[%swap3A_233, %swap3A_234] {strides = array<i32>} : memref<128x128xf32, #tpu.memory_space<vmem>>, vector<16xf32>,
        tpu.vector_store %arg23[%swap3A_233, %swap3A_234], %mul3A_232 {strides = array<i32>} : memref<128x128xf32, #tpu.memory_space<vmem>>, vector<16xf32>,
        %get3A_236 = arith.index_cast %add3A_193 : i32 to index
        %get3A_237 = arith.constant 96 : index
        %get3A_238 = tpu.vector_load %arg23[%get3A_236, %get3A_237] {strides = array<i32>} : memref<128x128xf32, #tpu.memory_space<vmem>>, vector<16xf32>,
        %mul3A_239 = arith.mulf %get3A_238, %broadcast_in_dim3A_189 : vector<16xf32>
        %swap3A_240 = arith.index_cast %add3A_193 : i32 to index
        %swap3A_241 = arith.constant 96 : index
        %swap3A_242 = tpu.vector_load %arg23[%swap3A_240, %swap3A_241] {strides = array<i32>} : memref<128x128xf32, #tpu.memory_space<vmem>>, vector<16xf32>,
        tpu.vector_store %arg23[%swap3A_240, %swap3A_241], %mul3A_239 {strides = array<i32>} : memref<128x128xf32, #tpu.memory_space<vmem>>, vector<16xf32>,
        %get3A_243 = arith.index_cast %add3A_193 : i32 to index
        %get3A_244 = arith.constant 112 : index
        %get3A_245 = tpu.vector_load %arg23[%get3A_243, %get3A_244] {strides = array<i32>} : memref<128x128xf32, #tpu.memory_space<vmem>>, vector<16xf32>,
        %mul3A_246 = arith.mulf %get3A_245, %broadcast_in_dim3A_189 : vector<16xf32>
        %swap3A_247 = arith.index_cast %add3A_193 : i32 to index
        %swap3A_248 = arith.constant 112 : index
        %swap3A_249 = tpu.vector_load %arg23[%swap3A_247, %swap3A_248] {strides = array<i32>} : memref<128x128xf32, #tpu.memory_space<vmem>>, vector<16xf32>,
        tpu.vector_store %arg23[%swap3A_247, %swap3A_248], %mul3A_246 {strides = array<i32>} : memref<128x128xf32, #tpu.memory_space<vmem>>, vector<16xf32>,
        %slice3A_250 = vector.extract_strided_slice %get3A_126 {offsets = [2], sizes = [1], strides = [1]} : vector<16xf32> to vector<1xf32>
        %squeeze3A_251 = vector.extract %slice3A_250[0] : f32 from vector<1xf32>
        %broadcast_in_dim3A_252 = vector.broadcast %squeeze3A_251 : f32 to vector<16xf32>
        %mul3A_253 = arith.constant 16 : i32
        %mul3A_254 = arith.muli %scan3A_120, %mul3A_253 : i32
        %add3A_255 = arith.constant 2 : i32
        %add3A_256 = arith.addi %mul3A_254, %add3A_255 : i32
        %get3A_257 = arith.index_cast %add3A_256 : i32 to index
        %get3A_258 = arith.constant 0 : index
        %get3A_259 = tpu.vector_load %arg23[%get3A_257, %get3A_258] {strides = array<i32>} : memref<128x128xf32, #tpu.memory_space<vmem>>, vector<16xf32>,
        %mul3A_260 = arith.mulf %get3A_259, %broadcast_in_dim3A_252 : vector<16xf32>
        %swap3A_261 = arith.index_cast %add3A_256 : i32 to index
        %swap3A_262 = arith.constant 0 : index
        %swap3A_263 = tpu.vector_load %arg23[%swap3A_261, %swap3A_262] {strides = array<i32>} : memref<128x128xf32, #tpu.memory_space<vmem>>, vector<16xf32>,
        tpu.vector_store %arg23[%swap3A_261, %swap3A_262], %mul3A_260 {strides = array<i32>} : memref<128x128xf32, #tpu.memory_space<vmem>>, vector<16xf32>,
        %get3A_264 = arith.index_cast %add3A_256 : i32 to index
        %get3A_265 = arith.constant 16 : index
        %get3A_266 = tpu.vector_load %arg23[%get3A_264, %get3A_265] {strides = array<i32>} : memref<128x128xf32, #tpu.memory_space<vmem>>, vector<16xf32>,
        %mul3A_267 = arith.mulf %get3A_266, %broadcast_in_dim3A_252 : vector<16xf32>
        %swap3A_268 = arith.index_cast %add3A_256 : i32 to index
        %swap3A_269 = arith.constant 16 : index
        %swap3A_270 = tpu.vector_load %arg23[%swap3A_268, %swap3A_269] {strides = array<i32>} : memref<128x128xf32, #tpu.memory_space<vmem>>, vector<16xf32>,
        tpu.vector_store %arg23[%swap3A_268, %swap3A_269], %mul3A_267 {strides = array<i32>} : memref<128x128xf32, #tpu.memory_space<vmem>>, vector<16xf32>,
        %get3A_271 = arith.index_cast %add3A_256 : i32 to index
        %get3A_272 = arith.constant 32 : index
        %get3A_273 = tpu.vector_load %arg23[%get3A_271, %get3A_272] {strides = array<i32>} : memref<128x128xf32, #tpu.memory_space<vmem>>, vector<16xf32>,
        %mul3A_274 = arith.mulf %get3A_273, %broadcast_in_dim3A_252 : vector<16xf32>
        %swap3A_275 = arith.index_cast %add3A_256 : i32 to index
        %swap3A_276 = arith.constant 32 : index
        %swap3A_277 = tpu.vector_load %arg23[%swap3A_275, %swap3A_276] {strides = array<i32>} : memref<128x128xf32, #tpu.memory_space<vmem>>, vector<16xf32>,
        tpu.vector_store %arg23[%swap3A_275, %swap3A_276], %mul3A_274 {strides = array<i32>} : memref<128x128xf32, #tpu.memory_space<vmem>>, vector<16xf32>,
        %get3A_278 = arith.index_cast %add3A_256 : i32 to index
        %get3A_279 = arith.constant 48 : index
        %get3A_280 = tpu.vector_load %arg23[%get3A_278, %get3A_279] {strides = array<i32>} : memref<128x128xf32, #tpu.memory_space<vmem>>, vector<16xf32>,
        %mul3A_281 = arith.mulf %get3A_280, %broadcast_in_dim3A_252 : vector<16xf32>
        %swap3A_282 = arith.index_cast %add3A_256 : i32 to index
        %swap3A_283 = arith.constant 48 : index
        %swap3A_284 = tpu.vector_load %arg23[%swap3A_282, %swap3A_283] {strides = array<i32>} : memref<128x128xf32, #tpu.memory_space<vmem>>, vector<16xf32>,
        tpu.vector_store %arg23[%swap3A_282, %swap3A_283], %mul3A_281 {strides = array<i32>} : memref<128x128xf32, #tpu.memory_space<vmem>>, vector<16xf32>,
        %get3A_285 = arith.index_cast %add3A_256 : i32 to index
        %get3A_286 = arith.constant 64 : index
        %get3A_287 = tpu.vector_load %arg23[%get3A_285, %get3A_286] {strides = array<i32>} : memref<128x128xf32, #tpu.memory_space<vmem>>, vector<16xf32>,
        %mul3A_288 = arith.mulf %get3A_287, %broadcast_in_dim3A_252 : vector<16xf32>
        %swap3A_289 = arith.index_cast %add3A_256 : i32 to index
        %swap3A_290 = arith.constant 64 : index
        %swap3A_291 = tpu.vector_load %arg23[%swap3A_289, %swap3A_290] {strides = array<i32>} : memref<128x128xf32, #tpu.memory_space<vmem>>, vector<16xf32>,
        tpu.vector_store %arg23[%swap3A_289, %swap3A_290], %mul3A_288 {strides = array<i32>} : memref<128x128xf32, #tpu.memory_space<vmem>>, vector<16xf32>,
        %get3A_292 = arith.index_cast %add3A_256 : i32 to index
        %get3A_293 = arith.constant 80 : index
        %get3A_294 = tpu.vector_load %arg23[%get3A_292, %get3A_293] {strides = array<i32>} : memref<128x128xf32, #tpu.memory_space<vmem>>, vector<16xf32>,
        %mul3A_295 = arith.mulf %get3A_294, %broadcast_in_dim3A_252 : vector<16xf32>
        %swap3A_296 = arith.index_cast %add3A_256 : i32 to index
        %swap3A_297 = arith.constant 80 : index
        %swap3A_298 = tpu.vector_load %arg23[%swap3A_296, %swap3A_297] {strides = array<i32>} : memref<128x128xf32, #tpu.memory_space<vmem>>, vector<16xf32>,
        tpu.vector_store %arg23[%swap3A_296, %swap3A_297], %mul3A_295 {strides = array<i32>} : memref<128x128xf32, #tpu.memory_space<vmem>>, vector<16xf32>,
        %get3A_299 = arith.index_cast %add3A_256 : i32 to index
        %get3A_300 = arith.constant 96 : index
        %get3A_301 = tpu.vector_load %arg23[%get3A_299, %get3A_300] {strides = array<i32>} : memref<128x128xf32, #tpu.memory_space<vmem>>, vector<16xf32>,
        %mul3A_302 = arith.mulf %get3A_301, %broadcast_in_dim3A_252 : vector<16xf32>
        %swap3A_303 = arith.index_cast %add3A_256 : i32 to index
        %swap3A_304 = arith.constant 96 : index
        %swap3A_305 = tpu.vector_load %arg23[%swap3A_303, %swap3A_304] {strides = array<i32>} : memref<128x128xf32, #tpu.memory_space<vmem>>, vector<16xf32>,
        tpu.vector_store %arg23[%swap3A_303, %swap3A_304], %mul3A_302 {strides = array<i32>} : memref<128x128xf32, #tpu.memory_space<vmem>>, vector<16xf32>,
        %get3A_306 = arith.index_cast %add3A_256 : i32 to index
        %get3A_307 = arith.constant 112 : index
        %get3A_308 = tpu.vector_load %arg23[%get3A_306, %get3A_307] {strides = array<i32>} : memref<128x128xf32, #tpu.memory_space<vmem>>, vector<16xf32>,
        %mul3A_309 = arith.mulf %get3A_308, %broadcast_in_dim3A_252 : vector<16xf32>
        %swap3A_310 = arith.index_cast %add3A_256 : i32 to index
        %swap3A_311 = arith.constant 112 : index
        %swap3A_312 = tpu.vector_load %arg23[%swap3A_310, %swap3A_311] {strides = array<i32>} : memref<128x128xf32, #tpu.memory_space<vmem>>, vector<16xf32>,
        tpu.vector_store %arg23[%swap3A_310, %swap3A_311], %mul3A_309 {strides = array<i32>} : memref<128x128xf32, #tpu.memory_space<vmem>>, vector<16xf32>,
        %slice3A_313 = vector.extract_strided_slice %get3A_126 {offsets = [3], sizes = [1], strides = [1]} : vector<16xf32> to vector<1xf32>
        %squeeze3A_314 = vector.extract %slice3A_313[0] : f32 from vector<1xf32>
        %broadcast_in_dim3A_315 = vector.broadcast %squeeze3A_314 : f32 to vector<16xf32>
        %mul3A_316 = arith.constant 16 : i32
        %mul3A_317 = arith.muli %scan3A_120, %mul3A_316 : i32
        %add3A_318 = arith.constant 3 : i32
        %add3A_319 = arith.addi %mul3A_317, %add3A_318 : i32
        %get3A_320 = arith.index_cast %add3A_319 : i32 to index
        %get3A_321 = arith.constant 0 : index
        %get3A_322 = tpu.vector_load %arg23[%get3A_320, %get3A_321] {strides = array<i32>} : memref<128x128xf32, #tpu.memory_space<vmem>>, vector<16xf32>,
        %mul3A_323 = arith.mulf %get3A_322, %broadcast_in_dim3A_315 : vector<16xf32>
        %swap3A_324 = arith.index_cast %add3A_319 : i32 to index
        %swap3A_325 = arith.constant 0 : index
        %swap3A_326 = tpu.vector_load %arg23[%swap3A_324, %swap3A_325] {strides = array<i32>} : memref<128x128xf32, #tpu.memory_space<vmem>>, vector<16xf32>,
        tpu.vector_store %arg23[%swap3A_324, %swap3A_325], %mul3A_323 {strides = array<i32>} : memref<128x128xf32, #tpu.memory_space<vmem>>, vector<16xf32>,
        %get3A_327 = arith.index_cast %add3A_319 : i32 to index
        %get3A_328 = arith.constant 16 : index
        %get3A_329 = tpu.vector_load %arg23[%get3A_327, %get3A_328] {strides = array<i32>} : memref<128x128xf32, #tpu.memory_space<vmem>>, vector<16xf32>,
        %mul3A_330 = arith.mulf %get3A_329, %broadcast_in_dim3A_315 : vector<16xf32>
        %swap3A_331 = arith.index_cast %add3A_319 : i32 to index
        %swap3A_332 = arith.constant 16 : index
        %swap3A_333 = tpu.vector_load %arg23[%swap3A_331, %swap3A_332] {strides = array<i32>} : memref<128x128xf32, #tpu.memory_space<vmem>>, vector<16xf32>,
        tpu.vector_store %arg23[%swap3A_331, %swap3A_332], %mul3A_330 {strides = array<i32>} : memref<128x128xf32, #tpu.memory_space<vmem>>, vector<16xf32>,
        %get3A_334 = arith.index_cast %add3A_319 : i32 to index
        %get3A_335 = arith.constant 32 : index
        %get3A_336 = tpu.vector_load %arg23[%get3A_334, %get3A_335] {strides = array<i32>} : memref<128x128xf32, #tpu.memory_space<vmem>>, vector<16xf32>,
        %mul3A_337 = arith.mulf %get3A_336, %broadcast_in_dim3A_315 : vector<16xf32>
        %swap3A_338 = arith.index_cast %add3A_319 : i32 to index
        %swap3A_339 = arith.constant 32 : index
        %swap3A_340 = tpu.vector_load %arg23[%swap3A_338, %swap3A_339] {strides = array<i32>} : memref<128x128xf32, #tpu.memory_space<vmem>>, vector<16xf32>,
        tpu.vector_store %arg23[%swap3A_338, %swap3A_339], %mul3A_337 {strides = array<i32>} : memref<128x128xf32, #tpu.memory_space<vmem>>, vector<16xf32>,
        %get3A_341 = arith.index_cast %add3A_319 : i32 to index
        %get3A_342 = arith.constant 48 : index
        %get3A_343 = tpu.vector_load %arg23[%get3A_341, %get3A_342] {strides = array<i32>} : memref<128x128xf32, #tpu.memory_space<vmem>>, vector<16xf32>,
        %mul3A_344 = arith.mulf %get3A_343, %broadcast_in_dim3A_315 : vector<16xf32>
        %swap3A_345 = arith.index_cast %add3A_319 : i32 to index
        %swap3A_346 = arith.constant 48 : index
        %swap3A_347 = tpu.vector_load %arg23[%swap3A_345, %swap3A_346] {strides = array<i32>} : memref<128x128xf32, #tpu.memory_space<vmem>>, vector<16xf32>,
        tpu.vector_store %arg23[%swap3A_345, %swap3A_346], %mul3A_344 {strides = array<i32>} : memref<128x128xf32, #tpu.memory_space<vmem>>, vector<16xf32>,
        %get3A_348 = arith.index_cast %add3A_319 : i32 to index
        %get3A_349 = arith.constant 64 : index
        %get3A_350 = tpu.vector_load %arg23[%get3A_348, %get3A_349] {strides = array<i32>} : memref<128x128xf32, #tpu.memory_space<vmem>>, vector<16xf32>,
        %mul3A_351 = arith.mulf %get3A_350, %broadcast_in_dim3A_315 : vector<16xf32>
        %swap3A_352 = arith.index_cast %add3A_319 : i32 to index
        %swap3A_353 = arith.constant 64 : index
        %swap3A_354 = tpu.vector_load %arg23[%swap3A_352, %swap3A_353] {strides = array<i32>} : memref<128x128xf32, #tpu.memory_space<vmem>>, vector<16xf32>,
        tpu.vector_store %arg23[%swap3A_352, %swap3A_353], %mul3A_351 {strides = array<i32>} : memref<128x128xf32, #tpu.memory_space<vmem>>, vector<16xf32>,
        %get3A_355 = arith.index_cast %add3A_319 : i32 to index
        %get3A_356 = arith.constant 80 : index
        %get3A_357 = tpu.vector_load %arg23[%get3A_355, %get3A_356] {strides = array<i32>} : memref<128x128xf32, #tpu.memory_space<vmem>>, vector<16xf32>,
        %mul3A_358 = arith.mulf %get3A_357, %broadcast_in_dim3A_315 : vector<16xf32>
        %swap3A_359 = arith.index_cast %add3A_319 : i32 to index
        %swap3A_360 = arith.constant 80 : index
        %swap3A_361 = tpu.vector_load %arg23[%swap3A_359, %swap3A_360] {strides = array<i32>} : memref<128x128xf32, #tpu.memory_space<vmem>>, vector<16xf32>,
        tpu.vector_store %arg23[%swap3A_359, %swap3A_360], %mul3A_358 {strides = array<i32>} : memref<128x128xf32, #tpu.memory_space<vmem>>, vector<16xf32>,
        %get3A_362 = arith.index_cast %add3A_319 : i32 to index
        %get3A_363 = arith.constant 96 : index
        %get3A_364 = tpu.vector_load %arg23[%get3A_362, %get3A_363] {strides = array<i32>} : memref<128x128xf32, #tpu.memory_space<vmem>>, vector<16xf32>,
        %mul3A_365 = arith.mulf %get3A_364, %broadcast_in_dim3A_315 : vector<16xf32>
        %swap3A_366 = arith.index_cast %add3A_319 : i32 to index
        %swap3A_367 = arith.constant 96 : index
        %swap3A_368 = tpu.vector_load %arg23[%swap3A_366, %swap3A_367] {strides = array<i32>} : memref<128x128xf32, #tpu.memory_space<vmem>>, vector<16xf32>,
        tpu.vector_store %arg23[%swap3A_366, %swap3A_367], %mul3A_365 {strides = array<i32>} : memref<128x128xf32, #tpu.memory_space<vmem>>, vector<16xf32>,
        %get3A_369 = arith.index_cast %add3A_319 : i32 to index
        %get3A_370 = arith.constant 112 : index
        %get3A_371 = tpu.vector_load %arg23[%get3A_369, %get3A_370] {strides = array<i32>} : memref<128x128xf32, #tpu.memory_space<vmem>>, vector<16xf32>,
        %mul3A_372 = arith.mulf %get3A_371, %broadcast_in_dim3A_315 : vector<16xf32>
        %swap3A_373 = arith.index_cast %add3A_319 : i32 to index
        %swap3A_374 = arith.constant 112 : index
        %swap3A_375 = tpu.vector_load %arg23[%swap3A_373, %swap3A_374] {strides = array<i32>} : memref<128x128xf32, #tpu.memory_space<vmem>>, vector<16xf32>,
        tpu.vector_store %arg23[%swap3A_373, %swap3A_374], %mul3A_372 {strides = array<i32>} : memref<128x128xf32, #tpu.memory_space<vmem>>, vector<16xf32>,
        %slice3A_376 = vector.extract_strided_slice %get3A_126 {offsets = [4], sizes = [1], strides = [1]} : vector<16xf32> to vector<1xf32>
        %squeeze3A_377 = vector.extract %slice3A_376[0] : f32 from vector<1xf32>
        %broadcast_in_dim3A_378 = vector.broadcast %squeeze3A_377 : f32 to vector<16xf32>
        %mul3A_379 = arith.constant 16 : i32
        %mul3A_380 = arith.muli %scan3A_120, %mul3A_379 : i32
        %add3A_381 = arith.constant 4 : i32
        %add3A_382 = arith.addi %mul3A_380, %add3A_381 : i32
        %get3A_383 = arith.index_cast %add3A_382 : i32 to index
        %get3A_384 = arith.constant 0 : index
        %get3A_385 = tpu.vector_load %arg23[%get3A_383, %get3A_384] {strides = array<i32>} : memref<128x128xf32, #tpu.memory_space<vmem>>, vector<16xf32>,
        %mul3A_386 = arith.mulf %get3A_385, %broadcast_in_dim3A_378 : vector<16xf32>
        %swap3A_387 = arith.index_cast %add3A_382 : i32 to index
        %swap3A_388 = arith.constant 0 : index
        %swap3A_389 = tpu.vector_load %arg23[%swap3A_387, %swap3A_388] {strides = array<i32>} : memref<128x128xf32, #tpu.memory_space<vmem>>, vector<16xf32>,
        tpu.vector_store %arg23[%swap3A_387, %swap3A_388], %mul3A_386 {strides = array<i32>} : memref<128x128xf32, #tpu.memory_space<vmem>>, vector<16xf32>,
        %get3A_390 = arith.index_cast %add3A_382 : i32 to index
        %get3A_391 = arith.constant 16 : index
        %get3A_392 = tpu.vector_load %arg23[%get3A_390, %get3A_391] {strides = array<i32>} : memref<128x128xf32, #tpu.memory_space<vmem>>, vector<16xf32>,
        %mul3A_393 = arith.mulf %get3A_392, %broadcast_in_dim3A_378 : vector<16xf32>
        %swap3A_394 = arith.index_cast %add3A_382 : i32 to index
        %swap3A_395 = arith.constant 16 : index
        %swap3A_396 = tpu.vector_load %arg23[%swap3A_394, %swap3A_395] {strides = array<i32>} : memref<128x128xf32, #tpu.memory_space<vmem>>, vector<16xf32>,
        tpu.vector_store %arg23[%swap3A_394, %swap3A_395], %mul3A_393 {strides = array<i32>} : memref<128x128xf32, #tpu.memory_space<vmem>>, vector<16xf32>,
        %get3A_397 = arith.index_cast %add3A_382 : i32 to index
        %get3A_398 = arith.constant 32 : index
        %get3A_399 = tpu.vector_load %arg23[%get3A_397, %get3A_398] {strides = array<i32>} : memref<128x128xf32, #tpu.memory_space<vmem>>, vector<16xf32>,
        %mul3A_400 = arith.mulf %get3A_399, %broadcast_in_dim3A_378 : vector<16xf32>
        %swap3A_401 = arith.index_cast %add3A_382 : i32 to index
        %swap3A_402 = arith.constant 32 : index
        %swap3A_403 = tpu.vector_load %arg23[%swap3A_401, %swap3A_402] {strides = array<i32>} : memref<128x128xf32, #tpu.memory_space<vmem>>, vector<16xf32>,
        tpu.vector_store %arg23[%swap3A_401, %swap3A_402], %mul3A_400 {strides = array<i32>} : memref<128x128xf32, #tpu.memory_space<vmem>>, vector<16xf32>,
        %get3A_404 = arith.index_cast %add3A_382 : i32 to index
        %get3A_405 = arith.constant 48 : index
        %get3A_406 = tpu.vector_load %arg23[%get3A_404, %get3A_405] {strides = array<i32>} : memref<128x128xf32, #tpu.memory_space<vmem>>, vector<16xf32>,
        %mul3A_407 = arith.mulf %get3A_406, %broadcast_in_dim3A_378 : vector<16xf32>
        %swap3A_408 = arith.index_cast %add3A_382 : i32 to index
        %swap3A_409 = arith.constant 48 : index
        %swap3A_410 = tpu.vector_load %arg23[%swap3A_408, %swap3A_409] {strides = array<i32>} : memref<128x128xf32, #tpu.memory_space<vmem>>, vector<16xf32>,
        tpu.vector_store %arg23[%swap3A_408, %swap3A_409], %mul3A_407 {strides = array<i32>} : memref<128x128xf32, #tpu.memory_space<vmem>>, vector<16xf32>,
        %get3A_411 = arith.index_cast %add3A_382 : i32 to index
        %get3A_412 = arith.constant 64 : index
        %get3A_413 = tpu.vector_load %arg23[%get3A_411, %get3A_412] {strides = array<i32>} : memref<128x128xf32, #tpu.memory_space<vmem>>, vector<16xf32>,
        %mul3A_414 = arith.mulf %get3A_413, %broadcast_in_dim3A_378 : vector<16xf32>
        %swap3A_415 = arith.index_cast %add3A_382 : i32 to index
        %swap3A_416 = arith.constant 64 : index
        %swap3A_417 = tpu.vector_load %arg23[%swap3A_415, %swap3A_416] {strides = array<i32>} : memref<128x128xf32, #tpu.memory_space<vmem>>, vector<16xf32>,
        tpu.vector_store %arg23[%swap3A_415, %swap3A_416], %mul3A_414 {strides = array<i32>} : memref<128x128xf32, #tpu.memory_space<vmem>>, vector<16xf32>,
        %get3A_418 = arith.index_cast %add3A_382 : i32 to index
        %get3A_419 = arith.constant 80 : index
        %get3A_420 = tpu.vector_load %arg23[%get3A_418, %get3A_419] {strides = array<i32>} : memref<128x128xf32, #tpu.memory_space<vmem>>, vector<16xf32>,
        %mul3A_421 = arith.mulf %get3A_420, %broadcast_in_dim3A_378 : vector<16xf32>
        %swap3A_422 = arith.index_cast %add3A_382 : i32 to index
        %swap3A_423 = arith.constant 80 : index
        %swap3A_424 = tpu.vector_load %arg23[%swap3A_422, %swap3A_423] {strides = array<i32>} : memref<128x128xf32, #tpu.memory_space<vmem>>, vector<16xf32>,
        tpu.vector_store %arg23[%swap3A_422, %swap3A_423], %mul3A_421 {strides = array<i32>} : memref<128x128xf32, #tpu.memory_space<vmem>>, vector<16xf32>,
        %get3A_425 = arith.index_cast %add3A_382 : i32 to index
        %get3A_426 = arith.constant 96 : index
        %get3A_427 = tpu.vector_load %arg23[%get3A_425, %get3A_426] {strides = array<i32>} : memref<128x128xf32, #tpu.memory_space<vmem>>, vector<16xf32>,
        %mul3A_428 = arith.mulf %get3A_427, %broadcast_in_dim3A_378 : vector<16xf32>
        %swap3A_429 = arith.index_cast %add3A_382 : i32 to index
        %swap3A_430 = arith.constant 96 : index
        %swap3A_431 = tpu.vector_load %arg23[%swap3A_429, %swap3A_430] {strides = array<i32>} : memref<128x128xf32, #tpu.memory_space<vmem>>, vector<16xf32>,
        tpu.vector_store %arg23[%swap3A_429, %swap3A_430], %mul3A_428 {strides = array<i32>} : memref<128x128xf32, #tpu.memory_space<vmem>>, vector<16xf32>,
        %get3A_432 = arith.index_cast %add3A_382 : i32 to index
        %get3A_433 = arith.constant 112 : index
        %get3A_434 = tpu.vector_load %arg23[%get3A_432, %get3A_433] {strides = array<i32>} : memref<128x128xf32, #tpu.memory_space<vmem>>, vector<16xf32>,
        %mul3A_435 = arith.mulf %get3A_434, %broadcast_in_dim3A_378 : vector<16xf32>
        %swap3A_436 = arith.index_cast %add3A_382 : i32 to index
        %swap3A_437 = arith.constant 112 : index
        %swap3A_438 = tpu.vector_load %arg23[%swap3A_436, %swap3A_437] {strides = array<i32>} : memref<128x128xf32, #tpu.memory_space<vmem>>, vector<16xf32>,
        tpu.vector_store %arg23[%swap3A_436, %swap3A_437], %mul3A_435 {strides = array<i32>} : memref<128x128xf32, #tpu.memory_space<vmem>>, vector<16xf32>,
        %slice3A_439 = vector.extract_strided_slice %get3A_126 {offsets = [5], sizes = [1], strides = [1]} : vector<16xf32> to vector<1xf32>
        %squeeze3A_440 = vector.extract %slice3A_439[0] : f32 from vector<1xf32>
        %broadcast_in_dim3A_441 = vector.broadcast %squeeze3A_440 : f32 to vector<16xf32>
        %mul3A_442 = arith.constant 16 : i32
        %mul3A_443 = arith.muli %scan3A_120, %mul3A_442 : i32
        %add3A_444 = arith.constant 5 : i32
        %add3A_445 = arith.addi %mul3A_443, %add3A_444 : i32
        %get3A_446 = arith.index_cast %add3A_445 : i32 to index
        %get3A_447 = arith.constant 0 : index
        %get3A_448 = tpu.vector_load %arg23[%get3A_446, %get3A_447] {strides = array<i32>} : memref<128x128xf32, #tpu.memory_space<vmem>>, vector<16xf32>,
        %mul3A_449 = arith.mulf %get3A_448, %broadcast_in_dim3A_441 : vector<16xf32>
        %swap3A_450 = arith.index_cast %add3A_445 : i32 to index
        %swap3A_451 = arith.constant 0 : index
        %swap3A_452 = tpu.vector_load %arg23[%swap3A_450, %swap3A_451] {strides = array<i32>} : memref<128x128xf32, #tpu.memory_space<vmem>>, vector<16xf32>,
        tpu.vector_store %arg23[%swap3A_450, %swap3A_451], %mul3A_449 {strides = array<i32>} : memref<128x128xf32, #tpu.memory_space<vmem>>, vector<16xf32>,
        %get3A_453 = arith.index_cast %add3A_445 : i32 to index
        %get3A_454 = arith.constant 16 : index
        %get3A_455 = tpu.vector_load %arg23[%get3A_453, %get3A_454] {strides = array<i32>} : memref<128x128xf32, #tpu.memory_space<vmem>>, vector<16xf32>,
        %mul3A_456 = arith.mulf %get3A_455, %broadcast_in_dim3A_441 : vector<16xf32>
        %swap3A_457 = arith.index_cast %add3A_445 : i32 to index
        %swap3A_458 = arith.constant 16 : index
        %swap3A_459 = tpu.vector_load %arg23[%swap3A_457, %swap3A_458] {strides = array<i32>} : memref<128x128xf32, #tpu.memory_space<vmem>>, vector<16xf32>,
        tpu.vector_store %arg23[%swap3A_457, %swap3A_458], %mul3A_456 {strides = array<i32>} : memref<128x128xf32, #tpu.memory_space<vmem>>, vector<16xf32>,
        %get3A_460 = arith.index_cast %add3A_445 : i32 to index
        %get3A_461 = arith.constant 32 : index
        %get3A_462 = tpu.vector_load %arg23[%get3A_460, %get3A_461] {strides = array<i32>} : memref<128x128xf32, #tpu.memory_space<vmem>>, vector<16xf32>,
        %mul3A_463 = arith.mulf %get3A_462, %broadcast_in_dim3A_441 : vector<16xf32>
        %swap3A_464 = arith.index_cast %add3A_445 : i32 to index
        %swap3A_465 = arith.constant 32 : index
        %swap3A_466 = tpu.vector_load %arg23[%swap3A_464, %swap3A_465] {strides = array<i32>} : memref<128x128xf32, #tpu.memory_space<vmem>>, vector<16xf32>,
        tpu.vector_store %arg23[%swap3A_464, %swap3A_465], %mul3A_463 {strides = array<i32>} : memref<128x128xf32, #tpu.memory_space<vmem>>, vector<16xf32>,
        %get3A_467 = arith.index_cast %add3A_445 : i32 to index
        %get3A_468 = arith.constant 48 : index
        %get3A_469 = tpu.vector_load %arg23[%get3A_467, %get3A_468] {strides = array<i32>} : memref<128x128xf32, #tpu.memory_space<vmem>>, vector<16xf32>,
        %mul3A_470 = arith.mulf %get3A_469, %broadcast_in_dim3A_441 : vector<16xf32>
        %swap3A_471 = arith.index_cast %add3A_445 : i32 to index
        %swap3A_472 = arith.constant 48 : index
        %swap3A_473 = tpu.vector_load %arg23[%swap3A_471, %swap3A_472] {strides = array<i32>} : memref<128x128xf32, #tpu.memory_space<vmem>>, vector<16xf32>,
        tpu.vector_store %arg23[%swap3A_471, %swap3A_472], %mul3A_470 {strides = array<i32>} : memref<128x128xf32, #tpu.memory_space<vmem>>, vector<16xf32>,
        %get3A_474 = arith.index_cast %add3A_445 : i32 to index
        %get3A_475 = arith.constant 64 : index
        %get3A_476 = tpu.vector_load %arg23[%get3A_474, %get3A_475] {strides = array<i32>} : memref<128x128xf32, #tpu.memory_space<vmem>>, vector<16xf32>,
        %mul3A_477 = arith.mulf %get3A_476, %broadcast_in_dim3A_441 : vector<16xf32>
        %swap3A_478 = arith.index_cast %add3A_445 : i32 to index
        %swap3A_479 = arith.constant 64 : index
        %swap3A_480 = tpu.vector_load %arg23[%swap3A_478, %swap3A_479] {strides = array<i32>} : memref<128x128xf32, #tpu.memory_space<vmem>>, vector<16xf32>,
        tpu.vector_store %arg23[%swap3A_478, %swap3A_479], %mul3A_477 {strides = array<i32>} : memref<128x128xf32, #tpu.memory_space<vmem>>, vector<16xf32>,
        %get3A_481 = arith.index_cast %add3A_445 : i32 to index
        %get3A_482 = arith.constant 80 : index
        %get3A_483 = tpu.vector_load %arg23[%get3A_481, %get3A_482] {strides = array<i32>} : memref<128x128xf32, #tpu.memory_space<vmem>>, vector<16xf32>,
        %mul3A_484 = arith.mulf %get3A_483, %broadcast_in_dim3A_441 : vector<16xf32>
        %swap3A_485 = arith.index_cast %add3A_445 : i32 to index
        %swap3A_486 = arith.constant 80 : index
        %swap3A_487 = tpu.vector_load %arg23[%swap3A_485, %swap3A_486] {strides = array<i32>} : memref<128x128xf32, #tpu.memory_space<vmem>>, vector<16xf32>,
        tpu.vector_store %arg23[%swap3A_485, %swap3A_486], %mul3A_484 {strides = array<i32>} : memref<128x128xf32, #tpu.memory_space<vmem>>, vector<16xf32>,
        %get3A_488 = arith.index_cast %add3A_445 : i32 to index
        %get3A_489 = arith.constant 96 : index
        %get3A_490 = tpu.vector_load %arg23[%get3A_488, %get3A_489] {strides = array<i32>} : memref<128x128xf32, #tpu.memory_space<vmem>>, vector<16xf32>,
        %mul3A_491 = arith.mulf %get3A_490, %broadcast_in_dim3A_441 : vector<16xf32>
        %swap3A_492 = arith.index_cast %add3A_445 : i32 to index
        %swap3A_493 = arith.constant 96 : index
        %swap3A_494 = tpu.vector_load %arg23[%swap3A_492, %swap3A_493] {strides = array<i32>} : memref<128x128xf32, #tpu.memory_space<vmem>>, vector<16xf32>,
        tpu.vector_store %arg23[%swap3A_492, %swap3A_493], %mul3A_491 {strides = array<i32>} : memref<128x128xf32, #tpu.memory_space<vmem>>, vector<16xf32>,
        %get3A_495 = arith.index_cast %add3A_445 : i32 to index
        %get3A_496 = arith.constant 112 : index
        %get3A_497 = tpu.vector_load %arg23[%get3A_495, %get3A_496] {strides = array<i32>} : memref<128x128xf32, #tpu.memory_space<vmem>>, vector<16xf32>,
        %mul3A_498 = arith.mulf %get3A_497, %broadcast_in_dim3A_441 : vector<16xf32>
        %swap3A_499 = arith.index_cast %add3A_445 : i32 to index
        %swap3A_500 = arith.constant 112 : index
        %swap3A_501 = tpu.vector_load %arg23[%swap3A_499, %swap3A_500] {strides = array<i32>} : memref<128x128xf32, #tpu.memory_space<vmem>>, vector<16xf32>,
        tpu.vector_store %arg23[%swap3A_499, %swap3A_500], %mul3A_498 {strides = array<i32>} : memref<128x128xf32, #tpu.memory_space<vmem>>, vector<16xf32>,
        %slice3A_502 = vector.extract_strided_slice %get3A_126 {offsets = [6], sizes = [1], strides = [1]} : vector<16xf32> to vector<1xf32>
        %squeeze3A_503 = vector.extract %slice3A_502[0] : f32 from vector<1xf32>
        %broadcast_in_dim3A_504 = vector.broadcast %squeeze3A_503 : f32 to vector<16xf32>
        %mul3A_505 = arith.constant 16 : i32
        %mul3A_506 = arith.muli %scan3A_120, %mul3A_505 : i32
        %add3A_507 = arith.constant 6 : i32
        %add3A_508 = arith.addi %mul3A_506, %add3A_507 : i32
        %get3A_509 = arith.index_cast %add3A_508 : i32 to index
        %get3A_510 = arith.constant 0 : index
        %get3A_511 = tpu.vector_load %arg23[%get3A_509, %get3A_510] {strides = array<i32>} : memref<128x128xf32, #tpu.memory_space<vmem>>, vector<16xf32>,
        %mul3A_512 = arith.mulf %get3A_511, %broadcast_in_dim3A_504 : vector<16xf32>
        %swap3A_513 = arith.index_cast %add3A_508 : i32 to index
        %swap3A_514 = arith.constant 0 : index
        %swap3A_515 = tpu.vector_load %arg23[%swap3A_513, %swap3A_514] {strides = array<i32>} : memref<128x128xf32, #tpu.memory_space<vmem>>, vector<16xf32>,
        tpu.vector_store %arg23[%swap3A_513, %swap3A_514], %mul3A_512 {strides = array<i32>} : memref<128x128xf32, #tpu.memory_space<vmem>>, vector<16xf32>,
        %get3A_516 = arith.index_cast %add3A_508 : i32 to index
        %get3A_517 = arith.constant 16 : index
        %get3A_518 = tpu.vector_load %arg23[%get3A_516, %get3A_517] {strides = array<i32>} : memref<128x128xf32, #tpu.memory_space<vmem>>, vector<16xf32>,
        %mul3A_519 = arith.mulf %get3A_518, %broadcast_in_dim3A_504 : vector<16xf32>
        %swap3A_520 = arith.index_cast %add3A_508 : i32 to index
        %swap3A_521 = arith.constant 16 : index
        %swap3A_522 = tpu.vector_load %arg23[%swap3A_520, %swap3A_521] {strides = array<i32>} : memref<128x128xf32, #tpu.memory_space<vmem>>, vector<16xf32>,
        tpu.vector_store %arg23[%swap3A_520, %swap3A_521], %mul3A_519 {strides = array<i32>} : memref<128x128xf32, #tpu.memory_space<vmem>>, vector<16xf32>,
        %get3A_523 = arith.index_cast %add3A_508 : i32 to index
        %get3A_524 = arith.constant 32 : index
        %get3A_525 = tpu.vector_load %arg23[%get3A_523, %get3A_524] {strides = array<i32>} : memref<128x128xf32, #tpu.memory_space<vmem>>, vector<16xf32>,
        %mul3A_526 = arith.mulf %get3A_525, %broadcast_in_dim3A_504 : vector<16xf32>
        %swap3A_527 = arith.index_cast %add3A_508 : i32 to index
        %swap3A_528 = arith.constant 32 : index
        %swap3A_529 = tpu.vector_load %arg23[%swap3A_527, %swap3A_528] {strides = array<i32>} : memref<128x128xf32, #tpu.memory_space<vmem>>, vector<16xf32>,
        tpu.vector_store %arg23[%swap3A_527, %swap3A_528], %mul3A_526 {strides = array<i32>} : memref<128x128xf32, #tpu.memory_space<vmem>>, vector<16xf32>,
        %get3A_530 = arith.index_cast %add3A_508 : i32 to index
        %get3A_531 = arith.constant 48 : index
        %get3A_532 = tpu.vector_load %arg23[%get3A_530, %get3A_531] {strides = array<i32>} : memref<128x128xf32, #tpu.memory_space<vmem>>, vector<16xf32>,
        %mul3A_533 = arith.mulf %get3A_532, %broadcast_in_dim3A_504 : vector<16xf32>
        %swap3A_534 = arith.index_cast %add3A_508 : i32 to index
        %swap3A_535 = arith.constant 48 : index
        %swap3A_536 = tpu.vector_load %arg23[%swap3A_534, %swap3A_535] {strides = array<i32>} : memref<128x128xf32, #tpu.memory_space<vmem>>, vector<16xf32>,
        tpu.vector_store %arg23[%swap3A_534, %swap3A_535], %mul3A_533 {strides = array<i32>} : memref<128x128xf32, #tpu.memory_space<vmem>>, vector<16xf32>,
        %get3A_537 = arith.index_cast %add3A_508 : i32 to index
        %get3A_538 = arith.constant 64 : index
        %get3A_539 = tpu.vector_load %arg23[%get3A_537, %get3A_538] {strides = array<i32>} : memref<128x128xf32, #tpu.memory_space<vmem>>, vector<16xf32>,
        %mul3A_540 = arith.mulf %get3A_539, %broadcast_in_dim3A_504 : vector<16xf32>
        %swap3A_541 = arith.index_cast %add3A_508 : i32 to index
        %swap3A_542 = arith.constant 64 : index
        %swap3A_543 = tpu.vector_load %arg23[%swap3A_541, %swap3A_542] {strides = array<i32>} : memref<128x128xf32, #tpu.memory_space<vmem>>, vector<16xf32>,
        tpu.vector_store %arg23[%swap3A_541, %swap3A_542], %mul3A_540 {strides = array<i32>} : memref<128x128xf32, #tpu.memory_space<vmem>>, vector<16xf32>,
        %get3A_544 = arith.index_cast %add3A_508 : i32 to index
        %get3A_545 = arith.constant 80 : index
        %get3A_546 = tpu.vector_load %arg23[%get3A_544, %get3A_545] {strides = array<i32>} : memref<128x128xf32, #tpu.memory_space<vmem>>, vector<16xf32>,
        %mul3A_547 = arith.mulf %get3A_546, %broadcast_in_dim3A_504 : vector<16xf32>
        %swap3A_548 = arith.index_cast %add3A_508 : i32 to index
        %swap3A_549 = arith.constant 80 : index
        %swap3A_550 = tpu.vector_load %arg23[%swap3A_548, %swap3A_549] {strides = array<i32>} : memref<128x128xf32, #tpu.memory_space<vmem>>, vector<16xf32>,
        tpu.vector_store %arg23[%swap3A_548, %swap3A_549], %mul3A_547 {strides = array<i32>} : memref<128x128xf32, #tpu.memory_space<vmem>>, vector<16xf32>,
        %get3A_551 = arith.index_cast %add3A_508 : i32 to index
        %get3A_552 = arith.constant 96 : index
        %get3A_553 = tpu.vector_load %arg23[%get3A_551, %get3A_552] {strides = array<i32>} : memref<128x128xf32, #tpu.memory_space<vmem>>, vector<16xf32>,
        %mul3A_554 = arith.mulf %get3A_553, %broadcast_in_dim3A_504 : vector<16xf32>
        %swap3A_555 = arith.index_cast %add3A_508 : i32 to index
        %swap3A_556 = arith.constant 96 : index
        %swap3A_557 = tpu.vector_load %arg23[%swap3A_555, %swap3A_556] {strides = array<i32>} : memref<128x128xf32, #tpu.memory_space<vmem>>, vector<16xf32>,
        tpu.vector_store %arg23[%swap3A_555, %swap3A_556], %mul3A_554 {strides = array<i32>} : memref<128x128xf32, #tpu.memory_space<vmem>>, vector<16xf32>,
        %get3A_558 = arith.index_cast %add3A_508 : i32 to index
        %get3A_559 = arith.constant 112 : index
        %get3A_560 = tpu.vector_load %arg23[%get3A_558, %get3A_559] {strides = array<i32>} : memref<128x128xf32, #tpu.memory_space<vmem>>, vector<16xf32>,
        %mul3A_561 = arith.mulf %get3A_560, %broadcast_in_dim3A_504 : vector<16xf32>
        %swap3A_562 = arith.index_cast %add3A_508 : i32 to index
        %swap3A_563 = arith.constant 112 : index
        %swap3A_564 = tpu.vector_load %arg23[%swap3A_562, %swap3A_563] {strides = array<i32>} : memref<128x128xf32, #tpu.memory_space<vmem>>, vector<16xf32>,
        tpu.vector_store %arg23[%swap3A_562, %swap3A_563], %mul3A_561 {strides = array<i32>} : memref<128x128xf32, #tpu.memory_space<vmem>>, vector<16xf32>,
        %slice3A_565 = vector.extract_strided_slice %get3A_126 {offsets = [7], sizes = [1], strides = [1]} : vector<16xf32> to vector<1xf32>
        %squeeze3A_566 = vector.extract %slice3A_565[0] : f32 from vector<1xf32>
        %broadcast_in_dim3A_567 = vector.broadcast %squeeze3A_566 : f32 to vector<16xf32>
        %mul3A_568 = arith.constant 16 : i32
        %mul3A_569 = arith.muli %scan3A_120, %mul3A_568 : i32
        %add3A_570 = arith.constant 7 : i32
        %add3A_571 = arith.addi %mul3A_569, %add3A_570 : i32
        %get3A_572 = arith.index_cast %add3A_571 : i32 to index
        %get3A_573 = arith.constant 0 : index
        %get3A_574 = tpu.vector_load %arg23[%get3A_572, %get3A_573] {strides = array<i32>} : memref<128x128xf32, #tpu.memory_space<vmem>>, vector<16xf32>,
        %mul3A_575 = arith.mulf %get3A_574, %broadcast_in_dim3A_567 : vector<16xf32>
        %swap3A_576 = arith.index_cast %add3A_571 : i32 to index
        %swap3A_577 = arith.constant 0 : index
        %swap3A_578 = tpu.vector_load %arg23[%swap3A_576, %swap3A_577] {strides = array<i32>} : memref<128x128xf32, #tpu.memory_space<vmem>>, vector<16xf32>,
        tpu.vector_store %arg23[%swap3A_576, %swap3A_577], %mul3A_575 {strides = array<i32>} : memref<128x128xf32, #tpu.memory_space<vmem>>, vector<16xf32>,
        %get3A_579 = arith.index_cast %add3A_571 : i32 to index
        %get3A_580 = arith.constant 16 : index
        %get3A_581 = tpu.vector_load %arg23[%get3A_579, %get3A_580] {strides = array<i32>} : memref<128x128xf32, #tpu.memory_space<vmem>>, vector<16xf32>,
        %mul3A_582 = arith.mulf %get3A_581, %broadcast_in_dim3A_567 : vector<16xf32>
        %swap3A_583 = arith.index_cast %add3A_571 : i32 to index
        %swap3A_584 = arith.constant 16 : index
        %swap3A_585 = tpu.vector_load %arg23[%swap3A_583, %swap3A_584] {strides = array<i32>} : memref<128x128xf32, #tpu.memory_space<vmem>>, vector<16xf32>,
        tpu.vector_store %arg23[%swap3A_583, %swap3A_584], %mul3A_582 {strides = array<i32>} : memref<128x128xf32, #tpu.memory_space<vmem>>, vector<16xf32>,
        %get3A_586 = arith.index_cast %add3A_571 : i32 to index
        %get3A_587 = arith.constant 32 : index
        %get3A_588 = tpu.vector_load %arg23[%get3A_586, %get3A_587] {strides = array<i32>} : memref<128x128xf32, #tpu.memory_space<vmem>>, vector<16xf32>,
        %mul3A_589 = arith.mulf %get3A_588, %broadcast_in_dim3A_567 : vector<16xf32>
        %swap3A_590 = arith.index_cast %add3A_571 : i32 to index
        %swap3A_591 = arith.constant 32 : index
        %swap3A_592 = tpu.vector_load %arg23[%swap3A_590, %swap3A_591] {strides = array<i32>} : memref<128x128xf32, #tpu.memory_space<vmem>>, vector<16xf32>,
        tpu.vector_store %arg23[%swap3A_590, %swap3A_591], %mul3A_589 {strides = array<i32>} : memref<128x128xf32, #tpu.memory_space<vmem>>, vector<16xf32>,
        %get3A_593 = arith.index_cast %add3A_571 : i32 to index
        %get3A_594 = arith.constant 48 : index
        %get3A_595 = tpu.vector_load %arg23[%get3A_593, %get3A_594] {strides = array<i32>} : memref<128x128xf32, #tpu.memory_space<vmem>>, vector<16xf32>,
        %mul3A_596 = arith.mulf %get3A_595, %broadcast_in_dim3A_567 : vector<16xf32>
        %swap3A_597 = arith.index_cast %add3A_571 : i32 to index
        %swap3A_598 = arith.constant 48 : index
        %swap3A_599 = tpu.vector_load %arg23[%swap3A_597, %swap3A_598] {strides = array<i32>} : memref<128x128xf32, #tpu.memory_space<vmem>>, vector<16xf32>,
        tpu.vector_store %arg23[%swap3A_597, %swap3A_598], %mul3A_596 {strides = array<i32>} : memref<128x128xf32, #tpu.memory_space<vmem>>, vector<16xf32>,
        %get3A_600 = arith.index_cast %add3A_571 : i32 to index
        %get3A_601 = arith.constant 64 : index
        %get3A_602 = tpu.vector_load %arg23[%get3A_600, %get3A_601] {strides = array<i32>} : memref<128x128xf32, #tpu.memory_space<vmem>>, vector<16xf32>,
        %mul3A_603 = arith.mulf %get3A_602, %broadcast_in_dim3A_567 : vector<16xf32>
        %swap3A_604 = arith.index_cast %add3A_571 : i32 to index
        %swap3A_605 = arith.constant 64 : index
        %swap3A_606 = tpu.vector_load %arg23[%swap3A_604, %swap3A_605] {strides = array<i32>} : memref<128x128xf32, #tpu.memory_space<vmem>>, vector<16xf32>,
        tpu.vector_store %arg23[%swap3A_604, %swap3A_605], %mul3A_603 {strides = array<i32>} : memref<128x128xf32, #tpu.memory_space<vmem>>, vector<16xf32>,
        %get3A_607 = arith.index_cast %add3A_571 : i32 to index
        %get3A_608 = arith.constant 80 : index
        %get3A_609 = tpu.vector_load %arg23[%get3A_607, %get3A_608] {strides = array<i32>} : memref<128x128xf32, #tpu.memory_space<vmem>>, vector<16xf32>,
        %mul3A_610 = arith.mulf %get3A_609, %broadcast_in_dim3A_567 : vector<16xf32>
        %swap3A_611 = arith.index_cast %add3A_571 : i32 to index
        %swap3A_612 = arith.constant 80 : index
        %swap3A_613 = tpu.vector_load %arg23[%swap3A_611, %swap3A_612] {strides = array<i32>} : memref<128x128xf32, #tpu.memory_space<vmem>>, vector<16xf32>,
        tpu.vector_store %arg23[%swap3A_611, %swap3A_612], %mul3A_610 {strides = array<i32>} : memref<128x128xf32, #tpu.memory_space<vmem>>, vector<16xf32>,
        %get3A_614 = arith.index_cast %add3A_571 : i32 to index
        %get3A_615 = arith.constant 96 : index
        %get3A_616 = tpu.vector_load %arg23[%get3A_614, %get3A_615] {strides = array<i32>} : memref<128x128xf32, #tpu.memory_space<vmem>>, vector<16xf32>,
        %mul3A_617 = arith.mulf %get3A_616, %broadcast_in_dim3A_567 : vector<16xf32>
        %swap3A_618 = arith.index_cast %add3A_571 : i32 to index
        %swap3A_619 = arith.constant 96 : index
        %swap3A_620 = tpu.vector_load %arg23[%swap3A_618, %swap3A_619] {strides = array<i32>} : memref<128x128xf32, #tpu.memory_space<vmem>>, vector<16xf32>,
        tpu.vector_store %arg23[%swap3A_618, %swap3A_619], %mul3A_617 {strides = array<i32>} : memref<128x128xf32, #tpu.memory_space<vmem>>, vector<16xf32>,
        %get3A_621 = arith.index_cast %add3A_571 : i32 to index
        %get3A_622 = arith.constant 112 : index
        %get3A_623 = tpu.vector_load %arg23[%get3A_621, %get3A_622] {strides = array<i32>} : memref<128x128xf32, #tpu.memory_space<vmem>>, vector<16xf32>,
        %mul3A_624 = arith.mulf %get3A_623, %broadcast_in_dim3A_567 : vector<16xf32>
        %swap3A_625 = arith.index_cast %add3A_571 : i32 to index
        %swap3A_626 = arith.constant 112 : index
        %swap3A_627 = tpu.vector_load %arg23[%swap3A_625, %swap3A_626] {strides = array<i32>} : memref<128x128xf32, #tpu.memory_space<vmem>>, vector<16xf32>,
        tpu.vector_store %arg23[%swap3A_625, %swap3A_626], %mul3A_624 {strides = array<i32>} : memref<128x128xf32, #tpu.memory_space<vmem>>, vector<16xf32>,
        %slice3A_628 = vector.extract_strided_slice %get3A_126 {offsets = [8], sizes = [1], strides = [1]} : vector<16xf32> to vector<1xf32>
        %squeeze3A_629 = vector.extract %slice3A_628[0] : f32 from vector<1xf32>
        %broadcast_in_dim3A_630 = vector.broadcast %squeeze3A_629 : f32 to vector<16xf32>
        %mul3A_631 = arith.constant 16 : i32
        %mul3A_632 = arith.muli %scan3A_120, %mul3A_631 : i32
        %add3A_633 = arith.constant 8 : i32
        %add3A_634 = arith.addi %mul3A_632, %add3A_633 : i32
        %get3A_635 = arith.index_cast %add3A_634 : i32 to index
        %get3A_636 = arith.constant 0 : index
        %get3A_637 = tpu.vector_load %arg23[%get3A_635, %get3A_636] {strides = array<i32>} : memref<128x128xf32, #tpu.memory_space<vmem>>, vector<16xf32>,
        %mul3A_638 = arith.mulf %get3A_637, %broadcast_in_dim3A_630 : vector<16xf32>
        %swap3A_639 = arith.index_cast %add3A_634 : i32 to index
        %swap3A_640 = arith.constant 0 : index
        %swap3A_641 = tpu.vector_load %arg23[%swap3A_639, %swap3A_640] {strides = array<i32>} : memref<128x128xf32, #tpu.memory_space<vmem>>, vector<16xf32>,
        tpu.vector_store %arg23[%swap3A_639, %swap3A_640], %mul3A_638 {strides = array<i32>} : memref<128x128xf32, #tpu.memory_space<vmem>>, vector<16xf32>,
        %get3A_642 = arith.index_cast %add3A_634 : i32 to index
        %get3A_643 = arith.constant 16 : index
        %get3A_644 = tpu.vector_load %arg23[%get3A_642, %get3A_643] {strides = array<i32>} : memref<128x128xf32, #tpu.memory_space<vmem>>, vector<16xf32>,
        %mul3A_645 = arith.mulf %get3A_644, %broadcast_in_dim3A_630 : vector<16xf32>
        %swap3A_646 = arith.index_cast %add3A_634 : i32 to index
        %swap3A_647 = arith.constant 16 : index
        %swap3A_648 = tpu.vector_load %arg23[%swap3A_646, %swap3A_647] {strides = array<i32>} : memref<128x128xf32, #tpu.memory_space<vmem>>, vector<16xf32>,
        tpu.vector_store %arg23[%swap3A_646, %swap3A_647], %mul3A_645 {strides = array<i32>} : memref<128x128xf32, #tpu.memory_space<vmem>>, vector<16xf32>,
        %get3A_649 = arith.index_cast %add3A_634 : i32 to index
        %get3A_650 = arith.constant 32 : index
        %get3A_651 = tpu.vector_load %arg23[%get3A_649, %get3A_650] {strides = array<i32>} : memref<128x128xf32, #tpu.memory_space<vmem>>, vector<16xf32>,
        %mul3A_652 = arith.mulf %get3A_651, %broadcast_in_dim3A_630 : vector<16xf32>
        %swap3A_653 = arith.index_cast %add3A_634 : i32 to index
        %swap3A_654 = arith.constant 32 : index
        %swap3A_655 = tpu.vector_load %arg23[%swap3A_653, %swap3A_654] {strides = array<i32>} : memref<128x128xf32, #tpu.memory_space<vmem>>, vector<16xf32>,
        tpu.vector_store %arg23[%swap3A_653, %swap3A_654], %mul3A_652 {strides = array<i32>} : memref<128x128xf32, #tpu.memory_space<vmem>>, vector<16xf32>,
        %get3A_656 = arith.index_cast %add3A_634 : i32 to index
        %get3A_657 = arith.constant 48 : index
        %get3A_658 = tpu.vector_load %arg23[%get3A_656, %get3A_657] {strides = array<i32>} : memref<128x128xf32, #tpu.memory_space<vmem>>, vector<16xf32>,
        %mul3A_659 = arith.mulf %get3A_658, %broadcast_in_dim3A_630 : vector<16xf32>
        %swap3A_660 = arith.index_cast %add3A_634 : i32 to index
        %swap3A_661 = arith.constant 48 : index
        %swap3A_662 = tpu.vector_load %arg23[%swap3A_660, %swap3A_661] {strides = array<i32>} : memref<128x128xf32, #tpu.memory_space<vmem>>, vector<16xf32>,
        tpu.vector_store %arg23[%swap3A_660, %swap3A_661], %mul3A_659 {strides = array<i32>} : memref<128x128xf32, #tpu.memory_space<vmem>>, vector<16xf32>,
        %get3A_663 = arith.index_cast %add3A_634 : i32 to index
        %get3A_664 = arith.constant 64 : index
        %get3A_665 = tpu.vector_load %arg23[%get3A_663, %get3A_664] {strides = array<i32>} : memref<128x128xf32, #tpu.memory_space<vmem>>, vector<16xf32>,
        %mul3A_666 = arith.mulf %get3A_665, %broadcast_in_dim3A_630 : vector<16xf32>
        %swap3A_667 = arith.index_cast %add3A_634 : i32 to index
        %swap3A_668 = arith.constant 64 : index
        %swap3A_669 = tpu.vector_load %arg23[%swap3A_667, %swap3A_668] {strides = array<i32>} : memref<128x128xf32, #tpu.memory_space<vmem>>, vector<16xf32>,
        tpu.vector_store %arg23[%swap3A_667, %swap3A_668], %mul3A_666 {strides = array<i32>} : memref<128x128xf32, #tpu.memory_space<vmem>>, vector<16xf32>,
        %get3A_670 = arith.index_cast %add3A_634 : i32 to index
        %get3A_671 = arith.constant 80 : index
        %get3A_672 = tpu.vector_load %arg23[%get3A_670, %get3A_671] {strides = array<i32>} : memref<128x128xf32, #tpu.memory_space<vmem>>, vector<16xf32>,
        %mul3A_673 = arith.mulf %get3A_672, %broadcast_in_dim3A_630 : vector<16xf32>
        %swap3A_674 = arith.index_cast %add3A_634 : i32 to index
        %swap3A_675 = arith.constant 80 : index
        %swap3A_676 = tpu.vector_load %arg23[%swap3A_674, %swap3A_675] {strides = array<i32>} : memref<128x128xf32, #tpu.memory_space<vmem>>, vector<16xf32>,
        tpu.vector_store %arg23[%swap3A_674, %swap3A_675], %mul3A_673 {strides = array<i32>} : memref<128x128xf32, #tpu.memory_space<vmem>>, vector<16xf32>,
        %get3A_677 = arith.index_cast %add3A_634 : i32 to index
        %get3A_678 = arith.constant 96 : index
        %get3A_679 = tpu.vector_load %arg23[%get3A_677, %get3A_678] {strides = array<i32>} : memref<128x128xf32, #tpu.memory_space<vmem>>, vector<16xf32>,
        %mul3A_680 = arith.mulf %get3A_679, %broadcast_in_dim3A_630 : vector<16xf32>
        %swap3A_681 = arith.index_cast %add3A_634 : i32 to index
        %swap3A_682 = arith.constant 96 : index
        %swap3A_683 = tpu.vector_load %arg23[%swap3A_681, %swap3A_682] {strides = array<i32>} : memref<128x128xf32, #tpu.memory_space<vmem>>, vector<16xf32>,
        tpu.vector_store %arg23[%swap3A_681, %swap3A_682], %mul3A_680 {strides = array<i32>} : memref<128x128xf32, #tpu.memory_space<vmem>>, vector<16xf32>,
        %get3A_684 = arith.index_cast %add3A_634 : i32 to index
        %get3A_685 = arith.constant 112 : index
        %get3A_686 = tpu.vector_load %arg23[%get3A_684, %get3A_685] {strides = array<i32>} : memref<128x128xf32, #tpu.memory_space<vmem>>, vector<16xf32>,
        %mul3A_687 = arith.mulf %get3A_686, %broadcast_in_dim3A_630 : vector<16xf32>
        %swap3A_688 = arith.index_cast %add3A_634 : i32 to index
        %swap3A_689 = arith.constant 112 : index
        %swap3A_690 = tpu.vector_load %arg23[%swap3A_688, %swap3A_689] {strides = array<i32>} : memref<128x128xf32, #tpu.memory_space<vmem>>, vector<16xf32>,
        tpu.vector_store %arg23[%swap3A_688, %swap3A_689], %mul3A_687 {strides = array<i32>} : memref<128x128xf32, #tpu.memory_space<vmem>>, vector<16xf32>,
        %slice3A_691 = vector.extract_strided_slice %get3A_126 {offsets = [9], sizes = [1], strides = [1]} : vector<16xf32> to vector<1xf32>
        %squeeze3A_692 = vector.extract %slice3A_691[0] : f32 from vector<1xf32>
        %broadcast_in_dim3A_693 = vector.broadcast %squeeze3A_692 : f32 to vector<16xf32>
        %mul3A_694 = arith.constant 16 : i32
        %mul3A_695 = arith.muli %scan3A_120, %mul3A_694 : i32
        %add3A_696 = arith.constant 9 : i32
        %add3A_697 = arith.addi %mul3A_695, %add3A_696 : i32
        %get3A_698 = arith.index_cast %add3A_697 : i32 to index
        %get3A_699 = arith.constant 0 : index
        %get3A_700 = tpu.vector_load %arg23[%get3A_698, %get3A_699] {strides = array<i32>} : memref<128x128xf32, #tpu.memory_space<vmem>>, vector<16xf32>,
        %mul3A_701 = arith.mulf %get3A_700, %broadcast_in_dim3A_693 : vector<16xf32>
        %swap3A_702 = arith.index_cast %add3A_697 : i32 to index
        %swap3A_703 = arith.constant 0 : index
        %swap3A_704 = tpu.vector_load %arg23[%swap3A_702, %swap3A_703] {strides = array<i32>} : memref<128x128xf32, #tpu.memory_space<vmem>>, vector<16xf32>,
        tpu.vector_store %arg23[%swap3A_702, %swap3A_703], %mul3A_701 {strides = array<i32>} : memref<128x128xf32, #tpu.memory_space<vmem>>, vector<16xf32>,
        %get3A_705 = arith.index_cast %add3A_697 : i32 to index
        %get3A_706 = arith.constant 16 : index
        %get3A_707 = tpu.vector_load %arg23[%get3A_705, %get3A_706] {strides = array<i32>} : memref<128x128xf32, #tpu.memory_space<vmem>>, vector<16xf32>,
        %mul3A_708 = arith.mulf %get3A_707, %broadcast_in_dim3A_693 : vector<16xf32>
        %swap3A_709 = arith.index_cast %add3A_697 : i32 to index
        %swap3A_710 = arith.constant 16 : index
        %swap3A_711 = tpu.vector_load %arg23[%swap3A_709, %swap3A_710] {strides = array<i32>} : memref<128x128xf32, #tpu.memory_space<vmem>>, vector<16xf32>,
        tpu.vector_store %arg23[%swap3A_709, %swap3A_710], %mul3A_708 {strides = array<i32>} : memref<128x128xf32, #tpu.memory_space<vmem>>, vector<16xf32>,
        %get3A_712 = arith.index_cast %add3A_697 : i32 to index
        %get3A_713 = arith.constant 32 : index
        %get3A_714 = tpu.vector_load %arg23[%get3A_712, %get3A_713] {strides = array<i32>} : memref<128x128xf32, #tpu.memory_space<vmem>>, vector<16xf32>,
        %mul3A_715 = arith.mulf %get3A_714, %broadcast_in_dim3A_693 : vector<16xf32>
        %swap3A_716 = arith.index_cast %add3A_697 : i32 to index
        %swap3A_717 = arith.constant 32 : index
        %swap3A_718 = tpu.vector_load %arg23[%swap3A_716, %swap3A_717] {strides = array<i32>} : memref<128x128xf32, #tpu.memory_space<vmem>>, vector<16xf32>,
        tpu.vector_store %arg23[%swap3A_716, %swap3A_717], %mul3A_715 {strides = array<i32>} : memref<128x128xf32, #tpu.memory_space<vmem>>, vector<16xf32>,
        %get3A_719 = arith.index_cast %add3A_697 : i32 to index
        %get3A_720 = arith.constant 48 : index
        %get3A_721 = tpu.vector_load %arg23[%get3A_719, %get3A_720] {strides = array<i32>} : memref<128x128xf32, #tpu.memory_space<vmem>>, vector<16xf32>,
        %mul3A_722 = arith.mulf %get3A_721, %broadcast_in_dim3A_693 : vector<16xf32>
        %swap3A_723 = arith.index_cast %add3A_697 : i32 to index
        %swap3A_724 = arith.constant 48 : index
        %swap3A_725 = tpu.vector_load %arg23[%swap3A_723, %swap3A_724] {strides = array<i32>} : memref<128x128xf32, #tpu.memory_space<vmem>>, vector<16xf32>,
        tpu.vector_store %arg23[%swap3A_723, %swap3A_724], %mul3A_722 {strides = array<i32>} : memref<128x128xf32, #tpu.memory_space<vmem>>, vector<16xf32>,
        %get3A_726 = arith.index_cast %add3A_697 : i32 to index
        %get3A_727 = arith.constant 64 : index
        %get3A_728 = tpu.vector_load %arg23[%get3A_726, %get3A_727] {strides = array<i32>} : memref<128x128xf32, #tpu.memory_space<vmem>>, vector<16xf32>,
        %mul3A_729 = arith.mulf %get3A_728, %broadcast_in_dim3A_693 : vector<16xf32>
        %swap3A_730 = arith.index_cast %add3A_697 : i32 to index
        %swap3A_731 = arith.constant 64 : index
        %swap3A_732 = tpu.vector_load %arg23[%swap3A_730, %swap3A_731] {strides = array<i32>} : memref<128x128xf32, #tpu.memory_space<vmem>>, vector<16xf32>,
        tpu.vector_store %arg23[%swap3A_730, %swap3A_731], %mul3A_729 {strides = array<i32>} : memref<128x128xf32, #tpu.memory_space<vmem>>, vector<16xf32>,
        %get3A_733 = arith.index_cast %add3A_697 : i32 to index
        %get3A_734 = arith.constant 80 : index
        %get3A_735 = tpu.vector_load %arg23[%get3A_733, %get3A_734] {strides = array<i32>} : memref<128x128xf32, #tpu.memory_space<vmem>>, vector<16xf32>,
        %mul3A_736 = arith.mulf %get3A_735, %broadcast_in_dim3A_693 : vector<16xf32>
        %swap3A_737 = arith.index_cast %add3A_697 : i32 to index
        %swap3A_738 = arith.constant 80 : index
        %swap3A_739 = tpu.vector_load %arg23[%swap3A_737, %swap3A_738] {strides = array<i32>} : memref<128x128xf32, #tpu.memory_space<vmem>>, vector<16xf32>,
        tpu.vector_store %arg23[%swap3A_737, %swap3A_738], %mul3A_736 {strides = array<i32>} : memref<128x128xf32, #tpu.memory_space<vmem>>, vector<16xf32>,
        %get3A_740 = arith.index_cast %add3A_697 : i32 to index
        %get3A_741 = arith.constant 96 : index
        %get3A_742 = tpu.vector_load %arg23[%get3A_740, %get3A_741] {strides = array<i32>} : memref<128x128xf32, #tpu.memory_space<vmem>>, vector<16xf32>,
        %mul3A_743 = arith.mulf %get3A_742, %broadcast_in_dim3A_693 : vector<16xf32>
        %swap3A_744 = arith.index_cast %add3A_697 : i32 to index
        %swap3A_745 = arith.constant 96 : index
        %swap3A_746 = tpu.vector_load %arg23[%swap3A_744, %swap3A_745] {strides = array<i32>} : memref<128x128xf32, #tpu.memory_space<vmem>>, vector<16xf32>,
        tpu.vector_store %arg23[%swap3A_744, %swap3A_745], %mul3A_743 {strides = array<i32>} : memref<128x128xf32, #tpu.memory_space<vmem>>, vector<16xf32>,
        %get3A_747 = arith.index_cast %add3A_697 : i32 to index
        %get3A_748 = arith.constant 112 : index
        %get3A_749 = tpu.vector_load %arg23[%get3A_747, %get3A_748] {strides = array<i32>} : memref<128x128xf32, #tpu.memory_space<vmem>>, vector<16xf32>,
        %mul3A_750 = arith.mulf %get3A_749, %broadcast_in_dim3A_693 : vector<16xf32>
        %swap3A_751 = arith.index_cast %add3A_697 : i32 to index
        %swap3A_752 = arith.constant 112 : index
        %swap3A_753 = tpu.vector_load %arg23[%swap3A_751, %swap3A_752] {strides = array<i32>} : memref<128x128xf32, #tpu.memory_space<vmem>>, vector<16xf32>,
        tpu.vector_store %arg23[%swap3A_751, %swap3A_752], %mul3A_750 {strides = array<i32>} : memref<128x128xf32, #tpu.memory_space<vmem>>, vector<16xf32>,
        %slice3A_754 = vector.extract_strided_slice %get3A_126 {offsets = [10], sizes = [1], strides = [1]} : vector<16xf32> to vector<1xf32>
        %squeeze3A_755 = vector.extract %slice3A_754[0] : f32 from vector<1xf32>
        %broadcast_in_dim3A_756 = vector.broadcast %squeeze3A_755 : f32 to vector<16xf32>
        %mul3A_757 = arith.constant 16 : i32
        %mul3A_758 = arith.muli %scan3A_120, %mul3A_757 : i32
        %add3A_759 = arith.constant 10 : i32
        %add3A_760 = arith.addi %mul3A_758, %add3A_759 : i32
        %get3A_761 = arith.index_cast %add3A_760 : i32 to index
        %get3A_762 = arith.constant 0 : index
        %get3A_763 = tpu.vector_load %arg23[%get3A_761, %get3A_762] {strides = array<i32>} : memref<128x128xf32, #tpu.memory_space<vmem>>, vector<16xf32>,
        %mul3A_764 = arith.mulf %get3A_763, %broadcast_in_dim3A_756 : vector<16xf32>
        %swap3A_765 = arith.index_cast %add3A_760 : i32 to index
        %swap3A_766 = arith.constant 0 : index
        %swap3A_767 = tpu.vector_load %arg23[%swap3A_765, %swap3A_766] {strides = array<i32>} : memref<128x128xf32, #tpu.memory_space<vmem>>, vector<16xf32>,
        tpu.vector_store %arg23[%swap3A_765, %swap3A_766], %mul3A_764 {strides = array<i32>} : memref<128x128xf32, #tpu.memory_space<vmem>>, vector<16xf32>,
        %get3A_768 = arith.index_cast %add3A_760 : i32 to index
        %get3A_769 = arith.constant 16 : index
        %get3A_770 = tpu.vector_load %arg23[%get3A_768, %get3A_769] {strides = array<i32>} : memref<128x128xf32, #tpu.memory_space<vmem>>, vector<16xf32>,
        %mul3A_771 = arith.mulf %get3A_770, %broadcast_in_dim3A_756 : vector<16xf32>
        %swap3A_772 = arith.index_cast %add3A_760 : i32 to index
        %swap3A_773 = arith.constant 16 : index
        %swap3A_774 = tpu.vector_load %arg23[%swap3A_772, %swap3A_773] {strides = array<i32>} : memref<128x128xf32, #tpu.memory_space<vmem>>, vector<16xf32>,
        tpu.vector_store %arg23[%swap3A_772, %swap3A_773], %mul3A_771 {strides = array<i32>} : memref<128x128xf32, #tpu.memory_space<vmem>>, vector<16xf32>,
        %get3A_775 = arith.index_cast %add3A_760 : i32 to index
        %get3A_776 = arith.constant 32 : index
        %get3A_777 = tpu.vector_load %arg23[%get3A_775, %get3A_776] {strides = array<i32>} : memref<128x128xf32, #tpu.memory_space<vmem>>, vector<16xf32>,
        %mul3A_778 = arith.mulf %get3A_777, %broadcast_in_dim3A_756 : vector<16xf32>
        %swap3A_779 = arith.index_cast %add3A_760 : i32 to index
        %swap3A_780 = arith.constant 32 : index
        %swap3A_781 = tpu.vector_load %arg23[%swap3A_779, %swap3A_780] {strides = array<i32>} : memref<128x128xf32, #tpu.memory_space<vmem>>, vector<16xf32>,
        tpu.vector_store %arg23[%swap3A_779, %swap3A_780], %mul3A_778 {strides = array<i32>} : memref<128x128xf32, #tpu.memory_space<vmem>>, vector<16xf32>,
        %get3A_782 = arith.index_cast %add3A_760 : i32 to index
        %get3A_783 = arith.constant 48 : index
        %get3A_784 = tpu.vector_load %arg23[%get3A_782, %get3A_783] {strides = array<i32>} : memref<128x128xf32, #tpu.memory_space<vmem>>, vector<16xf32>,
        %mul3A_785 = arith.mulf %get3A_784, %broadcast_in_dim3A_756 : vector<16xf32>
        %swap3A_786 = arith.index_cast %add3A_760 : i32 to index
        %swap3A_787 = arith.constant 48 : index
        %swap3A_788 = tpu.vector_load %arg23[%swap3A_786, %swap3A_787] {strides = array<i32>} : memref<128x128xf32, #tpu.memory_space<vmem>>, vector<16xf32>,
        tpu.vector_store %arg23[%swap3A_786, %swap3A_787], %mul3A_785 {strides = array<i32>} : memref<128x128xf32, #tpu.memory_space<vmem>>, vector<16xf32>,
        %get3A_789 = arith.index_cast %add3A_760 : i32 to index
        %get3A_790 = arith.constant 64 : index
        %get3A_791 = tpu.vector_load %arg23[%get3A_789, %get3A_790] {strides = array<i32>} : memref<128x128xf32, #tpu.memory_space<vmem>>, vector<16xf32>,
        %mul3A_792 = arith.mulf %get3A_791, %broadcast_in_dim3A_756 : vector<16xf32>
        %swap3A_793 = arith.index_cast %add3A_760 : i32 to index
        %swap3A_794 = arith.constant 64 : index
        %swap3A_795 = tpu.vector_load %arg23[%swap3A_793, %swap3A_794] {strides = array<i32>} : memref<128x128xf32, #tpu.memory_space<vmem>>, vector<16xf32>,
        tpu.vector_store %arg23[%swap3A_793, %swap3A_794], %mul3A_792 {strides = array<i32>} : memref<128x128xf32, #tpu.memory_space<vmem>>, vector<16xf32>,
        %get3A_796 = arith.index_cast %add3A_760 : i32 to index
        %get3A_797 = arith.constant 80 : index
        %get3A_798 = tpu.vector_load %arg23[%get3A_796, %get3A_797] {strides = array<i32>} : memref<128x128xf32, #tpu.memory_space<vmem>>, vector<16xf32>,
        %mul3A_799 = arith.mulf %get3A_798, %broadcast_in_dim3A_756 : vector<16xf32>
        %swap3A_800 = arith.index_cast %add3A_760 : i32 to index
        %swap3A_801 = arith.constant 80 : index
        %swap3A_802 = tpu.vector_load %arg23[%swap3A_800, %swap3A_801] {strides = array<i32>} : memref<128x128xf32, #tpu.memory_space<vmem>>, vector<16xf32>,
        tpu.vector_store %arg23[%swap3A_800, %swap3A_801], %mul3A_799 {strides = array<i32>} : memref<128x128xf32, #tpu.memory_space<vmem>>, vector<16xf32>,
        %get3A_803 = arith.index_cast %add3A_760 : i32 to index
        %get3A_804 = arith.constant 96 : index
        %get3A_805 = tpu.vector_load %arg23[%get3A_803, %get3A_804] {strides = array<i32>} : memref<128x128xf32, #tpu.memory_space<vmem>>, vector<16xf32>,
        %mul3A_806 = arith.mulf %get3A_805, %broadcast_in_dim3A_756 : vector<16xf32>
        %swap3A_807 = arith.index_cast %add3A_760 : i32 to index
        %swap3A_808 = arith.constant 96 : index
        %swap3A_809 = tpu.vector_load %arg23[%swap3A_807, %swap3A_808] {strides = array<i32>} : memref<128x128xf32, #tpu.memory_space<vmem>>, vector<16xf32>,
        tpu.vector_store %arg23[%swap3A_807, %swap3A_808], %mul3A_806 {strides = array<i32>} : memref<128x128xf32, #tpu.memory_space<vmem>>, vector<16xf32>,
        %get3A_810 = arith.index_cast %add3A_760 : i32 to index
        %get3A_811 = arith.constant 112 : index
        %get3A_812 = tpu.vector_load %arg23[%get3A_810, %get3A_811] {strides = array<i32>} : memref<128x128xf32, #tpu.memory_space<vmem>>, vector<16xf32>,
        %mul3A_813 = arith.mulf %get3A_812, %broadcast_in_dim3A_756 : vector<16xf32>
        %swap3A_814 = arith.index_cast %add3A_760 : i32 to index
        %swap3A_815 = arith.constant 112 : index
        %swap3A_816 = tpu.vector_load %arg23[%swap3A_814, %swap3A_815] {strides = array<i32>} : memref<128x128xf32, #tpu.memory_space<vmem>>, vector<16xf32>,
        tpu.vector_store %arg23[%swap3A_814, %swap3A_815], %mul3A_813 {strides = array<i32>} : memref<128x128xf32, #tpu.memory_space<vmem>>, vector<16xf32>,
        %slice3A_817 = vector.extract_strided_slice %get3A_126 {offsets = [11], sizes = [1], strides = [1]} : vector<16xf32> to vector<1xf32>
        %squeeze3A_818 = vector.extract %slice3A_817[0] : f32 from vector<1xf32>
        %broadcast_in_dim3A_819 = vector.broadcast %squeeze3A_818 : f32 to vector<16xf32>
        %mul3A_820 = arith.constant 16 : i32
        %mul3A_821 = arith.muli %scan3A_120, %mul3A_820 : i32
        %add3A_822 = arith.constant 11 : i32
        %add3A_823 = arith.addi %mul3A_821, %add3A_822 : i32
        %get3A_824 = arith.index_cast %add3A_823 : i32 to index
        %get3A_825 = arith.constant 0 : index
        %get3A_826 = tpu.vector_load %arg23[%get3A_824, %get3A_825] {strides = array<i32>} : memref<128x128xf32, #tpu.memory_space<vmem>>, vector<16xf32>,
        %mul3A_827 = arith.mulf %get3A_826, %broadcast_in_dim3A_819 : vector<16xf32>
        %swap3A_828 = arith.index_cast %add3A_823 : i32 to index
        %swap3A_829 = arith.constant 0 : index
        %swap3A_830 = tpu.vector_load %arg23[%swap3A_828, %swap3A_829] {strides = array<i32>} : memref<128x128xf32, #tpu.memory_space<vmem>>, vector<16xf32>,
        tpu.vector_store %arg23[%swap3A_828, %swap3A_829], %mul3A_827 {strides = array<i32>} : memref<128x128xf32, #tpu.memory_space<vmem>>, vector<16xf32>,
        %get3A_831 = arith.index_cast %add3A_823 : i32 to index
        %get3A_832 = arith.constant 16 : index
        %get3A_833 = tpu.vector_load %arg23[%get3A_831, %get3A_832] {strides = array<i32>} : memref<128x128xf32, #tpu.memory_space<vmem>>, vector<16xf32>,
        %mul3A_834 = arith.mulf %get3A_833, %broadcast_in_dim3A_819 : vector<16xf32>
        %swap3A_835 = arith.index_cast %add3A_823 : i32 to index
        %swap3A_836 = arith.constant 16 : index
        %swap3A_837 = tpu.vector_load %arg23[%swap3A_835, %swap3A_836] {strides = array<i32>} : memref<128x128xf32, #tpu.memory_space<vmem>>, vector<16xf32>,
        tpu.vector_store %arg23[%swap3A_835, %swap3A_836], %mul3A_834 {strides = array<i32>} : memref<128x128xf32, #tpu.memory_space<vmem>>, vector<16xf32>,
        %get3A_838 = arith.index_cast %add3A_823 : i32 to index
        %get3A_839 = arith.constant 32 : index
        %get3A_840 = tpu.vector_load %arg23[%get3A_838, %get3A_839] {strides = array<i32>} : memref<128x128xf32, #tpu.memory_space<vmem>>, vector<16xf32>,
        %mul3A_841 = arith.mulf %get3A_840, %broadcast_in_dim3A_819 : vector<16xf32>
        %swap3A_842 = arith.index_cast %add3A_823 : i32 to index
        %swap3A_843 = arith.constant 32 : index
        %swap3A_844 = tpu.vector_load %arg23[%swap3A_842, %swap3A_843] {strides = array<i32>} : memref<128x128xf32, #tpu.memory_space<vmem>>, vector<16xf32>,
        tpu.vector_store %arg23[%swap3A_842, %swap3A_843], %mul3A_841 {strides = array<i32>} : memref<128x128xf32, #tpu.memory_space<vmem>>, vector<16xf32>,
        %get3A_845 = arith.index_cast %add3A_823 : i32 to index
        %get3A_846 = arith.constant 48 : index
        %get3A_847 = tpu.vector_load %arg23[%get3A_845, %get3A_846] {strides = array<i32>} : memref<128x128xf32, #tpu.memory_space<vmem>>, vector<16xf32>,
        %mul3A_848 = arith.mulf %get3A_847, %broadcast_in_dim3A_819 : vector<16xf32>
        %swap3A_849 = arith.index_cast %add3A_823 : i32 to index
        %swap3A_850 = arith.constant 48 : index
        %swap3A_851 = tpu.vector_load %arg23[%swap3A_849, %swap3A_850] {strides = array<i32>} : memref<128x128xf32, #tpu.memory_space<vmem>>, vector<16xf32>,
        tpu.vector_store %arg23[%swap3A_849, %swap3A_850], %mul3A_848 {strides = array<i32>} : memref<128x128xf32, #tpu.memory_space<vmem>>, vector<16xf32>,
        %get3A_852 = arith.index_cast %add3A_823 : i32 to index
        %get3A_853 = arith.constant 64 : index
        %get3A_854 = tpu.vector_load %arg23[%get3A_852, %get3A_853] {strides = array<i32>} : memref<128x128xf32, #tpu.memory_space<vmem>>, vector<16xf32>,
        %mul3A_855 = arith.mulf %get3A_854, %broadcast_in_dim3A_819 : vector<16xf32>
        %swap3A_856 = arith.index_cast %add3A_823 : i32 to index
        %swap3A_857 = arith.constant 64 : index
        %swap3A_858 = tpu.vector_load %arg23[%swap3A_856, %swap3A_857] {strides = array<i32>} : memref<128x128xf32, #tpu.memory_space<vmem>>, vector<16xf32>,
        tpu.vector_store %arg23[%swap3A_856, %swap3A_857], %mul3A_855 {strides = array<i32>} : memref<128x128xf32, #tpu.memory_space<vmem>>, vector<16xf32>,
        %get3A_859 = arith.index_cast %add3A_823 : i32 to index
        %get3A_860 = arith.constant 80 : index
        %get3A_861 = tpu.vector_load %arg23[%get3A_859, %get3A_860] {strides = array<i32>} : memref<128x128xf32, #tpu.memory_space<vmem>>, vector<16xf32>,
        %mul3A_862 = arith.mulf %get3A_861, %broadcast_in_dim3A_819 : vector<16xf32>
        %swap3A_863 = arith.index_cast %add3A_823 : i32 to index
        %swap3A_864 = arith.constant 80 : index
        %swap3A_865 = tpu.vector_load %arg23[%swap3A_863, %swap3A_864] {strides = array<i32>} : memref<128x128xf32, #tpu.memory_space<vmem>>, vector<16xf32>,
        tpu.vector_store %arg23[%swap3A_863, %swap3A_864], %mul3A_862 {strides = array<i32>} : memref<128x128xf32, #tpu.memory_space<vmem>>, vector<16xf32>,
        %get3A_866 = arith.index_cast %add3A_823 : i32 to index
        %get3A_867 = arith.constant 96 : index
        %get3A_868 = tpu.vector_load %arg23[%get3A_866, %get3A_867] {strides = array<i32>} : memref<128x128xf32, #tpu.memory_space<vmem>>, vector<16xf32>,
        %mul3A_869 = arith.mulf %get3A_868, %broadcast_in_dim3A_819 : vector<16xf32>
        %swap3A_870 = arith.index_cast %add3A_823 : i32 to index
        %swap3A_871 = arith.constant 96 : index
        %swap3A_872 = tpu.vector_load %arg23[%swap3A_870, %swap3A_871] {strides = array<i32>} : memref<128x128xf32, #tpu.memory_space<vmem>>, vector<16xf32>,
        tpu.vector_store %arg23[%swap3A_870, %swap3A_871], %mul3A_869 {strides = array<i32>} : memref<128x128xf32, #tpu.memory_space<vmem>>, vector<16xf32>,
        %get3A_873 = arith.index_cast %add3A_823 : i32 to index
        %get3A_874 = arith.constant 112 : index
        %get3A_875 = tpu.vector_load %arg23[%get3A_873, %get3A_874] {strides = array<i32>} : memref<128x128xf32, #tpu.memory_space<vmem>>, vector<16xf32>,
        %mul3A_876 = arith.mulf %get3A_875, %broadcast_in_dim3A_819 : vector<16xf32>
        %swap3A_877 = arith.index_cast %add3A_823 : i32 to index
        %swap3A_878 = arith.constant 112 : index
        %swap3A_879 = tpu.vector_load %arg23[%swap3A_877, %swap3A_878] {strides = array<i32>} : memref<128x128xf32, #tpu.memory_space<vmem>>, vector<16xf32>,
        tpu.vector_store %arg23[%swap3A_877, %swap3A_878], %mul3A_876 {strides = array<i32>} : memref<128x128xf32, #tpu.memory_space<vmem>>, vector<16xf32>,
        %slice3A_880 = vector.extract_strided_slice %get3A_126 {offsets = [12], sizes = [1], strides = [1]} : vector<16xf32> to vector<1xf32>
        %squeeze3A_881 = vector.extract %slice3A_880[0] : f32 from vector<1xf32>
        %broadcast_in_dim3A_882 = vector.broadcast %squeeze3A_881 : f32 to vector<16xf32>
        %mul3A_883 = arith.constant 16 : i32
        %mul3A_884 = arith.muli %scan3A_120, %mul3A_883 : i32
        %add3A_885 = arith.constant 12 : i32
        %add3A_886 = arith.addi %mul3A_884, %add3A_885 : i32
        %get3A_887 = arith.index_cast %add3A_886 : i32 to index
        %get3A_888 = arith.constant 0 : index
        %get3A_889 = tpu.vector_load %arg23[%get3A_887, %get3A_888] {strides = array<i32>} : memref<128x128xf32, #tpu.memory_space<vmem>>, vector<16xf32>,
        %mul3A_890 = arith.mulf %get3A_889, %broadcast_in_dim3A_882 : vector<16xf32>
        %swap3A_891 = arith.index_cast %add3A_886 : i32 to index
        %swap3A_892 = arith.constant 0 : index
        %swap3A_893 = tpu.vector_load %arg23[%swap3A_891, %swap3A_892] {strides = array<i32>} : memref<128x128xf32, #tpu.memory_space<vmem>>, vector<16xf32>,
        tpu.vector_store %arg23[%swap3A_891, %swap3A_892], %mul3A_890 {strides = array<i32>} : memref<128x128xf32, #tpu.memory_space<vmem>>, vector<16xf32>,
        %get3A_894 = arith.index_cast %add3A_886 : i32 to index
        %get3A_895 = arith.constant 16 : index
        %get3A_896 = tpu.vector_load %arg23[%get3A_894, %get3A_895] {strides = array<i32>} : memref<128x128xf32, #tpu.memory_space<vmem>>, vector<16xf32>,
        %mul3A_897 = arith.mulf %get3A_896, %broadcast_in_dim3A_882 : vector<16xf32>
        %swap3A_898 = arith.index_cast %add3A_886 : i32 to index
        %swap3A_899 = arith.constant 16 : index
        %swap3A_900 = tpu.vector_load %arg23[%swap3A_898, %swap3A_899] {strides = array<i32>} : memref<128x128xf32, #tpu.memory_space<vmem>>, vector<16xf32>,
        tpu.vector_store %arg23[%swap3A_898, %swap3A_899], %mul3A_897 {strides = array<i32>} : memref<128x128xf32, #tpu.memory_space<vmem>>, vector<16xf32>,
        %get3A_901 = arith.index_cast %add3A_886 : i32 to index
        %get3A_902 = arith.constant 32 : index
        %get3A_903 = tpu.vector_load %arg23[%get3A_901, %get3A_902] {strides = array<i32>} : memref<128x128xf32, #tpu.memory_space<vmem>>, vector<16xf32>,
        %mul3A_904 = arith.mulf %get3A_903, %broadcast_in_dim3A_882 : vector<16xf32>
        %swap3A_905 = arith.index_cast %add3A_886 : i32 to index
        %swap3A_906 = arith.constant 32 : index
        %swap3A_907 = tpu.vector_load %arg23[%swap3A_905, %swap3A_906] {strides = array<i32>} : memref<128x128xf32, #tpu.memory_space<vmem>>, vector<16xf32>,
        tpu.vector_store %arg23[%swap3A_905, %swap3A_906], %mul3A_904 {strides = array<i32>} : memref<128x128xf32, #tpu.memory_space<vmem>>, vector<16xf32>,
        %get3A_908 = arith.index_cast %add3A_886 : i32 to index
        %get3A_909 = arith.constant 48 : index
        %get3A_910 = tpu.vector_load %arg23[%get3A_908, %get3A_909] {strides = array<i32>} : memref<128x128xf32, #tpu.memory_space<vmem>>, vector<16xf32>,
        %mul3A_911 = arith.mulf %get3A_910, %broadcast_in_dim3A_882 : vector<16xf32>
        %swap3A_912 = arith.index_cast %add3A_886 : i32 to index
        %swap3A_913 = arith.constant 48 : index
        %swap3A_914 = tpu.vector_load %arg23[%swap3A_912, %swap3A_913] {strides = array<i32>} : memref<128x128xf32, #tpu.memory_space<vmem>>, vector<16xf32>,
        tpu.vector_store %arg23[%swap3A_912, %swap3A_913], %mul3A_911 {strides = array<i32>} : memref<128x128xf32, #tpu.memory_space<vmem>>, vector<16xf32>,
        %get3A_915 = arith.index_cast %add3A_886 : i32 to index
        %get3A_916 = arith.constant 64 : index
        %get3A_917 = tpu.vector_load %arg23[%get3A_915, %get3A_916] {strides = array<i32>} : memref<128x128xf32, #tpu.memory_space<vmem>>, vector<16xf32>,
        %mul3A_918 = arith.mulf %get3A_917, %broadcast_in_dim3A_882 : vector<16xf32>
        %swap3A_919 = arith.index_cast %add3A_886 : i32 to index
        %swap3A_920 = arith.constant 64 : index
        %swap3A_921 = tpu.vector_load %arg23[%swap3A_919, %swap3A_920] {strides = array<i32>} : memref<128x128xf32, #tpu.memory_space<vmem>>, vector<16xf32>,
        tpu.vector_store %arg23[%swap3A_919, %swap3A_920], %mul3A_918 {strides = array<i32>} : memref<128x128xf32, #tpu.memory_space<vmem>>, vector<16xf32>,
        %get3A_922 = arith.index_cast %add3A_886 : i32 to index
        %get3A_923 = arith.constant 80 : index
        %get3A_924 = tpu.vector_load %arg23[%get3A_922, %get3A_923] {strides = array<i32>} : memref<128x128xf32, #tpu.memory_space<vmem>>, vector<16xf32>,
        %mul3A_925 = arith.mulf %get3A_924, %broadcast_in_dim3A_882 : vector<16xf32>
        %swap3A_926 = arith.index_cast %add3A_886 : i32 to index
        %swap3A_927 = arith.constant 80 : index
        %swap3A_928 = tpu.vector_load %arg23[%swap3A_926, %swap3A_927] {strides = array<i32>} : memref<128x128xf32, #tpu.memory_space<vmem>>, vector<16xf32>,
        tpu.vector_store %arg23[%swap3A_926, %swap3A_927], %mul3A_925 {strides = array<i32>} : memref<128x128xf32, #tpu.memory_space<vmem>>, vector<16xf32>,
        %get3A_929 = arith.index_cast %add3A_886 : i32 to index
        %get3A_930 = arith.constant 96 : index
        %get3A_931 = tpu.vector_load %arg23[%get3A_929, %get3A_930] {strides = array<i32>} : memref<128x128xf32, #tpu.memory_space<vmem>>, vector<16xf32>,
        %mul3A_932 = arith.mulf %get3A_931, %broadcast_in_dim3A_882 : vector<16xf32>
        %swap3A_933 = arith.index_cast %add3A_886 : i32 to index
        %swap3A_934 = arith.constant 96 : index
        %swap3A_935 = tpu.vector_load %arg23[%swap3A_933, %swap3A_934] {strides = array<i32>} : memref<128x128xf32, #tpu.memory_space<vmem>>, vector<16xf32>,
        tpu.vector_store %arg23[%swap3A_933, %swap3A_934], %mul3A_932 {strides = array<i32>} : memref<128x128xf32, #tpu.memory_space<vmem>>, vector<16xf32>,
        %get3A_936 = arith.index_cast %add3A_886 : i32 to index
        %get3A_937 = arith.constant 112 : index
        %get3A_938 = tpu.vector_load %arg23[%get3A_936, %get3A_937] {strides = array<i32>} : memref<128x128xf32, #tpu.memory_space<vmem>>, vector<16xf32>,
        %mul3A_939 = arith.mulf %get3A_938, %broadcast_in_dim3A_882 : vector<16xf32>
        %swap3A_940 = arith.index_cast %add3A_886 : i32 to index
        %swap3A_941 = arith.constant 112 : index
        %swap3A_942 = tpu.vector_load %arg23[%swap3A_940, %swap3A_941] {strides = array<i32>} : memref<128x128xf32, #tpu.memory_space<vmem>>, vector<16xf32>,
        tpu.vector_store %arg23[%swap3A_940, %swap3A_941], %mul3A_939 {strides = array<i32>} : memref<128x128xf32, #tpu.memory_space<vmem>>, vector<16xf32>,
        %slice3A_943 = vector.extract_strided_slice %get3A_126 {offsets = [13], sizes = [1], strides = [1]} : vector<16xf32> to vector<1xf32>
        %squeeze3A_944 = vector.extract %slice3A_943[0] : f32 from vector<1xf32>
        %broadcast_in_dim3A_945 = vector.broadcast %squeeze3A_944 : f32 to vector<16xf32>
        %mul3A_946 = arith.constant 16 : i32
        %mul3A_947 = arith.muli %scan3A_120, %mul3A_946 : i32
        %add3A_948 = arith.constant 13 : i32
        %add3A_949 = arith.addi %mul3A_947, %add3A_948 : i32
        %get3A_950 = arith.index_cast %add3A_949 : i32 to index
        %get3A_951 = arith.constant 0 : index
        %get3A_952 = tpu.vector_load %arg23[%get3A_950, %get3A_951] {strides = array<i32>} : memref<128x128xf32, #tpu.memory_space<vmem>>, vector<16xf32>,
        %mul3A_953 = arith.mulf %get3A_952, %broadcast_in_dim3A_945 : vector<16xf32>
        %swap3A_954 = arith.index_cast %add3A_949 : i32 to index
        %swap3A_955 = arith.constant 0 : index
        %swap3A_956 = tpu.vector_load %arg23[%swap3A_954, %swap3A_955] {strides = array<i32>} : memref<128x128xf32, #tpu.memory_space<vmem>>, vector<16xf32>,
        tpu.vector_store %arg23[%swap3A_954, %swap3A_955], %mul3A_953 {strides = array<i32>} : memref<128x128xf32, #tpu.memory_space<vmem>>, vector<16xf32>,
        %get3A_957 = arith.index_cast %add3A_949 : i32 to index
        %get3A_958 = arith.constant 16 : index
        %get3A_959 = tpu.vector_load %arg23[%get3A_957, %get3A_958] {strides = array<i32>} : memref<128x128xf32, #tpu.memory_space<vmem>>, vector<16xf32>,
        %mul3A_960 = arith.mulf %get3A_959, %broadcast_in_dim3A_945 : vector<16xf32>
        %swap3A_961 = arith.index_cast %add3A_949 : i32 to index
        %swap3A_962 = arith.constant 16 : index
        %swap3A_963 = tpu.vector_load %arg23[%swap3A_961, %swap3A_962] {strides = array<i32>} : memref<128x128xf32, #tpu.memory_space<vmem>>, vector<16xf32>,
        tpu.vector_store %arg23[%swap3A_961, %swap3A_962], %mul3A_960 {strides = array<i32>} : memref<128x128xf32, #tpu.memory_space<vmem>>, vector<16xf32>,
        %get3A_964 = arith.index_cast %add3A_949 : i32 to index
        %get3A_965 = arith.constant 32 : index
        %get3A_966 = tpu.vector_load %arg23[%get3A_964, %get3A_965] {strides = array<i32>} : memref<128x128xf32, #tpu.memory_space<vmem>>, vector<16xf32>,
        %mul3A_967 = arith.mulf %get3A_966, %broadcast_in_dim3A_945 : vector<16xf32>
        %swap3A_968 = arith.index_cast %add3A_949 : i32 to index
        %swap3A_969 = arith.constant 32 : index
        %swap3A_970 = tpu.vector_load %arg23[%swap3A_968, %swap3A_969] {strides = array<i32>} : memref<128x128xf32, #tpu.memory_space<vmem>>, vector<16xf32>,
        tpu.vector_store %arg23[%swap3A_968, %swap3A_969], %mul3A_967 {strides = array<i32>} : memref<128x128xf32, #tpu.memory_space<vmem>>, vector<16xf32>,
        %get3A_971 = arith.index_cast %add3A_949 : i32 to index
        %get3A_972 = arith.constant 48 : index
        %get3A_973 = tpu.vector_load %arg23[%get3A_971, %get3A_972] {strides = array<i32>} : memref<128x128xf32, #tpu.memory_space<vmem>>, vector<16xf32>,
        %mul3A_974 = arith.mulf %get3A_973, %broadcast_in_dim3A_945 : vector<16xf32>
        %swap3A_975 = arith.index_cast %add3A_949 : i32 to index
        %swap3A_976 = arith.constant 48 : index
        %swap3A_977 = tpu.vector_load %arg23[%swap3A_975, %swap3A_976] {strides = array<i32>} : memref<128x128xf32, #tpu.memory_space<vmem>>, vector<16xf32>,
        tpu.vector_store %arg23[%swap3A_975, %swap3A_976], %mul3A_974 {strides = array<i32>} : memref<128x128xf32, #tpu.memory_space<vmem>>, vector<16xf32>,
        %get3A_978 = arith.index_cast %add3A_949 : i32 to index
        %get3A_979 = arith.constant 64 : index
        %get3A_980 = tpu.vector_load %arg23[%get3A_978, %get3A_979] {strides = array<i32>} : memref<128x128xf32, #tpu.memory_space<vmem>>, vector<16xf32>,
        %mul3A_981 = arith.mulf %get3A_980, %broadcast_in_dim3A_945 : vector<16xf32>
        %swap3A_982 = arith.index_cast %add3A_949 : i32 to index
        %swap3A_983 = arith.constant 64 : index
        %swap3A_984 = tpu.vector_load %arg23[%swap3A_982, %swap3A_983] {strides = array<i32>} : memref<128x128xf32, #tpu.memory_space<vmem>>, vector<16xf32>,
        tpu.vector_store %arg23[%swap3A_982, %swap3A_983], %mul3A_981 {strides = array<i32>} : memref<128x128xf32, #tpu.memory_space<vmem>>, vector<16xf32>,
        %get3A_985 = arith.index_cast %add3A_949 : i32 to index
        %get3A_986 = arith.constant 80 : index
        %get3A_987 = tpu.vector_load %arg23[%get3A_985, %get3A_986] {strides = array<i32>} : memref<128x128xf32, #tpu.memory_space<vmem>>, vector<16xf32>,
        %mul3A_988 = arith.mulf %get3A_987, %broadcast_in_dim3A_945 : vector<16xf32>
        %swap3A_989 = arith.index_cast %add3A_949 : i32 to index
        %swap3A_990 = arith.constant 80 : index
        %swap3A_991 = tpu.vector_load %arg23[%swap3A_989, %swap3A_990] {strides = array<i32>} : memref<128x128xf32, #tpu.memory_space<vmem>>, vector<16xf32>,
        tpu.vector_store %arg23[%swap3A_989, %swap3A_990], %mul3A_988 {strides = array<i32>} : memref<128x128xf32, #tpu.memory_space<vmem>>, vector<16xf32>,
        %get3A_992 = arith.index_cast %add3A_949 : i32 to index
        %get3A_993 = arith.constant 96 : index
        %get3A_994 = tpu.vector_load %arg23[%get3A_992, %get3A_993] {strides = array<i32>} : memref<128x128xf32, #tpu.memory_space<vmem>>, vector<16xf32>,
        %mul3A_995 = arith.mulf %get3A_994, %broadcast_in_dim3A_945 : vector<16xf32>
        %swap3A_996 = arith.index_cast %add3A_949 : i32 to index
        %swap3A_997 = arith.constant 96 : index
        %swap3A_998 = tpu.vector_load %arg23[%swap3A_996, %swap3A_997] {strides = array<i32>} : memref<128x128xf32, #tpu.memory_space<vmem>>, vector<16xf32>,
        tpu.vector_store %arg23[%swap3A_996, %swap3A_997], %mul3A_995 {strides = array<i32>} : memref<128x128xf32, #tpu.memory_space<vmem>>, vector<16xf32>,
        %get3A_999 = arith.index_cast %add3A_949 : i32 to index
        %get3A_1000 = arith.constant 112 : index
        %get3A_1001 = tpu.vector_load %arg23[%get3A_999, %get3A_1000] {strides = array<i32>} : memref<128x128xf32, #tpu.memory_space<vmem>>, vector<16xf32>,
        %mul3A_1002 = arith.mulf %get3A_1001, %broadcast_in_dim3A_945 : vector<16xf32>
        %swap3A_1003 = arith.index_cast %add3A_949 : i32 to index
        %swap3A_1004 = arith.constant 112 : index
        %swap3A_1005 = tpu.vector_load %arg23[%swap3A_1003, %swap3A_1004] {strides = array<i32>} : memref<128x128xf32, #tpu.memory_space<vmem>>, vector<16xf32>,
        tpu.vector_store %arg23[%swap3A_1003, %swap3A_1004], %mul3A_1002 {strides = array<i32>} : memref<128x128xf32, #tpu.memory_space<vmem>>, vector<16xf32>,
        %slice3A_1006 = vector.extract_strided_slice %get3A_126 {offsets = [14], sizes = [1], strides = [1]} : vector<16xf32> to vector<1xf32>
        %squeeze3A_1007 = vector.extract %slice3A_1006[0] : f32 from vector<1xf32>
        %broadcast_in_dim3A_1008 = vector.broadcast %squeeze3A_1007 : f32 to vector<16xf32>
        %mul3A_1009 = arith.constant 16 : i32
        %mul3A_1010 = arith.muli %scan3A_120, %mul3A_1009 : i32
        %add3A_1011 = arith.constant 14 : i32
        %add3A_1012 = arith.addi %mul3A_1010, %add3A_1011 : i32
        %get3A_1013 = arith.index_cast %add3A_1012 : i32 to index
        %get3A_1014 = arith.constant 0 : index
        %get3A_1015 = tpu.vector_load %arg23[%get3A_1013, %get3A_1014] {strides = array<i32>} : memref<128x128xf32, #tpu.memory_space<vmem>>, vector<16xf32>,
        %mul3A_1016 = arith.mulf %get3A_1015, %broadcast_in_dim3A_1008 : vector<16xf32>
        %swap3A_1017 = arith.index_cast %add3A_1012 : i32 to index
        %swap3A_1018 = arith.constant 0 : index
        %swap3A_1019 = tpu.vector_load %arg23[%swap3A_1017, %swap3A_1018] {strides = array<i32>} : memref<128x128xf32, #tpu.memory_space<vmem>>, vector<16xf32>,
        tpu.vector_store %arg23[%swap3A_1017, %swap3A_1018], %mul3A_1016 {strides = array<i32>} : memref<128x128xf32, #tpu.memory_space<vmem>>, vector<16xf32>,
        %get3A_1020 = arith.index_cast %add3A_1012 : i32 to index
        %get3A_1021 = arith.constant 16 : index
        %get3A_1022 = tpu.vector_load %arg23[%get3A_1020, %get3A_1021] {strides = array<i32>} : memref<128x128xf32, #tpu.memory_space<vmem>>, vector<16xf32>,
        %mul3A_1023 = arith.mulf %get3A_1022, %broadcast_in_dim3A_1008 : vector<16xf32>
        %swap3A_1024 = arith.index_cast %add3A_1012 : i32 to index
        %swap3A_1025 = arith.constant 16 : index
        %swap3A_1026 = tpu.vector_load %arg23[%swap3A_1024, %swap3A_1025] {strides = array<i32>} : memref<128x128xf32, #tpu.memory_space<vmem>>, vector<16xf32>,
        tpu.vector_store %arg23[%swap3A_1024, %swap3A_1025], %mul3A_1023 {strides = array<i32>} : memref<128x128xf32, #tpu.memory_space<vmem>>, vector<16xf32>,
        %get3A_1027 = arith.index_cast %add3A_1012 : i32 to index
        %get3A_1028 = arith.constant 32 : index
        %get3A_1029 = tpu.vector_load %arg23[%get3A_1027, %get3A_1028] {strides = array<i32>} : memref<128x128xf32, #tpu.memory_space<vmem>>, vector<16xf32>,
        %mul3A_1030 = arith.mulf %get3A_1029, %broadcast_in_dim3A_1008 : vector<16xf32>
        %swap3A_1031 = arith.index_cast %add3A_1012 : i32 to index
        %swap3A_1032 = arith.constant 32 : index
        %swap3A_1033 = tpu.vector_load %arg23[%swap3A_1031, %swap3A_1032] {strides = array<i32>} : memref<128x128xf32, #tpu.memory_space<vmem>>, vector<16xf32>,
        tpu.vector_store %arg23[%swap3A_1031, %swap3A_1032], %mul3A_1030 {strides = array<i32>} : memref<128x128xf32, #tpu.memory_space<vmem>>, vector<16xf32>,
        %get3A_1034 = arith.index_cast %add3A_1012 : i32 to index
        %get3A_1035 = arith.constant 48 : index
        %get3A_1036 = tpu.vector_load %arg23[%get3A_1034, %get3A_1035] {strides = array<i32>} : memref<128x128xf32, #tpu.memory_space<vmem>>, vector<16xf32>,
        %mul3A_1037 = arith.mulf %get3A_1036, %broadcast_in_dim3A_1008 : vector<16xf32>
        %swap3A_1038 = arith.index_cast %add3A_1012 : i32 to index
        %swap3A_1039 = arith.constant 48 : index
        %swap3A_1040 = tpu.vector_load %arg23[%swap3A_1038, %swap3A_1039] {strides = array<i32>} : memref<128x128xf32, #tpu.memory_space<vmem>>, vector<16xf32>,
        tpu.vector_store %arg23[%swap3A_1038, %swap3A_1039], %mul3A_1037 {strides = array<i32>} : memref<128x128xf32, #tpu.memory_space<vmem>>, vector<16xf32>,
        %get3A_1041 = arith.index_cast %add3A_1012 : i32 to index
        %get3A_1042 = arith.constant 64 : index
        %get3A_1043 = tpu.vector_load %arg23[%get3A_1041, %get3A_1042] {strides = array<i32>} : memref<128x128xf32, #tpu.memory_space<vmem>>, vector<16xf32>,
        %mul3A_1044 = arith.mulf %get3A_1043, %broadcast_in_dim3A_1008 : vector<16xf32>
        %swap3A_1045 = arith.index_cast %add3A_1012 : i32 to index
        %swap3A_1046 = arith.constant 64 : index
        %swap3A_1047 = tpu.vector_load %arg23[%swap3A_1045, %swap3A_1046] {strides = array<i32>} : memref<128x128xf32, #tpu.memory_space<vmem>>, vector<16xf32>,
        tpu.vector_store %arg23[%swap3A_1045, %swap3A_1046], %mul3A_1044 {strides = array<i32>} : memref<128x128xf32, #tpu.memory_space<vmem>>, vector<16xf32>,
        %get3A_1048 = arith.index_cast %add3A_1012 : i32 to index
        %get3A_1049 = arith.constant 80 : index
        %get3A_1050 = tpu.vector_load %arg23[%get3A_1048, %get3A_1049] {strides = array<i32>} : memref<128x128xf32, #tpu.memory_space<vmem>>, vector<16xf32>,
        %mul3A_1051 = arith.mulf %get3A_1050, %broadcast_in_dim3A_1008 : vector<16xf32>
        %swap3A_1052 = arith.index_cast %add3A_1012 : i32 to index
        %swap3A_1053 = arith.constant 80 : index
        %swap3A_1054 = tpu.vector_load %arg23[%swap3A_1052, %swap3A_1053] {strides = array<i32>} : memref<128x128xf32, #tpu.memory_space<vmem>>, vector<16xf32>,
        tpu.vector_store %arg23[%swap3A_1052, %swap3A_1053], %mul3A_1051 {strides = array<i32>} : memref<128x128xf32, #tpu.memory_space<vmem>>, vector<16xf32>,
        %get3A_1055 = arith.index_cast %add3A_1012 : i32 to index
        %get3A_1056 = arith.constant 96 : index
        %get3A_1057 = tpu.vector_load %arg23[%get3A_1055, %get3A_1056] {strides = array<i32>} : memref<128x128xf32, #tpu.memory_space<vmem>>, vector<16xf32>,
        %mul3A_1058 = arith.mulf %get3A_1057, %broadcast_in_dim3A_1008 : vector<16xf32>
        %swap3A_1059 = arith.index_cast %add3A_1012 : i32 to index
        %swap3A_1060 = arith.constant 96 : index
        %swap3A_1061 = tpu.vector_load %arg23[%swap3A_1059, %swap3A_1060] {strides = array<i32>} : memref<128x128xf32, #tpu.memory_space<vmem>>, vector<16xf32>,
        tpu.vector_store %arg23[%swap3A_1059, %swap3A_1060], %mul3A_1058 {strides = array<i32>} : memref<128x128xf32, #tpu.memory_space<vmem>>, vector<16xf32>,
        %get3A_1062 = arith.index_cast %add3A_1012 : i32 to index
        %get3A_1063 = arith.constant 112 : index
        %get3A_1064 = tpu.vector_load %arg23[%get3A_1062, %get3A_1063] {strides = array<i32>} : memref<128x128xf32, #tpu.memory_space<vmem>>, vector<16xf32>,
        %mul3A_1065 = arith.mulf %get3A_1064, %broadcast_in_dim3A_1008 : vector<16xf32>
        %swap3A_1066 = arith.index_cast %add3A_1012 : i32 to index
        %swap3A_1067 = arith.constant 112 : index
        %swap3A_1068 = tpu.vector_load %arg23[%swap3A_1066, %swap3A_1067] {strides = array<i32>} : memref<128x128xf32, #tpu.memory_space<vmem>>, vector<16xf32>,
        tpu.vector_store %arg23[%swap3A_1066, %swap3A_1067], %mul3A_1065 {strides = array<i32>} : memref<128x128xf32, #tpu.memory_space<vmem>>, vector<16xf32>,
        %slice3A_1069 = vector.extract_strided_slice %get3A_126 {offsets = [15], sizes = [1], strides = [1]} : vector<16xf32> to vector<1xf32>
        %squeeze3A_1070 = vector.extract %slice3A_1069[0] : f32 from vector<1xf32>
        %broadcast_in_dim3A_1071 = vector.broadcast %squeeze3A_1070 : f32 to vector<16xf32>
        %mul3A_1072 = arith.constant 16 : i32
        %mul3A_1073 = arith.muli %scan3A_120, %mul3A_1072 : i32
        %add3A_1074 = arith.constant 15 : i32
        %add3A_1075 = arith.addi %mul3A_1073, %add3A_1074 : i32
        %get3A_1076 = arith.index_cast %add3A_1075 : i32 to index
        %get3A_1077 = arith.constant 0 : index
        %get3A_1078 = tpu.vector_load %arg23[%get3A_1076, %get3A_1077] {strides = array<i32>} : memref<128x128xf32, #tpu.memory_space<vmem>>, vector<16xf32>,
        %mul3A_1079 = arith.mulf %get3A_1078, %broadcast_in_dim3A_1071 : vector<16xf32>
        %swap3A_1080 = arith.index_cast %add3A_1075 : i32 to index
        %swap3A_1081 = arith.constant 0 : index
        %swap3A_1082 = tpu.vector_load %arg23[%swap3A_1080, %swap3A_1081] {strides = array<i32>} : memref<128x128xf32, #tpu.memory_space<vmem>>, vector<16xf32>,
        tpu.vector_store %arg23[%swap3A_1080, %swap3A_1081], %mul3A_1079 {strides = array<i32>} : memref<128x128xf32, #tpu.memory_space<vmem>>, vector<16xf32>,
        %get3A_1083 = arith.index_cast %add3A_1075 : i32 to index
        %get3A_1084 = arith.constant 16 : index
        %get3A_1085 = tpu.vector_load %arg23[%get3A_1083, %get3A_1084] {strides = array<i32>} : memref<128x128xf32, #tpu.memory_space<vmem>>, vector<16xf32>,
        %mul3A_1086 = arith.mulf %get3A_1085, %broadcast_in_dim3A_1071 : vector<16xf32>
        %swap3A_1087 = arith.index_cast %add3A_1075 : i32 to index
        %swap3A_1088 = arith.constant 16 : index
        %swap3A_1089 = tpu.vector_load %arg23[%swap3A_1087, %swap3A_1088] {strides = array<i32>} : memref<128x128xf32, #tpu.memory_space<vmem>>, vector<16xf32>,
        tpu.vector_store %arg23[%swap3A_1087, %swap3A_1088], %mul3A_1086 {strides = array<i32>} : memref<128x128xf32, #tpu.memory_space<vmem>>, vector<16xf32>,
        %get3A_1090 = arith.index_cast %add3A_1075 : i32 to index
        %get3A_1091 = arith.constant 32 : index
        %get3A_1092 = tpu.vector_load %arg23[%get3A_1090, %get3A_1091] {strides = array<i32>} : memref<128x128xf32, #tpu.memory_space<vmem>>, vector<16xf32>,
        %mul3A_1093 = arith.mulf %get3A_1092, %broadcast_in_dim3A_1071 : vector<16xf32>
        %swap3A_1094 = arith.index_cast %add3A_1075 : i32 to index
        %swap3A_1095 = arith.constant 32 : index
        %swap3A_1096 = tpu.vector_load %arg23[%swap3A_1094, %swap3A_1095] {strides = array<i32>} : memref<128x128xf32, #tpu.memory_space<vmem>>, vector<16xf32>,
        tpu.vector_store %arg23[%swap3A_1094, %swap3A_1095], %mul3A_1093 {strides = array<i32>} : memref<128x128xf32, #tpu.memory_space<vmem>>, vector<16xf32>,
        %get3A_1097 = arith.index_cast %add3A_1075 : i32 to index
        %get3A_1098 = arith.constant 48 : index
        %get3A_1099 = tpu.vector_load %arg23[%get3A_1097, %get3A_1098] {strides = array<i32>} : memref<128x128xf32, #tpu.memory_space<vmem>>, vector<16xf32>,
        %mul3A_1100 = arith.mulf %get3A_1099, %broadcast_in_dim3A_1071 : vector<16xf32>
        %swap3A_1101 = arith.index_cast %add3A_1075 : i32 to index
        %swap3A_1102 = arith.constant 48 : index
        %swap3A_1103 = tpu.vector_load %arg23[%swap3A_1101, %swap3A_1102] {strides = array<i32>} : memref<128x128xf32, #tpu.memory_space<vmem>>, vector<16xf32>,
        tpu.vector_store %arg23[%swap3A_1101, %swap3A_1102], %mul3A_1100 {strides = array<i32>} : memref<128x128xf32, #tpu.memory_space<vmem>>, vector<16xf32>,
        %get3A_1104 = arith.index_cast %add3A_1075 : i32 to index
        %get3A_1105 = arith.constant 64 : index
        %get3A_1106 = tpu.vector_load %arg23[%get3A_1104, %get3A_1105] {strides = array<i32>} : memref<128x128xf32, #tpu.memory_space<vmem>>, vector<16xf32>,
        %mul3A_1107 = arith.mulf %get3A_1106, %broadcast_in_dim3A_1071 : vector<16xf32>
        %swap3A_1108 = arith.index_cast %add3A_1075 : i32 to index
        %swap3A_1109 = arith.constant 64 : index
        %swap3A_1110 = tpu.vector_load %arg23[%swap3A_1108, %swap3A_1109] {strides = array<i32>} : memref<128x128xf32, #tpu.memory_space<vmem>>, vector<16xf32>,
        tpu.vector_store %arg23[%swap3A_1108, %swap3A_1109], %mul3A_1107 {strides = array<i32>} : memref<128x128xf32, #tpu.memory_space<vmem>>, vector<16xf32>,
        %get3A_1111 = arith.index_cast %add3A_1075 : i32 to index
        %get3A_1112 = arith.constant 80 : index
        %get3A_1113 = tpu.vector_load %arg23[%get3A_1111, %get3A_1112] {strides = array<i32>} : memref<128x128xf32, #tpu.memory_space<vmem>>, vector<16xf32>,
        %mul3A_1114 = arith.mulf %get3A_1113, %broadcast_in_dim3A_1071 : vector<16xf32>
        %swap3A_1115 = arith.index_cast %add3A_1075 : i32 to index
        %swap3A_1116 = arith.constant 80 : index
        %swap3A_1117 = tpu.vector_load %arg23[%swap3A_1115, %swap3A_1116] {strides = array<i32>} : memref<128x128xf32, #tpu.memory_space<vmem>>, vector<16xf32>,
        tpu.vector_store %arg23[%swap3A_1115, %swap3A_1116], %mul3A_1114 {strides = array<i32>} : memref<128x128xf32, #tpu.memory_space<vmem>>, vector<16xf32>,
        %get3A_1118 = arith.index_cast %add3A_1075 : i32 to index
        %get3A_1119 = arith.constant 96 : index
        %get3A_1120 = tpu.vector_load %arg23[%get3A_1118, %get3A_1119] {strides = array<i32>} : memref<128x128xf32, #tpu.memory_space<vmem>>, vector<16xf32>,
        %mul3A_1121 = arith.mulf %get3A_1120, %broadcast_in_dim3A_1071 : vector<16xf32>
        %swap3A_1122 = arith.index_cast %add3A_1075 : i32 to index
        %swap3A_1123 = arith.constant 96 : index
        %swap3A_1124 = tpu.vector_load %arg23[%swap3A_1122, %swap3A_1123] {strides = array<i32>} : memref<128x128xf32, #tpu.memory_space<vmem>>, vector<16xf32>,
        tpu.vector_store %arg23[%swap3A_1122, %swap3A_1123], %mul3A_1121 {strides = array<i32>} : memref<128x128xf32, #tpu.memory_space<vmem>>, vector<16xf32>,
        %get3A_1125 = arith.index_cast %add3A_1075 : i32 to index
        %get3A_1126 = arith.constant 112 : index
        %get3A_1127 = tpu.vector_load %arg23[%get3A_1125, %get3A_1126] {strides = array<i32>} : memref<128x128xf32, #tpu.memory_space<vmem>>, vector<16xf32>,
        %mul3A_1128 = arith.mulf %get3A_1127, %broadcast_in_dim3A_1071 : vector<16xf32>
        %swap3A_1129 = arith.index_cast %add3A_1075 : i32 to index
        %swap3A_1130 = arith.constant 112 : index
        %swap3A_1131 = tpu.vector_load %arg23[%swap3A_1129, %swap3A_1130] {strides = array<i32>} : memref<128x128xf32, #tpu.memory_space<vmem>>, vector<16xf32>,
        tpu.vector_store %arg23[%swap3A_1129, %swap3A_1130], %mul3A_1128 {strides = array<i32>} : memref<128x128xf32, #tpu.memory_space<vmem>>, vector<16xf32>,
        %scan3A_1132 = arith.constant 0 : i32
        scf.yield %scan3A_1132 : i32
      }
      %scan3A_117 = arith.constant 8 : i32
      %run_scoped3A_118 = arith.constant 0 : i32
      "tpu.region"() ({
        %run_scoped3A_120 = tpu.sem_alloc : memref<!tpu.dma_semaphore, #tpu.memory_space<semaphore_mem>>
        %dma_start3A_121 = arith.constant 0 : i32
        %dma_start3A_122 = tpu.memref_slice %arg21[%run_scoped3A_118, %dma_start3A_121] : memref<1x128xi32, #tpu.memory_space<vmem>> -> memref<1x128xi32, #tpu.memory_space<vmem>>
        %dma_start3A_123 = tpu.memref_squeeze %dma_start3A_122 : memref<1x128xi32, #tpu.memory_space<vmem>> -> memref<128xi32, #tpu.memory_space<vmem>>
        %dma_start3A_124 = arith.constant 0 : i32
        %dma_start3A_125 = arith.constant 0 : i32
        %dma_start3A_126 = tpu.memref_slice %arg26[%dma_start3A_124, %dma_start3A_125] : memref<10240x128xf32, #tpu.memory_space<vmem_shared>> -> memref<10240x128xf32, #tpu.memory_space<vmem_shared>>
        tpu.enqueue_indirect_dma source(%arg23 : memref<128x128xf32, #tpu.memory_space<vmem>>) target(%dma_start3A_126 : memref<10240x128xf32, #tpu.memory_space<vmem_shared>>) offsets(%dma_start3A_123 : memref<128xi32, #tpu.memory_space<vmem>>) semaphore(%run_scoped3A_120 : memref<!tpu.dma_semaphore, #tpu.memory_space<semaphore_mem>>) {add = true}
        %dma_wait3A_127 = arith.constant 0 : i32
        %dma_wait3A_128 = tpu.memref_slice %arg21[%run_scoped3A_118, %dma_wait3A_127] : memref<1x128xi32, #tpu.memory_space<vmem>> -> memref<1x128xi32, #tpu.memory_space<vmem>>
        %dma_wait3A_129 = tpu.memref_squeeze %dma_wait3A_128 : memref<1x128xi32, #tpu.memory_space<vmem>> -> memref<128xi32, #tpu.memory_space<vmem>>
        %dma_wait3A_130 = arith.constant 0 : i32
        %dma_wait3A_131 = arith.constant 0 : i32
        %dma_wait3A_132 = tpu.memref_slice %arg26[%dma_wait3A_130, %dma_wait3A_131] : memref<10240x128xf32, #tpu.memory_space<vmem_shared>> -> memref<10240x128xf32, #tpu.memory_space<vmem_shared>>
        tpu.wait_indirect_dma semaphore(%run_scoped3A_120 : memref<!tpu.dma_semaphore, #tpu.memory_space<semaphore_mem>>) src(%arg23 : memref<128x128xf32, #tpu.memory_space<vmem>>) dst(%dma_wait3A_132 : memref<10240x128xf32, #tpu.memory_space<vmem_shared>>)
        tpu.yield
      }) : () -> ()
      %while3A_119 = arith.constant 0 : i32
      scf.yield %while3A_119 : i32
    }
    %while3A_77 = arith.constant 1 : i32
    %while3A_78 = scf.for %while3A_91 = %while3A_74 to %while3A_70 step %while3A_77 iter_args(%while3A_92 = %while3A_76) -> (i32)  : i32 {
      %run_scoped3A_93 = arith.constant 0 : i32
      %run_scoped3A_94 = arith.constant 0 : i32
      "tpu.region"() ({
        %run_scoped3A_120 = tpu.sem_alloc : memref<!tpu.dma_semaphore, #tpu.memory_space<semaphore_mem>>
        %dma_start3A_121 = arith.constant 0 : i32
        %dma_start3A_122 = tpu.memref_slice %arg20[%run_scoped3A_94, %dma_start3A_121] : memref<1x128xi32, #tpu.memory_space<vmem>> -> memref<1x128xi32, #tpu.memory_space<vmem>>
        %dma_start3A_123 = tpu.memref_squeeze %dma_start3A_122 : memref<1x128xi32, #tpu.memory_space<vmem>> -> memref<128xi32, #tpu.memory_space<vmem>>
        %dma_start3A_124 = arith.constant 0 : i32
        %dma_start3A_125 = tpu.memref_slice %arg9[%add3A, %while3A_91, %run_scoped3A_93, %dma_start3A_124] : memref<32x82x1x128xi32, #tpu.memory_space<hbm>> -> memref<1x1x1x128xi32, #tpu.memory_space<hbm>>
        %dma_start3A_126 = tpu.memref_squeeze %dma_start3A_125 : memref<1x1x1x128xi32, #tpu.memory_space<hbm>> -> memref<128xi32, #tpu.memory_space<hbm>>
        %dma_start3A_127 = arith.constant 0 : i32
        %dma_start3A_128 = tpu.memref_slice %arg20[%run_scoped3A_94, %dma_start3A_127] : memref<1x128xi32, #tpu.memory_space<vmem>> -> memref<1x128xi32, #tpu.memory_space<vmem>>
        %dma_start3A_129 = tpu.memref_squeeze %dma_start3A_128 : memref<1x128xi32, #tpu.memory_space<vmem>> -> memref<128xi32, #tpu.memory_space<vmem>>
        %dma_start3A_130 = arith.constant 0 : i32
        %dma_start3A_131 = tpu.memref_slice %arg9[%add3A, %while3A_91, %run_scoped3A_93, %dma_start3A_130] : memref<32x82x1x128xi32, #tpu.memory_space<hbm>> -> memref<1x1x1x128xi32, #tpu.memory_space<hbm>>
        %dma_start3A_132 = tpu.memref_squeeze %dma_start3A_131 : memref<1x1x1x128xi32, #tpu.memory_space<hbm>> -> memref<128xi32, #tpu.memory_space<hbm>>
        tpu.enqueue_dma source(%dma_start3A_132 : memref<128xi32, #tpu.memory_space<hbm>>) target(%dma_start3A_129 : memref<128xi32, #tpu.memory_space<vmem>>) target_semaphore(%run_scoped3A_120 : memref<!tpu.dma_semaphore, #tpu.memory_space<semaphore_mem>>)
        %dma_wait3A_133 = arith.constant 0 : i32
        %dma_wait3A_134 = tpu.memref_slice %arg20[%run_scoped3A_94, %dma_wait3A_133] : memref<1x128xi32, #tpu.memory_space<vmem>> -> memref<1x128xi32, #tpu.memory_space<vmem>>
        %dma_wait3A_135 = tpu.memref_squeeze %dma_wait3A_134 : memref<1x128xi32, #tpu.memory_space<vmem>> -> memref<128xi32, #tpu.memory_space<vmem>>
        %dma_wait3A_136 = arith.constant 0 : i32
        %dma_wait3A_137 = tpu.memref_slice %arg9[%add3A, %while3A_91, %run_scoped3A_93, %dma_wait3A_136] : memref<32x82x1x128xi32, #tpu.memory_space<hbm>> -> memref<1x1x1x128xi32, #tpu.memory_space<hbm>>
        %dma_wait3A_138 = tpu.memref_squeeze %dma_wait3A_137 : memref<1x1x1x128xi32, #tpu.memory_space<hbm>> -> memref<128xi32, #tpu.memory_space<hbm>>
        %dma_wait3A_139 = arith.constant 0 : i32
        %dma_wait3A_140 = tpu.memref_slice %arg20[%run_scoped3A_94, %dma_wait3A_139] : memref<1x128xi32, #tpu.memory_space<vmem>> -> memref<1x128xi32, #tpu.memory_space<vmem>>
        %dma_wait3A_141 = tpu.memref_squeeze %dma_wait3A_140 : memref<1x128xi32, #tpu.memory_space<vmem>> -> memref<128xi32, #tpu.memory_space<vmem>>
        %dma_wait3A_142 = arith.constant 0 : i32
        %dma_wait3A_143 = tpu.memref_slice %arg9[%add3A, %while3A_91, %run_scoped3A_93, %dma_wait3A_142] : memref<32x82x1x128xi32, #tpu.memory_space<hbm>> -> memref<1x1x1x128xi32, #tpu.memory_space<hbm>>
        %dma_wait3A_144 = tpu.memref_squeeze %dma_wait3A_143 : memref<1x1x1x128xi32, #tpu.memory_space<hbm>> -> memref<128xi32, #tpu.memory_space<hbm>>
        tpu.wait_dma2 semaphore(%run_scoped3A_120 : memref<!tpu.dma_semaphore, #tpu.memory_space<semaphore_mem>>) src(%dma_wait3A_144 : memref<128xi32, #tpu.memory_space<hbm>>) dst(%dma_wait3A_141 : memref<128xi32, #tpu.memory_space<vmem>>)
        tpu.yield
      }) : () -> ()
      %run_scoped3A_95 = arith.constant 0 : i32
      %run_scoped3A_96 = arith.constant 0 : i32
      "tpu.region"() ({
        %run_scoped3A_120 = tpu.sem_alloc : memref<!tpu.dma_semaphore, #tpu.memory_space<semaphore_mem>>
        %dma_start3A_121 = arith.constant 0 : i32
        %dma_start3A_122 = tpu.memref_slice %arg21[%run_scoped3A_96, %dma_start3A_121] : memref<1x128xi32, #tpu.memory_space<vmem>> -> memref<1x128xi32, #tpu.memory_space<vmem>>
        %dma_start3A_123 = tpu.memref_squeeze %dma_start3A_122 : memref<1x128xi32, #tpu.memory_space<vmem>> -> memref<128xi32, #tpu.memory_space<vmem>>
        %dma_start3A_124 = arith.constant 0 : i32
        %dma_start3A_125 = tpu.memref_slice %arg10[%add3A, %while3A_91, %run_scoped3A_95, %dma_start3A_124] : memref<32x82x1x128xi32, #tpu.memory_space<hbm>> -> memref<1x1x1x128xi32, #tpu.memory_space<hbm>>
        %dma_start3A_126 = tpu.memref_squeeze %dma_start3A_125 : memref<1x1x1x128xi32, #tpu.memory_space<hbm>> -> memref<128xi32, #tpu.memory_space<hbm>>
        %dma_start3A_127 = arith.constant 0 : i32
        %dma_start3A_128 = tpu.memref_slice %arg21[%run_scoped3A_96, %dma_start3A_127] : memref<1x128xi32, #tpu.memory_space<vmem>> -> memref<1x128xi32, #tpu.memory_space<vmem>>
        %dma_start3A_129 = tpu.memref_squeeze %dma_start3A_128 : memref<1x128xi32, #tpu.memory_space<vmem>> -> memref<128xi32, #tpu.memory_space<vmem>>
        %dma_start3A_130 = arith.constant 0 : i32
        %dma_start3A_131 = tpu.memref_slice %arg10[%add3A, %while3A_91, %run_scoped3A_95, %dma_start3A_130] : memref<32x82x1x128xi32, #tpu.memory_space<hbm>> -> memref<1x1x1x128xi32, #tpu.memory_space<hbm>>
        %dma_start3A_132 = tpu.memref_squeeze %dma_start3A_131 : memref<1x1x1x128xi32, #tpu.memory_space<hbm>> -> memref<128xi32, #tpu.memory_space<hbm>>
        tpu.enqueue_dma source(%dma_start3A_132 : memref<128xi32, #tpu.memory_space<hbm>>) target(%dma_start3A_129 : memref<128xi32, #tpu.memory_space<vmem>>) target_semaphore(%run_scoped3A_120 : memref<!tpu.dma_semaphore, #tpu.memory_space<semaphore_mem>>)
        %dma_wait3A_133 = arith.constant 0 : i32
        %dma_wait3A_134 = tpu.memref_slice %arg21[%run_scoped3A_96, %dma_wait3A_133] : memref<1x128xi32, #tpu.memory_space<vmem>> -> memref<1x128xi32, #tpu.memory_space<vmem>>
        %dma_wait3A_135 = tpu.memref_squeeze %dma_wait3A_134 : memref<1x128xi32, #tpu.memory_space<vmem>> -> memref<128xi32, #tpu.memory_space<vmem>>
        %dma_wait3A_136 = arith.constant 0 : i32
        %dma_wait3A_137 = tpu.memref_slice %arg10[%add3A, %while3A_91, %run_scoped3A_95, %dma_wait3A_136] : memref<32x82x1x128xi32, #tpu.memory_space<hbm>> -> memref<1x1x1x128xi32, #tpu.memory_space<hbm>>
        %dma_wait3A_138 = tpu.memref_squeeze %dma_wait3A_137 : memref<1x1x1x128xi32, #tpu.memory_space<hbm>> -> memref<128xi32, #tpu.memory_space<hbm>>
        %dma_wait3A_139 = arith.constant 0 : i32
        %dma_wait3A_140 = tpu.memref_slice %arg21[%run_scoped3A_96, %dma_wait3A_139] : memref<1x128xi32, #tpu.memory_space<vmem>> -> memref<1x128xi32, #tpu.memory_space<vmem>>
        %dma_wait3A_141 = tpu.memref_squeeze %dma_wait3A_140 : memref<1x128xi32, #tpu.memory_space<vmem>> -> memref<128xi32, #tpu.memory_space<vmem>>
        %dma_wait3A_142 = arith.constant 0 : i32
        %dma_wait3A_143 = tpu.memref_slice %arg10[%add3A, %while3A_91, %run_scoped3A_95, %dma_wait3A_142] : memref<32x82x1x128xi32, #tpu.memory_space<hbm>> -> memref<1x1x1x128xi32, #tpu.memory_space<hbm>>
        %dma_wait3A_144 = tpu.memref_squeeze %dma_wait3A_143 : memref<1x1x1x128xi32, #tpu.memory_space<hbm>> -> memref<128xi32, #tpu.memory_space<hbm>>
        tpu.wait_dma2 semaphore(%run_scoped3A_120 : memref<!tpu.dma_semaphore, #tpu.memory_space<semaphore_mem>>) src(%dma_wait3A_144 : memref<128xi32, #tpu.memory_space<hbm>>) dst(%dma_wait3A_141 : memref<128xi32, #tpu.memory_space<vmem>>)
        tpu.yield
      }) : () -> ()
      %run_scoped3A_97 = arith.constant 0 : i32
      %run_scoped3A_98 = arith.constant 0 : i32
      "tpu.region"() ({
        %run_scoped3A_120 = tpu.sem_alloc : memref<!tpu.dma_semaphore, #tpu.memory_space<semaphore_mem>>
        %dma_start3A_121 = arith.constant 0 : i32
        %dma_start3A_122 = tpu.memref_slice %arg22[%run_scoped3A_98, %dma_start3A_121] : memref<1x128xf32, #tpu.memory_space<vmem>> -> memref<1x128xf32, #tpu.memory_space<vmem>>
        %dma_start3A_123 = tpu.memref_squeeze %dma_start3A_122 : memref<1x128xf32, #tpu.memory_space<vmem>> -> memref<128xf32, #tpu.memory_space<vmem>>
        %dma_start3A_124 = arith.constant 0 : i32
        %dma_start3A_125 = tpu.memref_slice %arg11[%add3A, %while3A_91, %run_scoped3A_97, %dma_start3A_124] : memref<32x82x1x128xf32, #tpu.memory_space<hbm>> -> memref<1x1x1x128xf32, #tpu.memory_space<hbm>>
        %dma_start3A_126 = tpu.memref_squeeze %dma_start3A_125 : memref<1x1x1x128xf32, #tpu.memory_space<hbm>> -> memref<128xf32, #tpu.memory_space<hbm>>
        %dma_start3A_127 = arith.constant 0 : i32
        %dma_start3A_128 = tpu.memref_slice %arg22[%run_scoped3A_98, %dma_start3A_127] : memref<1x128xf32, #tpu.memory_space<vmem>> -> memref<1x128xf32, #tpu.memory_space<vmem>>
        %dma_start3A_129 = tpu.memref_squeeze %dma_start3A_128 : memref<1x128xf32, #tpu.memory_space<vmem>> -> memref<128xf32, #tpu.memory_space<vmem>>
        %dma_start3A_130 = arith.constant 0 : i32
        %dma_start3A_131 = tpu.memref_slice %arg11[%add3A, %while3A_91, %run_scoped3A_97, %dma_start3A_130] : memref<32x82x1x128xf32, #tpu.memory_space<hbm>> -> memref<1x1x1x128xf32, #tpu.memory_space<hbm>>
        %dma_start3A_132 = tpu.memref_squeeze %dma_start3A_131 : memref<1x1x1x128xf32, #tpu.memory_space<hbm>> -> memref<128xf32, #tpu.memory_space<hbm>>
        tpu.enqueue_dma source(%dma_start3A_132 : memref<128xf32, #tpu.memory_space<hbm>>) target(%dma_start3A_129 : memref<128xf32, #tpu.memory_space<vmem>>) target_semaphore(%run_scoped3A_120 : memref<!tpu.dma_semaphore, #tpu.memory_space<semaphore_mem>>)
        %dma_wait3A_133 = arith.constant 0 : i32
        %dma_wait3A_134 = tpu.memref_slice %arg22[%run_scoped3A_98, %dma_wait3A_133] : memref<1x128xf32, #tpu.memory_space<vmem>> -> memref<1x128xf32, #tpu.memory_space<vmem>>
        %dma_wait3A_135 = tpu.memref_squeeze %dma_wait3A_134 : memref<1x128xf32, #tpu.memory_space<vmem>> -> memref<128xf32, #tpu.memory_space<vmem>>
        %dma_wait3A_136 = arith.constant 0 : i32
        %dma_wait3A_137 = tpu.memref_slice %arg11[%add3A, %while3A_91, %run_scoped3A_97, %dma_wait3A_136] : memref<32x82x1x128xf32, #tpu.memory_space<hbm>> -> memref<1x1x1x128xf32, #tpu.memory_space<hbm>>
        %dma_wait3A_138 = tpu.memref_squeeze %dma_wait3A_137 : memref<1x1x1x128xf32, #tpu.memory_space<hbm>> -> memref<128xf32, #tpu.memory_space<hbm>>
        %dma_wait3A_139 = arith.constant 0 : i32
        %dma_wait3A_140 = tpu.memref_slice %arg22[%run_scoped3A_98, %dma_wait3A_139] : memref<1x128xf32, #tpu.memory_space<vmem>> -> memref<1x128xf32, #tpu.memory_space<vmem>>
        %dma_wait3A_141 = tpu.memref_squeeze %dma_wait3A_140 : memref<1x128xf32, #tpu.memory_space<vmem>> -> memref<128xf32, #tpu.memory_space<vmem>>
        %dma_wait3A_142 = arith.constant 0 : i32
        %dma_wait3A_143 = tpu.memref_slice %arg11[%add3A, %while3A_91, %run_scoped3A_97, %dma_wait3A_142] : memref<32x82x1x128xf32, #tpu.memory_space<hbm>> -> memref<1x1x1x128xf32, #tpu.memory_space<hbm>>
        %dma_wait3A_144 = tpu.memref_squeeze %dma_wait3A_143 : memref<1x1x1x128xf32, #tpu.memory_space<hbm>> -> memref<128xf32, #tpu.memory_space<hbm>>
        tpu.wait_dma2 semaphore(%run_scoped3A_120 : memref<!tpu.dma_semaphore, #tpu.memory_space<semaphore_mem>>) src(%dma_wait3A_144 : memref<128xf32, #tpu.memory_space<hbm>>) dst(%dma_wait3A_141 : memref<128xf32, #tpu.memory_space<vmem>>)
        tpu.yield
      }) : () -> ()
      %dma_start3A = arith.constant 0 : i32
      %dma_start3A_99 = arith.constant 0 : i32
      %dma_start3A_100 = tpu.memref_slice %arg20[%dma_start3A, %dma_start3A_99] : memref<1x128xi32, #tpu.memory_space<vmem>> -> memref<1x128xi32, #tpu.memory_space<vmem>>
      %dma_start3A_101 = tpu.memref_squeeze %dma_start3A_100 : memref<1x128xi32, #tpu.memory_space<vmem>> -> memref<128xi32, #tpu.memory_space<vmem>>
      %dma_start3A_102 = arith.constant 0 : i32
      %dma_start3A_103 = arith.constant 0 : i32
      %dma_start3A_104 = tpu.memref_slice %arg5[%dma_start3A_102, %dma_start3A_103] : memref<10000x128xf32, #tpu.memory_space<hbm>> -> memref<10000x128xf32, #tpu.memory_space<hbm>>
      tpu.enqueue_indirect_dma source(%dma_start3A_104 : memref<10000x128xf32, #tpu.memory_space<hbm>>) target(%arg23 : memref<128x128xf32, #tpu.memory_space<vmem>>) offsets(%dma_start3A_101 : memref<128xi32, #tpu.memory_space<vmem>>) semaphore(%arg27 : memref<!tpu.dma_semaphore, #tpu.memory_space<semaphore_mem>>)
      %dma_wait3A = arith.constant 0 : i32
      %dma_wait3A_105 = arith.constant 0 : i32
      %dma_wait3A_106 = tpu.memref_slice %arg20[%dma_wait3A, %dma_wait3A_105] : memref<1x128xi32, #tpu.memory_space<vmem>> -> memref<1x128xi32, #tpu.memory_space<vmem>>
      %dma_wait3A_107 = tpu.memref_squeeze %dma_wait3A_106 : memref<1x128xi32, #tpu.memory_space<vmem>> -> memref<128xi32, #tpu.memory_space<vmem>>
      %dma_wait3A_108 = arith.constant 0 : i32
      %dma_wait3A_109 = arith.constant 0 : i32
      %dma_wait3A_110 = tpu.memref_slice %arg5[%dma_wait3A_108, %dma_wait3A_109] : memref<10000x128xf32, #tpu.memory_space<hbm>> -> memref<10000x128xf32, #tpu.memory_space<hbm>>
      tpu.wait_indirect_dma semaphore(%arg27 : memref<!tpu.dma_semaphore, #tpu.memory_space<semaphore_mem>>) src(%dma_wait3A_110 : memref<10000x128xf32, #tpu.memory_space<hbm>>) dst(%arg23 : memref<128x128xf32, #tpu.memory_space<vmem>>)
      %scan3A_111 = arith.constant 0 : i32
      %scan3A_112 = arith.constant 0 : i32
      %scan3A_113 = arith.constant 8 : i32
      %scan3A_114 = arith.addi %scan3A_112, %scan3A_113 : i32
      %scan3A_115 = arith.constant 1 : i32
      %scan3A_116 = scf.for %scan3A_120 = %scan3A_112 to %scan3A_114 step %scan3A_115 iter_args(%scan3A_121 = %scan3A_111) -> (i32)  : i32 {
        %mul3A_122 = arith.constant 16 : i32
        %mul3A_123 = arith.muli %scan3A_120, %mul3A_122 : i32
        %get3A = arith.constant 0 : i32
        %get3A_124 = arith.index_cast %get3A : i32 to index
        %get3A_125 = arith.index_cast %mul3A_123 : i32 to index
        %get3A_126 = tpu.vector_load %arg22[%get3A_124, %get3A_125] {strides = array<i32>} : memref<1x128xf32, #tpu.memory_space<vmem>>, vector<16xf32>,
        %slice3A = vector.extract_strided_slice %get3A_126 {offsets = [0], sizes = [1], strides = [1]} : vector<16xf32> to vector<1xf32>
        %squeeze3A = vector.extract %slice3A[0] : f32 from vector<1xf32>
        %broadcast_in_dim3A_127 = vector.broadcast %squeeze3A : f32 to vector<16xf32>
        %mul3A_128 = arith.constant 16 : i32
        %mul3A_129 = arith.muli %scan3A_120, %mul3A_128 : i32
        %add3A_130 = arith.constant 0 : i32
        %add3A_131 = arith.addi %mul3A_129, %add3A_130 : i32
        %get3A_132 = arith.index_cast %add3A_131 : i32 to index
        %get3A_133 = arith.constant 0 : index
        %get3A_134 = tpu.vector_load %arg23[%get3A_132, %get3A_133] {strides = array<i32>} : memref<128x128xf32, #tpu.memory_space<vmem>>, vector<16xf32>,
        %mul3A_135 = arith.mulf %get3A_134, %broadcast_in_dim3A_127 : vector<16xf32>
        %swap3A = arith.index_cast %add3A_131 : i32 to index
        %swap3A_136 = arith.constant 0 : index
        %swap3A_137 = tpu.vector_load %arg23[%swap3A, %swap3A_136] {strides = array<i32>} : memref<128x128xf32, #tpu.memory_space<vmem>>, vector<16xf32>,
        tpu.vector_store %arg23[%swap3A, %swap3A_136], %mul3A_135 {strides = array<i32>} : memref<128x128xf32, #tpu.memory_space<vmem>>, vector<16xf32>,
        %get3A_138 = arith.index_cast %add3A_131 : i32 to index
        %get3A_139 = arith.constant 16 : index
        %get3A_140 = tpu.vector_load %arg23[%get3A_138, %get3A_139] {strides = array<i32>} : memref<128x128xf32, #tpu.memory_space<vmem>>, vector<16xf32>,
        %mul3A_141 = arith.mulf %get3A_140, %broadcast_in_dim3A_127 : vector<16xf32>
        %swap3A_142 = arith.index_cast %add3A_131 : i32 to index
        %swap3A_143 = arith.constant 16 : index
        %swap3A_144 = tpu.vector_load %arg23[%swap3A_142, %swap3A_143] {strides = array<i32>} : memref<128x128xf32, #tpu.memory_space<vmem>>, vector<16xf32>,
        tpu.vector_store %arg23[%swap3A_142, %swap3A_143], %mul3A_141 {strides = array<i32>} : memref<128x128xf32, #tpu.memory_space<vmem>>, vector<16xf32>,
        %get3A_145 = arith.index_cast %add3A_131 : i32 to index
        %get3A_146 = arith.constant 32 : index
        %get3A_147 = tpu.vector_load %arg23[%get3A_145, %get3A_146] {strides = array<i32>} : memref<128x128xf32, #tpu.memory_space<vmem>>, vector<16xf32>,
        %mul3A_148 = arith.mulf %get3A_147, %broadcast_in_dim3A_127 : vector<16xf32>
        %swap3A_149 = arith.index_cast %add3A_131 : i32 to index
        %swap3A_150 = arith.constant 32 : index
        %swap3A_151 = tpu.vector_load %arg23[%swap3A_149, %swap3A_150] {strides = array<i32>} : memref<128x128xf32, #tpu.memory_space<vmem>>, vector<16xf32>,
        tpu.vector_store %arg23[%swap3A_149, %swap3A_150], %mul3A_148 {strides = array<i32>} : memref<128x128xf32, #tpu.memory_space<vmem>>, vector<16xf32>,
        %get3A_152 = arith.index_cast %add3A_131 : i32 to index
        %get3A_153 = arith.constant 48 : index
        %get3A_154 = tpu.vector_load %arg23[%get3A_152, %get3A_153] {strides = array<i32>} : memref<128x128xf32, #tpu.memory_space<vmem>>, vector<16xf32>,
        %mul3A_155 = arith.mulf %get3A_154, %broadcast_in_dim3A_127 : vector<16xf32>
        %swap3A_156 = arith.index_cast %add3A_131 : i32 to index
        %swap3A_157 = arith.constant 48 : index
        %swap3A_158 = tpu.vector_load %arg23[%swap3A_156, %swap3A_157] {strides = array<i32>} : memref<128x128xf32, #tpu.memory_space<vmem>>, vector<16xf32>,
        tpu.vector_store %arg23[%swap3A_156, %swap3A_157], %mul3A_155 {strides = array<i32>} : memref<128x128xf32, #tpu.memory_space<vmem>>, vector<16xf32>,
        %get3A_159 = arith.index_cast %add3A_131 : i32 to index
        %get3A_160 = arith.constant 64 : index
        %get3A_161 = tpu.vector_load %arg23[%get3A_159, %get3A_160] {strides = array<i32>} : memref<128x128xf32, #tpu.memory_space<vmem>>, vector<16xf32>,
        %mul3A_162 = arith.mulf %get3A_161, %broadcast_in_dim3A_127 : vector<16xf32>
        %swap3A_163 = arith.index_cast %add3A_131 : i32 to index
        %swap3A_164 = arith.constant 64 : index
        %swap3A_165 = tpu.vector_load %arg23[%swap3A_163, %swap3A_164] {strides = array<i32>} : memref<128x128xf32, #tpu.memory_space<vmem>>, vector<16xf32>,
        tpu.vector_store %arg23[%swap3A_163, %swap3A_164], %mul3A_162 {strides = array<i32>} : memref<128x128xf32, #tpu.memory_space<vmem>>, vector<16xf32>,
        %get3A_166 = arith.index_cast %add3A_131 : i32 to index
        %get3A_167 = arith.constant 80 : index
        %get3A_168 = tpu.vector_load %arg23[%get3A_166, %get3A_167] {strides = array<i32>} : memref<128x128xf32, #tpu.memory_space<vmem>>, vector<16xf32>,
        %mul3A_169 = arith.mulf %get3A_168, %broadcast_in_dim3A_127 : vector<16xf32>
        %swap3A_170 = arith.index_cast %add3A_131 : i32 to index
        %swap3A_171 = arith.constant 80 : index
        %swap3A_172 = tpu.vector_load %arg23[%swap3A_170, %swap3A_171] {strides = array<i32>} : memref<128x128xf32, #tpu.memory_space<vmem>>, vector<16xf32>,
        tpu.vector_store %arg23[%swap3A_170, %swap3A_171], %mul3A_169 {strides = array<i32>} : memref<128x128xf32, #tpu.memory_space<vmem>>, vector<16xf32>,
        %get3A_173 = arith.index_cast %add3A_131 : i32 to index
        %get3A_174 = arith.constant 96 : index
        %get3A_175 = tpu.vector_load %arg23[%get3A_173, %get3A_174] {strides = array<i32>} : memref<128x128xf32, #tpu.memory_space<vmem>>, vector<16xf32>,
        %mul3A_176 = arith.mulf %get3A_175, %broadcast_in_dim3A_127 : vector<16xf32>
        %swap3A_177 = arith.index_cast %add3A_131 : i32 to index
        %swap3A_178 = arith.constant 96 : index
        %swap3A_179 = tpu.vector_load %arg23[%swap3A_177, %swap3A_178] {strides = array<i32>} : memref<128x128xf32, #tpu.memory_space<vmem>>, vector<16xf32>,
        tpu.vector_store %arg23[%swap3A_177, %swap3A_178], %mul3A_176 {strides = array<i32>} : memref<128x128xf32, #tpu.memory_space<vmem>>, vector<16xf32>,
        %get3A_180 = arith.index_cast %add3A_131 : i32 to index
        %get3A_181 = arith.constant 112 : index
        %get3A_182 = tpu.vector_load %arg23[%get3A_180, %get3A_181] {strides = array<i32>} : memref<128x128xf32, #tpu.memory_space<vmem>>, vector<16xf32>,
        %mul3A_183 = arith.mulf %get3A_182, %broadcast_in_dim3A_127 : vector<16xf32>
        %swap3A_184 = arith.index_cast %add3A_131 : i32 to index
        %swap3A_185 = arith.constant 112 : index
        %swap3A_186 = tpu.vector_load %arg23[%swap3A_184, %swap3A_185] {strides = array<i32>} : memref<128x128xf32, #tpu.memory_space<vmem>>, vector<16xf32>,
        tpu.vector_store %arg23[%swap3A_184, %swap3A_185], %mul3A_183 {strides = array<i32>} : memref<128x128xf32, #tpu.memory_space<vmem>>, vector<16xf32>,
        %slice3A_187 = vector.extract_strided_slice %get3A_126 {offsets = [1], sizes = [1], strides = [1]} : vector<16xf32> to vector<1xf32>
        %squeeze3A_188 = vector.extract %slice3A_187[0] : f32 from vector<1xf32>
        %broadcast_in_dim3A_189 = vector.broadcast %squeeze3A_188 : f32 to vector<16xf32>
        %mul3A_190 = arith.constant 16 : i32
        %mul3A_191 = arith.muli %scan3A_120, %mul3A_190 : i32
        %add3A_192 = arith.constant 1 : i32
        %add3A_193 = arith.addi %mul3A_191, %add3A_192 : i32
        %get3A_194 = arith.index_cast %add3A_193 : i32 to index
        %get3A_195 = arith.constant 0 : index
        %get3A_196 = tpu.vector_load %arg23[%get3A_194, %get3A_195] {strides = array<i32>} : memref<128x128xf32, #tpu.memory_space<vmem>>, vector<16xf32>,
        %mul3A_197 = arith.mulf %get3A_196, %broadcast_in_dim3A_189 : vector<16xf32>
        %swap3A_198 = arith.index_cast %add3A_193 : i32 to index
        %swap3A_199 = arith.constant 0 : index
        %swap3A_200 = tpu.vector_load %arg23[%swap3A_198, %swap3A_199] {strides = array<i32>} : memref<128x128xf32, #tpu.memory_space<vmem>>, vector<16xf32>,
        tpu.vector_store %arg23[%swap3A_198, %swap3A_199], %mul3A_197 {strides = array<i32>} : memref<128x128xf32, #tpu.memory_space<vmem>>, vector<16xf32>,
        %get3A_201 = arith.index_cast %add3A_193 : i32 to index
        %get3A_202 = arith.constant 16 : index
        %get3A_203 = tpu.vector_load %arg23[%get3A_201, %get3A_202] {strides = array<i32>} : memref<128x128xf32, #tpu.memory_space<vmem>>, vector<16xf32>,
        %mul3A_204 = arith.mulf %get3A_203, %broadcast_in_dim3A_189 : vector<16xf32>
        %swap3A_205 = arith.index_cast %add3A_193 : i32 to index
        %swap3A_206 = arith.constant 16 : index
        %swap3A_207 = tpu.vector_load %arg23[%swap3A_205, %swap3A_206] {strides = array<i32>} : memref<128x128xf32, #tpu.memory_space<vmem>>, vector<16xf32>,
        tpu.vector_store %arg23[%swap3A_205, %swap3A_206], %mul3A_204 {strides = array<i32>} : memref<128x128xf32, #tpu.memory_space<vmem>>, vector<16xf32>,
        %get3A_208 = arith.index_cast %add3A_193 : i32 to index
        %get3A_209 = arith.constant 32 : index
        %get3A_210 = tpu.vector_load %arg23[%get3A_208, %get3A_209] {strides = array<i32>} : memref<128x128xf32, #tpu.memory_space<vmem>>, vector<16xf32>,
        %mul3A_211 = arith.mulf %get3A_210, %broadcast_in_dim3A_189 : vector<16xf32>
        %swap3A_212 = arith.index_cast %add3A_193 : i32 to index
        %swap3A_213 = arith.constant 32 : index
        %swap3A_214 = tpu.vector_load %arg23[%swap3A_212, %swap3A_213] {strides = array<i32>} : memref<128x128xf32, #tpu.memory_space<vmem>>, vector<16xf32>,
        tpu.vector_store %arg23[%swap3A_212, %swap3A_213], %mul3A_211 {strides = array<i32>} : memref<128x128xf32, #tpu.memory_space<vmem>>, vector<16xf32>,
        %get3A_215 = arith.index_cast %add3A_193 : i32 to index
        %get3A_216 = arith.constant 48 : index
        %get3A_217 = tpu.vector_load %arg23[%get3A_215, %get3A_216] {strides = array<i32>} : memref<128x128xf32, #tpu.memory_space<vmem>>, vector<16xf32>,
        %mul3A_218 = arith.mulf %get3A_217, %broadcast_in_dim3A_189 : vector<16xf32>
        %swap3A_219 = arith.index_cast %add3A_193 : i32 to index
        %swap3A_220 = arith.constant 48 : index
        %swap3A_221 = tpu.vector_load %arg23[%swap3A_219, %swap3A_220] {strides = array<i32>} : memref<128x128xf32, #tpu.memory_space<vmem>>, vector<16xf32>,
        tpu.vector_store %arg23[%swap3A_219, %swap3A_220], %mul3A_218 {strides = array<i32>} : memref<128x128xf32, #tpu.memory_space<vmem>>, vector<16xf32>,
        %get3A_222 = arith.index_cast %add3A_193 : i32 to index
        %get3A_223 = arith.constant 64 : index
        %get3A_224 = tpu.vector_load %arg23[%get3A_222, %get3A_223] {strides = array<i32>} : memref<128x128xf32, #tpu.memory_space<vmem>>, vector<16xf32>,
        %mul3A_225 = arith.mulf %get3A_224, %broadcast_in_dim3A_189 : vector<16xf32>
        %swap3A_226 = arith.index_cast %add3A_193 : i32 to index
        %swap3A_227 = arith.constant 64 : index
        %swap3A_228 = tpu.vector_load %arg23[%swap3A_226, %swap3A_227] {strides = array<i32>} : memref<128x128xf32, #tpu.memory_space<vmem>>, vector<16xf32>,
        tpu.vector_store %arg23[%swap3A_226, %swap3A_227], %mul3A_225 {strides = array<i32>} : memref<128x128xf32, #tpu.memory_space<vmem>>, vector<16xf32>,
        %get3A_229 = arith.index_cast %add3A_193 : i32 to index
        %get3A_230 = arith.constant 80 : index
        %get3A_231 = tpu.vector_load %arg23[%get3A_229, %get3A_230] {strides = array<i32>} : memref<128x128xf32, #tpu.memory_space<vmem>>, vector<16xf32>,
        %mul3A_232 = arith.mulf %get3A_231, %broadcast_in_dim3A_189 : vector<16xf32>
        %swap3A_233 = arith.index_cast %add3A_193 : i32 to index
        %swap3A_234 = arith.constant 80 : index
        %swap3A_235 = tpu.vector_load %arg23[%swap3A_233, %swap3A_234] {strides = array<i32>} : memref<128x128xf32, #tpu.memory_space<vmem>>, vector<16xf32>,
        tpu.vector_store %arg23[%swap3A_233, %swap3A_234], %mul3A_232 {strides = array<i32>} : memref<128x128xf32, #tpu.memory_space<vmem>>, vector<16xf32>,
        %get3A_236 = arith.index_cast %add3A_193 : i32 to index
        %get3A_237 = arith.constant 96 : index
        %get3A_238 = tpu.vector_load %arg23[%get3A_236, %get3A_237] {strides = array<i32>} : memref<128x128xf32, #tpu.memory_space<vmem>>, vector<16xf32>,
        %mul3A_239 = arith.mulf %get3A_238, %broadcast_in_dim3A_189 : vector<16xf32>
        %swap3A_240 = arith.index_cast %add3A_193 : i32 to index
        %swap3A_241 = arith.constant 96 : index
        %swap3A_242 = tpu.vector_load %arg23[%swap3A_240, %swap3A_241] {strides = array<i32>} : memref<128x128xf32, #tpu.memory_space<vmem>>, vector<16xf32>,
        tpu.vector_store %arg23[%swap3A_240, %swap3A_241], %mul3A_239 {strides = array<i32>} : memref<128x128xf32, #tpu.memory_space<vmem>>, vector<16xf32>,
        %get3A_243 = arith.index_cast %add3A_193 : i32 to index
        %get3A_244 = arith.constant 112 : index
        %get3A_245 = tpu.vector_load %arg23[%get3A_243, %get3A_244] {strides = array<i32>} : memref<128x128xf32, #tpu.memory_space<vmem>>, vector<16xf32>,
        %mul3A_246 = arith.mulf %get3A_245, %broadcast_in_dim3A_189 : vector<16xf32>
        %swap3A_247 = arith.index_cast %add3A_193 : i32 to index
        %swap3A_248 = arith.constant 112 : index
        %swap3A_249 = tpu.vector_load %arg23[%swap3A_247, %swap3A_248] {strides = array<i32>} : memref<128x128xf32, #tpu.memory_space<vmem>>, vector<16xf32>,
        tpu.vector_store %arg23[%swap3A_247, %swap3A_248], %mul3A_246 {strides = array<i32>} : memref<128x128xf32, #tpu.memory_space<vmem>>, vector<16xf32>,
        %slice3A_250 = vector.extract_strided_slice %get3A_126 {offsets = [2], sizes = [1], strides = [1]} : vector<16xf32> to vector<1xf32>
        %squeeze3A_251 = vector.extract %slice3A_250[0] : f32 from vector<1xf32>
        %broadcast_in_dim3A_252 = vector.broadcast %squeeze3A_251 : f32 to vector<16xf32>
        %mul3A_253 = arith.constant 16 : i32
        %mul3A_254 = arith.muli %scan3A_120, %mul3A_253 : i32
        %add3A_255 = arith.constant 2 : i32
        %add3A_256 = arith.addi %mul3A_254, %add3A_255 : i32
        %get3A_257 = arith.index_cast %add3A_256 : i32 to index
        %get3A_258 = arith.constant 0 : index
        %get3A_259 = tpu.vector_load %arg23[%get3A_257, %get3A_258] {strides = array<i32>} : memref<128x128xf32, #tpu.memory_space<vmem>>, vector<16xf32>,
        %mul3A_260 = arith.mulf %get3A_259, %broadcast_in_dim3A_252 : vector<16xf32>
        %swap3A_261 = arith.index_cast %add3A_256 : i32 to index
        %swap3A_262 = arith.constant 0 : index
        %swap3A_263 = tpu.vector_load %arg23[%swap3A_261, %swap3A_262] {strides = array<i32>} : memref<128x128xf32, #tpu.memory_space<vmem>>, vector<16xf32>,
        tpu.vector_store %arg23[%swap3A_261, %swap3A_262], %mul3A_260 {strides = array<i32>} : memref<128x128xf32, #tpu.memory_space<vmem>>, vector<16xf32>,
        %get3A_264 = arith.index_cast %add3A_256 : i32 to index
        %get3A_265 = arith.constant 16 : index
        %get3A_266 = tpu.vector_load %arg23[%get3A_264, %get3A_265] {strides = array<i32>} : memref<128x128xf32, #tpu.memory_space<vmem>>, vector<16xf32>,
        %mul3A_267 = arith.mulf %get3A_266, %broadcast_in_dim3A_252 : vector<16xf32>
        %swap3A_268 = arith.index_cast %add3A_256 : i32 to index
        %swap3A_269 = arith.constant 16 : index
        %swap3A_270 = tpu.vector_load %arg23[%swap3A_268, %swap3A_269] {strides = array<i32>} : memref<128x128xf32, #tpu.memory_space<vmem>>, vector<16xf32>,
        tpu.vector_store %arg23[%swap3A_268, %swap3A_269], %mul3A_267 {strides = array<i32>} : memref<128x128xf32, #tpu.memory_space<vmem>>, vector<16xf32>,
        %get3A_271 = arith.index_cast %add3A_256 : i32 to index
        %get3A_272 = arith.constant 32 : index
        %get3A_273 = tpu.vector_load %arg23[%get3A_271, %get3A_272] {strides = array<i32>} : memref<128x128xf32, #tpu.memory_space<vmem>>, vector<16xf32>,
        %mul3A_274 = arith.mulf %get3A_273, %broadcast_in_dim3A_252 : vector<16xf32>
        %swap3A_275 = arith.index_cast %add3A_256 : i32 to index
        %swap3A_276 = arith.constant 32 : index
        %swap3A_277 = tpu.vector_load %arg23[%swap3A_275, %swap3A_276] {strides = array<i32>} : memref<128x128xf32, #tpu.memory_space<vmem>>, vector<16xf32>,
        tpu.vector_store %arg23[%swap3A_275, %swap3A_276], %mul3A_274 {strides = array<i32>} : memref<128x128xf32, #tpu.memory_space<vmem>>, vector<16xf32>,
        %get3A_278 = arith.index_cast %add3A_256 : i32 to index
        %get3A_279 = arith.constant 48 : index
        %get3A_280 = tpu.vector_load %arg23[%get3A_278, %get3A_279] {strides = array<i32>} : memref<128x128xf32, #tpu.memory_space<vmem>>, vector<16xf32>,
        %mul3A_281 = arith.mulf %get3A_280, %broadcast_in_dim3A_252 : vector<16xf32>
        %swap3A_282 = arith.index_cast %add3A_256 : i32 to index
        %swap3A_283 = arith.constant 48 : index
        %swap3A_284 = tpu.vector_load %arg23[%swap3A_282, %swap3A_283] {strides = array<i32>} : memref<128x128xf32, #tpu.memory_space<vmem>>, vector<16xf32>,
        tpu.vector_store %arg23[%swap3A_282, %swap3A_283], %mul3A_281 {strides = array<i32>} : memref<128x128xf32, #tpu.memory_space<vmem>>, vector<16xf32>,
        %get3A_285 = arith.index_cast %add3A_256 : i32 to index
        %get3A_286 = arith.constant 64 : index
        %get3A_287 = tpu.vector_load %arg23[%get3A_285, %get3A_286] {strides = array<i32>} : memref<128x128xf32, #tpu.memory_space<vmem>>, vector<16xf32>,
        %mul3A_288 = arith.mulf %get3A_287, %broadcast_in_dim3A_252 : vector<16xf32>
        %swap3A_289 = arith.index_cast %add3A_256 : i32 to index
        %swap3A_290 = arith.constant 64 : index
        %swap3A_291 = tpu.vector_load %arg23[%swap3A_289, %swap3A_290] {strides = array<i32>} : memref<128x128xf32, #tpu.memory_space<vmem>>, vector<16xf32>,
        tpu.vector_store %arg23[%swap3A_289, %swap3A_290], %mul3A_288 {strides = array<i32>} : memref<128x128xf32, #tpu.memory_space<vmem>>, vector<16xf32>,
        %get3A_292 = arith.index_cast %add3A_256 : i32 to index
        %get3A_293 = arith.constant 80 : index
        %get3A_294 = tpu.vector_load %arg23[%get3A_292, %get3A_293] {strides = array<i32>} : memref<128x128xf32, #tpu.memory_space<vmem>>, vector<16xf32>,
        %mul3A_295 = arith.mulf %get3A_294, %broadcast_in_dim3A_252 : vector<16xf32>
        %swap3A_296 = arith.index_cast %add3A_256 : i32 to index
        %swap3A_297 = arith.constant 80 : index
        %swap3A_298 = tpu.vector_load %arg23[%swap3A_296, %swap3A_297] {strides = array<i32>} : memref<128x128xf32, #tpu.memory_space<vmem>>, vector<16xf32>,
        tpu.vector_store %arg23[%swap3A_296, %swap3A_297], %mul3A_295 {strides = array<i32>} : memref<128x128xf32, #tpu.memory_space<vmem>>, vector<16xf32>,
        %get3A_299 = arith.index_cast %add3A_256 : i32 to index
        %get3A_300 = arith.constant 96 : index
        %get3A_301 = tpu.vector_load %arg23[%get3A_299, %get3A_300] {strides = array<i32>} : memref<128x128xf32, #tpu.memory_space<vmem>>, vector<16xf32>,
        %mul3A_302 = arith.mulf %get3A_301, %broadcast_in_dim3A_252 : vector<16xf32>
        %swap3A_303 = arith.index_cast %add3A_256 : i32 to index
        %swap3A_304 = arith.constant 96 : index
        %swap3A_305 = tpu.vector_load %arg23[%swap3A_303, %swap3A_304] {strides = array<i32>} : memref<128x128xf32, #tpu.memory_space<vmem>>, vector<16xf32>,
        tpu.vector_store %arg23[%swap3A_303, %swap3A_304], %mul3A_302 {strides = array<i32>} : memref<128x128xf32, #tpu.memory_space<vmem>>, vector<16xf32>,
        %get3A_306 = arith.index_cast %add3A_256 : i32 to index
        %get3A_307 = arith.constant 112 : index
        %get3A_308 = tpu.vector_load %arg23[%get3A_306, %get3A_307] {strides = array<i32>} : memref<128x128xf32, #tpu.memory_space<vmem>>, vector<16xf32>,
        %mul3A_309 = arith.mulf %get3A_308, %broadcast_in_dim3A_252 : vector<16xf32>
        %swap3A_310 = arith.index_cast %add3A_256 : i32 to index
        %swap3A_311 = arith.constant 112 : index
        %swap3A_312 = tpu.vector_load %arg23[%swap3A_310, %swap3A_311] {strides = array<i32>} : memref<128x128xf32, #tpu.memory_space<vmem>>, vector<16xf32>,
        tpu.vector_store %arg23[%swap3A_310, %swap3A_311], %mul3A_309 {strides = array<i32>} : memref<128x128xf32, #tpu.memory_space<vmem>>, vector<16xf32>,
        %slice3A_313 = vector.extract_strided_slice %get3A_126 {offsets = [3], sizes = [1], strides = [1]} : vector<16xf32> to vector<1xf32>
        %squeeze3A_314 = vector.extract %slice3A_313[0] : f32 from vector<1xf32>
        %broadcast_in_dim3A_315 = vector.broadcast %squeeze3A_314 : f32 to vector<16xf32>
        %mul3A_316 = arith.constant 16 : i32
        %mul3A_317 = arith.muli %scan3A_120, %mul3A_316 : i32
        %add3A_318 = arith.constant 3 : i32
        %add3A_319 = arith.addi %mul3A_317, %add3A_318 : i32
        %get3A_320 = arith.index_cast %add3A_319 : i32 to index
        %get3A_321 = arith.constant 0 : index
        %get3A_322 = tpu.vector_load %arg23[%get3A_320, %get3A_321] {strides = array<i32>} : memref<128x128xf32, #tpu.memory_space<vmem>>, vector<16xf32>,
        %mul3A_323 = arith.mulf %get3A_322, %broadcast_in_dim3A_315 : vector<16xf32>
        %swap3A_324 = arith.index_cast %add3A_319 : i32 to index
        %swap3A_325 = arith.constant 0 : index
        %swap3A_326 = tpu.vector_load %arg23[%swap3A_324, %swap3A_325] {strides = array<i32>} : memref<128x128xf32, #tpu.memory_space<vmem>>, vector<16xf32>,
        tpu.vector_store %arg23[%swap3A_324, %swap3A_325], %mul3A_323 {strides = array<i32>} : memref<128x128xf32, #tpu.memory_space<vmem>>, vector<16xf32>,
        %get3A_327 = arith.index_cast %add3A_319 : i32 to index
        %get3A_328 = arith.constant 16 : index
        %get3A_329 = tpu.vector_load %arg23[%get3A_327, %get3A_328] {strides = array<i32>} : memref<128x128xf32, #tpu.memory_space<vmem>>, vector<16xf32>,
        %mul3A_330 = arith.mulf %get3A_329, %broadcast_in_dim3A_315 : vector<16xf32>
        %swap3A_331 = arith.index_cast %add3A_319 : i32 to index
        %swap3A_332 = arith.constant 16 : index
        %swap3A_333 = tpu.vector_load %arg23[%swap3A_331, %swap3A_332] {strides = array<i32>} : memref<128x128xf32, #tpu.memory_space<vmem>>, vector<16xf32>,
        tpu.vector_store %arg23[%swap3A_331, %swap3A_332], %mul3A_330 {strides = array<i32>} : memref<128x128xf32, #tpu.memory_space<vmem>>, vector<16xf32>,
        %get3A_334 = arith.index_cast %add3A_319 : i32 to index
        %get3A_335 = arith.constant 32 : index
        %get3A_336 = tpu.vector_load %arg23[%get3A_334, %get3A_335] {strides = array<i32>} : memref<128x128xf32, #tpu.memory_space<vmem>>, vector<16xf32>,
        %mul3A_337 = arith.mulf %get3A_336, %broadcast_in_dim3A_315 : vector<16xf32>
        %swap3A_338 = arith.index_cast %add3A_319 : i32 to index
        %swap3A_339 = arith.constant 32 : index
        %swap3A_340 = tpu.vector_load %arg23[%swap3A_338, %swap3A_339] {strides = array<i32>} : memref<128x128xf32, #tpu.memory_space<vmem>>, vector<16xf32>,
        tpu.vector_store %arg23[%swap3A_338, %swap3A_339], %mul3A_337 {strides = array<i32>} : memref<128x128xf32, #tpu.memory_space<vmem>>, vector<16xf32>,
        %get3A_341 = arith.index_cast %add3A_319 : i32 to index
        %get3A_342 = arith.constant 48 : index
        %get3A_343 = tpu.vector_load %arg23[%get3A_341, %get3A_342] {strides = array<i32>} : memref<128x128xf32, #tpu.memory_space<vmem>>, vector<16xf32>,
        %mul3A_344 = arith.mulf %get3A_343, %broadcast_in_dim3A_315 : vector<16xf32>
        %swap3A_345 = arith.index_cast %add3A_319 : i32 to index
        %swap3A_346 = arith.constant 48 : index
        %swap3A_347 = tpu.vector_load %arg23[%swap3A_345, %swap3A_346] {strides = array<i32>} : memref<128x128xf32, #tpu.memory_space<vmem>>, vector<16xf32>,
        tpu.vector_store %arg23[%swap3A_345, %swap3A_346], %mul3A_344 {strides = array<i32>} : memref<128x128xf32, #tpu.memory_space<vmem>>, vector<16xf32>,
        %get3A_348 = arith.index_cast %add3A_319 : i32 to index
        %get3A_349 = arith.constant 64 : index
        %get3A_350 = tpu.vector_load %arg23[%get3A_348, %get3A_349] {strides = array<i32>} : memref<128x128xf32, #tpu.memory_space<vmem>>, vector<16xf32>,
        %mul3A_351 = arith.mulf %get3A_350, %broadcast_in_dim3A_315 : vector<16xf32>
        %swap3A_352 = arith.index_cast %add3A_319 : i32 to index
        %swap3A_353 = arith.constant 64 : index
        %swap3A_354 = tpu.vector_load %arg23[%swap3A_352, %swap3A_353] {strides = array<i32>} : memref<128x128xf32, #tpu.memory_space<vmem>>, vector<16xf32>,
        tpu.vector_store %arg23[%swap3A_352, %swap3A_353], %mul3A_351 {strides = array<i32>} : memref<128x128xf32, #tpu.memory_space<vmem>>, vector<16xf32>,
        %get3A_355 = arith.index_cast %add3A_319 : i32 to index
        %get3A_356 = arith.constant 80 : index
        %get3A_357 = tpu.vector_load %arg23[%get3A_355, %get3A_356] {strides = array<i32>} : memref<128x128xf32, #tpu.memory_space<vmem>>, vector<16xf32>,
        %mul3A_358 = arith.mulf %get3A_357, %broadcast_in_dim3A_315 : vector<16xf32>
        %swap3A_359 = arith.index_cast %add3A_319 : i32 to index
        %swap3A_360 = arith.constant 80 : index
        %swap3A_361 = tpu.vector_load %arg23[%swap3A_359, %swap3A_360] {strides = array<i32>} : memref<128x128xf32, #tpu.memory_space<vmem>>, vector<16xf32>,
        tpu.vector_store %arg23[%swap3A_359, %swap3A_360], %mul3A_358 {strides = array<i32>} : memref<128x128xf32, #tpu.memory_space<vmem>>, vector<16xf32>,
        %get3A_362 = arith.index_cast %add3A_319 : i32 to index
        %get3A_363 = arith.constant 96 : index
        %get3A_364 = tpu.vector_load %arg23[%get3A_362, %get3A_363] {strides = array<i32>} : memref<128x128xf32, #tpu.memory_space<vmem>>, vector<16xf32>,
        %mul3A_365 = arith.mulf %get3A_364, %broadcast_in_dim3A_315 : vector<16xf32>
        %swap3A_366 = arith.index_cast %add3A_319 : i32 to index
        %swap3A_367 = arith.constant 96 : index
        %swap3A_368 = tpu.vector_load %arg23[%swap3A_366, %swap3A_367] {strides = array<i32>} : memref<128x128xf32, #tpu.memory_space<vmem>>, vector<16xf32>,
        tpu.vector_store %arg23[%swap3A_366, %swap3A_367], %mul3A_365 {strides = array<i32>} : memref<128x128xf32, #tpu.memory_space<vmem>>, vector<16xf32>,
        %get3A_369 = arith.index_cast %add3A_319 : i32 to index
        %get3A_370 = arith.constant 112 : index
        %get3A_371 = tpu.vector_load %arg23[%get3A_369, %get3A_370] {strides = array<i32>} : memref<128x128xf32, #tpu.memory_space<vmem>>, vector<16xf32>,
        %mul3A_372 = arith.mulf %get3A_371, %broadcast_in_dim3A_315 : vector<16xf32>
        %swap3A_373 = arith.index_cast %add3A_319 : i32 to index
        %swap3A_374 = arith.constant 112 : index
        %swap3A_375 = tpu.vector_load %arg23[%swap3A_373, %swap3A_374] {strides = array<i32>} : memref<128x128xf32, #tpu.memory_space<vmem>>, vector<16xf32>,
        tpu.vector_store %arg23[%swap3A_373, %swap3A_374], %mul3A_372 {strides = array<i32>} : memref<128x128xf32, #tpu.memory_space<vmem>>, vector<16xf32>,
        %slice3A_376 = vector.extract_strided_slice %get3A_126 {offsets = [4], sizes = [1], strides = [1]} : vector<16xf32> to vector<1xf32>
        %squeeze3A_377 = vector.extract %slice3A_376[0] : f32 from vector<1xf32>
        %broadcast_in_dim3A_378 = vector.broadcast %squeeze3A_377 : f32 to vector<16xf32>
        %mul3A_379 = arith.constant 16 : i32
        %mul3A_380 = arith.muli %scan3A_120, %mul3A_379 : i32
        %add3A_381 = arith.constant 4 : i32
        %add3A_382 = arith.addi %mul3A_380, %add3A_381 : i32
        %get3A_383 = arith.index_cast %add3A_382 : i32 to index
        %get3A_384 = arith.constant 0 : index
        %get3A_385 = tpu.vector_load %arg23[%get3A_383, %get3A_384] {strides = array<i32>} : memref<128x128xf32, #tpu.memory_space<vmem>>, vector<16xf32>,
        %mul3A_386 = arith.mulf %get3A_385, %broadcast_in_dim3A_378 : vector<16xf32>
        %swap3A_387 = arith.index_cast %add3A_382 : i32 to index
        %swap3A_388 = arith.constant 0 : index
        %swap3A_389 = tpu.vector_load %arg23[%swap3A_387, %swap3A_388] {strides = array<i32>} : memref<128x128xf32, #tpu.memory_space<vmem>>, vector<16xf32>,
        tpu.vector_store %arg23[%swap3A_387, %swap3A_388], %mul3A_386 {strides = array<i32>} : memref<128x128xf32, #tpu.memory_space<vmem>>, vector<16xf32>,
        %get3A_390 = arith.index_cast %add3A_382 : i32 to index
        %get3A_391 = arith.constant 16 : index
        %get3A_392 = tpu.vector_load %arg23[%get3A_390, %get3A_391] {strides = array<i32>} : memref<128x128xf32, #tpu.memory_space<vmem>>, vector<16xf32>,
        %mul3A_393 = arith.mulf %get3A_392, %broadcast_in_dim3A_378 : vector<16xf32>
        %swap3A_394 = arith.index_cast %add3A_382 : i32 to index
        %swap3A_395 = arith.constant 16 : index
        %swap3A_396 = tpu.vector_load %arg23[%swap3A_394, %swap3A_395] {strides = array<i32>} : memref<128x128xf32, #tpu.memory_space<vmem>>, vector<16xf32>,
        tpu.vector_store %arg23[%swap3A_394, %swap3A_395], %mul3A_393 {strides = array<i32>} : memref<128x128xf32, #tpu.memory_space<vmem>>, vector<16xf32>,
        %get3A_397 = arith.index_cast %add3A_382 : i32 to index
        %get3A_398 = arith.constant 32 : index
        %get3A_399 = tpu.vector_load %arg23[%get3A_397, %get3A_398] {strides = array<i32>} : memref<128x128xf32, #tpu.memory_space<vmem>>, vector<16xf32>,
        %mul3A_400 = arith.mulf %get3A_399, %broadcast_in_dim3A_378 : vector<16xf32>
        %swap3A_401 = arith.index_cast %add3A_382 : i32 to index
        %swap3A_402 = arith.constant 32 : index
        %swap3A_403 = tpu.vector_load %arg23[%swap3A_401, %swap3A_402] {strides = array<i32>} : memref<128x128xf32, #tpu.memory_space<vmem>>, vector<16xf32>,
        tpu.vector_store %arg23[%swap3A_401, %swap3A_402], %mul3A_400 {strides = array<i32>} : memref<128x128xf32, #tpu.memory_space<vmem>>, vector<16xf32>,
        %get3A_404 = arith.index_cast %add3A_382 : i32 to index
        %get3A_405 = arith.constant 48 : index
        %get3A_406 = tpu.vector_load %arg23[%get3A_404, %get3A_405] {strides = array<i32>} : memref<128x128xf32, #tpu.memory_space<vmem>>, vector<16xf32>,
        %mul3A_407 = arith.mulf %get3A_406, %broadcast_in_dim3A_378 : vector<16xf32>
        %swap3A_408 = arith.index_cast %add3A_382 : i32 to index
        %swap3A_409 = arith.constant 48 : index
        %swap3A_410 = tpu.vector_load %arg23[%swap3A_408, %swap3A_409] {strides = array<i32>} : memref<128x128xf32, #tpu.memory_space<vmem>>, vector<16xf32>,
        tpu.vector_store %arg23[%swap3A_408, %swap3A_409], %mul3A_407 {strides = array<i32>} : memref<128x128xf32, #tpu.memory_space<vmem>>, vector<16xf32>,
        %get3A_411 = arith.index_cast %add3A_382 : i32 to index
        %get3A_412 = arith.constant 64 : index
        %get3A_413 = tpu.vector_load %arg23[%get3A_411, %get3A_412] {strides = array<i32>} : memref<128x128xf32, #tpu.memory_space<vmem>>, vector<16xf32>,
        %mul3A_414 = arith.mulf %get3A_413, %broadcast_in_dim3A_378 : vector<16xf32>
        %swap3A_415 = arith.index_cast %add3A_382 : i32 to index
        %swap3A_416 = arith.constant 64 : index
        %swap3A_417 = tpu.vector_load %arg23[%swap3A_415, %swap3A_416] {strides = array<i32>} : memref<128x128xf32, #tpu.memory_space<vmem>>, vector<16xf32>,
        tpu.vector_store %arg23[%swap3A_415, %swap3A_416], %mul3A_414 {strides = array<i32>} : memref<128x128xf32, #tpu.memory_space<vmem>>, vector<16xf32>,
        %get3A_418 = arith.index_cast %add3A_382 : i32 to index
        %get3A_419 = arith.constant 80 : index
        %get3A_420 = tpu.vector_load %arg23[%get3A_418, %get3A_419] {strides = array<i32>} : memref<128x128xf32, #tpu.memory_space<vmem>>, vector<16xf32>,
        %mul3A_421 = arith.mulf %get3A_420, %broadcast_in_dim3A_378 : vector<16xf32>
        %swap3A_422 = arith.index_cast %add3A_382 : i32 to index
        %swap3A_423 = arith.constant 80 : index
        %swap3A_424 = tpu.vector_load %arg23[%swap3A_422, %swap3A_423] {strides = array<i32>} : memref<128x128xf32, #tpu.memory_space<vmem>>, vector<16xf32>,
        tpu.vector_store %arg23[%swap3A_422, %swap3A_423], %mul3A_421 {strides = array<i32>} : memref<128x128xf32, #tpu.memory_space<vmem>>, vector<16xf32>,
        %get3A_425 = arith.index_cast %add3A_382 : i32 to index
        %get3A_426 = arith.constant 96 : index
        %get3A_427 = tpu.vector_load %arg23[%get3A_425, %get3A_426] {strides = array<i32>} : memref<128x128xf32, #tpu.memory_space<vmem>>, vector<16xf32>,
        %mul3A_428 = arith.mulf %get3A_427, %broadcast_in_dim3A_378 : vector<16xf32>
        %swap3A_429 = arith.index_cast %add3A_382 : i32 to index
        %swap3A_430 = arith.constant 96 : index
        %swap3A_431 = tpu.vector_load %arg23[%swap3A_429, %swap3A_430] {strides = array<i32>} : memref<128x128xf32, #tpu.memory_space<vmem>>, vector<16xf32>,
        tpu.vector_store %arg23[%swap3A_429, %swap3A_430], %mul3A_428 {strides = array<i32>} : memref<128x128xf32, #tpu.memory_space<vmem>>, vector<16xf32>,
        %get3A_432 = arith.index_cast %add3A_382 : i32 to index
        %get3A_433 = arith.constant 112 : index
        %get3A_434 = tpu.vector_load %arg23[%get3A_432, %get3A_433] {strides = array<i32>} : memref<128x128xf32, #tpu.memory_space<vmem>>, vector<16xf32>,
        %mul3A_435 = arith.mulf %get3A_434, %broadcast_in_dim3A_378 : vector<16xf32>
        %swap3A_436 = arith.index_cast %add3A_382 : i32 to index
        %swap3A_437 = arith.constant 112 : index
        %swap3A_438 = tpu.vector_load %arg23[%swap3A_436, %swap3A_437] {strides = array<i32>} : memref<128x128xf32, #tpu.memory_space<vmem>>, vector<16xf32>,
        tpu.vector_store %arg23[%swap3A_436, %swap3A_437], %mul3A_435 {strides = array<i32>} : memref<128x128xf32, #tpu.memory_space<vmem>>, vector<16xf32>,
        %slice3A_439 = vector.extract_strided_slice %get3A_126 {offsets = [5], sizes = [1], strides = [1]} : vector<16xf32> to vector<1xf32>
        %squeeze3A_440 = vector.extract %slice3A_439[0] : f32 from vector<1xf32>
        %broadcast_in_dim3A_441 = vector.broadcast %squeeze3A_440 : f32 to vector<16xf32>
        %mul3A_442 = arith.constant 16 : i32
        %mul3A_443 = arith.muli %scan3A_120, %mul3A_442 : i32
        %add3A_444 = arith.constant 5 : i32
        %add3A_445 = arith.addi %mul3A_443, %add3A_444 : i32
        %get3A_446 = arith.index_cast %add3A_445 : i32 to index
        %get3A_447 = arith.constant 0 : index
        %get3A_448 = tpu.vector_load %arg23[%get3A_446, %get3A_447] {strides = array<i32>} : memref<128x128xf32, #tpu.memory_space<vmem>>, vector<16xf32>,
        %mul3A_449 = arith.mulf %get3A_448, %broadcast_in_dim3A_441 : vector<16xf32>
        %swap3A_450 = arith.index_cast %add3A_445 : i32 to index
        %swap3A_451 = arith.constant 0 : index
        %swap3A_452 = tpu.vector_load %arg23[%swap3A_450, %swap3A_451] {strides = array<i32>} : memref<128x128xf32, #tpu.memory_space<vmem>>, vector<16xf32>,
        tpu.vector_store %arg23[%swap3A_450, %swap3A_451], %mul3A_449 {strides = array<i32>} : memref<128x128xf32, #tpu.memory_space<vmem>>, vector<16xf32>,
        %get3A_453 = arith.index_cast %add3A_445 : i32 to index
        %get3A_454 = arith.constant 16 : index
        %get3A_455 = tpu.vector_load %arg23[%get3A_453, %get3A_454] {strides = array<i32>} : memref<128x128xf32, #tpu.memory_space<vmem>>, vector<16xf32>,
        %mul3A_456 = arith.mulf %get3A_455, %broadcast_in_dim3A_441 : vector<16xf32>
        %swap3A_457 = arith.index_cast %add3A_445 : i32 to index
        %swap3A_458 = arith.constant 16 : index
        %swap3A_459 = tpu.vector_load %arg23[%swap3A_457, %swap3A_458] {strides = array<i32>} : memref<128x128xf32, #tpu.memory_space<vmem>>, vector<16xf32>,
        tpu.vector_store %arg23[%swap3A_457, %swap3A_458], %mul3A_456 {strides = array<i32>} : memref<128x128xf32, #tpu.memory_space<vmem>>, vector<16xf32>,
        %get3A_460 = arith.index_cast %add3A_445 : i32 to index
        %get3A_461 = arith.constant 32 : index
        %get3A_462 = tpu.vector_load %arg23[%get3A_460, %get3A_461] {strides = array<i32>} : memref<128x128xf32, #tpu.memory_space<vmem>>, vector<16xf32>,
        %mul3A_463 = arith.mulf %get3A_462, %broadcast_in_dim3A_441 : vector<16xf32>
        %swap3A_464 = arith.index_cast %add3A_445 : i32 to index
        %swap3A_465 = arith.constant 32 : index
        %swap3A_466 = tpu.vector_load %arg23[%swap3A_464, %swap3A_465] {strides = array<i32>} : memref<128x128xf32, #tpu.memory_space<vmem>>, vector<16xf32>,
        tpu.vector_store %arg23[%swap3A_464, %swap3A_465], %mul3A_463 {strides = array<i32>} : memref<128x128xf32, #tpu.memory_space<vmem>>, vector<16xf32>,
        %get3A_467 = arith.index_cast %add3A_445 : i32 to index
        %get3A_468 = arith.constant 48 : index
        %get3A_469 = tpu.vector_load %arg23[%get3A_467, %get3A_468] {strides = array<i32>} : memref<128x128xf32, #tpu.memory_space<vmem>>, vector<16xf32>,
        %mul3A_470 = arith.mulf %get3A_469, %broadcast_in_dim3A_441 : vector<16xf32>
        %swap3A_471 = arith.index_cast %add3A_445 : i32 to index
        %swap3A_472 = arith.constant 48 : index
        %swap3A_473 = tpu.vector_load %arg23[%swap3A_471, %swap3A_472] {strides = array<i32>} : memref<128x128xf32, #tpu.memory_space<vmem>>, vector<16xf32>,
        tpu.vector_store %arg23[%swap3A_471, %swap3A_472], %mul3A_470 {strides = array<i32>} : memref<128x128xf32, #tpu.memory_space<vmem>>, vector<16xf32>,
        %get3A_474 = arith.index_cast %add3A_445 : i32 to index
        %get3A_475 = arith.constant 64 : index
        %get3A_476 = tpu.vector_load %arg23[%get3A_474, %get3A_475] {strides = array<i32>} : memref<128x128xf32, #tpu.memory_space<vmem>>, vector<16xf32>,
        %mul3A_477 = arith.mulf %get3A_476, %broadcast_in_dim3A_441 : vector<16xf32>
        %swap3A_478 = arith.index_cast %add3A_445 : i32 to index
        %swap3A_479 = arith.constant 64 : index
        %swap3A_480 = tpu.vector_load %arg23[%swap3A_478, %swap3A_479] {strides = array<i32>} : memref<128x128xf32, #tpu.memory_space<vmem>>, vector<16xf32>,
        tpu.vector_store %arg23[%swap3A_478, %swap3A_479], %mul3A_477 {strides = array<i32>} : memref<128x128xf32, #tpu.memory_space<vmem>>, vector<16xf32>,
        %get3A_481 = arith.index_cast %add3A_445 : i32 to index
        %get3A_482 = arith.constant 80 : index
        %get3A_483 = tpu.vector_load %arg23[%get3A_481, %get3A_482] {strides = array<i32>} : memref<128x128xf32, #tpu.memory_space<vmem>>, vector<16xf32>,
        %mul3A_484 = arith.mulf %get3A_483, %broadcast_in_dim3A_441 : vector<16xf32>
        %swap3A_485 = arith.index_cast %add3A_445 : i32 to index
        %swap3A_486 = arith.constant 80 : index
        %swap3A_487 = tpu.vector_load %arg23[%swap3A_485, %swap3A_486] {strides = array<i32>} : memref<128x128xf32, #tpu.memory_space<vmem>>, vector<16xf32>,
        tpu.vector_store %arg23[%swap3A_485, %swap3A_486], %mul3A_484 {strides = array<i32>} : memref<128x128xf32, #tpu.memory_space<vmem>>, vector<16xf32>,
        %get3A_488 = arith.index_cast %add3A_445 : i32 to index
        %get3A_489 = arith.constant 96 : index
        %get3A_490 = tpu.vector_load %arg23[%get3A_488, %get3A_489] {strides = array<i32>} : memref<128x128xf32, #tpu.memory_space<vmem>>, vector<16xf32>,
        %mul3A_491 = arith.mulf %get3A_490, %broadcast_in_dim3A_441 : vector<16xf32>
        %swap3A_492 = arith.index_cast %add3A_445 : i32 to index
        %swap3A_493 = arith.constant 96 : index
        %swap3A_494 = tpu.vector_load %arg23[%swap3A_492, %swap3A_493] {strides = array<i32>} : memref<128x128xf32, #tpu.memory_space<vmem>>, vector<16xf32>,
        tpu.vector_store %arg23[%swap3A_492, %swap3A_493], %mul3A_491 {strides = array<i32>} : memref<128x128xf32, #tpu.memory_space<vmem>>, vector<16xf32>,
        %get3A_495 = arith.index_cast %add3A_445 : i32 to index
        %get3A_496 = arith.constant 112 : index
        %get3A_497 = tpu.vector_load %arg23[%get3A_495, %get3A_496] {strides = array<i32>} : memref<128x128xf32, #tpu.memory_space<vmem>>, vector<16xf32>,
        %mul3A_498 = arith.mulf %get3A_497, %broadcast_in_dim3A_441 : vector<16xf32>
        %swap3A_499 = arith.index_cast %add3A_445 : i32 to index
        %swap3A_500 = arith.constant 112 : index
        %swap3A_501 = tpu.vector_load %arg23[%swap3A_499, %swap3A_500] {strides = array<i32>} : memref<128x128xf32, #tpu.memory_space<vmem>>, vector<16xf32>,
        tpu.vector_store %arg23[%swap3A_499, %swap3A_500], %mul3A_498 {strides = array<i32>} : memref<128x128xf32, #tpu.memory_space<vmem>>, vector<16xf32>,
        %slice3A_502 = vector.extract_strided_slice %get3A_126 {offsets = [6], sizes = [1], strides = [1]} : vector<16xf32> to vector<1xf32>
        %squeeze3A_503 = vector.extract %slice3A_502[0] : f32 from vector<1xf32>
        %broadcast_in_dim3A_504 = vector.broadcast %squeeze3A_503 : f32 to vector<16xf32>
        %mul3A_505 = arith.constant 16 : i32
        %mul3A_506 = arith.muli %scan3A_120, %mul3A_505 : i32
        %add3A_507 = arith.constant 6 : i32
        %add3A_508 = arith.addi %mul3A_506, %add3A_507 : i32
        %get3A_509 = arith.index_cast %add3A_508 : i32 to index
        %get3A_510 = arith.constant 0 : index
        %get3A_511 = tpu.vector_load %arg23[%get3A_509, %get3A_510] {strides = array<i32>} : memref<128x128xf32, #tpu.memory_space<vmem>>, vector<16xf32>,
        %mul3A_512 = arith.mulf %get3A_511, %broadcast_in_dim3A_504 : vector<16xf32>
        %swap3A_513 = arith.index_cast %add3A_508 : i32 to index
        %swap3A_514 = arith.constant 0 : index
        %swap3A_515 = tpu.vector_load %arg23[%swap3A_513, %swap3A_514] {strides = array<i32>} : memref<128x128xf32, #tpu.memory_space<vmem>>, vector<16xf32>,
        tpu.vector_store %arg23[%swap3A_513, %swap3A_514], %mul3A_512 {strides = array<i32>} : memref<128x128xf32, #tpu.memory_space<vmem>>, vector<16xf32>,
        %get3A_516 = arith.index_cast %add3A_508 : i32 to index
        %get3A_517 = arith.constant 16 : index
        %get3A_518 = tpu.vector_load %arg23[%get3A_516, %get3A_517] {strides = array<i32>} : memref<128x128xf32, #tpu.memory_space<vmem>>, vector<16xf32>,
        %mul3A_519 = arith.mulf %get3A_518, %broadcast_in_dim3A_504 : vector<16xf32>
        %swap3A_520 = arith.index_cast %add3A_508 : i32 to index
        %swap3A_521 = arith.constant 16 : index
        %swap3A_522 = tpu.vector_load %arg23[%swap3A_520, %swap3A_521] {strides = array<i32>} : memref<128x128xf32, #tpu.memory_space<vmem>>, vector<16xf32>,
        tpu.vector_store %arg23[%swap3A_520, %swap3A_521], %mul3A_519 {strides = array<i32>} : memref<128x128xf32, #tpu.memory_space<vmem>>, vector<16xf32>,
        %get3A_523 = arith.index_cast %add3A_508 : i32 to index
        %get3A_524 = arith.constant 32 : index
        %get3A_525 = tpu.vector_load %arg23[%get3A_523, %get3A_524] {strides = array<i32>} : memref<128x128xf32, #tpu.memory_space<vmem>>, vector<16xf32>,
        %mul3A_526 = arith.mulf %get3A_525, %broadcast_in_dim3A_504 : vector<16xf32>
        %swap3A_527 = arith.index_cast %add3A_508 : i32 to index
        %swap3A_528 = arith.constant 32 : index
        %swap3A_529 = tpu.vector_load %arg23[%swap3A_527, %swap3A_528] {strides = array<i32>} : memref<128x128xf32, #tpu.memory_space<vmem>>, vector<16xf32>,
        tpu.vector_store %arg23[%swap3A_527, %swap3A_528], %mul3A_526 {strides = array<i32>} : memref<128x128xf32, #tpu.memory_space<vmem>>, vector<16xf32>,
        %get3A_530 = arith.index_cast %add3A_508 : i32 to index
        %get3A_531 = arith.constant 48 : index
        %get3A_532 = tpu.vector_load %arg23[%get3A_530, %get3A_531] {strides = array<i32>} : memref<128x128xf32, #tpu.memory_space<vmem>>, vector<16xf32>,
        %mul3A_533 = arith.mulf %get3A_532, %broadcast_in_dim3A_504 : vector<16xf32>
        %swap3A_534 = arith.index_cast %add3A_508 : i32 to index
        %swap3A_535 = arith.constant 48 : index
        %swap3A_536 = tpu.vector_load %arg23[%swap3A_534, %swap3A_535] {strides = array<i32>} : memref<128x128xf32, #tpu.memory_space<vmem>>, vector<16xf32>,
        tpu.vector_store %arg23[%swap3A_534, %swap3A_535], %mul3A_533 {strides = array<i32>} : memref<128x128xf32, #tpu.memory_space<vmem>>, vector<16xf32>,
        %get3A_537 = arith.index_cast %add3A_508 : i32 to index
        %get3A_538 = arith.constant 64 : index
        %get3A_539 = tpu.vector_load %arg23[%get3A_537, %get3A_538] {strides = array<i32>} : memref<128x128xf32, #tpu.memory_space<vmem>>, vector<16xf32>,
        %mul3A_540 = arith.mulf %get3A_539, %broadcast_in_dim3A_504 : vector<16xf32>
        %swap3A_541 = arith.index_cast %add3A_508 : i32 to index
        %swap3A_542 = arith.constant 64 : index
        %swap3A_543 = tpu.vector_load %arg23[%swap3A_541, %swap3A_542] {strides = array<i32>} : memref<128x128xf32, #tpu.memory_space<vmem>>, vector<16xf32>,
        tpu.vector_store %arg23[%swap3A_541, %swap3A_542], %mul3A_540 {strides = array<i32>} : memref<128x128xf32, #tpu.memory_space<vmem>>, vector<16xf32>,
        %get3A_544 = arith.index_cast %add3A_508 : i32 to index
        %get3A_545 = arith.constant 80 : index
        %get3A_546 = tpu.vector_load %arg23[%get3A_544, %get3A_545] {strides = array<i32>} : memref<128x128xf32, #tpu.memory_space<vmem>>, vector<16xf32>,
        %mul3A_547 = arith.mulf %get3A_546, %broadcast_in_dim3A_504 : vector<16xf32>
        %swap3A_548 = arith.index_cast %add3A_508 : i32 to index
        %swap3A_549 = arith.constant 80 : index
        %swap3A_550 = tpu.vector_load %arg23[%swap3A_548, %swap3A_549] {strides = array<i32>} : memref<128x128xf32, #tpu.memory_space<vmem>>, vector<16xf32>,
        tpu.vector_store %arg23[%swap3A_548, %swap3A_549], %mul3A_547 {strides = array<i32>} : memref<128x128xf32, #tpu.memory_space<vmem>>, vector<16xf32>,
        %get3A_551 = arith.index_cast %add3A_508 : i32 to index
        %get3A_552 = arith.constant 96 : index
        %get3A_553 = tpu.vector_load %arg23[%get3A_551, %get3A_552] {strides = array<i32>} : memref<128x128xf32, #tpu.memory_space<vmem>>, vector<16xf32>,
        %mul3A_554 = arith.mulf %get3A_553, %broadcast_in_dim3A_504 : vector<16xf32>
        %swap3A_555 = arith.index_cast %add3A_508 : i32 to index
        %swap3A_556 = arith.constant 96 : index
        %swap3A_557 = tpu.vector_load %arg23[%swap3A_555, %swap3A_556] {strides = array<i32>} : memref<128x128xf32, #tpu.memory_space<vmem>>, vector<16xf32>,
        tpu.vector_store %arg23[%swap3A_555, %swap3A_556], %mul3A_554 {strides = array<i32>} : memref<128x128xf32, #tpu.memory_space<vmem>>, vector<16xf32>,
        %get3A_558 = arith.index_cast %add3A_508 : i32 to index
        %get3A_559 = arith.constant 112 : index
        %get3A_560 = tpu.vector_load %arg23[%get3A_558, %get3A_559] {strides = array<i32>} : memref<128x128xf32, #tpu.memory_space<vmem>>, vector<16xf32>,
        %mul3A_561 = arith.mulf %get3A_560, %broadcast_in_dim3A_504 : vector<16xf32>
        %swap3A_562 = arith.index_cast %add3A_508 : i32 to index
        %swap3A_563 = arith.constant 112 : index
        %swap3A_564 = tpu.vector_load %arg23[%swap3A_562, %swap3A_563] {strides = array<i32>} : memref<128x128xf32, #tpu.memory_space<vmem>>, vector<16xf32>,
        tpu.vector_store %arg23[%swap3A_562, %swap3A_563], %mul3A_561 {strides = array<i32>} : memref<128x128xf32, #tpu.memory_space<vmem>>, vector<16xf32>,
        %slice3A_565 = vector.extract_strided_slice %get3A_126 {offsets = [7], sizes = [1], strides = [1]} : vector<16xf32> to vector<1xf32>
        %squeeze3A_566 = vector.extract %slice3A_565[0] : f32 from vector<1xf32>
        %broadcast_in_dim3A_567 = vector.broadcast %squeeze3A_566 : f32 to vector<16xf32>
        %mul3A_568 = arith.constant 16 : i32
        %mul3A_569 = arith.muli %scan3A_120, %mul3A_568 : i32
        %add3A_570 = arith.constant 7 : i32
        %add3A_571 = arith.addi %mul3A_569, %add3A_570 : i32
        %get3A_572 = arith.index_cast %add3A_571 : i32 to index
        %get3A_573 = arith.constant 0 : index
        %get3A_574 = tpu.vector_load %arg23[%get3A_572, %get3A_573] {strides = array<i32>} : memref<128x128xf32, #tpu.memory_space<vmem>>, vector<16xf32>,
        %mul3A_575 = arith.mulf %get3A_574, %broadcast_in_dim3A_567 : vector<16xf32>
        %swap3A_576 = arith.index_cast %add3A_571 : i32 to index
        %swap3A_577 = arith.constant 0 : index
        %swap3A_578 = tpu.vector_load %arg23[%swap3A_576, %swap3A_577] {strides = array<i32>} : memref<128x128xf32, #tpu.memory_space<vmem>>, vector<16xf32>,
        tpu.vector_store %arg23[%swap3A_576, %swap3A_577], %mul3A_575 {strides = array<i32>} : memref<128x128xf32, #tpu.memory_space<vmem>>, vector<16xf32>,
        %get3A_579 = arith.index_cast %add3A_571 : i32 to index
        %get3A_580 = arith.constant 16 : index
        %get3A_581 = tpu.vector_load %arg23[%get3A_579, %get3A_580] {strides = array<i32>} : memref<128x128xf32, #tpu.memory_space<vmem>>, vector<16xf32>,
        %mul3A_582 = arith.mulf %get3A_581, %broadcast_in_dim3A_567 : vector<16xf32>
        %swap3A_583 = arith.index_cast %add3A_571 : i32 to index
        %swap3A_584 = arith.constant 16 : index
        %swap3A_585 = tpu.vector_load %arg23[%swap3A_583, %swap3A_584] {strides = array<i32>} : memref<128x128xf32, #tpu.memory_space<vmem>>, vector<16xf32>,
        tpu.vector_store %arg23[%swap3A_583, %swap3A_584], %mul3A_582 {strides = array<i32>} : memref<128x128xf32, #tpu.memory_space<vmem>>, vector<16xf32>,
        %get3A_586 = arith.index_cast %add3A_571 : i32 to index
        %get3A_587 = arith.constant 32 : index
        %get3A_588 = tpu.vector_load %arg23[%get3A_586, %get3A_587] {strides = array<i32>} : memref<128x128xf32, #tpu.memory_space<vmem>>, vector<16xf32>,
        %mul3A_589 = arith.mulf %get3A_588, %broadcast_in_dim3A_567 : vector<16xf32>
        %swap3A_590 = arith.index_cast %add3A_571 : i32 to index
        %swap3A_591 = arith.constant 32 : index
        %swap3A_592 = tpu.vector_load %arg23[%swap3A_590, %swap3A_591] {strides = array<i32>} : memref<128x128xf32, #tpu.memory_space<vmem>>, vector<16xf32>,
        tpu.vector_store %arg23[%swap3A_590, %swap3A_591], %mul3A_589 {strides = array<i32>} : memref<128x128xf32, #tpu.memory_space<vmem>>, vector<16xf32>,
        %get3A_593 = arith.index_cast %add3A_571 : i32 to index
        %get3A_594 = arith.constant 48 : index
        %get3A_595 = tpu.vector_load %arg23[%get3A_593, %get3A_594] {strides = array<i32>} : memref<128x128xf32, #tpu.memory_space<vmem>>, vector<16xf32>,
        %mul3A_596 = arith.mulf %get3A_595, %broadcast_in_dim3A_567 : vector<16xf32>
        %swap3A_597 = arith.index_cast %add3A_571 : i32 to index
        %swap3A_598 = arith.constant 48 : index
        %swap3A_599 = tpu.vector_load %arg23[%swap3A_597, %swap3A_598] {strides = array<i32>} : memref<128x128xf32, #tpu.memory_space<vmem>>, vector<16xf32>,
        tpu.vector_store %arg23[%swap3A_597, %swap3A_598], %mul3A_596 {strides = array<i32>} : memref<128x128xf32, #tpu.memory_space<vmem>>, vector<16xf32>,
        %get3A_600 = arith.index_cast %add3A_571 : i32 to index
        %get3A_601 = arith.constant 64 : index
        %get3A_602 = tpu.vector_load %arg23[%get3A_600, %get3A_601] {strides = array<i32>} : memref<128x128xf32, #tpu.memory_space<vmem>>, vector<16xf32>,
        %mul3A_603 = arith.mulf %get3A_602, %broadcast_in_dim3A_567 : vector<16xf32>
        %swap3A_604 = arith.index_cast %add3A_571 : i32 to index
        %swap3A_605 = arith.constant 64 : index
        %swap3A_606 = tpu.vector_load %arg23[%swap3A_604, %swap3A_605] {strides = array<i32>} : memref<128x128xf32, #tpu.memory_space<vmem>>, vector<16xf32>,
        tpu.vector_store %arg23[%swap3A_604, %swap3A_605], %mul3A_603 {strides = array<i32>} : memref<128x128xf32, #tpu.memory_space<vmem>>, vector<16xf32>,
        %get3A_607 = arith.index_cast %add3A_571 : i32 to index
        %get3A_608 = arith.constant 80 : index
        %get3A_609 = tpu.vector_load %arg23[%get3A_607, %get3A_608] {strides = array<i32>} : memref<128x128xf32, #tpu.memory_space<vmem>>, vector<16xf32>,
        %mul3A_610 = arith.mulf %get3A_609, %broadcast_in_dim3A_567 : vector<16xf32>
        %swap3A_611 = arith.index_cast %add3A_571 : i32 to index
        %swap3A_612 = arith.constant 80 : index
        %swap3A_613 = tpu.vector_load %arg23[%swap3A_611, %swap3A_612] {strides = array<i32>} : memref<128x128xf32, #tpu.memory_space<vmem>>, vector<16xf32>,
        tpu.vector_store %arg23[%swap3A_611, %swap3A_612], %mul3A_610 {strides = array<i32>} : memref<128x128xf32, #tpu.memory_space<vmem>>, vector<16xf32>,
        %get3A_614 = arith.index_cast %add3A_571 : i32 to index
        %get3A_615 = arith.constant 96 : index
        %get3A_616 = tpu.vector_load %arg23[%get3A_614, %get3A_615] {strides = array<i32>} : memref<128x128xf32, #tpu.memory_space<vmem>>, vector<16xf32>,
        %mul3A_617 = arith.mulf %get3A_616, %broadcast_in_dim3A_567 : vector<16xf32>
        %swap3A_618 = arith.index_cast %add3A_571 : i32 to index
        %swap3A_619 = arith.constant 96 : index
        %swap3A_620 = tpu.vector_load %arg23[%swap3A_618, %swap3A_619] {strides = array<i32>} : memref<128x128xf32, #tpu.memory_space<vmem>>, vector<16xf32>,
        tpu.vector_store %arg23[%swap3A_618, %swap3A_619], %mul3A_617 {strides = array<i32>} : memref<128x128xf32, #tpu.memory_space<vmem>>, vector<16xf32>,
        %get3A_621 = arith.index_cast %add3A_571 : i32 to index
        %get3A_622 = arith.constant 112 : index
        %get3A_623 = tpu.vector_load %arg23[%get3A_621, %get3A_622] {strides = array<i32>} : memref<128x128xf32, #tpu.memory_space<vmem>>, vector<16xf32>,
        %mul3A_624 = arith.mulf %get3A_623, %broadcast_in_dim3A_567 : vector<16xf32>
        %swap3A_625 = arith.index_cast %add3A_571 : i32 to index
        %swap3A_626 = arith.constant 112 : index
        %swap3A_627 = tpu.vector_load %arg23[%swap3A_625, %swap3A_626] {strides = array<i32>} : memref<128x128xf32, #tpu.memory_space<vmem>>, vector<16xf32>,
        tpu.vector_store %arg23[%swap3A_625, %swap3A_626], %mul3A_624 {strides = array<i32>} : memref<128x128xf32, #tpu.memory_space<vmem>>, vector<16xf32>,
        %slice3A_628 = vector.extract_strided_slice %get3A_126 {offsets = [8], sizes = [1], strides = [1]} : vector<16xf32> to vector<1xf32>
        %squeeze3A_629 = vector.extract %slice3A_628[0] : f32 from vector<1xf32>
        %broadcast_in_dim3A_630 = vector.broadcast %squeeze3A_629 : f32 to vector<16xf32>
        %mul3A_631 = arith.constant 16 : i32
        %mul3A_632 = arith.muli %scan3A_120, %mul3A_631 : i32
        %add3A_633 = arith.constant 8 : i32
        %add3A_634 = arith.addi %mul3A_632, %add3A_633 : i32
        %get3A_635 = arith.index_cast %add3A_634 : i32 to index
        %get3A_636 = arith.constant 0 : index
        %get3A_637 = tpu.vector_load %arg23[%get3A_635, %get3A_636] {strides = array<i32>} : memref<128x128xf32, #tpu.memory_space<vmem>>, vector<16xf32>,
        %mul3A_638 = arith.mulf %get3A_637, %broadcast_in_dim3A_630 : vector<16xf32>
        %swap3A_639 = arith.index_cast %add3A_634 : i32 to index
        %swap3A_640 = arith.constant 0 : index
        %swap3A_641 = tpu.vector_load %arg23[%swap3A_639, %swap3A_640] {strides = array<i32>} : memref<128x128xf32, #tpu.memory_space<vmem>>, vector<16xf32>,
        tpu.vector_store %arg23[%swap3A_639, %swap3A_640], %mul3A_638 {strides = array<i32>} : memref<128x128xf32, #tpu.memory_space<vmem>>, vector<16xf32>,
        %get3A_642 = arith.index_cast %add3A_634 : i32 to index
        %get3A_643 = arith.constant 16 : index
        %get3A_644 = tpu.vector_load %arg23[%get3A_642, %get3A_643] {strides = array<i32>} : memref<128x128xf32, #tpu.memory_space<vmem>>, vector<16xf32>,
        %mul3A_645 = arith.mulf %get3A_644, %broadcast_in_dim3A_630 : vector<16xf32>
        %swap3A_646 = arith.index_cast %add3A_634 : i32 to index
        %swap3A_647 = arith.constant 16 : index
        %swap3A_648 = tpu.vector_load %arg23[%swap3A_646, %swap3A_647] {strides = array<i32>} : memref<128x128xf32, #tpu.memory_space<vmem>>, vector<16xf32>,
        tpu.vector_store %arg23[%swap3A_646, %swap3A_647], %mul3A_645 {strides = array<i32>} : memref<128x128xf32, #tpu.memory_space<vmem>>, vector<16xf32>,
        %get3A_649 = arith.index_cast %add3A_634 : i32 to index
        %get3A_650 = arith.constant 32 : index
        %get3A_651 = tpu.vector_load %arg23[%get3A_649, %get3A_650] {strides = array<i32>} : memref<128x128xf32, #tpu.memory_space<vmem>>, vector<16xf32>,
        %mul3A_652 = arith.mulf %get3A_651, %broadcast_in_dim3A_630 : vector<16xf32>
        %swap3A_653 = arith.index_cast %add3A_634 : i32 to index
        %swap3A_654 = arith.constant 32 : index
        %swap3A_655 = tpu.vector_load %arg23[%swap3A_653, %swap3A_654] {strides = array<i32>} : memref<128x128xf32, #tpu.memory_space<vmem>>, vector<16xf32>,
        tpu.vector_store %arg23[%swap3A_653, %swap3A_654], %mul3A_652 {strides = array<i32>} : memref<128x128xf32, #tpu.memory_space<vmem>>, vector<16xf32>,
        %get3A_656 = arith.index_cast %add3A_634 : i32 to index
        %get3A_657 = arith.constant 48 : index
        %get3A_658 = tpu.vector_load %arg23[%get3A_656, %get3A_657] {strides = array<i32>} : memref<128x128xf32, #tpu.memory_space<vmem>>, vector<16xf32>,
        %mul3A_659 = arith.mulf %get3A_658, %broadcast_in_dim3A_630 : vector<16xf32>
        %swap3A_660 = arith.index_cast %add3A_634 : i32 to index
        %swap3A_661 = arith.constant 48 : index
        %swap3A_662 = tpu.vector_load %arg23[%swap3A_660, %swap3A_661] {strides = array<i32>} : memref<128x128xf32, #tpu.memory_space<vmem>>, vector<16xf32>,
        tpu.vector_store %arg23[%swap3A_660, %swap3A_661], %mul3A_659 {strides = array<i32>} : memref<128x128xf32, #tpu.memory_space<vmem>>, vector<16xf32>,
        %get3A_663 = arith.index_cast %add3A_634 : i32 to index
        %get3A_664 = arith.constant 64 : index
        %get3A_665 = tpu.vector_load %arg23[%get3A_663, %get3A_664] {strides = array<i32>} : memref<128x128xf32, #tpu.memory_space<vmem>>, vector<16xf32>,
        %mul3A_666 = arith.mulf %get3A_665, %broadcast_in_dim3A_630 : vector<16xf32>
        %swap3A_667 = arith.index_cast %add3A_634 : i32 to index
        %swap3A_668 = arith.constant 64 : index
        %swap3A_669 = tpu.vector_load %arg23[%swap3A_667, %swap3A_668] {strides = array<i32>} : memref<128x128xf32, #tpu.memory_space<vmem>>, vector<16xf32>,
        tpu.vector_store %arg23[%swap3A_667, %swap3A_668], %mul3A_666 {strides = array<i32>} : memref<128x128xf32, #tpu.memory_space<vmem>>, vector<16xf32>,
        %get3A_670 = arith.index_cast %add3A_634 : i32 to index
        %get3A_671 = arith.constant 80 : index
        %get3A_672 = tpu.vector_load %arg23[%get3A_670, %get3A_671] {strides = array<i32>} : memref<128x128xf32, #tpu.memory_space<vmem>>, vector<16xf32>,
        %mul3A_673 = arith.mulf %get3A_672, %broadcast_in_dim3A_630 : vector<16xf32>
        %swap3A_674 = arith.index_cast %add3A_634 : i32 to index
        %swap3A_675 = arith.constant 80 : index
        %swap3A_676 = tpu.vector_load %arg23[%swap3A_674, %swap3A_675] {strides = array<i32>} : memref<128x128xf32, #tpu.memory_space<vmem>>, vector<16xf32>,
        tpu.vector_store %arg23[%swap3A_674, %swap3A_675], %mul3A_673 {strides = array<i32>} : memref<128x128xf32, #tpu.memory_space<vmem>>, vector<16xf32>,
        %get3A_677 = arith.index_cast %add3A_634 : i32 to index
        %get3A_678 = arith.constant 96 : index
        %get3A_679 = tpu.vector_load %arg23[%get3A_677, %get3A_678] {strides = array<i32>} : memref<128x128xf32, #tpu.memory_space<vmem>>, vector<16xf32>,
        %mul3A_680 = arith.mulf %get3A_679, %broadcast_in_dim3A_630 : vector<16xf32>
        %swap3A_681 = arith.index_cast %add3A_634 : i32 to index
        %swap3A_682 = arith.constant 96 : index
        %swap3A_683 = tpu.vector_load %arg23[%swap3A_681, %swap3A_682] {strides = array<i32>} : memref<128x128xf32, #tpu.memory_space<vmem>>, vector<16xf32>,
        tpu.vector_store %arg23[%swap3A_681, %swap3A_682], %mul3A_680 {strides = array<i32>} : memref<128x128xf32, #tpu.memory_space<vmem>>, vector<16xf32>,
        %get3A_684 = arith.index_cast %add3A_634 : i32 to index
        %get3A_685 = arith.constant 112 : index
        %get3A_686 = tpu.vector_load %arg23[%get3A_684, %get3A_685] {strides = array<i32>} : memref<128x128xf32, #tpu.memory_space<vmem>>, vector<16xf32>,
        %mul3A_687 = arith.mulf %get3A_686, %broadcast_in_dim3A_630 : vector<16xf32>
        %swap3A_688 = arith.index_cast %add3A_634 : i32 to index
        %swap3A_689 = arith.constant 112 : index
        %swap3A_690 = tpu.vector_load %arg23[%swap3A_688, %swap3A_689] {strides = array<i32>} : memref<128x128xf32, #tpu.memory_space<vmem>>, vector<16xf32>,
        tpu.vector_store %arg23[%swap3A_688, %swap3A_689], %mul3A_687 {strides = array<i32>} : memref<128x128xf32, #tpu.memory_space<vmem>>, vector<16xf32>,
        %slice3A_691 = vector.extract_strided_slice %get3A_126 {offsets = [9], sizes = [1], strides = [1]} : vector<16xf32> to vector<1xf32>
        %squeeze3A_692 = vector.extract %slice3A_691[0] : f32 from vector<1xf32>
        %broadcast_in_dim3A_693 = vector.broadcast %squeeze3A_692 : f32 to vector<16xf32>
        %mul3A_694 = arith.constant 16 : i32
        %mul3A_695 = arith.muli %scan3A_120, %mul3A_694 : i32
        %add3A_696 = arith.constant 9 : i32
        %add3A_697 = arith.addi %mul3A_695, %add3A_696 : i32
        %get3A_698 = arith.index_cast %add3A_697 : i32 to index
        %get3A_699 = arith.constant 0 : index
        %get3A_700 = tpu.vector_load %arg23[%get3A_698, %get3A_699] {strides = array<i32>} : memref<128x128xf32, #tpu.memory_space<vmem>>, vector<16xf32>,
        %mul3A_701 = arith.mulf %get3A_700, %broadcast_in_dim3A_693 : vector<16xf32>
        %swap3A_702 = arith.index_cast %add3A_697 : i32 to index
        %swap3A_703 = arith.constant 0 : index
        %swap3A_704 = tpu.vector_load %arg23[%swap3A_702, %swap3A_703] {strides = array<i32>} : memref<128x128xf32, #tpu.memory_space<vmem>>, vector<16xf32>,
        tpu.vector_store %arg23[%swap3A_702, %swap3A_703], %mul3A_701 {strides = array<i32>} : memref<128x128xf32, #tpu.memory_space<vmem>>, vector<16xf32>,
        %get3A_705 = arith.index_cast %add3A_697 : i32 to index
        %get3A_706 = arith.constant 16 : index
        %get3A_707 = tpu.vector_load %arg23[%get3A_705, %get3A_706] {strides = array<i32>} : memref<128x128xf32, #tpu.memory_space<vmem>>, vector<16xf32>,
        %mul3A_708 = arith.mulf %get3A_707, %broadcast_in_dim3A_693 : vector<16xf32>
        %swap3A_709 = arith.index_cast %add3A_697 : i32 to index
        %swap3A_710 = arith.constant 16 : index
        %swap3A_711 = tpu.vector_load %arg23[%swap3A_709, %swap3A_710] {strides = array<i32>} : memref<128x128xf32, #tpu.memory_space<vmem>>, vector<16xf32>,
        tpu.vector_store %arg23[%swap3A_709, %swap3A_710], %mul3A_708 {strides = array<i32>} : memref<128x128xf32, #tpu.memory_space<vmem>>, vector<16xf32>,
        %get3A_712 = arith.index_cast %add3A_697 : i32 to index
        %get3A_713 = arith.constant 32 : index
        %get3A_714 = tpu.vector_load %arg23[%get3A_712, %get3A_713] {strides = array<i32>} : memref<128x128xf32, #tpu.memory_space<vmem>>, vector<16xf32>,
        %mul3A_715 = arith.mulf %get3A_714, %broadcast_in_dim3A_693 : vector<16xf32>
        %swap3A_716 = arith.index_cast %add3A_697 : i32 to index
        %swap3A_717 = arith.constant 32 : index
        %swap3A_718 = tpu.vector_load %arg23[%swap3A_716, %swap3A_717] {strides = array<i32>} : memref<128x128xf32, #tpu.memory_space<vmem>>, vector<16xf32>,
        tpu.vector_store %arg23[%swap3A_716, %swap3A_717], %mul3A_715 {strides = array<i32>} : memref<128x128xf32, #tpu.memory_space<vmem>>, vector<16xf32>,
        %get3A_719 = arith.index_cast %add3A_697 : i32 to index
        %get3A_720 = arith.constant 48 : index
        %get3A_721 = tpu.vector_load %arg23[%get3A_719, %get3A_720] {strides = array<i32>} : memref<128x128xf32, #tpu.memory_space<vmem>>, vector<16xf32>,
        %mul3A_722 = arith.mulf %get3A_721, %broadcast_in_dim3A_693 : vector<16xf32>
        %swap3A_723 = arith.index_cast %add3A_697 : i32 to index
        %swap3A_724 = arith.constant 48 : index
        %swap3A_725 = tpu.vector_load %arg23[%swap3A_723, %swap3A_724] {strides = array<i32>} : memref<128x128xf32, #tpu.memory_space<vmem>>, vector<16xf32>,
        tpu.vector_store %arg23[%swap3A_723, %swap3A_724], %mul3A_722 {strides = array<i32>} : memref<128x128xf32, #tpu.memory_space<vmem>>, vector<16xf32>,
        %get3A_726 = arith.index_cast %add3A_697 : i32 to index
        %get3A_727 = arith.constant 64 : index
        %get3A_728 = tpu.vector_load %arg23[%get3A_726, %get3A_727] {strides = array<i32>} : memref<128x128xf32, #tpu.memory_space<vmem>>, vector<16xf32>,
        %mul3A_729 = arith.mulf %get3A_728, %broadcast_in_dim3A_693 : vector<16xf32>
        %swap3A_730 = arith.index_cast %add3A_697 : i32 to index
        %swap3A_731 = arith.constant 64 : index
        %swap3A_732 = tpu.vector_load %arg23[%swap3A_730, %swap3A_731] {strides = array<i32>} : memref<128x128xf32, #tpu.memory_space<vmem>>, vector<16xf32>,
        tpu.vector_store %arg23[%swap3A_730, %swap3A_731], %mul3A_729 {strides = array<i32>} : memref<128x128xf32, #tpu.memory_space<vmem>>, vector<16xf32>,
        %get3A_733 = arith.index_cast %add3A_697 : i32 to index
        %get3A_734 = arith.constant 80 : index
        %get3A_735 = tpu.vector_load %arg23[%get3A_733, %get3A_734] {strides = array<i32>} : memref<128x128xf32, #tpu.memory_space<vmem>>, vector<16xf32>,
        %mul3A_736 = arith.mulf %get3A_735, %broadcast_in_dim3A_693 : vector<16xf32>
        %swap3A_737 = arith.index_cast %add3A_697 : i32 to index
        %swap3A_738 = arith.constant 80 : index
        %swap3A_739 = tpu.vector_load %arg23[%swap3A_737, %swap3A_738] {strides = array<i32>} : memref<128x128xf32, #tpu.memory_space<vmem>>, vector<16xf32>,
        tpu.vector_store %arg23[%swap3A_737, %swap3A_738], %mul3A_736 {strides = array<i32>} : memref<128x128xf32, #tpu.memory_space<vmem>>, vector<16xf32>,
        %get3A_740 = arith.index_cast %add3A_697 : i32 to index
        %get3A_741 = arith.constant 96 : index
        %get3A_742 = tpu.vector_load %arg23[%get3A_740, %get3A_741] {strides = array<i32>} : memref<128x128xf32, #tpu.memory_space<vmem>>, vector<16xf32>,
        %mul3A_743 = arith.mulf %get3A_742, %broadcast_in_dim3A_693 : vector<16xf32>
        %swap3A_744 = arith.index_cast %add3A_697 : i32 to index
        %swap3A_745 = arith.constant 96 : index
        %swap3A_746 = tpu.vector_load %arg23[%swap3A_744, %swap3A_745] {strides = array<i32>} : memref<128x128xf32, #tpu.memory_space<vmem>>, vector<16xf32>,
        tpu.vector_store %arg23[%swap3A_744, %swap3A_745], %mul3A_743 {strides = array<i32>} : memref<128x128xf32, #tpu.memory_space<vmem>>, vector<16xf32>,
        %get3A_747 = arith.index_cast %add3A_697 : i32 to index
        %get3A_748 = arith.constant 112 : index
        %get3A_749 = tpu.vector_load %arg23[%get3A_747, %get3A_748] {strides = array<i32>} : memref<128x128xf32, #tpu.memory_space<vmem>>, vector<16xf32>,
        %mul3A_750 = arith.mulf %get3A_749, %broadcast_in_dim3A_693 : vector<16xf32>
        %swap3A_751 = arith.index_cast %add3A_697 : i32 to index
        %swap3A_752 = arith.constant 112 : index
        %swap3A_753 = tpu.vector_load %arg23[%swap3A_751, %swap3A_752] {strides = array<i32>} : memref<128x128xf32, #tpu.memory_space<vmem>>, vector<16xf32>,
        tpu.vector_store %arg23[%swap3A_751, %swap3A_752], %mul3A_750 {strides = array<i32>} : memref<128x128xf32, #tpu.memory_space<vmem>>, vector<16xf32>,
        %slice3A_754 = vector.extract_strided_slice %get3A_126 {offsets = [10], sizes = [1], strides = [1]} : vector<16xf32> to vector<1xf32>
        %squeeze3A_755 = vector.extract %slice3A_754[0] : f32 from vector<1xf32>
        %broadcast_in_dim3A_756 = vector.broadcast %squeeze3A_755 : f32 to vector<16xf32>
        %mul3A_757 = arith.constant 16 : i32
        %mul3A_758 = arith.muli %scan3A_120, %mul3A_757 : i32
        %add3A_759 = arith.constant 10 : i32
        %add3A_760 = arith.addi %mul3A_758, %add3A_759 : i32
        %get3A_761 = arith.index_cast %add3A_760 : i32 to index
        %get3A_762 = arith.constant 0 : index
        %get3A_763 = tpu.vector_load %arg23[%get3A_761, %get3A_762] {strides = array<i32>} : memref<128x128xf32, #tpu.memory_space<vmem>>, vector<16xf32>,
        %mul3A_764 = arith.mulf %get3A_763, %broadcast_in_dim3A_756 : vector<16xf32>
        %swap3A_765 = arith.index_cast %add3A_760 : i32 to index
        %swap3A_766 = arith.constant 0 : index
        %swap3A_767 = tpu.vector_load %arg23[%swap3A_765, %swap3A_766] {strides = array<i32>} : memref<128x128xf32, #tpu.memory_space<vmem>>, vector<16xf32>,
        tpu.vector_store %arg23[%swap3A_765, %swap3A_766], %mul3A_764 {strides = array<i32>} : memref<128x128xf32, #tpu.memory_space<vmem>>, vector<16xf32>,
        %get3A_768 = arith.index_cast %add3A_760 : i32 to index
        %get3A_769 = arith.constant 16 : index
        %get3A_770 = tpu.vector_load %arg23[%get3A_768, %get3A_769] {strides = array<i32>} : memref<128x128xf32, #tpu.memory_space<vmem>>, vector<16xf32>,
        %mul3A_771 = arith.mulf %get3A_770, %broadcast_in_dim3A_756 : vector<16xf32>
        %swap3A_772 = arith.index_cast %add3A_760 : i32 to index
        %swap3A_773 = arith.constant 16 : index
        %swap3A_774 = tpu.vector_load %arg23[%swap3A_772, %swap3A_773] {strides = array<i32>} : memref<128x128xf32, #tpu.memory_space<vmem>>, vector<16xf32>,
        tpu.vector_store %arg23[%swap3A_772, %swap3A_773], %mul3A_771 {strides = array<i32>} : memref<128x128xf32, #tpu.memory_space<vmem>>, vector<16xf32>,
        %get3A_775 = arith.index_cast %add3A_760 : i32 to index
        %get3A_776 = arith.constant 32 : index
        %get3A_777 = tpu.vector_load %arg23[%get3A_775, %get3A_776] {strides = array<i32>} : memref<128x128xf32, #tpu.memory_space<vmem>>, vector<16xf32>,
        %mul3A_778 = arith.mulf %get3A_777, %broadcast_in_dim3A_756 : vector<16xf32>
        %swap3A_779 = arith.index_cast %add3A_760 : i32 to index
        %swap3A_780 = arith.constant 32 : index
        %swap3A_781 = tpu.vector_load %arg23[%swap3A_779, %swap3A_780] {strides = array<i32>} : memref<128x128xf32, #tpu.memory_space<vmem>>, vector<16xf32>,
        tpu.vector_store %arg23[%swap3A_779, %swap3A_780], %mul3A_778 {strides = array<i32>} : memref<128x128xf32, #tpu.memory_space<vmem>>, vector<16xf32>,
        %get3A_782 = arith.index_cast %add3A_760 : i32 to index
        %get3A_783 = arith.constant 48 : index
        %get3A_784 = tpu.vector_load %arg23[%get3A_782, %get3A_783] {strides = array<i32>} : memref<128x128xf32, #tpu.memory_space<vmem>>, vector<16xf32>,
        %mul3A_785 = arith.mulf %get3A_784, %broadcast_in_dim3A_756 : vector<16xf32>
        %swap3A_786 = arith.index_cast %add3A_760 : i32 to index
        %swap3A_787 = arith.constant 48 : index
        %swap3A_788 = tpu.vector_load %arg23[%swap3A_786, %swap3A_787] {strides = array<i32>} : memref<128x128xf32, #tpu.memory_space<vmem>>, vector<16xf32>,
        tpu.vector_store %arg23[%swap3A_786, %swap3A_787], %mul3A_785 {strides = array<i32>} : memref<128x128xf32, #tpu.memory_space<vmem>>, vector<16xf32>,
        %get3A_789 = arith.index_cast %add3A_760 : i32 to index
        %get3A_790 = arith.constant 64 : index
        %get3A_791 = tpu.vector_load %arg23[%get3A_789, %get3A_790] {strides = array<i32>} : memref<128x128xf32, #tpu.memory_space<vmem>>, vector<16xf32>,
        %mul3A_792 = arith.mulf %get3A_791, %broadcast_in_dim3A_756 : vector<16xf32>
        %swap3A_793 = arith.index_cast %add3A_760 : i32 to index
        %swap3A_794 = arith.constant 64 : index
        %swap3A_795 = tpu.vector_load %arg23[%swap3A_793, %swap3A_794] {strides = array<i32>} : memref<128x128xf32, #tpu.memory_space<vmem>>, vector<16xf32>,
        tpu.vector_store %arg23[%swap3A_793, %swap3A_794], %mul3A_792 {strides = array<i32>} : memref<128x128xf32, #tpu.memory_space<vmem>>, vector<16xf32>,
        %get3A_796 = arith.index_cast %add3A_760 : i32 to index
        %get3A_797 = arith.constant 80 : index
        %get3A_798 = tpu.vector_load %arg23[%get3A_796, %get3A_797] {strides = array<i32>} : memref<128x128xf32, #tpu.memory_space<vmem>>, vector<16xf32>,
        %mul3A_799 = arith.mulf %get3A_798, %broadcast_in_dim3A_756 : vector<16xf32>
        %swap3A_800 = arith.index_cast %add3A_760 : i32 to index
        %swap3A_801 = arith.constant 80 : index
        %swap3A_802 = tpu.vector_load %arg23[%swap3A_800, %swap3A_801] {strides = array<i32>} : memref<128x128xf32, #tpu.memory_space<vmem>>, vector<16xf32>,
        tpu.vector_store %arg23[%swap3A_800, %swap3A_801], %mul3A_799 {strides = array<i32>} : memref<128x128xf32, #tpu.memory_space<vmem>>, vector<16xf32>,
        %get3A_803 = arith.index_cast %add3A_760 : i32 to index
        %get3A_804 = arith.constant 96 : index
        %get3A_805 = tpu.vector_load %arg23[%get3A_803, %get3A_804] {strides = array<i32>} : memref<128x128xf32, #tpu.memory_space<vmem>>, vector<16xf32>,
        %mul3A_806 = arith.mulf %get3A_805, %broadcast_in_dim3A_756 : vector<16xf32>
        %swap3A_807 = arith.index_cast %add3A_760 : i32 to index
        %swap3A_808 = arith.constant 96 : index
        %swap3A_809 = tpu.vector_load %arg23[%swap3A_807, %swap3A_808] {strides = array<i32>} : memref<128x128xf32, #tpu.memory_space<vmem>>, vector<16xf32>,
        tpu.vector_store %arg23[%swap3A_807, %swap3A_808], %mul3A_806 {strides = array<i32>} : memref<128x128xf32, #tpu.memory_space<vmem>>, vector<16xf32>,
        %get3A_810 = arith.index_cast %add3A_760 : i32 to index
        %get3A_811 = arith.constant 112 : index
        %get3A_812 = tpu.vector_load %arg23[%get3A_810, %get3A_811] {strides = array<i32>} : memref<128x128xf32, #tpu.memory_space<vmem>>, vector<16xf32>,
        %mul3A_813 = arith.mulf %get3A_812, %broadcast_in_dim3A_756 : vector<16xf32>
        %swap3A_814 = arith.index_cast %add3A_760 : i32 to index
        %swap3A_815 = arith.constant 112 : index
        %swap3A_816 = tpu.vector_load %arg23[%swap3A_814, %swap3A_815] {strides = array<i32>} : memref<128x128xf32, #tpu.memory_space<vmem>>, vector<16xf32>,
        tpu.vector_store %arg23[%swap3A_814, %swap3A_815], %mul3A_813 {strides = array<i32>} : memref<128x128xf32, #tpu.memory_space<vmem>>, vector<16xf32>,
        %slice3A_817 = vector.extract_strided_slice %get3A_126 {offsets = [11], sizes = [1], strides = [1]} : vector<16xf32> to vector<1xf32>
        %squeeze3A_818 = vector.extract %slice3A_817[0] : f32 from vector<1xf32>
        %broadcast_in_dim3A_819 = vector.broadcast %squeeze3A_818 : f32 to vector<16xf32>
        %mul3A_820 = arith.constant 16 : i32
        %mul3A_821 = arith.muli %scan3A_120, %mul3A_820 : i32
        %add3A_822 = arith.constant 11 : i32
        %add3A_823 = arith.addi %mul3A_821, %add3A_822 : i32
        %get3A_824 = arith.index_cast %add3A_823 : i32 to index
        %get3A_825 = arith.constant 0 : index
        %get3A_826 = tpu.vector_load %arg23[%get3A_824, %get3A_825] {strides = array<i32>} : memref<128x128xf32, #tpu.memory_space<vmem>>, vector<16xf32>,
        %mul3A_827 = arith.mulf %get3A_826, %broadcast_in_dim3A_819 : vector<16xf32>
        %swap3A_828 = arith.index_cast %add3A_823 : i32 to index
        %swap3A_829 = arith.constant 0 : index
        %swap3A_830 = tpu.vector_load %arg23[%swap3A_828, %swap3A_829] {strides = array<i32>} : memref<128x128xf32, #tpu.memory_space<vmem>>, vector<16xf32>,
        tpu.vector_store %arg23[%swap3A_828, %swap3A_829], %mul3A_827 {strides = array<i32>} : memref<128x128xf32, #tpu.memory_space<vmem>>, vector<16xf32>,
        %get3A_831 = arith.index_cast %add3A_823 : i32 to index
        %get3A_832 = arith.constant 16 : index
        %get3A_833 = tpu.vector_load %arg23[%get3A_831, %get3A_832] {strides = array<i32>} : memref<128x128xf32, #tpu.memory_space<vmem>>, vector<16xf32>,
        %mul3A_834 = arith.mulf %get3A_833, %broadcast_in_dim3A_819 : vector<16xf32>
        %swap3A_835 = arith.index_cast %add3A_823 : i32 to index
        %swap3A_836 = arith.constant 16 : index
        %swap3A_837 = tpu.vector_load %arg23[%swap3A_835, %swap3A_836] {strides = array<i32>} : memref<128x128xf32, #tpu.memory_space<vmem>>, vector<16xf32>,
        tpu.vector_store %arg23[%swap3A_835, %swap3A_836], %mul3A_834 {strides = array<i32>} : memref<128x128xf32, #tpu.memory_space<vmem>>, vector<16xf32>,
        %get3A_838 = arith.index_cast %add3A_823 : i32 to index
        %get3A_839 = arith.constant 32 : index
        %get3A_840 = tpu.vector_load %arg23[%get3A_838, %get3A_839] {strides = array<i32>} : memref<128x128xf32, #tpu.memory_space<vmem>>, vector<16xf32>,
        %mul3A_841 = arith.mulf %get3A_840, %broadcast_in_dim3A_819 : vector<16xf32>
        %swap3A_842 = arith.index_cast %add3A_823 : i32 to index
        %swap3A_843 = arith.constant 32 : index
        %swap3A_844 = tpu.vector_load %arg23[%swap3A_842, %swap3A_843] {strides = array<i32>} : memref<128x128xf32, #tpu.memory_space<vmem>>, vector<16xf32>,
        tpu.vector_store %arg23[%swap3A_842, %swap3A_843], %mul3A_841 {strides = array<i32>} : memref<128x128xf32, #tpu.memory_space<vmem>>, vector<16xf32>,
        %get3A_845 = arith.index_cast %add3A_823 : i32 to index
        %get3A_846 = arith.constant 48 : index
        %get3A_847 = tpu.vector_load %arg23[%get3A_845, %get3A_846] {strides = array<i32>} : memref<128x128xf32, #tpu.memory_space<vmem>>, vector<16xf32>,
        %mul3A_848 = arith.mulf %get3A_847, %broadcast_in_dim3A_819 : vector<16xf32>
        %swap3A_849 = arith.index_cast %add3A_823 : i32 to index
        %swap3A_850 = arith.constant 48 : index
        %swap3A_851 = tpu.vector_load %arg23[%swap3A_849, %swap3A_850] {strides = array<i32>} : memref<128x128xf32, #tpu.memory_space<vmem>>, vector<16xf32>,
        tpu.vector_store %arg23[%swap3A_849, %swap3A_850], %mul3A_848 {strides = array<i32>} : memref<128x128xf32, #tpu.memory_space<vmem>>, vector<16xf32>,
        %get3A_852 = arith.index_cast %add3A_823 : i32 to index
        %get3A_853 = arith.constant 64 : index
        %get3A_854 = tpu.vector_load %arg23[%get3A_852, %get3A_853] {strides = array<i32>} : memref<128x128xf32, #tpu.memory_space<vmem>>, vector<16xf32>,
        %mul3A_855 = arith.mulf %get3A_854, %broadcast_in_dim3A_819 : vector<16xf32>
        %swap3A_856 = arith.index_cast %add3A_823 : i32 to index
        %swap3A_857 = arith.constant 64 : index
        %swap3A_858 = tpu.vector_load %arg23[%swap3A_856, %swap3A_857] {strides = array<i32>} : memref<128x128xf32, #tpu.memory_space<vmem>>, vector<16xf32>,
        tpu.vector_store %arg23[%swap3A_856, %swap3A_857], %mul3A_855 {strides = array<i32>} : memref<128x128xf32, #tpu.memory_space<vmem>>, vector<16xf32>,
        %get3A_859 = arith.index_cast %add3A_823 : i32 to index
        %get3A_860 = arith.constant 80 : index
        %get3A_861 = tpu.vector_load %arg23[%get3A_859, %get3A_860] {strides = array<i32>} : memref<128x128xf32, #tpu.memory_space<vmem>>, vector<16xf32>,
        %mul3A_862 = arith.mulf %get3A_861, %broadcast_in_dim3A_819 : vector<16xf32>
        %swap3A_863 = arith.index_cast %add3A_823 : i32 to index
        %swap3A_864 = arith.constant 80 : index
        %swap3A_865 = tpu.vector_load %arg23[%swap3A_863, %swap3A_864] {strides = array<i32>} : memref<128x128xf32, #tpu.memory_space<vmem>>, vector<16xf32>,
        tpu.vector_store %arg23[%swap3A_863, %swap3A_864], %mul3A_862 {strides = array<i32>} : memref<128x128xf32, #tpu.memory_space<vmem>>, vector<16xf32>,
        %get3A_866 = arith.index_cast %add3A_823 : i32 to index
        %get3A_867 = arith.constant 96 : index
        %get3A_868 = tpu.vector_load %arg23[%get3A_866, %get3A_867] {strides = array<i32>} : memref<128x128xf32, #tpu.memory_space<vmem>>, vector<16xf32>,
        %mul3A_869 = arith.mulf %get3A_868, %broadcast_in_dim3A_819 : vector<16xf32>
        %swap3A_870 = arith.index_cast %add3A_823 : i32 to index
        %swap3A_871 = arith.constant 96 : index
        %swap3A_872 = tpu.vector_load %arg23[%swap3A_870, %swap3A_871] {strides = array<i32>} : memref<128x128xf32, #tpu.memory_space<vmem>>, vector<16xf32>,
        tpu.vector_store %arg23[%swap3A_870, %swap3A_871], %mul3A_869 {strides = array<i32>} : memref<128x128xf32, #tpu.memory_space<vmem>>, vector<16xf32>,
        %get3A_873 = arith.index_cast %add3A_823 : i32 to index
        %get3A_874 = arith.constant 112 : index
        %get3A_875 = tpu.vector_load %arg23[%get3A_873, %get3A_874] {strides = array<i32>} : memref<128x128xf32, #tpu.memory_space<vmem>>, vector<16xf32>,
        %mul3A_876 = arith.mulf %get3A_875, %broadcast_in_dim3A_819 : vector<16xf32>
        %swap3A_877 = arith.index_cast %add3A_823 : i32 to index
        %swap3A_878 = arith.constant 112 : index
        %swap3A_879 = tpu.vector_load %arg23[%swap3A_877, %swap3A_878] {strides = array<i32>} : memref<128x128xf32, #tpu.memory_space<vmem>>, vector<16xf32>,
        tpu.vector_store %arg23[%swap3A_877, %swap3A_878], %mul3A_876 {strides = array<i32>} : memref<128x128xf32, #tpu.memory_space<vmem>>, vector<16xf32>,
        %slice3A_880 = vector.extract_strided_slice %get3A_126 {offsets = [12], sizes = [1], strides = [1]} : vector<16xf32> to vector<1xf32>
        %squeeze3A_881 = vector.extract %slice3A_880[0] : f32 from vector<1xf32>
        %broadcast_in_dim3A_882 = vector.broadcast %squeeze3A_881 : f32 to vector<16xf32>
        %mul3A_883 = arith.constant 16 : i32
        %mul3A_884 = arith.muli %scan3A_120, %mul3A_883 : i32
        %add3A_885 = arith.constant 12 : i32
        %add3A_886 = arith.addi %mul3A_884, %add3A_885 : i32
        %get3A_887 = arith.index_cast %add3A_886 : i32 to index
        %get3A_888 = arith.constant 0 : index
        %get3A_889 = tpu.vector_load %arg23[%get3A_887, %get3A_888] {strides = array<i32>} : memref<128x128xf32, #tpu.memory_space<vmem>>, vector<16xf32>,
        %mul3A_890 = arith.mulf %get3A_889, %broadcast_in_dim3A_882 : vector<16xf32>
        %swap3A_891 = arith.index_cast %add3A_886 : i32 to index
        %swap3A_892 = arith.constant 0 : index
        %swap3A_893 = tpu.vector_load %arg23[%swap3A_891, %swap3A_892] {strides = array<i32>} : memref<128x128xf32, #tpu.memory_space<vmem>>, vector<16xf32>,
        tpu.vector_store %arg23[%swap3A_891, %swap3A_892], %mul3A_890 {strides = array<i32>} : memref<128x128xf32, #tpu.memory_space<vmem>>, vector<16xf32>,
        %get3A_894 = arith.index_cast %add3A_886 : i32 to index
        %get3A_895 = arith.constant 16 : index
        %get3A_896 = tpu.vector_load %arg23[%get3A_894, %get3A_895] {strides = array<i32>} : memref<128x128xf32, #tpu.memory_space<vmem>>, vector<16xf32>,
        %mul3A_897 = arith.mulf %get3A_896, %broadcast_in_dim3A_882 : vector<16xf32>
        %swap3A_898 = arith.index_cast %add3A_886 : i32 to index
        %swap3A_899 = arith.constant 16 : index
        %swap3A_900 = tpu.vector_load %arg23[%swap3A_898, %swap3A_899] {strides = array<i32>} : memref<128x128xf32, #tpu.memory_space<vmem>>, vector<16xf32>,
        tpu.vector_store %arg23[%swap3A_898, %swap3A_899], %mul3A_897 {strides = array<i32>} : memref<128x128xf32, #tpu.memory_space<vmem>>, vector<16xf32>,
        %get3A_901 = arith.index_cast %add3A_886 : i32 to index
        %get3A_902 = arith.constant 32 : index
        %get3A_903 = tpu.vector_load %arg23[%get3A_901, %get3A_902] {strides = array<i32>} : memref<128x128xf32, #tpu.memory_space<vmem>>, vector<16xf32>,
        %mul3A_904 = arith.mulf %get3A_903, %broadcast_in_dim3A_882 : vector<16xf32>
        %swap3A_905 = arith.index_cast %add3A_886 : i32 to index
        %swap3A_906 = arith.constant 32 : index
        %swap3A_907 = tpu.vector_load %arg23[%swap3A_905, %swap3A_906] {strides = array<i32>} : memref<128x128xf32, #tpu.memory_space<vmem>>, vector<16xf32>,
        tpu.vector_store %arg23[%swap3A_905, %swap3A_906], %mul3A_904 {strides = array<i32>} : memref<128x128xf32, #tpu.memory_space<vmem>>, vector<16xf32>,
        %get3A_908 = arith.index_cast %add3A_886 : i32 to index
        %get3A_909 = arith.constant 48 : index
        %get3A_910 = tpu.vector_load %arg23[%get3A_908, %get3A_909] {strides = array<i32>} : memref<128x128xf32, #tpu.memory_space<vmem>>, vector<16xf32>,
        %mul3A_911 = arith.mulf %get3A_910, %broadcast_in_dim3A_882 : vector<16xf32>
        %swap3A_912 = arith.index_cast %add3A_886 : i32 to index
        %swap3A_913 = arith.constant 48 : index
        %swap3A_914 = tpu.vector_load %arg23[%swap3A_912, %swap3A_913] {strides = array<i32>} : memref<128x128xf32, #tpu.memory_space<vmem>>, vector<16xf32>,
        tpu.vector_store %arg23[%swap3A_912, %swap3A_913], %mul3A_911 {strides = array<i32>} : memref<128x128xf32, #tpu.memory_space<vmem>>, vector<16xf32>,
        %get3A_915 = arith.index_cast %add3A_886 : i32 to index
        %get3A_916 = arith.constant 64 : index
        %get3A_917 = tpu.vector_load %arg23[%get3A_915, %get3A_916] {strides = array<i32>} : memref<128x128xf32, #tpu.memory_space<vmem>>, vector<16xf32>,
        %mul3A_918 = arith.mulf %get3A_917, %broadcast_in_dim3A_882 : vector<16xf32>
        %swap3A_919 = arith.index_cast %add3A_886 : i32 to index
        %swap3A_920 = arith.constant 64 : index
        %swap3A_921 = tpu.vector_load %arg23[%swap3A_919, %swap3A_920] {strides = array<i32>} : memref<128x128xf32, #tpu.memory_space<vmem>>, vector<16xf32>,
        tpu.vector_store %arg23[%swap3A_919, %swap3A_920], %mul3A_918 {strides = array<i32>} : memref<128x128xf32, #tpu.memory_space<vmem>>, vector<16xf32>,
        %get3A_922 = arith.index_cast %add3A_886 : i32 to index
        %get3A_923 = arith.constant 80 : index
        %get3A_924 = tpu.vector_load %arg23[%get3A_922, %get3A_923] {strides = array<i32>} : memref<128x128xf32, #tpu.memory_space<vmem>>, vector<16xf32>,
        %mul3A_925 = arith.mulf %get3A_924, %broadcast_in_dim3A_882 : vector<16xf32>
        %swap3A_926 = arith.index_cast %add3A_886 : i32 to index
        %swap3A_927 = arith.constant 80 : index
        %swap3A_928 = tpu.vector_load %arg23[%swap3A_926, %swap3A_927] {strides = array<i32>} : memref<128x128xf32, #tpu.memory_space<vmem>>, vector<16xf32>,
        tpu.vector_store %arg23[%swap3A_926, %swap3A_927], %mul3A_925 {strides = array<i32>} : memref<128x128xf32, #tpu.memory_space<vmem>>, vector<16xf32>,
        %get3A_929 = arith.index_cast %add3A_886 : i32 to index
        %get3A_930 = arith.constant 96 : index
        %get3A_931 = tpu.vector_load %arg23[%get3A_929, %get3A_930] {strides = array<i32>} : memref<128x128xf32, #tpu.memory_space<vmem>>, vector<16xf32>,
        %mul3A_932 = arith.mulf %get3A_931, %broadcast_in_dim3A_882 : vector<16xf32>
        %swap3A_933 = arith.index_cast %add3A_886 : i32 to index
        %swap3A_934 = arith.constant 96 : index
        %swap3A_935 = tpu.vector_load %arg23[%swap3A_933, %swap3A_934] {strides = array<i32>} : memref<128x128xf32, #tpu.memory_space<vmem>>, vector<16xf32>,
        tpu.vector_store %arg23[%swap3A_933, %swap3A_934], %mul3A_932 {strides = array<i32>} : memref<128x128xf32, #tpu.memory_space<vmem>>, vector<16xf32>,
        %get3A_936 = arith.index_cast %add3A_886 : i32 to index
        %get3A_937 = arith.constant 112 : index
        %get3A_938 = tpu.vector_load %arg23[%get3A_936, %get3A_937] {strides = array<i32>} : memref<128x128xf32, #tpu.memory_space<vmem>>, vector<16xf32>,
        %mul3A_939 = arith.mulf %get3A_938, %broadcast_in_dim3A_882 : vector<16xf32>
        %swap3A_940 = arith.index_cast %add3A_886 : i32 to index
        %swap3A_941 = arith.constant 112 : index
        %swap3A_942 = tpu.vector_load %arg23[%swap3A_940, %swap3A_941] {strides = array<i32>} : memref<128x128xf32, #tpu.memory_space<vmem>>, vector<16xf32>,
        tpu.vector_store %arg23[%swap3A_940, %swap3A_941], %mul3A_939 {strides = array<i32>} : memref<128x128xf32, #tpu.memory_space<vmem>>, vector<16xf32>,
        %slice3A_943 = vector.extract_strided_slice %get3A_126 {offsets = [13], sizes = [1], strides = [1]} : vector<16xf32> to vector<1xf32>
        %squeeze3A_944 = vector.extract %slice3A_943[0] : f32 from vector<1xf32>
        %broadcast_in_dim3A_945 = vector.broadcast %squeeze3A_944 : f32 to vector<16xf32>
        %mul3A_946 = arith.constant 16 : i32
        %mul3A_947 = arith.muli %scan3A_120, %mul3A_946 : i32
        %add3A_948 = arith.constant 13 : i32
        %add3A_949 = arith.addi %mul3A_947, %add3A_948 : i32
        %get3A_950 = arith.index_cast %add3A_949 : i32 to index
        %get3A_951 = arith.constant 0 : index
        %get3A_952 = tpu.vector_load %arg23[%get3A_950, %get3A_951] {strides = array<i32>} : memref<128x128xf32, #tpu.memory_space<vmem>>, vector<16xf32>,
        %mul3A_953 = arith.mulf %get3A_952, %broadcast_in_dim3A_945 : vector<16xf32>
        %swap3A_954 = arith.index_cast %add3A_949 : i32 to index
        %swap3A_955 = arith.constant 0 : index
        %swap3A_956 = tpu.vector_load %arg23[%swap3A_954, %swap3A_955] {strides = array<i32>} : memref<128x128xf32, #tpu.memory_space<vmem>>, vector<16xf32>,
        tpu.vector_store %arg23[%swap3A_954, %swap3A_955], %mul3A_953 {strides = array<i32>} : memref<128x128xf32, #tpu.memory_space<vmem>>, vector<16xf32>,
        %get3A_957 = arith.index_cast %add3A_949 : i32 to index
        %get3A_958 = arith.constant 16 : index
        %get3A_959 = tpu.vector_load %arg23[%get3A_957, %get3A_958] {strides = array<i32>} : memref<128x128xf32, #tpu.memory_space<vmem>>, vector<16xf32>,
        %mul3A_960 = arith.mulf %get3A_959, %broadcast_in_dim3A_945 : vector<16xf32>
        %swap3A_961 = arith.index_cast %add3A_949 : i32 to index
        %swap3A_962 = arith.constant 16 : index
        %swap3A_963 = tpu.vector_load %arg23[%swap3A_961, %swap3A_962] {strides = array<i32>} : memref<128x128xf32, #tpu.memory_space<vmem>>, vector<16xf32>,
        tpu.vector_store %arg23[%swap3A_961, %swap3A_962], %mul3A_960 {strides = array<i32>} : memref<128x128xf32, #tpu.memory_space<vmem>>, vector<16xf32>,
        %get3A_964 = arith.index_cast %add3A_949 : i32 to index
        %get3A_965 = arith.constant 32 : index
        %get3A_966 = tpu.vector_load %arg23[%get3A_964, %get3A_965] {strides = array<i32>} : memref<128x128xf32, #tpu.memory_space<vmem>>, vector<16xf32>,
        %mul3A_967 = arith.mulf %get3A_966, %broadcast_in_dim3A_945 : vector<16xf32>
        %swap3A_968 = arith.index_cast %add3A_949 : i32 to index
        %swap3A_969 = arith.constant 32 : index
        %swap3A_970 = tpu.vector_load %arg23[%swap3A_968, %swap3A_969] {strides = array<i32>} : memref<128x128xf32, #tpu.memory_space<vmem>>, vector<16xf32>,
        tpu.vector_store %arg23[%swap3A_968, %swap3A_969], %mul3A_967 {strides = array<i32>} : memref<128x128xf32, #tpu.memory_space<vmem>>, vector<16xf32>,
        %get3A_971 = arith.index_cast %add3A_949 : i32 to index
        %get3A_972 = arith.constant 48 : index
        %get3A_973 = tpu.vector_load %arg23[%get3A_971, %get3A_972] {strides = array<i32>} : memref<128x128xf32, #tpu.memory_space<vmem>>, vector<16xf32>,
        %mul3A_974 = arith.mulf %get3A_973, %broadcast_in_dim3A_945 : vector<16xf32>
        %swap3A_975 = arith.index_cast %add3A_949 : i32 to index
        %swap3A_976 = arith.constant 48 : index
        %swap3A_977 = tpu.vector_load %arg23[%swap3A_975, %swap3A_976] {strides = array<i32>} : memref<128x128xf32, #tpu.memory_space<vmem>>, vector<16xf32>,
        tpu.vector_store %arg23[%swap3A_975, %swap3A_976], %mul3A_974 {strides = array<i32>} : memref<128x128xf32, #tpu.memory_space<vmem>>, vector<16xf32>,
        %get3A_978 = arith.index_cast %add3A_949 : i32 to index
        %get3A_979 = arith.constant 64 : index
        %get3A_980 = tpu.vector_load %arg23[%get3A_978, %get3A_979] {strides = array<i32>} : memref<128x128xf32, #tpu.memory_space<vmem>>, vector<16xf32>,
        %mul3A_981 = arith.mulf %get3A_980, %broadcast_in_dim3A_945 : vector<16xf32>
        %swap3A_982 = arith.index_cast %add3A_949 : i32 to index
        %swap3A_983 = arith.constant 64 : index
        %swap3A_984 = tpu.vector_load %arg23[%swap3A_982, %swap3A_983] {strides = array<i32>} : memref<128x128xf32, #tpu.memory_space<vmem>>, vector<16xf32>,
        tpu.vector_store %arg23[%swap3A_982, %swap3A_983], %mul3A_981 {strides = array<i32>} : memref<128x128xf32, #tpu.memory_space<vmem>>, vector<16xf32>,
        %get3A_985 = arith.index_cast %add3A_949 : i32 to index
        %get3A_986 = arith.constant 80 : index
        %get3A_987 = tpu.vector_load %arg23[%get3A_985, %get3A_986] {strides = array<i32>} : memref<128x128xf32, #tpu.memory_space<vmem>>, vector<16xf32>,
        %mul3A_988 = arith.mulf %get3A_987, %broadcast_in_dim3A_945 : vector<16xf32>
        %swap3A_989 = arith.index_cast %add3A_949 : i32 to index
        %swap3A_990 = arith.constant 80 : index
        %swap3A_991 = tpu.vector_load %arg23[%swap3A_989, %swap3A_990] {strides = array<i32>} : memref<128x128xf32, #tpu.memory_space<vmem>>, vector<16xf32>,
        tpu.vector_store %arg23[%swap3A_989, %swap3A_990], %mul3A_988 {strides = array<i32>} : memref<128x128xf32, #tpu.memory_space<vmem>>, vector<16xf32>,
        %get3A_992 = arith.index_cast %add3A_949 : i32 to index
        %get3A_993 = arith.constant 96 : index
        %get3A_994 = tpu.vector_load %arg23[%get3A_992, %get3A_993] {strides = array<i32>} : memref<128x128xf32, #tpu.memory_space<vmem>>, vector<16xf32>,
        %mul3A_995 = arith.mulf %get3A_994, %broadcast_in_dim3A_945 : vector<16xf32>
        %swap3A_996 = arith.index_cast %add3A_949 : i32 to index
        %swap3A_997 = arith.constant 96 : index
        %swap3A_998 = tpu.vector_load %arg23[%swap3A_996, %swap3A_997] {strides = array<i32>} : memref<128x128xf32, #tpu.memory_space<vmem>>, vector<16xf32>,
        tpu.vector_store %arg23[%swap3A_996, %swap3A_997], %mul3A_995 {strides = array<i32>} : memref<128x128xf32, #tpu.memory_space<vmem>>, vector<16xf32>,
        %get3A_999 = arith.index_cast %add3A_949 : i32 to index
        %get3A_1000 = arith.constant 112 : index
        %get3A_1001 = tpu.vector_load %arg23[%get3A_999, %get3A_1000] {strides = array<i32>} : memref<128x128xf32, #tpu.memory_space<vmem>>, vector<16xf32>,
        %mul3A_1002 = arith.mulf %get3A_1001, %broadcast_in_dim3A_945 : vector<16xf32>
        %swap3A_1003 = arith.index_cast %add3A_949 : i32 to index
        %swap3A_1004 = arith.constant 112 : index
        %swap3A_1005 = tpu.vector_load %arg23[%swap3A_1003, %swap3A_1004] {strides = array<i32>} : memref<128x128xf32, #tpu.memory_space<vmem>>, vector<16xf32>,
        tpu.vector_store %arg23[%swap3A_1003, %swap3A_1004], %mul3A_1002 {strides = array<i32>} : memref<128x128xf32, #tpu.memory_space<vmem>>, vector<16xf32>,
        %slice3A_1006 = vector.extract_strided_slice %get3A_126 {offsets = [14], sizes = [1], strides = [1]} : vector<16xf32> to vector<1xf32>
        %squeeze3A_1007 = vector.extract %slice3A_1006[0] : f32 from vector<1xf32>
        %broadcast_in_dim3A_1008 = vector.broadcast %squeeze3A_1007 : f32 to vector<16xf32>
        %mul3A_1009 = arith.constant 16 : i32
        %mul3A_1010 = arith.muli %scan3A_120, %mul3A_1009 : i32
        %add3A_1011 = arith.constant 14 : i32
        %add3A_1012 = arith.addi %mul3A_1010, %add3A_1011 : i32
        %get3A_1013 = arith.index_cast %add3A_1012 : i32 to index
        %get3A_1014 = arith.constant 0 : index
        %get3A_1015 = tpu.vector_load %arg23[%get3A_1013, %get3A_1014] {strides = array<i32>} : memref<128x128xf32, #tpu.memory_space<vmem>>, vector<16xf32>,
        %mul3A_1016 = arith.mulf %get3A_1015, %broadcast_in_dim3A_1008 : vector<16xf32>
        %swap3A_1017 = arith.index_cast %add3A_1012 : i32 to index
        %swap3A_1018 = arith.constant 0 : index
        %swap3A_1019 = tpu.vector_load %arg23[%swap3A_1017, %swap3A_1018] {strides = array<i32>} : memref<128x128xf32, #tpu.memory_space<vmem>>, vector<16xf32>,
        tpu.vector_store %arg23[%swap3A_1017, %swap3A_1018], %mul3A_1016 {strides = array<i32>} : memref<128x128xf32, #tpu.memory_space<vmem>>, vector<16xf32>,
        %get3A_1020 = arith.index_cast %add3A_1012 : i32 to index
        %get3A_1021 = arith.constant 16 : index
        %get3A_1022 = tpu.vector_load %arg23[%get3A_1020, %get3A_1021] {strides = array<i32>} : memref<128x128xf32, #tpu.memory_space<vmem>>, vector<16xf32>,
        %mul3A_1023 = arith.mulf %get3A_1022, %broadcast_in_dim3A_1008 : vector<16xf32>
        %swap3A_1024 = arith.index_cast %add3A_1012 : i32 to index
        %swap3A_1025 = arith.constant 16 : index
        %swap3A_1026 = tpu.vector_load %arg23[%swap3A_1024, %swap3A_1025] {strides = array<i32>} : memref<128x128xf32, #tpu.memory_space<vmem>>, vector<16xf32>,
        tpu.vector_store %arg23[%swap3A_1024, %swap3A_1025], %mul3A_1023 {strides = array<i32>} : memref<128x128xf32, #tpu.memory_space<vmem>>, vector<16xf32>,
        %get3A_1027 = arith.index_cast %add3A_1012 : i32 to index
        %get3A_1028 = arith.constant 32 : index
        %get3A_1029 = tpu.vector_load %arg23[%get3A_1027, %get3A_1028] {strides = array<i32>} : memref<128x128xf32, #tpu.memory_space<vmem>>, vector<16xf32>,
        %mul3A_1030 = arith.mulf %get3A_1029, %broadcast_in_dim3A_1008 : vector<16xf32>
        %swap3A_1031 = arith.index_cast %add3A_1012 : i32 to index
        %swap3A_1032 = arith.constant 32 : index
        %swap3A_1033 = tpu.vector_load %arg23[%swap3A_1031, %swap3A_1032] {strides = array<i32>} : memref<128x128xf32, #tpu.memory_space<vmem>>, vector<16xf32>,
        tpu.vector_store %arg23[%swap3A_1031, %swap3A_1032], %mul3A_1030 {strides = array<i32>} : memref<128x128xf32, #tpu.memory_space<vmem>>, vector<16xf32>,
        %get3A_1034 = arith.index_cast %add3A_1012 : i32 to index
        %get3A_1035 = arith.constant 48 : index
        %get3A_1036 = tpu.vector_load %arg23[%get3A_1034, %get3A_1035] {strides = array<i32>} : memref<128x128xf32, #tpu.memory_space<vmem>>, vector<16xf32>,
        %mul3A_1037 = arith.mulf %get3A_1036, %broadcast_in_dim3A_1008 : vector<16xf32>
        %swap3A_1038 = arith.index_cast %add3A_1012 : i32 to index
        %swap3A_1039 = arith.constant 48 : index
        %swap3A_1040 = tpu.vector_load %arg23[%swap3A_1038, %swap3A_1039] {strides = array<i32>} : memref<128x128xf32, #tpu.memory_space<vmem>>, vector<16xf32>,
        tpu.vector_store %arg23[%swap3A_1038, %swap3A_1039], %mul3A_1037 {strides = array<i32>} : memref<128x128xf32, #tpu.memory_space<vmem>>, vector<16xf32>,
        %get3A_1041 = arith.index_cast %add3A_1012 : i32 to index
        %get3A_1042 = arith.constant 64 : index
        %get3A_1043 = tpu.vector_load %arg23[%get3A_1041, %get3A_1042] {strides = array<i32>} : memref<128x128xf32, #tpu.memory_space<vmem>>, vector<16xf32>,
        %mul3A_1044 = arith.mulf %get3A_1043, %broadcast_in_dim3A_1008 : vector<16xf32>
        %swap3A_1045 = arith.index_cast %add3A_1012 : i32 to index
        %swap3A_1046 = arith.constant 64 : index
        %swap3A_1047 = tpu.vector_load %arg23[%swap3A_1045, %swap3A_1046] {strides = array<i32>} : memref<128x128xf32, #tpu.memory_space<vmem>>, vector<16xf32>,
        tpu.vector_store %arg23[%swap3A_1045, %swap3A_1046], %mul3A_1044 {strides = array<i32>} : memref<128x128xf32, #tpu.memory_space<vmem>>, vector<16xf32>,
        %get3A_1048 = arith.index_cast %add3A_1012 : i32 to index
        %get3A_1049 = arith.constant 80 : index
        %get3A_1050 = tpu.vector_load %arg23[%get3A_1048, %get3A_1049] {strides = array<i32>} : memref<128x128xf32, #tpu.memory_space<vmem>>, vector<16xf32>,
        %mul3A_1051 = arith.mulf %get3A_1050, %broadcast_in_dim3A_1008 : vector<16xf32>
        %swap3A_1052 = arith.index_cast %add3A_1012 : i32 to index
        %swap3A_1053 = arith.constant 80 : index
        %swap3A_1054 = tpu.vector_load %arg23[%swap3A_1052, %swap3A_1053] {strides = array<i32>} : memref<128x128xf32, #tpu.memory_space<vmem>>, vector<16xf32>,
        tpu.vector_store %arg23[%swap3A_1052, %swap3A_1053], %mul3A_1051 {strides = array<i32>} : memref<128x128xf32, #tpu.memory_space<vmem>>, vector<16xf32>,
        %get3A_1055 = arith.index_cast %add3A_1012 : i32 to index
        %get3A_1056 = arith.constant 96 : index
        %get3A_1057 = tpu.vector_load %arg23[%get3A_1055, %get3A_1056] {strides = array<i32>} : memref<128x128xf32, #tpu.memory_space<vmem>>, vector<16xf32>,
        %mul3A_1058 = arith.mulf %get3A_1057, %broadcast_in_dim3A_1008 : vector<16xf32>
        %swap3A_1059 = arith.index_cast %add3A_1012 : i32 to index
        %swap3A_1060 = arith.constant 96 : index
        %swap3A_1061 = tpu.vector_load %arg23[%swap3A_1059, %swap3A_1060] {strides = array<i32>} : memref<128x128xf32, #tpu.memory_space<vmem>>, vector<16xf32>,
        tpu.vector_store %arg23[%swap3A_1059, %swap3A_1060], %mul3A_1058 {strides = array<i32>} : memref<128x128xf32, #tpu.memory_space<vmem>>, vector<16xf32>,
        %get3A_1062 = arith.index_cast %add3A_1012 : i32 to index
        %get3A_1063 = arith.constant 112 : index
        %get3A_1064 = tpu.vector_load %arg23[%get3A_1062, %get3A_1063] {strides = array<i32>} : memref<128x128xf32, #tpu.memory_space<vmem>>, vector<16xf32>,
        %mul3A_1065 = arith.mulf %get3A_1064, %broadcast_in_dim3A_1008 : vector<16xf32>
        %swap3A_1066 = arith.index_cast %add3A_1012 : i32 to index
        %swap3A_1067 = arith.constant 112 : index
        %swap3A_1068 = tpu.vector_load %arg23[%swap3A_1066, %swap3A_1067] {strides = array<i32>} : memref<128x128xf32, #tpu.memory_space<vmem>>, vector<16xf32>,
        tpu.vector_store %arg23[%swap3A_1066, %swap3A_1067], %mul3A_1065 {strides = array<i32>} : memref<128x128xf32, #tpu.memory_space<vmem>>, vector<16xf32>,
        %slice3A_1069 = vector.extract_strided_slice %get3A_126 {offsets = [15], sizes = [1], strides = [1]} : vector<16xf32> to vector<1xf32>
        %squeeze3A_1070 = vector.extract %slice3A_1069[0] : f32 from vector<1xf32>
        %broadcast_in_dim3A_1071 = vector.broadcast %squeeze3A_1070 : f32 to vector<16xf32>
        %mul3A_1072 = arith.constant 16 : i32
        %mul3A_1073 = arith.muli %scan3A_120, %mul3A_1072 : i32
        %add3A_1074 = arith.constant 15 : i32
        %add3A_1075 = arith.addi %mul3A_1073, %add3A_1074 : i32
        %get3A_1076 = arith.index_cast %add3A_1075 : i32 to index
        %get3A_1077 = arith.constant 0 : index
        %get3A_1078 = tpu.vector_load %arg23[%get3A_1076, %get3A_1077] {strides = array<i32>} : memref<128x128xf32, #tpu.memory_space<vmem>>, vector<16xf32>,
        %mul3A_1079 = arith.mulf %get3A_1078, %broadcast_in_dim3A_1071 : vector<16xf32>
        %swap3A_1080 = arith.index_cast %add3A_1075 : i32 to index
        %swap3A_1081 = arith.constant 0 : index
        %swap3A_1082 = tpu.vector_load %arg23[%swap3A_1080, %swap3A_1081] {strides = array<i32>} : memref<128x128xf32, #tpu.memory_space<vmem>>, vector<16xf32>,
        tpu.vector_store %arg23[%swap3A_1080, %swap3A_1081], %mul3A_1079 {strides = array<i32>} : memref<128x128xf32, #tpu.memory_space<vmem>>, vector<16xf32>,
        %get3A_1083 = arith.index_cast %add3A_1075 : i32 to index
        %get3A_1084 = arith.constant 16 : index
        %get3A_1085 = tpu.vector_load %arg23[%get3A_1083, %get3A_1084] {strides = array<i32>} : memref<128x128xf32, #tpu.memory_space<vmem>>, vector<16xf32>,
        %mul3A_1086 = arith.mulf %get3A_1085, %broadcast_in_dim3A_1071 : vector<16xf32>
        %swap3A_1087 = arith.index_cast %add3A_1075 : i32 to index
        %swap3A_1088 = arith.constant 16 : index
        %swap3A_1089 = tpu.vector_load %arg23[%swap3A_1087, %swap3A_1088] {strides = array<i32>} : memref<128x128xf32, #tpu.memory_space<vmem>>, vector<16xf32>,
        tpu.vector_store %arg23[%swap3A_1087, %swap3A_1088], %mul3A_1086 {strides = array<i32>} : memref<128x128xf32, #tpu.memory_space<vmem>>, vector<16xf32>,
        %get3A_1090 = arith.index_cast %add3A_1075 : i32 to index
        %get3A_1091 = arith.constant 32 : index
        %get3A_1092 = tpu.vector_load %arg23[%get3A_1090, %get3A_1091] {strides = array<i32>} : memref<128x128xf32, #tpu.memory_space<vmem>>, vector<16xf32>,
        %mul3A_1093 = arith.mulf %get3A_1092, %broadcast_in_dim3A_1071 : vector<16xf32>
        %swap3A_1094 = arith.index_cast %add3A_1075 : i32 to index
        %swap3A_1095 = arith.constant 32 : index
        %swap3A_1096 = tpu.vector_load %arg23[%swap3A_1094, %swap3A_1095] {strides = array<i32>} : memref<128x128xf32, #tpu.memory_space<vmem>>, vector<16xf32>,
        tpu.vector_store %arg23[%swap3A_1094, %swap3A_1095], %mul3A_1093 {strides = array<i32>} : memref<128x128xf32, #tpu.memory_space<vmem>>, vector<16xf32>,
        %get3A_1097 = arith.index_cast %add3A_1075 : i32 to index
        %get3A_1098 = arith.constant 48 : index
        %get3A_1099 = tpu.vector_load %arg23[%get3A_1097, %get3A_1098] {strides = array<i32>} : memref<128x128xf32, #tpu.memory_space<vmem>>, vector<16xf32>,
        %mul3A_1100 = arith.mulf %get3A_1099, %broadcast_in_dim3A_1071 : vector<16xf32>
        %swap3A_1101 = arith.index_cast %add3A_1075 : i32 to index
        %swap3A_1102 = arith.constant 48 : index
        %swap3A_1103 = tpu.vector_load %arg23[%swap3A_1101, %swap3A_1102] {strides = array<i32>} : memref<128x128xf32, #tpu.memory_space<vmem>>, vector<16xf32>,
        tpu.vector_store %arg23[%swap3A_1101, %swap3A_1102], %mul3A_1100 {strides = array<i32>} : memref<128x128xf32, #tpu.memory_space<vmem>>, vector<16xf32>,
        %get3A_1104 = arith.index_cast %add3A_1075 : i32 to index
        %get3A_1105 = arith.constant 64 : index
        %get3A_1106 = tpu.vector_load %arg23[%get3A_1104, %get3A_1105] {strides = array<i32>} : memref<128x128xf32, #tpu.memory_space<vmem>>, vector<16xf32>,
        %mul3A_1107 = arith.mulf %get3A_1106, %broadcast_in_dim3A_1071 : vector<16xf32>
        %swap3A_1108 = arith.index_cast %add3A_1075 : i32 to index
        %swap3A_1109 = arith.constant 64 : index
        %swap3A_1110 = tpu.vector_load %arg23[%swap3A_1108, %swap3A_1109] {strides = array<i32>} : memref<128x128xf32, #tpu.memory_space<vmem>>, vector<16xf32>,
        tpu.vector_store %arg23[%swap3A_1108, %swap3A_1109], %mul3A_1107 {strides = array<i32>} : memref<128x128xf32, #tpu.memory_space<vmem>>, vector<16xf32>,
        %get3A_1111 = arith.index_cast %add3A_1075 : i32 to index
        %get3A_1112 = arith.constant 80 : index
        %get3A_1113 = tpu.vector_load %arg23[%get3A_1111, %get3A_1112] {strides = array<i32>} : memref<128x128xf32, #tpu.memory_space<vmem>>, vector<16xf32>,
        %mul3A_1114 = arith.mulf %get3A_1113, %broadcast_in_dim3A_1071 : vector<16xf32>
        %swap3A_1115 = arith.index_cast %add3A_1075 : i32 to index
        %swap3A_1116 = arith.constant 80 : index
        %swap3A_1117 = tpu.vector_load %arg23[%swap3A_1115, %swap3A_1116] {strides = array<i32>} : memref<128x128xf32, #tpu.memory_space<vmem>>, vector<16xf32>,
        tpu.vector_store %arg23[%swap3A_1115, %swap3A_1116], %mul3A_1114 {strides = array<i32>} : memref<128x128xf32, #tpu.memory_space<vmem>>, vector<16xf32>,
        %get3A_1118 = arith.index_cast %add3A_1075 : i32 to index
        %get3A_1119 = arith.constant 96 : index
        %get3A_1120 = tpu.vector_load %arg23[%get3A_1118, %get3A_1119] {strides = array<i32>} : memref<128x128xf32, #tpu.memory_space<vmem>>, vector<16xf32>,
        %mul3A_1121 = arith.mulf %get3A_1120, %broadcast_in_dim3A_1071 : vector<16xf32>
        %swap3A_1122 = arith.index_cast %add3A_1075 : i32 to index
        %swap3A_1123 = arith.constant 96 : index
        %swap3A_1124 = tpu.vector_load %arg23[%swap3A_1122, %swap3A_1123] {strides = array<i32>} : memref<128x128xf32, #tpu.memory_space<vmem>>, vector<16xf32>,
        tpu.vector_store %arg23[%swap3A_1122, %swap3A_1123], %mul3A_1121 {strides = array<i32>} : memref<128x128xf32, #tpu.memory_space<vmem>>, vector<16xf32>,
        %get3A_1125 = arith.index_cast %add3A_1075 : i32 to index
        %get3A_1126 = arith.constant 112 : index
        %get3A_1127 = tpu.vector_load %arg23[%get3A_1125, %get3A_1126] {strides = array<i32>} : memref<128x128xf32, #tpu.memory_space<vmem>>, vector<16xf32>,
        %mul3A_1128 = arith.mulf %get3A_1127, %broadcast_in_dim3A_1071 : vector<16xf32>
        %swap3A_1129 = arith.index_cast %add3A_1075 : i32 to index
        %swap3A_1130 = arith.constant 112 : index
        %swap3A_1131 = tpu.vector_load %arg23[%swap3A_1129, %swap3A_1130] {strides = array<i32>} : memref<128x128xf32, #tpu.memory_space<vmem>>, vector<16xf32>,
        tpu.vector_store %arg23[%swap3A_1129, %swap3A_1130], %mul3A_1128 {strides = array<i32>} : memref<128x128xf32, #tpu.memory_space<vmem>>, vector<16xf32>,
        %scan3A_1132 = arith.constant 0 : i32
        scf.yield %scan3A_1132 : i32
      }
      %scan3A_117 = arith.constant 8 : i32
      %run_scoped3A_118 = arith.constant 0 : i32
      "tpu.region"() ({
        %run_scoped3A_120 = tpu.sem_alloc : memref<!tpu.dma_semaphore, #tpu.memory_space<semaphore_mem>>
        %dma_start3A_121 = arith.constant 0 : i32
        %dma_start3A_122 = tpu.memref_slice %arg21[%run_scoped3A_118, %dma_start3A_121] : memref<1x128xi32, #tpu.memory_space<vmem>> -> memref<1x128xi32, #tpu.memory_space<vmem>>
        %dma_start3A_123 = tpu.memref_squeeze %dma_start3A_122 : memref<1x128xi32, #tpu.memory_space<vmem>> -> memref<128xi32, #tpu.memory_space<vmem>>
        %dma_start3A_124 = arith.constant 0 : i32
        %dma_start3A_125 = arith.constant 0 : i32
        %dma_start3A_126 = tpu.memref_slice %arg26[%dma_start3A_124, %dma_start3A_125] : memref<10240x128xf32, #tpu.memory_space<vmem_shared>> -> memref<10240x128xf32, #tpu.memory_space<vmem_shared>>
        tpu.enqueue_indirect_dma source(%arg23 : memref<128x128xf32, #tpu.memory_space<vmem>>) target(%dma_start3A_126 : memref<10240x128xf32, #tpu.memory_space<vmem_shared>>) offsets(%dma_start3A_123 : memref<128xi32, #tpu.memory_space<vmem>>) semaphore(%run_scoped3A_120 : memref<!tpu.dma_semaphore, #tpu.memory_space<semaphore_mem>>) {add = true}
        %dma_wait3A_127 = arith.constant 0 : i32
        %dma_wait3A_128 = tpu.memref_slice %arg21[%run_scoped3A_118, %dma_wait3A_127] : memref<1x128xi32, #tpu.memory_space<vmem>> -> memref<1x128xi32, #tpu.memory_space<vmem>>
        %dma_wait3A_129 = tpu.memref_squeeze %dma_wait3A_128 : memref<1x128xi32, #tpu.memory_space<vmem>> -> memref<128xi32, #tpu.memory_space<vmem>>
        %dma_wait3A_130 = arith.constant 0 : i32
        %dma_wait3A_131 = arith.constant 0 : i32
        %dma_wait3A_132 = tpu.memref_slice %arg26[%dma_wait3A_130, %dma_wait3A_131] : memref<10240x128xf32, #tpu.memory_space<vmem_shared>> -> memref<10240x128xf32, #tpu.memory_space<vmem_shared>>
        tpu.wait_indirect_dma semaphore(%run_scoped3A_120 : memref<!tpu.dma_semaphore, #tpu.memory_space<semaphore_mem>>) src(%arg23 : memref<128x128xf32, #tpu.memory_space<vmem>>) dst(%dma_wait3A_132 : memref<10240x128xf32, #tpu.memory_space<vmem_shared>>)
        tpu.yield
      }) : () -> ()
      %while3A_119 = arith.constant 0 : i32
      scf.yield %while3A_119 : i32
    }
    %barrier3A = arith.constant 0 : index
    tpu.barrier barrier_id(%barrier3A)
    %while3A_79 = arith.constant 0 : i32
    %while3A_80 = arith.constant 0 : i32
    %while3A_81 = arith.subi %shift_right_logical3A_29, %while3A_79 : i32
    %while3A_82 = arith.addi %while3A_79, %while3A_81 : i32
    %while3A_83 = arith.constant 1 : i32
    %while3A_84 = arith.divsi %while3A_81, %while3A_83 : i32
    %while3A_85 = arith.muli %while3A_84, %while3A_83 : i32
    %while3A_86 = arith.addi %while3A_79, %while3A_85 : i32
    %while3A_87 = arith.constant 1 : i32
    %while3A_88 = scf.for %while3A_91 = %while3A_79 to %while3A_86 step %while3A_87 iter_args(%while3A_92 = %while3A_80) -> (i32)  : i32 {
      %dma_start3A = arith.constant 0 : i32
      %dma_start3A_93 = tpu.memref_slice %arg24[%while3A_91, %dma_start3A] : memref<5x128xi32, #tpu.memory_space<vmem>> -> memref<1x128xi32, #tpu.memory_space<vmem>>
      %dma_start3A_94 = tpu.memref_squeeze %dma_start3A_93 : memref<1x128xi32, #tpu.memory_space<vmem>> -> memref<128xi32, #tpu.memory_space<vmem>>
      %dma_start3A_95 = arith.constant 0 : i32
      %dma_start3A_96 = arith.constant 0 : i32
      %dma_start3A_97 = tpu.memref_slice %arg26[%dma_start3A_95, %dma_start3A_96] : memref<10240x128xf32, #tpu.memory_space<vmem_shared>> -> memref<10240x128xf32, #tpu.memory_space<vmem_shared>>
      tpu.enqueue_indirect_dma source(%dma_start3A_97 : memref<10240x128xf32, #tpu.memory_space<vmem_shared>>) target(%arg23 : memref<128x128xf32, #tpu.memory_space<vmem>>) offsets(%dma_start3A_94 : memref<128xi32, #tpu.memory_space<vmem>>) semaphore(%arg27 : memref<!tpu.dma_semaphore, #tpu.memory_space<semaphore_mem>>)
      %dma_wait3A = arith.constant 0 : i32
      %dma_wait3A_98 = tpu.memref_slice %arg24[%while3A_91, %dma_wait3A] : memref<5x128xi32, #tpu.memory_space<vmem>> -> memref<1x128xi32, #tpu.memory_space<vmem>>
      %dma_wait3A_99 = tpu.memref_squeeze %dma_wait3A_98 : memref<1x128xi32, #tpu.memory_space<vmem>> -> memref<128xi32, #tpu.memory_space<vmem>>
      %dma_wait3A_100 = arith.constant 0 : i32
      %dma_wait3A_101 = arith.constant 0 : i32
      %dma_wait3A_102 = tpu.memref_slice %arg26[%dma_wait3A_100, %dma_wait3A_101] : memref<10240x128xf32, #tpu.memory_space<vmem_shared>> -> memref<10240x128xf32, #tpu.memory_space<vmem_shared>>
      tpu.wait_indirect_dma semaphore(%arg27 : memref<!tpu.dma_semaphore, #tpu.memory_space<semaphore_mem>>) src(%dma_wait3A_102 : memref<10240x128xf32, #tpu.memory_space<vmem_shared>>) dst(%arg23 : memref<128x128xf32, #tpu.memory_space<vmem>>)
      %dma_start3A_103 = arith.constant 0 : i32
      %dma_start3A_104 = tpu.memref_slice %arg25[%while3A_91, %dma_start3A_103] : memref<5x128xi32, #tpu.memory_space<vmem>> -> memref<1x128xi32, #tpu.memory_space<vmem>>
      %dma_start3A_105 = tpu.memref_squeeze %dma_start3A_104 : memref<1x128xi32, #tpu.memory_space<vmem>> -> memref<128xi32, #tpu.memory_space<vmem>>
      %dma_start3A_106 = arith.constant 0 : i32
      %dma_start3A_107 = arith.constant 0 : i32
      %dma_start3A_108 = tpu.memref_slice %arg8[%dma_start3A_106, %dma_start3A_107] : memref<20480x128xf32, #tpu.memory_space<hbm>> -> memref<20480x128xf32, #tpu.memory_space<hbm>>
      tpu.enqueue_indirect_dma source(%arg23 : memref<128x128xf32, #tpu.memory_space<vmem>>) target(%dma_start3A_108 : memref<20480x128xf32, #tpu.memory_space<hbm>>) offsets(%dma_start3A_105 : memref<128xi32, #tpu.memory_space<vmem>>) semaphore(%arg27 : memref<!tpu.dma_semaphore, #tpu.memory_space<semaphore_mem>>)
      %dma_wait3A_109 = arith.constant 0 : i32
      %dma_wait3A_110 = tpu.memref_slice %arg25[%while3A_91, %dma_wait3A_109] : memref<5x128xi32, #tpu.memory_space<vmem>> -> memref<1x128xi32, #tpu.memory_space<vmem>>
      %dma_wait3A_111 = tpu.memref_squeeze %dma_wait3A_110 : memref<1x128xi32, #tpu.memory_space<vmem>> -> memref<128xi32, #tpu.memory_space<vmem>>
      %dma_wait3A_112 = arith.constant 0 : i32
      %dma_wait3A_113 = arith.constant 0 : i32
      %dma_wait3A_114 = tpu.memref_slice %arg8[%dma_wait3A_112, %dma_wait3A_113] : memref<20480x128xf32, #tpu.memory_space<hbm>> -> memref<20480x128xf32, #tpu.memory_space<hbm>>
      tpu.wait_indirect_dma semaphore(%arg27 : memref<!tpu.dma_semaphore, #tpu.memory_space<semaphore_mem>>) src(%arg23 : memref<128x128xf32, #tpu.memory_space<vmem>>) dst(%dma_wait3A_114 : memref<20480x128xf32, #tpu.memory_space<hbm>>)
      %while3A_115 = arith.constant 0 : i32
      scf.yield %while3A_115 : i32
    }
    %while3A_89 = arith.constant 1 : i32
    %while3A_90 = scf.for %while3A_91 = %while3A_86 to %while3A_82 step %while3A_89 iter_args(%while3A_92 = %while3A_88) -> (i32)  : i32 {
      %dma_start3A = arith.constant 0 : i32
      %dma_start3A_93 = tpu.memref_slice %arg24[%while3A_91, %dma_start3A] : memref<5x128xi32, #tpu.memory_space<vmem>> -> memref<1x128xi32, #tpu.memory_space<vmem>>
      %dma_start3A_94 = tpu.memref_squeeze %dma_start3A_93 : memref<1x128xi32, #tpu.memory_space<vmem>> -> memref<128xi32, #tpu.memory_space<vmem>>
      %dma_start3A_95 = arith.constant 0 : i32
      %dma_start3A_96 = arith.constant 0 : i32
      %dma_start3A_97 = tpu.memref_slice %arg26[%dma_start3A_95, %dma_start3A_96] : memref<10240x128xf32, #tpu.memory_space<vmem_shared>> -> memref<10240x128xf32, #tpu.memory_space<vmem_shared>>
      tpu.enqueue_indirect_dma source(%dma_start3A_97 : memref<10240x128xf32, #tpu.memory_space<vmem_shared>>) target(%arg23 : memref<128x128xf32, #tpu.memory_space<vmem>>) offsets(%dma_start3A_94 : memref<128xi32, #tpu.memory_space<vmem>>) semaphore(%arg27 : memref<!tpu.dma_semaphore, #tpu.memory_space<semaphore_mem>>)
      %dma_wait3A = arith.constant 0 : i32
      %dma_wait3A_98 = tpu.memref_slice %arg24[%while3A_91, %dma_wait3A] : memref<5x128xi32, #tpu.memory_space<vmem>> -> memref<1x128xi32, #tpu.memory_space<vmem>>
      %dma_wait3A_99 = tpu.memref_squeeze %dma_wait3A_98 : memref<1x128xi32, #tpu.memory_space<vmem>> -> memref<128xi32, #tpu.memory_space<vmem>>
      %dma_wait3A_100 = arith.constant 0 : i32
      %dma_wait3A_101 = arith.constant 0 : i32
      %dma_wait3A_102 = tpu.memref_slice %arg26[%dma_wait3A_100, %dma_wait3A_101] : memref<10240x128xf32, #tpu.memory_space<vmem_shared>> -> memref<10240x128xf32, #tpu.memory_space<vmem_shared>>
      tpu.wait_indirect_dma semaphore(%arg27 : memref<!tpu.dma_semaphore, #tpu.memory_space<semaphore_mem>>) src(%dma_wait3A_102 : memref<10240x128xf32, #tpu.memory_space<vmem_shared>>) dst(%arg23 : memref<128x128xf32, #tpu.memory_space<vmem>>)
      %dma_start3A_103 = arith.constant 0 : i32
      %dma_start3A_104 = tpu.memref_slice %arg25[%while3A_91, %dma_start3A_103] : memref<5x128xi32, #tpu.memory_space<vmem>> -> memref<1x128xi32, #tpu.memory_space<vmem>>
      %dma_start3A_105 = tpu.memref_squeeze %dma_start3A_104 : memref<1x128xi32, #tpu.memory_space<vmem>> -> memref<128xi32, #tpu.memory_space<vmem>>
      %dma_start3A_106 = arith.constant 0 : i32
      %dma_start3A_107 = arith.constant 0 : i32
      %dma_start3A_108 = tpu.memref_slice %arg8[%dma_start3A_106, %dma_start3A_107] : memref<20480x128xf32, #tpu.memory_space<hbm>> -> memref<20480x128xf32, #tpu.memory_space<hbm>>
      tpu.enqueue_indirect_dma source(%arg23 : memref<128x128xf32, #tpu.memory_space<vmem>>) target(%dma_start3A_108 : memref<20480x128xf32, #tpu.memory_space<hbm>>) offsets(%dma_start3A_105 : memref<128xi32, #tpu.memory_space<vmem>>) semaphore(%arg27 : memref<!tpu.dma_semaphore, #tpu.memory_space<semaphore_mem>>)
      %dma_wait3A_109 = arith.constant 0 : i32
      %dma_wait3A_110 = tpu.memref_slice %arg25[%while3A_91, %dma_wait3A_109] : memref<5x128xi32, #tpu.memory_space<vmem>> -> memref<1x128xi32, #tpu.memory_space<vmem>>
      %dma_wait3A_111 = tpu.memref_squeeze %dma_wait3A_110 : memref<1x128xi32, #tpu.memory_space<vmem>> -> memref<128xi32, #tpu.memory_space<vmem>>
      %dma_wait3A_112 = arith.constant 0 : i32
      %dma_wait3A_113 = arith.constant 0 : i32
      %dma_wait3A_114 = tpu.memref_slice %arg8[%dma_wait3A_112, %dma_wait3A_113] : memref<20480x128xf32, #tpu.memory_space<hbm>> -> memref<20480x128xf32, #tpu.memory_space<hbm>>
      tpu.wait_indirect_dma semaphore(%arg27 : memref<!tpu.dma_semaphore, #tpu.memory_space<semaphore_mem>>) src(%arg23 : memref<128x128xf32, #tpu.memory_space<vmem>>) dst(%dma_wait3A_114 : memref<20480x128xf32, #tpu.memory_space<hbm>>)
      %while3A_115 = arith.constant 0 : i32
      scf.yield %while3A_115 : i32
    }
    return
  }
}

module attributes {stable_mosaic.version = 14 : i64} {
  func.func @_tc_matmul_body(%arg0: i32, %arg1: memref<1000x128xf32, #tpu.memory_space<vmem>>, %arg2: memref<1x128xf32, #tpu.memory_space<vmem>>, %arg3: memref<128x128xf32, #tpu.memory_space<vmem>>, %arg4: memref<128x128xf32, #tpu.memory_space<vmem>>, %arg5: memref<1x128xf32, #tpu.memory_space<vmem>>, %arg6: memref<1x128xf32, #tpu.memory_space<vmem>>, %arg7: memref<1000x128xf32, #tpu.memory_space<vmem>>, %arg8: memref<128x128xf32, #tpu.memory_space<vmem>>, %arg9: memref<1x128xf32, #tpu.memory_space<vmem>>) attributes {dimension_semantics = [#tpu.dimension_semantics<arbitrary>], iteration_bounds = array<i64: 10>, scalar_prefetch = 0 : i64, scratch_operands = 2 : i64, tpu.core_type = #tpu.core_type<tc>, window_params = [{transform_indices = @transform_0, window_bounds = array<i64: 1000, 128>}, {pipeline_mode = #tpu.pipeline_mode<synchronous>, transform_indices = @transform_1, window_bounds = array<i64: 1, 128>}, {pipeline_mode = #tpu.pipeline_mode<synchronous>, transform_indices = @transform_2, window_bounds = array<i64: 128, 128>}, {pipeline_mode = #tpu.pipeline_mode<synchronous>, transform_indices = @transform_3, window_bounds = array<i64: 128, 128>}, {pipeline_mode = #tpu.pipeline_mode<synchronous>, transform_indices = @transform_4, window_bounds = array<i64: 1, 128>}, {pipeline_mode = #tpu.pipeline_mode<synchronous>, transform_indices = @transform_5, window_bounds = array<i64: 1, 128>}, {transform_indices = @transform_6, window_bounds = array<i64: 1000, 128>}]} {
    %eq3A = arith.constant 0 : i32
    %eq3A_0 = arith.cmpi eq, %arg0, %eq3A : i32
    %convert_element_type3A = arith.extui %eq3A_0 : i1 to i32
    %cond3A = arith.constant 0 : i32
    %cond3A_1 = arith.cmpi ne, %convert_element_type3A, %cond3A : i32
    scf.if %cond3A_1 {
      %get3A_18 = arith.constant 0 : index
      %get3A_19 = arith.constant 0 : index
      %get3A_20 = vector.load %arg3[%get3A_18, %get3A_19] : memref<128x128xf32, #tpu.memory_space<vmem>>, vector<128x128xf32>
      %get3A_21 = arith.constant 0 : index
      %get3A_22 = arith.constant 0 : index
      %get3A_23 = vector.load %arg4[%get3A_21, %get3A_22] : memref<128x128xf32, #tpu.memory_space<vmem>>, vector<128x128xf32>
      %dot_general3A_24 = arith.constant dense<0.000000e+00> : vector<128x128xf32>
      %dot_general3A_25 = tpu.matmul %get3A_20, %get3A_23, %dot_general3A_24 {dimension_numbers = #tpu.dot_dimension_numbers<[1], [0], [0], [1], [0, 0, 1, 1], [], []>, transpose_lhs_hint = false} : vector<128x128xf32>, vector<128x128xf32>, vector<128x128xf32> -> vector<128x128xf32>
      %swap3A_26 = arith.constant 0 : index
      %swap3A_27 = arith.constant 0 : index
      %swap3A_28 = vector.load %arg8[%swap3A_26, %swap3A_27] : memref<128x128xf32, #tpu.memory_space<vmem>>, vector<128x128xf32>
      tpu.vector_store %arg8[%swap3A_26, %swap3A_27], %dot_general3A_25 {strides = array<i32>} : memref<128x128xf32, #tpu.memory_space<vmem>>, vector<128x128xf32>,
      %get3A_29 = arith.constant 0 : index
      %get3A_30 = arith.constant 0 : index
      %get3A_31 = vector.load %arg5[%get3A_29, %get3A_30] : memref<1x128xf32, #tpu.memory_space<vmem>>, vector<1x128xf32>
      %get3A_32 = arith.constant 0 : index
      %get3A_33 = arith.constant 0 : index
      %get3A_34 = vector.load %arg4[%get3A_32, %get3A_33] : memref<128x128xf32, #tpu.memory_space<vmem>>, vector<128x128xf32>
      %dot_general3A_35 = arith.constant dense<0.000000e+00> : vector<1x128xf32>
      %dot_general3A_36 = tpu.matmul %get3A_31, %get3A_34, %dot_general3A_35 {dimension_numbers = #tpu.dot_dimension_numbers<[1], [0], [0], [1], [0, 0, 1, 1], [], []>, transpose_lhs_hint = false} : vector<1x128xf32>, vector<128x128xf32>, vector<1x128xf32> -> vector<1x128xf32>
      %get3A_37 = arith.constant 0 : index
      %get3A_38 = arith.constant 0 : index
      %get3A_39 = vector.load %arg6[%get3A_37, %get3A_38] : memref<1x128xf32, #tpu.memory_space<vmem>>, vector<1x128xf32>
      %add3A_40 = arith.addf %dot_general3A_36, %get3A_39 : vector<1x128xf32>
      %swap3A_41 = arith.constant 0 : index
      %swap3A_42 = arith.constant 0 : index
      %swap3A_43 = vector.load %arg9[%swap3A_41, %swap3A_42] : memref<1x128xf32, #tpu.memory_space<vmem>>, vector<1x128xf32>
      tpu.vector_store %arg9[%swap3A_41, %swap3A_42], %add3A_40 {strides = array<i32>} : memref<1x128xf32, #tpu.memory_space<vmem>>, vector<1x128xf32>,
    } else {
    }
    %get3A = arith.constant 0 : index
    %get3A_2 = arith.constant 0 : index
    %get3A_3 = vector.load %arg1[%get3A, %get3A_2] : memref<1000x128xf32, #tpu.memory_space<vmem>>, vector<1000x128xf32>
    %get3A_4 = arith.constant 0 : index
    %get3A_5 = arith.constant 0 : index
    %get3A_6 = vector.load %arg2[%get3A_4, %get3A_5] : memref<1x128xf32, #tpu.memory_space<vmem>>, vector<1x128xf32>
    %mul3A = vector.broadcast %get3A_6 : vector<1x128xf32> to vector<1000x128xf32>
    %mul3A_7 = arith.mulf %get3A_3, %mul3A : vector<1000x128xf32>
    %get3A_8 = arith.constant 0 : index
    %get3A_9 = arith.constant 0 : index
    %get3A_10 = vector.load %arg8[%get3A_8, %get3A_9] : memref<128x128xf32, #tpu.memory_space<vmem>>, vector<128x128xf32>
    %dot_general3A = arith.constant dense<0.000000e+00> : vector<1000x128xf32>
    %dot_general3A_11 = tpu.matmul %mul3A_7, %get3A_10, %dot_general3A {dimension_numbers = #tpu.dot_dimension_numbers<[1], [0], [0], [1], [0, 0, 1, 1], [], []>, transpose_lhs_hint = false} : vector<1000x128xf32>, vector<128x128xf32>, vector<1000x128xf32> -> vector<1000x128xf32>
    %get3A_12 = arith.constant 0 : index
    %get3A_13 = arith.constant 0 : index
    %get3A_14 = vector.load %arg9[%get3A_12, %get3A_13] : memref<1x128xf32, #tpu.memory_space<vmem>>, vector<1x128xf32>
    %add3A = vector.broadcast %get3A_14 : vector<1x128xf32> to vector<1000x128xf32>
    %add3A_15 = arith.addf %dot_general3A_11, %add3A : vector<1000x128xf32>
    %swap3A = arith.constant 0 : index
    %swap3A_16 = arith.constant 0 : index
    %swap3A_17 = vector.load %arg7[%swap3A, %swap3A_16] : memref<1000x128xf32, #tpu.memory_space<vmem>>, vector<1000x128xf32>
    tpu.vector_store %arg7[%swap3A, %swap3A_16], %add3A_15 {strides = array<i32>} : memref<1000x128xf32, #tpu.memory_space<vmem>>, vector<1000x128xf32>,
    return
  }
  func.func @transform_0(%arg0: i32) -> (i32, i32) {
    %c0_i32 = arith.constant 0 : i32
    %c0_i32_0 = arith.constant 0 : i32
    return %arg0, %c0_i32 : i32, i32
  }
  func.func @transform_1(%arg0: i32) -> (i32, i32) {
    %c0_i32 = arith.constant 0 : i32
    %c0_i32_0 = arith.constant 0 : i32
    %c0_i32_1 = arith.constant 0 : i32
    return %c0_i32, %c0_i32_0 : i32, i32
  }
  func.func @transform_2(%arg0: i32) -> (i32, i32) {
    %c0_i32 = arith.constant 0 : i32
    %c0_i32_0 = arith.constant 0 : i32
    %c0_i32_1 = arith.constant 0 : i32
    return %c0_i32, %c0_i32_0 : i32, i32
  }
  func.func @transform_3(%arg0: i32) -> (i32, i32) {
    %c0_i32 = arith.constant 0 : i32
    %c0_i32_0 = arith.constant 0 : i32
    %c0_i32_1 = arith.constant 0 : i32
    return %c0_i32, %c0_i32_0 : i32, i32
  }
  func.func @transform_4(%arg0: i32) -> (i32, i32) {
    %c0_i32 = arith.constant 0 : i32
    %c0_i32_0 = arith.constant 0 : i32
    %c0_i32_1 = arith.constant 0 : i32
    return %c0_i32, %c0_i32_0 : i32, i32
  }
  func.func @transform_5(%arg0: i32) -> (i32, i32) {
    %c0_i32 = arith.constant 0 : i32
    %c0_i32_0 = arith.constant 0 : i32
    %c0_i32_1 = arith.constant 0 : i32
    return %c0_i32, %c0_i32_0 : i32, i32
  }
  func.func @transform_6(%arg0: i32) -> (i32, i32) {
    %c0_i32 = arith.constant 0 : i32
    %c0_i32_0 = arith.constant 0 : i32
    return %arg0, %c0_i32 : i32, i32
  }
}

module attributes {stable_mosaic.version = 14 : i64} {
  func.func @_tc_scalars_body(%arg0: memref<2x80x128xf32, #tpu.memory_space<vmem>>, %arg1: memref<2x80x128xf32, #tpu.memory_space<vmem>>, %arg2: memref<80x128xf32, #tpu.memory_space<vmem>>, %arg3: memref<80x128xf32, #tpu.memory_space<vmem>>, %arg4: memref<80x128xf32, #tpu.memory_space<vmem>>) attributes {dimension_semantics = [], scalar_prefetch = 0 : i64, scratch_operands = 0 : i64, tpu.core_type = #tpu.core_type<tc>} {
    %get3A = arith.constant 0 : index
    %get3A_0 = arith.constant 0 : index
    %get3A_1 = arith.constant 0 : index
    %get3A_2 = vector.load %arg0[%get3A, %get3A_0, %get3A_1] : memref<2x80x128xf32, #tpu.memory_space<vmem>>, vector<1x80x128xf32>
    %get3A_3 = vector.shape_cast %get3A_2 : vector<1x80x128xf32> to vector<80x128xf32>
    %get3A_4 = arith.constant 1 : index
    %get3A_5 = arith.constant 0 : index
    %get3A_6 = arith.constant 0 : index
    %get3A_7 = vector.load %arg0[%get3A_4, %get3A_5, %get3A_6] : memref<2x80x128xf32, #tpu.memory_space<vmem>>, vector<1x80x128xf32>
    %get3A_8 = vector.shape_cast %get3A_7 : vector<1x80x128xf32> to vector<80x128xf32>
    %add3A = arith.addf %get3A_3, %get3A_8 : vector<80x128xf32>
    %add3A_9 = arith.constant 1.000000e+00 : f32
    %add3A_10 = vector.broadcast %add3A_9 : f32 to vector<80x128xf32>
    %add3A_11 = arith.addf %add3A, %add3A_10 : vector<80x128xf32>
    %rsqrt3A = math.rsqrt %add3A_11 : vector<80x128xf32>
    %get3A_12 = arith.constant 0 : index
    %get3A_13 = arith.constant 0 : index
    %get3A_14 = arith.constant 0 : index
    %get3A_15 = vector.load %arg1[%get3A_12, %get3A_13, %get3A_14] : memref<2x80x128xf32, #tpu.memory_space<vmem>>, vector<1x80x128xf32>
    %get3A_16 = vector.shape_cast %get3A_15 : vector<1x80x128xf32> to vector<80x128xf32>
    %get3A_17 = arith.constant 1 : index
    %get3A_18 = arith.constant 0 : index
    %get3A_19 = arith.constant 0 : index
    %get3A_20 = vector.load %arg1[%get3A_17, %get3A_18, %get3A_19] : memref<2x80x128xf32, #tpu.memory_space<vmem>>, vector<1x80x128xf32>
    %get3A_21 = vector.shape_cast %get3A_20 : vector<1x80x128xf32> to vector<80x128xf32>
    %add3A_22 = arith.addf %get3A_16, %get3A_21 : vector<80x128xf32>
    %swap3A = arith.constant 0 : index
    %swap3A_23 = arith.constant 0 : index
    %swap3A_24 = vector.load %arg2[%swap3A, %swap3A_23] : memref<80x128xf32, #tpu.memory_space<vmem>>, vector<80x128xf32>
    tpu.vector_store %arg2[%swap3A, %swap3A_23], %rsqrt3A {strides = array<i32>} : memref<80x128xf32, #tpu.memory_space<vmem>>, vector<80x128xf32>,
    %mul3A = arith.mulf %add3A_22, %rsqrt3A : vector<80x128xf32>
    %swap3A_25 = arith.constant 0 : index
    %swap3A_26 = arith.constant 0 : index
    %swap3A_27 = vector.load %arg3[%swap3A_25, %swap3A_26] : memref<80x128xf32, #tpu.memory_space<vmem>>, vector<80x128xf32>
    tpu.vector_store %arg3[%swap3A_25, %swap3A_26], %mul3A {strides = array<i32>} : memref<80x128xf32, #tpu.memory_space<vmem>>, vector<80x128xf32>,
    %iota3A = tpu.iota {dimensions = array<i32: 0>} : vector<80x128xi32>
    %mul3A_28 = arith.constant 128 : i32
    %mul3A_29 = vector.broadcast %mul3A_28 : i32 to vector<80x128xi32>
    %mul3A_30 = arith.muli %iota3A, %mul3A_29 : vector<80x128xi32>
    %iota3A_31 = tpu.iota {dimensions = array<i32: 1>} : vector<80x128xi32>
    %add3A_32 = arith.addi %mul3A_30, %iota3A_31 : vector<80x128xi32>
    %ne3A = arith.constant 0.000000e+00 : f32
    %ne3A_33 = vector.broadcast %ne3A : f32 to vector<80x128xf32>
    %ne3A_34 = arith.cmpf one, %add3A_22, %ne3A_33 : vector<80x128xf32>
    %eq3A = arith.constant 0 : i32
    %eq3A_35 = vector.broadcast %eq3A : i32 to vector<80x128xi32>
    %eq3A_36 = arith.cmpi eq, %add3A_32, %eq3A_35 : vector<80x128xi32>
    %or3A = arith.ori %ne3A_34, %eq3A_36 : vector<80x128xi1>
    %jit3A = arith.constant 1.000000e+00 : f32
    %jit3A_37 = arith.constant 0.000000e+00 : f32
    %broadcast_in_dim3A = vector.broadcast %jit3A : f32 to vector<80x128xf32>
    %broadcast_in_dim3A_38 = vector.broadcast %jit3A_37 : f32 to vector<80x128xf32>
    %select_n3A = arith.select %or3A, %broadcast_in_dim3A, %broadcast_in_dim3A_38 : vector<80x128xi1>, vector<80x128xf32>
    %swap3A_39 = arith.constant 0 : index
    %swap3A_40 = arith.constant 0 : index
    %swap3A_41 = vector.load %arg4[%swap3A_39, %swap3A_40] : memref<80x128xf32, #tpu.memory_space<vmem>>, vector<80x128xf32>
    tpu.vector_store %arg4[%swap3A_39, %swap3A_40], %select_n3A {strides = array<i32>} : memref<80x128xf32, #tpu.memory_space<vmem>>, vector<80x128xf32>,
    return
  }
}

module attributes {stable_mosaic.version = 14 : i64} {
  func.func @_tc_final_body(%arg0: i32, %arg1: memref<1000x128xf32, #tpu.memory_space<vmem>>, %arg2: memref<1000x128xf32, #tpu.memory_space<vmem>>, %arg3: memref<1000x128xf32, #tpu.memory_space<vmem>>, %arg4: memref<1000x1xf32, #tpu.memory_space<vmem>>, %arg5: memref<1000x1xf32, #tpu.memory_space<vmem>>, %arg6: memref<128x128xf32, #tpu.memory_space<vmem>>, %arg7: memref<1x128xf32, #tpu.memory_space<vmem>>, %arg8: memref<2x128xf32, #tpu.memory_space<vmem>>, %arg9: memref<1x128xf32, #tpu.memory_space<vmem>>, %arg10: memref<1x128xf32, #tpu.memory_space<vmem>>, %arg11: memref<2xf32, #tpu.memory_space<smem>>) attributes {dimension_semantics = [#tpu.dimension_semantics<arbitrary>], iteration_bounds = array<i64: 10>, scalar_prefetch = 0 : i64, scratch_operands = 3 : i64, tpu.core_type = #tpu.core_type<tc>, window_params = [{transform_indices = @transform_0, window_bounds = array<i64: 1000, 128>}, {transform_indices = @transform_1, window_bounds = array<i64: 1000, 128>}, {transform_indices = @transform_2, window_bounds = array<i64: 1000, 128>}, {transform_indices = @transform_3, window_bounds = array<i64: 1000, 1>}, {transform_indices = @transform_4, window_bounds = array<i64: 1000, 1>}, {pipeline_mode = #tpu.pipeline_mode<synchronous>, transform_indices = @transform_5, window_bounds = array<i64: 128, 128>}, {pipeline_mode = #tpu.pipeline_mode<synchronous>, transform_indices = @transform_6, window_bounds = array<i64: 1, 128>}, {pipeline_mode = #tpu.pipeline_mode<synchronous>, transform_indices = @transform_7, window_bounds = array<i64: 2, 128>}]} {
    %get3A = arith.constant 0 : index
    %get3A_0 = arith.constant 0 : index
    %get3A_1 = vector.load %arg4[%get3A, %get3A_0] : memref<1000x1xf32, #tpu.memory_space<vmem>>, vector<1000x1xf32>
    %get3A_2 = arith.constant 0 : index
    %get3A_3 = arith.constant 0 : index
    %get3A_4 = vector.load %arg5[%get3A_2, %get3A_3] : memref<1000x1xf32, #tpu.memory_space<vmem>>, vector<1000x1xf32>
    %get3A_5 = arith.constant 0 : index
    %get3A_6 = arith.constant 0 : index
    %get3A_7 = vector.load %arg1[%get3A_5, %get3A_6] : memref<1000x128xf32, #tpu.memory_space<vmem>>, vector<1000x128xf32>
    %get3A_8 = arith.constant 0 : index
    %get3A_9 = arith.constant 0 : index
    %get3A_10 = vector.load %arg2[%get3A_8, %get3A_9] : memref<1000x128xf32, #tpu.memory_space<vmem>>, vector<1000x128xf32>
    %add3A = arith.addf %get3A_7, %get3A_10 : vector<1000x128xf32>
    %mul3A = vector.broadcast %get3A_1 : vector<1000x1xf32> to vector<1000x128xf32>
    %mul3A_11 = arith.mulf %mul3A, %add3A : vector<1000x128xf32>
    %mul3A_12 = arith.mulf %get3A_1, %get3A_1 : vector<1000x1xf32>
    %get3A_13 = arith.constant 0 : index
    %get3A_14 = arith.constant 0 : index
    %get3A_15 = vector.load %arg3[%get3A_13, %get3A_14] : memref<1000x128xf32, #tpu.memory_space<vmem>>, vector<1000x128xf32>
    %mul3A_16 = vector.broadcast %mul3A_12 : vector<1000x1xf32> to vector<1000x128xf32>
    %mul3A_17 = arith.mulf %mul3A_16, %get3A_15 : vector<1000x128xf32>
    %add3A_18 = arith.addf %mul3A_11, %mul3A_17 : vector<1000x128xf32>
    %max3A = arith.constant 0.000000e+00 : f32
    %max3A_19 = vector.broadcast %max3A : f32 to vector<1000x128xf32>
    %max3A_20 = arith.maximumf %add3A_18, %max3A_19 : vector<1000x128xf32>
    %ne3A = arith.constant 0.000000e+00 : f32
    %ne3A_21 = vector.broadcast %ne3A : f32 to vector<1000x1xf32>
    %ne3A_22 = arith.cmpf one, %get3A_4, %ne3A_21 : vector<1000x1xf32>
    %jit3A = arith.constant 0.000000e+00 : f32
    %broadcast_in_dim3A = vector.shape_cast %ne3A_22 : vector<1000x1xi1> to vector<1000x1xi1>
    %broadcast_in_dim3A_23 = vector.broadcast %broadcast_in_dim3A : vector<1000x1xi1> to vector<1000x128xi1>
    %broadcast_in_dim3A_24 = vector.broadcast %jit3A : f32 to vector<1000x128xf32>
    %select_n3A = arith.select %broadcast_in_dim3A_23, %max3A_20, %broadcast_in_dim3A_24 : vector<1000x128xi1>, vector<1000x128xf32>
    %mul3A_25 = vector.broadcast %get3A_4 : vector<1000x1xf32> to vector<1000x128xf32>
    %mul3A_26 = arith.mulf %mul3A_25, %select_n3A : vector<1000x128xf32>
    %reduce_sum3A = arith.constant dense<0.000000e+00> : vector<128xf32>
    %reduce_sum3A_27 = vector.multi_reduction <add>, %mul3A_26, %reduce_sum3A [0] : vector<1000x128xf32> to vector<128xf32>
    %broadcast_in_dim3A_28 = vector.shape_cast %reduce_sum3A_27 : vector<128xf32> to vector<1x128xf32>
    %reduce_sum3A_29 = vector.shape_cast %get3A_4 : vector<1000x1xf32> to vector<1x1000x1xf32>
    %reduce_sum3A_30 = arith.constant dense<0.000000e+00> : vector<1xf32>
    %reduce_sum3A_31 = vector.multi_reduction <add>, %reduce_sum3A_29, %reduce_sum3A_30 [1, 2] : vector<1x1000x1xf32> to vector<1xf32>
    %reduce_sum3A_32 = vector.shape_cast %reduce_sum3A_31 : vector<1xf32> to vector<1x1x1xf32>
    %reduce_sum3A_33 = vector.extract %reduce_sum3A_32[0, 0, 0] : f32 from vector<1x1x1xf32>
    %eq3A = arith.constant 0 : i32
    %eq3A_34 = arith.cmpi eq, %arg0, %eq3A : i32
    %convert_element_type3A = arith.extui %eq3A_34 : i1 to i32
    %cond3A = arith.constant 0 : i32
    %cond3A_35 = arith.cmpi ne, %convert_element_type3A, %cond3A : i32
    scf.if %cond3A_35 {
      %swap3A = arith.constant 0 : index
      %swap3A_45 = arith.constant 0 : index
      %swap3A_46 = vector.load %arg9[%swap3A, %swap3A_45] : memref<1x128xf32, #tpu.memory_space<vmem>>, vector<1x128xf32>
      tpu.vector_store %arg9[%swap3A, %swap3A_45], %broadcast_in_dim3A_28 {strides = array<i32>} : memref<1x128xf32, #tpu.memory_space<vmem>>, vector<1x128xf32>,
      %slice3A = vector.extract_strided_slice %max3A_20 {offsets = [0, 0], sizes = [1, 128], strides = [1, 1]} : vector<1000x128xf32> to vector<1x128xf32>
      %swap3A_47 = arith.constant 0 : index
      %swap3A_48 = arith.constant 0 : index
      %swap3A_49 = vector.load %arg10[%swap3A_47, %swap3A_48] : memref<1x128xf32, #tpu.memory_space<vmem>>, vector<1x128xf32>
      tpu.vector_store %arg10[%swap3A_47, %swap3A_48], %slice3A {strides = array<i32>} : memref<1x128xf32, #tpu.memory_space<vmem>>, vector<1x128xf32>,
      %swap3A_50 = arith.constant 0 : index
      %swap3A_51 = memref.load %arg11[%swap3A_50] : memref<2xf32, #tpu.memory_space<smem>>
      memref.store %reduce_sum3A_33, %arg11[%swap3A_50] : memref<2xf32, #tpu.memory_space<smem>>
      %get3A_52 = arith.constant 0 : index
      %get3A_53 = arith.constant 0 : index
      %get3A_54 = vector.load %arg4[%get3A_52, %get3A_53] : memref<1000x1xf32, #tpu.memory_space<vmem>>, vector<1x1xf32>
      %get3A_55 = vector.extract %get3A_54[0, 0] : f32 from vector<1x1xf32>
      %swap3A_56 = arith.constant 1 : index
      %swap3A_57 = memref.load %arg11[%swap3A_56] : memref<2xf32, #tpu.memory_space<smem>>
      memref.store %get3A_55, %arg11[%swap3A_56] : memref<2xf32, #tpu.memory_space<smem>>
    } else {
    }
    %gt3A = arith.constant 0 : i32
    %gt3A_36 = arith.cmpi sgt, %arg0, %gt3A : i32
    %convert_element_type3A_37 = arith.extui %gt3A_36 : i1 to i32
    %cond3A_38 = arith.constant 0 : i32
    %cond3A_39 = arith.cmpi ne, %convert_element_type3A_37, %cond3A_38 : i32
    scf.if %cond3A_39 {
      %get3A_45 = arith.constant 0 : index
      %get3A_46 = arith.constant 0 : index
      %get3A_47 = vector.load %arg9[%get3A_45, %get3A_46] : memref<1x128xf32, #tpu.memory_space<vmem>>, vector<1x128xf32>
      %add3A_48 = arith.addf %get3A_47, %broadcast_in_dim3A_28 : vector<1x128xf32>
      %swap3A = arith.constant 0 : index
      %swap3A_49 = arith.constant 0 : index
      %swap3A_50 = vector.load %arg9[%swap3A, %swap3A_49] : memref<1x128xf32, #tpu.memory_space<vmem>>, vector<1x128xf32>
      tpu.vector_store %arg9[%swap3A, %swap3A_49], %add3A_48 {strides = array<i32>} : memref<1x128xf32, #tpu.memory_space<vmem>>, vector<1x128xf32>,
      %get3A_51 = arith.constant 0 : index
      %get3A_52 = memref.load %arg11[%get3A_51] : memref<2xf32, #tpu.memory_space<smem>>
      %add3A_53 = arith.addf %get3A_52, %reduce_sum3A_33 : f32
      %swap3A_54 = arith.constant 0 : index
      %swap3A_55 = memref.load %arg11[%swap3A_54] : memref<2xf32, #tpu.memory_space<smem>>
      memref.store %add3A_53, %arg11[%swap3A_54] : memref<2xf32, #tpu.memory_space<smem>>
    } else {
    }
    %eq3A_40 = arith.constant 9 : i32
    %eq3A_41 = arith.cmpi eq, %arg0, %eq3A_40 : i32
    %convert_element_type3A_42 = arith.extui %eq3A_41 : i1 to i32
    %cond3A_43 = arith.constant 0 : i32
    %cond3A_44 = arith.cmpi ne, %convert_element_type3A_42, %cond3A_43 : i32
    scf.if %cond3A_44 {
      %get3A_45 = arith.constant 1 : index
      %get3A_46 = memref.load %arg11[%get3A_45] : memref<2xf32, #tpu.memory_space<smem>>
      %get3A_47 = arith.constant 0 : index
      %get3A_48 = memref.load %arg11[%get3A_47] : memref<2xf32, #tpu.memory_space<smem>>
      %get3A_49 = arith.constant 0 : index
      %get3A_50 = arith.constant 0 : index
      %get3A_51 = vector.load %arg10[%get3A_49, %get3A_50] : memref<1x128xf32, #tpu.memory_space<vmem>>, vector<1x128xf32>
      %get3A_52 = arith.constant 0 : index
      %get3A_53 = arith.constant 0 : index
      %get3A_54 = vector.load %arg6[%get3A_52, %get3A_53] : memref<128x128xf32, #tpu.memory_space<vmem>>, vector<128x128xf32>
      %dot_general3A = arith.constant dense<0.000000e+00> : vector<1x128xf32>
      %dot_general3A_55 = tpu.matmul %get3A_51, %get3A_54, %dot_general3A {dimension_numbers = #tpu.dot_dimension_numbers<[1], [0], [0], [1], [0, 0, 1, 1], [], []>, transpose_lhs_hint = false} : vector<1x128xf32>, vector<128x128xf32>, vector<1x128xf32> -> vector<1x128xf32>
      %get3A_56 = arith.constant 0 : index
      %get3A_57 = arith.constant 0 : index
      %get3A_58 = vector.load %arg7[%get3A_56, %get3A_57] : memref<1x128xf32, #tpu.memory_space<vmem>>, vector<1x128xf32>
      %add3A_59 = arith.addf %dot_general3A_55, %get3A_58 : vector<1x128xf32>
      %get3A_60 = arith.constant 0 : index
      %get3A_61 = arith.constant 0 : index
      %get3A_62 = vector.load %arg9[%get3A_60, %get3A_61] : memref<1x128xf32, #tpu.memory_space<vmem>>, vector<1x128xf32>
      %get3A_63 = arith.constant 0 : index
      %get3A_64 = arith.constant 0 : index
      %get3A_65 = vector.load %arg6[%get3A_63, %get3A_64] : memref<128x128xf32, #tpu.memory_space<vmem>>, vector<128x128xf32>
      %dot_general3A_66 = arith.constant dense<0.000000e+00> : vector<1x128xf32>
      %dot_general3A_67 = tpu.matmul %get3A_62, %get3A_65, %dot_general3A_66 {dimension_numbers = #tpu.dot_dimension_numbers<[1], [0], [0], [1], [0, 0, 1, 1], [], []>, transpose_lhs_hint = false} : vector<1x128xf32>, vector<128x128xf32>, vector<1x128xf32> -> vector<1x128xf32>
      %mul3A_68 = vector.broadcast %get3A_46 : f32 to vector<1x128xf32>
      %mul3A_69 = arith.mulf %mul3A_68, %dot_general3A_67 : vector<1x128xf32>
      %mul3A_70 = arith.mulf %get3A_46, %get3A_48 : f32
      %get3A_71 = arith.constant 0 : index
      %get3A_72 = arith.constant 0 : index
      %get3A_73 = vector.load %arg7[%get3A_71, %get3A_72] : memref<1x128xf32, #tpu.memory_space<vmem>>, vector<1x128xf32>
      %mul3A_74 = vector.broadcast %mul3A_70 : f32 to vector<1x128xf32>
      %mul3A_75 = arith.mulf %mul3A_74, %get3A_73 : vector<1x128xf32>
      %add3A_76 = arith.addf %mul3A_69, %mul3A_75 : vector<1x128xf32>
      %mul3A_77 = arith.mulf %get3A_46, %get3A_46 : f32
      %mul3A_78 = vector.broadcast %mul3A_77 : f32 to vector<1x128xf32>
      %mul3A_79 = arith.mulf %add3A_59, %mul3A_78 : vector<1x128xf32>
      %add3A_80 = arith.addf %add3A_76, %mul3A_79 : vector<1x128xf32>
      %get3A_81 = arith.constant 0 : index
      %get3A_82 = arith.constant 0 : index
      %get3A_83 = vector.load %arg10[%get3A_81, %get3A_82] : memref<1x128xf32, #tpu.memory_space<vmem>>, vector<1x128xf32>
      %swap3A = arith.constant 0 : index
      %swap3A_84 = arith.constant 0 : index
      %swap3A_85 = vector.load %arg8[%swap3A, %swap3A_84] : memref<2x128xf32, #tpu.memory_space<vmem>>, vector<1x128xf32>
      tpu.vector_store %arg8[%swap3A, %swap3A_84], %get3A_83 {strides = array<i32>} : memref<2x128xf32, #tpu.memory_space<vmem>>, vector<1x128xf32>,
      %max3A_86 = arith.constant 0.000000e+00 : f32
      %max3A_87 = vector.broadcast %max3A_86 : f32 to vector<1x128xf32>
      %max3A_88 = arith.maximumf %add3A_80, %max3A_87 : vector<1x128xf32>
      %swap3A_89 = arith.constant 1 : index
      %swap3A_90 = arith.constant 0 : index
      %swap3A_91 = vector.load %arg8[%swap3A_89, %swap3A_90] : memref<2x128xf32, #tpu.memory_space<vmem>>, vector<1x128xf32>
      tpu.vector_store %arg8[%swap3A_89, %swap3A_90], %max3A_88 {strides = array<i32>} : memref<2x128xf32, #tpu.memory_space<vmem>>, vector<1x128xf32>,
    } else {
    }
    return
  }
  func.func @transform_0(%arg0: i32) -> (i32, i32) {
    %c0_i32 = arith.constant 0 : i32
    %c0_i32_0 = arith.constant 0 : i32
    return %arg0, %c0_i32 : i32, i32
  }
  func.func @transform_1(%arg0: i32) -> (i32, i32) {
    %c0_i32 = arith.constant 0 : i32
    %c0_i32_0 = arith.constant 0 : i32
    return %arg0, %c0_i32 : i32, i32
  }
  func.func @transform_2(%arg0: i32) -> (i32, i32) {
    %c0_i32 = arith.constant 0 : i32
    %c0_i32_0 = arith.constant 0 : i32
    return %arg0, %c0_i32 : i32, i32
  }
  func.func @transform_3(%arg0: i32) -> (i32, i32) {
    %c0_i32 = arith.constant 0 : i32
    %c0_i32_0 = arith.constant 0 : i32
    return %arg0, %c0_i32 : i32, i32
  }
  func.func @transform_4(%arg0: i32) -> (i32, i32) {
    %c0_i32 = arith.constant 0 : i32
    %c0_i32_0 = arith.constant 0 : i32
    return %arg0, %c0_i32 : i32, i32
  }
  func.func @transform_5(%arg0: i32) -> (i32, i32) {
    %c0_i32 = arith.constant 0 : i32
    %c0_i32_0 = arith.constant 0 : i32
    %c0_i32_1 = arith.constant 0 : i32
    return %c0_i32, %c0_i32_0 : i32, i32
  }
  func.func @transform_6(%arg0: i32) -> (i32, i32) {
    %c0_i32 = arith.constant 0 : i32
    %c0_i32_0 = arith.constant 0 : i32
    %c0_i32_1 = arith.constant 0 : i32
    return %c0_i32, %c0_i32_0 : i32, i32
  }
  func.func @transform_7(%arg0: i32) -> (i32, i32) {
    %c0_i32 = arith.constant 0 : i32
    %c0_i32_0 = arith.constant 0 : i32
    %c0_i32_1 = arith.constant 0 : i32
    return %c0_i32, %c0_i32_0 : i32, i32
  }
}

</mosaic_0001>

<sc_bundles>
// kernel: kernel.10.cloned.1.call-start
scs
__scs_entry_jumppad:
0x0: {  	(pc) =	sbr.rel $0x88, $3  }
0x1: {  	(tag) =	ssettag $0x0;
	lr =	simm.s32 $0x1  }
0x2: {  	[smem:$0x3F97] =	sst lr;
	_ =	strace $0xD0000000  }
0x3: {  	_ = 	snop  }
0x4: {  	_ = 	snop  }
0x5: {  	_ = 	snop  }
0x6: {  	_ = 	snop  }
0x7: {  	_ = 	snop  }
__scs_overlays_trampoline_lowered:
0x8: {  	[smem:$0x3FA6] =	sst s0  }
0x9: {  	[smem:$0x3FA7] =	sst s1  }
0xa: {  	[smem:$0x3FA8] =	sst s2  }
0xb: {  	[smem:$0x3FA9] =	sst s3  }
0xc: {  	[smem:$0x3FAA] =	sst s4  }
0xd: {  	[smem:$0x3FAB] =	sst s5  }
0xe: {  	[smem:$0x3FAC] =	sst s6  }
0xf: {  	[smem:$0x3FAD] =	sst s7  }
0x10: {  	[smem:$0x3FAE] =	sst s8  }
0x11: {  	[smem:$0x3FAF] =	sst s9;
	s0 =	simm.s32 @!p0 $0x0  }
0x12: {  	s1 =	sld [smem:$0x3F95];
	s0 =	simm.s32 @p0 $0x1  }
0x13: {  	[smem:$0x3FB0] =	sst s0;
	s0 =	simm.s32 @!p1 $0x0  }
0x14: {  	s2 =	sld [smem:$0x3F94];
	s0 =	simm.s32 @p1 $0x1  }
0x15: {  	[smem:$0x3FB1] =	sst s0;
	s0 =	simm.s32 @!p2 $0x0  }
0x16: {  	s3 =	sld [smem:$0x3FDB];
	s0 =	simm.s32 @p2 $0x1  }
0x17: {  	s4 =	simm.s32 $0x1BF5;
	[smem:$0x3FB3] =	sst s0  }
0x18: {  	s0 =	sld [smem:$0x3F96];
	_ =	swait.ge [sflag:s4], $0x0  }
0x19: {  	s7 =	sld [smem:$0x3F97]  }
0x1a: {  	s8 =	sadd.s32 $0xFFFFE003, lr  }
0x1b: {  	s9 =	sadd.s32 $0xFFFFFEF7, lr;
	s5 =	simm.s32 $0xFFFFFFFF;
	p2 =	slt.u32 s8, $0xFFFFF086  }
0x1c: {  	p1 =	slt.u32 s9, $0xF7A;
	s5 =	simm.s32 @!p2 $0x0  }
0x1d: {  	s5 =	simm.s32 @p1 $0x1;
	p0 =	seq.s32 s7, s2  }
0x1e: {  	s7 =	smul.u32 @!p0 $0xF7A, s2;
	p2 =	seq.s32 @!p0 s5, $0x0  }
0x1f: {  	s9 =	smul.u32 $0xF7A, s1;
	s8 =	simm.s32 @!p0 $0x1BF5;
	p2 =	por !p2, p0  }
0x20: {  	[sflag:s8] =	ssyncset.s32 @!p0 $0xFFFFF086;
	s6 =	sadd.s32 @!p0 s3, s7;
	s7 =	simm.s32 @!p0 $0x108  }
0x21: {  	s3 =	sadd.s32 s3, s9;
	s6 =	sadd.s32 @!p0 $0x88, s6;
	s7 =	simm.s32 @p2 $0x1082  }
0x22: {  	[simem:s7], [sflag:s8] =	dma.local @!p0 [hbm:s6], $0xF7A  }
0x23: {  	s9 =	sor.u32 $0xD0000000, s2;
	s6 =	simm.s32 $0x108;
	_ =	swait.ge @!p0 [sflag:s8], $0x0  }
0x24: {  	s3 =	sadd.s32 $0x88, s3;
	s6 =	simm.s32 @!p1 $0x1082;
	[sflag:s4] =	ssyncset.s32 $0xFFFFF086  }
0x25: {  	[simem:s6], [sflag:s4] =	dma.local [hbm:s3], $0xF7A  }
0x26: {  	[smem:$0x3F97] =	sst s1;
	(tag) =	ssettag s2;
	_ =	strace s9  }
0x27: {  	s1 =	sld [smem:$0x3FA7]  }
0x28: {  	s2 =	sld [smem:$0x3FA8]  }
0x29: {  	s4 =	sld [smem:$0x3FAA]  }
0x2a: {  	p0 =	seq.s32 s5, $0x0;
	s5 =	sld [smem:$0x3FAB]  }
0x2b: {  	s6 =	sld [smem:$0x3FAC]  }
0x2c: {  	s7 =	sld [smem:$0x3FAD]  }
0x2d: {  	s3 =	simm.s32 $0x108;
	s8 =	sld [smem:$0x3FAE]  }
0x2e: {  	s3 =	simm.s32 @!p0 $0x1082;
	s9 =	sld [smem:$0x3FAF]  }
0x2f: {  	lr =	sadd.s32 s0, s3;
	s0 =	sld [smem:$0x3FA6]  }
0x30: {  	s3 =	sld [smem:$0x3FA9]  }
0x31: {  	[smem:$0x3FB2] =	sst s10  }
0x32: {  	s10 =	sld [smem:$0x3FB0];
	_ =	sdelay $0x3  }
0x33: {  	p0 =	seq.s32 s10, $0x1;
	s10 =	sld [smem:$0x3FB2];
	_ =	sdelay $0x3  }
0x34: {  	[smem:$0x3FB2] =	sst s10  }
0x35: {  	s10 =	sld [smem:$0x3FB1];
	_ =	sdelay $0x3  }
0x36: {  	p1 =	seq.s32 s10, $0x1;
	s10 =	sld [smem:$0x3FB2];
	_ =	sdelay $0x3  }
0x37: {  	[smem:$0x3FB2] =	sst s10  }
0x38: {  	s10 =	sld [smem:$0x3FB3]  }
0x39: {  	_ = 	snop;
	(pc) =	sbr.ind lr, $3  }
0x3a: {  	_ = 	snop  }
0x3b: {  	_ = 	snop  }
0x3c: {  	p2 =	seq.s32 s10, $0x1;
	s10 =	sld [smem:$0x3FB2]  }
0x3d: {  	_ =	shalt  }
0x3e: {  	_ =	shalt  }
0x3f: {  	_ =	shalt  }
0x40: {  	_ =	shalt  }
0x41: {  	_ =	shalt  }
0x42: {  	_ =	shalt  }
0x43: {  	_ =	shalt  }
0x44: {  	_ =	shalt  }
0x45: {  	_ =	shalt  }
0x46: {  	_ =	shalt  }
0x47: {  	_ =	shalt  }
0x48: {  	_ =	shalt  }
0x49: {  	_ =	shalt  }
0x4a: {  	_ =	shalt  }
0x4b: {  	_ =	shalt  }
0x4c: {  	_ =	shalt  }
0x4d: {  	_ =	shalt  }
0x4e: {  	_ =	shalt  }
0x4f: {  	_ =	shalt  }
0x50: {  	_ =	shalt  }
0x51: {  	_ =	shalt  }
0x52: {  	_ =	shalt  }
0x53: {  	_ =	shalt  }
0x54: {  	_ =	shalt  }
0x55: {  	_ =	shalt  }
0x56: {  	_ =	shalt  }
0x57: {  	_ =	shalt  }
0x58: {  	_ =	shalt  }
0x59: {  	_ =	shalt  }
0x5a: {  	_ =	shalt  }
0x5b: {  	_ =	shalt  }
0x5c: {  	_ =	shalt  }
0x5d: {  	_ =	shalt  }
0x5e: {  	_ =	shalt  }
0x5f: {  	_ =	shalt  }
0x60: {  	_ =	shalt  }
0x61: {  	_ =	shalt  }
0x62: {  	_ =	shalt  }
0x63: {  	_ =	shalt  }
0x64: {  	_ =	shalt  }
0x65: {  	_ =	shalt  }
0x66: {  	_ =	shalt  }
0x67: {  	_ =	shalt  }
0x68: {  	_ =	shalt  }
0x69: {  	_ =	shalt  }
0x6a: {  	_ =	shalt  }
0x6b: {  	_ =	shalt  }
0x6c: {  	_ =	shalt  }
0x6d: {  	_ =	shalt  }
0x6e: {  	_ =	shalt  }
0x6f: {  	_ =	shalt  }
0x70: {  	_ =	shalt  }
0x71: {  	_ =	shalt  }
0x72: {  	_ =	shalt  }
0x73: {  	_ =	shalt  }
0x74: {  	_ =	shalt  }
0x75: {  	_ =	shalt  }
0x76: {  	_ =	shalt  }
0x77: {  	_ =	shalt  }
0x78: {  	_ =	shalt  }
0x79: {  	_ =	shalt  }
0x7a: {  	_ =	shalt  }
0x7b: {  	_ =	shalt  }
0x7c: {  	_ =	shalt  }
0x7d: {  	_ =	shalt  }
0x7e: {  	_ =	shalt  }
0x7f: {  	_ =	shalt  }
0x80: {  	_ =	shalt  }
0x81: {  	_ =	shalt  }
0x82: {  	_ =	shalt  }
0x83: {  	_ =	shalt  }
0x84: {  	_ =	shalt  }
0x85: {  	_ =	shalt  }
0x86: {  	_ =	shalt  }
0x87: {  	_ =	shalt  }
.Lfunc_end0:
.L_simem_size_0:
called_computation.1_lowered:
.L_overlay_start_0:
0x88: {  	s2 =	sld [smem:$0x3FD9]  }
0x89: {  	s3 =	sld [smem:$0x3FFE];
	_ =	sdelay $0x1  }
0x8a: {  	s1 =	srdreg.scid  }
0x8b: {  	s0 =	sand.u32 $0x1, s1  }
0x8c: {  	s16 =	sshll.u32 s0, $0xA;
	s2 =	sadd.s32 s3, s2  }
0x8d: {  	s2 =	sadd.s32 s2, s16  }
0x8e: {  	[smem:$0x3FBE] =	sst s2  }
0x8f: {  	_ = 	snop  }
0x90: {  	(tm) =	ssettm $0x1  }
0x91: {  	s17 =	sld [smem:$0x3FFB];
	_ =	sdelay $0x3  }
0x92: {  	_ =	strace s17  }
0x93: {  	s2 =	sld [smem:$0x3FFC];
	_ =	sdelay $0x3  }
0x94: {  	_ =	strace s2  }
0x95: {  	s2 =	sld [smem:$0x3FFD];
	_ =	sdelay $0x3  }
0x96: {  	_ =	strace s2  }
0x97: {  	_ =	strace $0x8FFFFFFF  }
0x98: {  	s18 =	sld [smem:$0x3FDB];
	_ =	sdelay $0x1  }
0x99: {  	s19 =	simm.s32 $_scs_section_size  }
0x9a: {  	s4 =	simm.s32 $_size__tile_overlayer_lowered;
	s5 =	simm.s32 $_tile_overlayer_lowered  }
0x9b: {  	s22 =	simm.s32 $0x1BFF;
	s21 =	sshll.u32 s5, $0x1;
	s2 =	sadd.s32 s19, s18  }
0x9c: {  	s6 =	simm.s32 $0x0;
	s20 =	sshll.u32 s4, $0x1;
	s4 =	sadd.s32 s21, s2  }
0x9d: {  	[timem:s6], [sflag:s22] =	dma.local [hbm:s4], s20  }
0x9e: {  	_ =	swait.ge [sflag:s22], s20  }
0x9f: {  	s3 =	ssub.s32 $0x0, s20;
	[sflag:s22] =	ssyncset.done $0x0  }
0xa0: {  	[sflag:s22] =	ssyncadd.s32 s3;
	_ =	sdelay $0x1  }
0xa1: {  	s23 =	simm.s32 $0x1B8B  }
0xa2: {  	_ =	swait.ge [sflag:s23], $0x1  }
0xa3: {  	[sflag:s23] =	ssyncset.done $0x0  }
0xa4: {  	s25 =	simm.s32 $0x1B8E;
	s24 =	sld [smem:$0x3FFE];
	[sflag:s23] =	ssyncadd.s32 $0xFFFFFFFF  }
0xa5: {  	s26 =	simm.s32 $execute0_lowered;
	[smem:$0x3FD2] =	sst s25  }
0xa6: {  	s4 =	sshll.u32 s26, $0x1;
	_ =	strace $0x80000049;
	[dreg:$0x1] =	wrdreg $0xFFFFFFFF  }
0xa7: {  	s28 =	simm.s32 $_size_execute0_lowered;
	s2 =	sadd.s32 s2, s4;
	[dreg:$0x0] =	wrdreg $0x0  }
0xa8: {  	s4 =	sshll.u32 s28, $0x1;
	[dreg:$0x2] =	wrdreg s2  }
0xa9: {  	[dreg:$0x3] =	wrdreg s4  }
0xaa: {  	[dreg:$0x4] =	wrdreg $0xC0  }
0xab: {  	_ =	task [dreg:s6], $0x5FFFF  }
0xac: {  	[dreg:$0x1] =	wrdreg $0xFFFFFFFF  }
0xad: {  	[dreg:$0x0] =	wrdreg $0x60  }
0xae: {  	[dreg:$0x2] =	wrdreg s24  }
0xaf: {  	[dreg:$0x3] =	wrdreg $0xA8800  }
0xb0: {  	[dreg:$0x4] =	wrdreg $0x9  }
0xb1: {  	_ =	task.clear_ibuf [dreg:s6], $0x5FFFF;
	_ =	strace $0x90000049  }
0xb2: {  	s29 =	simm.s32 $0x9;
	_ =	strace $0x8000004B  }
0xb3: {  	_ =	swait.ge [sflag:s29], $0x1  }
0xb4: {  	[sflag:s29] =	ssyncadd.s32 $0xFFFFFFFF  }
0xb5: {  	_ =	strace $0x9000004B  }
0xb6: {  	_ =	sfence  }
0xb7: {  	s30 =	sld [smem:$0x0];
	_ =	sdelay $0x2  }
0xb8: {  	s31 =	sshll.u32 s1, $0xD;
	s1 =	sshrl.u32 s1, $0x2  }
0xb9: {  	s3 =	sand.u32 $0x4000, s31;
	s1 =	sadd.s32 s1, s30  }
0xba: {  	s0 =	sor.u32 s3, s0;
	s1 =	sshll.u32 s1, $0x11  }
0xbb: {  	s0 =	sor.u32 s1, s0  }
0xbc: {  	s0 =	sadd.s32 $0x8F2B, s0  }
0xbd: {  	[sflag:s0] =	ssyncadd.remote.s32 $0x1  }
0xbe: {  	_ =	sfence.sel $0xFFFF  }
0xbf: {  	[dreg:$0x0] =	wrdreg $0xFFFFFFFF;
	(pc) =	sbr.abs _section_cstart, $3  }
0xc0: {  	[dreg:$0x1] =	wrdreg $0xFFFFFFFF  }
0xc1: {  	_ =	task.clear_ibuf [dreg:s6], $0x2FFFF;
	_ =	strace $0x9FFFFFFF  }
0xc2: {  	(tm) =	ssettm $0x7FFFFFFF  }
0xc3: {  	_ =	shalt  }
tec
execute0_lowered:
.L_overlay_start_1:
0x0: {  	(tag) =	ssettag $0x1  }
0x1: {  	s0 =	rddreg [dreg:$0x0]  }
0x2: {  	s1 =	rddreg [dreg:$0x1];
	s3 =	simm.s32 $0x0;
	s22 =	srdreg.scid  }
0x3: {  	s6 =	stileid.u32;
	s18 =	simm.s32 $0xC00;
	s25 =	simm.s32 $0x5C00  }
0x4: {  	s26 =	simm.s32 $0x5D00;
	s28 =	simm.s32 $0x5E00;
	s29 =	simm.s32 $0x80  }
0x5: {  	s30 =	simm.s32 $0x6080;
	s31 =	simm.s32 $0x1;
	[smem:$0x7FF] =	sst s3  }
0x6: {  	s2 =	sadd.s32 $0x17600, s0;
	s19 =	sadd.s32 $0xD600, s0;
	s5 =	sadd.s32 $0x3600, s0  }
0x7: {  	s4 =	sadd.s32 $0x22A00, s0;
	s20 =	sadd.s32 $0x21C00, s0;
	s21 =	sadd.s32 $0x21600, s0  }
0x8: {  	s10 =	sadd.s32 $0x68800, s0;
	_ =	strace $0x8000004A;
	[dreg:$0x4] =	wrdreg s2  }
0x9: {  	s11 =	sadd.s32 $0x49C00, s0;
	s12 =	sadd.s32 $0x54000, s0;
	[dreg:$0x5] =	wrdreg s19  }
0xa: {  	s13 =	smul.u32 $0x280, s6;
	s8 =	sshll.u32 s6, $0x1;
	[dreg:$0x7] =	wrdreg s20  }
0xb: {  	s14 =	sadd.s32 $0x5E400, s0;
	[dreg:$0x8] =	wrdreg s21;
	s2 =	sand.u32 $0x1, s22  }
.Ltmp0:
0xc: {  	s19 =	simm.s32 $0x2;
	s7 =	ssub.s32 $0x2, s2;
	(pc) =	sbr.rel .LBB2_1-.Ltmp0, $4  }
0xd: {  	s21 =	simm.s32 $0xA080;
	s9 =	smul.u32 $0x2800, s2;
	s23 =	sshrl.u32 s7, $0x1  }
0xe: {  	[dreg:$0x6] =	wrdreg s4;
	s2 =	sor.u32 s2, s8;
	s0 =	ssub.s32 s7, s23  }
0xf: {  	v3 =	vimm.f32 $0.0e+00;
	v4 =	vlaneseq.u32;
	v5 =	vimm.s32 $0x0;
	s15 =	smul.u32 $0xA, s2;
	s24 =	sadd.s32 s9, s13;
	s0 =	smax.u32 s0, $0x1  }
0x10: {  	s22 =	simm.s32 $0xA480;
	v2 =	vmov s13;
	s16 =	smul.u32 $0x2900, s2;
	v1 =	vmov s9;
	v0 =	vmov s24;
	[dreg:$0x9] =	wrdreg s0  }
.LBB2_24:
0x11: {  	[sflag:s31] =	ssyncadd.s32 $0xFFFFC000  }
.LBB2_25:
0x12: {  	s3 =	sadd.s32 $0x1, s3;
	s0 =	rddreg [dreg:$0x9]  }
0x13: {  	p0 =	sne.s32 s3, s0  }
.Ltmp1:
0x14: {  	_ = 	snop;
	(pc) =	sbr.rel @!p0 .LBB2_26-.Ltmp1, $1  }
0x15: {  	_ =	sdelay $0x3  }
.LBB2_1:
0x16: {  	s2 =	simm.s32 $0x0;
	s7 =	simm.s32 $0x200  }
.LBB2_2:
0x17: {  	p0 =	sne.s32 s7, $0xFE00;
	[tilespmem:s2+$0x60F0] =	vst v3  }
0x18: {  	[tilespmem:s2+$0x6080] =	vst v3  }
0x19: {  	[tilespmem:s2+$0x6090] =	vst v3  }
.Ltmp2:
0x1a: {  	[tilespmem:s2+$0x60A0] =	vst v3;
	(pc) =	sbr.rel @p0 .LBB2_2-.Ltmp2, $4  }
0x1b: {  	[tilespmem:s2+$0x60B0] =	vst v3  }
0x1c: {  	[tilespmem:s2+$0x60C0] =	vst v3  }
0x1d: {  	[tilespmem:s2+$0x60D0] =	vst v3  }
0x1e: {  	[tilespmem:s2+$0x60E0] =	vst v3;
	s2 =	sshra.s32 s7, $0x2;
	s7 =	sadd.s32 $0x200, s7  }
0x1f: {  	[tilespmem:s2+$0x60F0] =	vst v3  }
0x20: {  	[tilespmem:s2+$0x6080] =	vst v3  }
0x21: {  	[tilespmem:s2+$0x6090] =	vst v3  }
0x22: {  	[tilespmem:s2+$0x60A0] =	vst v3  }
0x23: {  	[tilespmem:s2+$0x60B0] =	vst v3  }
0x24: {  	[tilespmem:s2+$0x60C0] =	vst v3  }
0x25: {  	[tilespmem:s2+$0x60D0] =	vst v3  }
0x26: {  	[tilespmem:s2+$0x60E0] =	vst v3;
	s2 =	simm.s32 $0x0;
	s0 =	rddreg [dreg:$0x7]  }
0x27: {  	[tilespmem:s18], [sflag:$0x2] =	stream.linear.gather [hbm4b:s0+s2], $0x2800, $0x38;
	[tilespmem:$0x1E880] =	vst v63  }
0x28: {  	_ =	swait.ge [sflag:s19], $0x2800  }
0x29: {  	[sflag:s19] =	ssyncset.done $0x0  }
0x2a: {  	s6 =	simm.s32 $0x3400;
	s24 =	rddreg [dreg:$0x8];
	[sflag:s19] =	ssyncadd.s32 $0xFFFFD800  }
0x2b: {  	[tilespmem:s6], [sflag:$0x2] =	stream.linear.gather [hbm4b:s24+s2], $0x2800, $0x38;
	[tilespmem:$0x1E880] =	vst v63  }
0x2c: {  	_ =	swait.ge [sflag:s19], $0x2800  }
0x2d: {  	[sflag:s19] =	ssyncset.done $0x0  }
0x2e: {  	s7 =	simm.s32 $0x40;
	s9 =	simm.s32 $0x0;
	[sflag:s19] =	ssyncadd.s32 $0xFFFFD800  }
.LBB2_4:
0x2f: {  	p0 =	sne.s32 s7, $0x9C0;
	[tilespmem:s9+$0xA080] =	vst v2;
	s17 =	smov.u32 s7;
	s7 =	sadd.s32 $0x40, s7  }
.Ltmp3:
0x30: {  	[tilespmem:s9+$0xA480] =	vst v0;
	(pc) =	sbr.rel @p0 .LBB2_4-.Ltmp3, $2  }
0x31: {  	_ =	sdelay $0x2  }
0x32: {  	s9 =	sshra.s32 s17, $0x2  }
0x33: {  	s20 =	sadd.s32 $0x0, s13  }
0x34: {  	[tilespmem:s9+$0xA080] =	vst v2;
	s17 =	sand.u32 $0x70, s2;
	s7 =	sand.u32 $0x7F80, s20  }
0x35: {  	[tilespmem:s9+$0xA480] =	vst v0;
	s7 =	sor.u32 s17, s7  }
0x36: {  	v6 =	vld [tilespmem:s7+$0xC00];
	_ =	sdelay $0x4  }
0x37: {  	vm0 =	vlt.f32 v6, $0.0e+00;
	vm1 =	vgt.f32 v6, $0.0e+00  }
0x38: {  	vm0 =	vmor vm1, vm0  }
0x39: {  	v6 =	vsel vm0, $0x1, v5  }
0x3a: {  	(xrf0) =	vadd.scan.msk.s32 $0xffff, v6;
	_ =	sdelay $0x2  }
0x3b: {  	v6 =	vmov s2  }
0x3c: {  	v6 =	vadd.s32 $0xFFFFFFFF, v6  }
0x3d: {  	v6 =	vbroadcast v6, $0x0  }
0x3e: {  	v7, _, _ =	vpop (xrf0)  }
0x3f: {  	v6 =	vadd.s32 v7, v6;
	(v2sf) =	vpush v7, $0xF;
	_ =	sdelay $0x3  }
0x40: {  	s9 =	simm.s32 $0x10;
	s17 =	simm.s32 $0x20;
	s7 =	sadd.s32 $0x10, s13;
	v7 =	vor.u32 s20, v4  }
.LBB2_6:
0x41: {  	p0 =	sne.s32 s17, $0x270;
	s20 =	sand.u32 $0x7F80, s7;
	s9 =	sand.u32 $0x70, s9;
	[tilespmem:v6+s21+$0x0] =	vst.idx.msk vm0, v7;
	v7 =	vadd.s32 v1, v7  }
0x42: {  	s20 =	sor.u32 s9, s20;
	[tilespmem:v6+s22+$0x0] =	vst.idx.msk vm0, v7;
	s9 =	smov.u32 s17  }
0x43: {  	v6 =	vld [tilespmem:s20+$0xC00];
	_ =	sdelay $0x4  }
0x44: {  	vm0 =	vlt.f32 v6, $0.0e+00;
	vm1 =	vgt.f32 v6, $0.0e+00  }
0x45: {  	vm0 =	vmor vm1, vm0  }
0x46: {  	v6 =	vsel vm0, $0x1, v5  }
0x47: {  	(xrf0) =	vadd.scan.msk.s32 $0xffff, v6;
	s20 =	spop (v2sf)  }
0x48: {  	s2 =	sadd.s32 s2, s20  }
0x49: {  	v6 =	vmov s2  }
0x4a: {  	v6 =	vadd.s32 $0xFFFFFFFF, v6  }
0x4b: {  	v6 =	vbroadcast v6, $0x0;
	_ =	sdelay $0x1  }
0x4c: {  	v7, _, _ =	vpop (xrf0)  }
.Ltmp4:
0x4d: {  	v6 =	vadd.s32 v7, v6;
	(v2sf) =	vpush v7, $0xF;
	(pc) =	sbr.rel @p0 .LBB2_6-.Ltmp4, $2  }
0x4e: {  	_ =	sdelay $0x2  }
0x4f: {  	s17 =	sadd.s32 $0x10, s17;
	v7 =	vor.u32 s7, v4;
	s7 =	sadd.s32 s9, s13  }
0x50: {  	_ =	sdelay $0x4  }
0x51: {  	s17 =	sand.u32 $0x7F80, s7;
	s9 =	sand.u32 $0x70, s9;
	[tilespmem:v6+s21+$0x0] =	vst.idx.msk vm0, v7;
	v7 =	vadd.s32 v1, v7  }
0x52: {  	s9 =	sor.u32 s9, s17;
	[tilespmem:v6+s22+$0x0] =	vst.idx.msk vm0, v7  }
0x53: {  	v6 =	vld [tilespmem:s9+$0xC00];
	_ =	sdelay $0x4  }
0x54: {  	vm15 =	vlt.f32 v6, $0.0e+00;
	vm1 =	vgt.f32 v6, $0.0e+00  }
0x55: {  	vm0 =	vmor vm1, vm15  }
0x56: {  	v6 =	vsel vm0, $0x1, v5  }
0x57: {  	(xrf0) =	vadd.scan.msk.s32 $0xffff, v6;
	_ =	sdelay $0x5  }
0x58: {  	v6, _, _ =	vpop (xrf0)  }
0x59: {  	(v2sf) =	vpush v6, $0xF;
	_ =	sdelay $0xb  }
0x5a: {  	s23 =	spop (v2sf)  }
0x5b: {  	s2 =	sadd.s32 s2, s23  }
0x5c: {  	v7 =	vmov s2  }
0x5d: {  	v7 =	vadd.s32 $0xFFFFFFFF, v7;
	s24 =	spop (v2sf)  }
0x5e: {  	v7 =	vbroadcast v7, $0x0;
	s2 =	sadd.s32 s2, s24  }
0x5f: {  	s2 =	sadd.s32 $0x7F, s2  }
0x60: {  	v6 =	vadd.s32 v6, v7;
	s0 =	sshrl.u32 s2, $0x7  }
0x61: {  	p0 =	seq.s32 s0, $0x0  }
.Ltmp5:
0x62: {  	_ = 	snop;
	(pc) =	sbr.rel @p0 .LBB2_11-.Ltmp5, $4  }
0x63: {  	_ = 	snop  }
0x64: {  	v7 =	vor.u32 s7, v4  }
0x65: {  	[tilespmem:v6+s21+$0x0] =	vst.idx.msk vm0, v7;
	v7 =	vadd.s32 v1, v7  }
0x66: {  	[tilespmem:v6+s22+$0x0] =	vst.idx.msk vm0, v7;
	s2 =	simm.s32 $0xA080  }
0x67: {  	p1 =	sne.s32 s0, $0x1  }
.Ltmp6:
0x68: {  	_ = 	snop;
	(pc) =	sbr.rel @!p1 .LBB2_10-.Ltmp6, $4  }
0x69: {  	_ = 	snop  }
0x6a: {  	[spmem:s1] =	stream.indirect.scatter [tilespmem:s30], [sflag:$0x2], $0x80, s2, s29, $0xb8;
	[tilespmem:$0x1E880] =	vst v63  }
0x6b: {  	_ =	swait.ge [sflag:s19], $0x4000  }
0x6c: {  	s7 =	sadd.s32 $0xFFFFFFFF, s0;
	[sflag:s19] =	ssyncset.done $0x0  }
.LBB2_9:
0x6d: {  	p1 =	sne.s32 s7, $0x1;
	[sflag:s19] =	ssyncadd.s32 $0xFFFFC000;
	s2 =	sadd.s32 $0x80, s2  }
.Ltmp7:
0x6e: {  	s7 =	sadd.s32 $0xFFFFFFFF, s7;
	(pc) =	sbr.rel @p1 .LBB2_9-.Ltmp7, $4  }
0x6f: {  	_ = 	snop  }
0x70: {  	[spmem:s1] =	stream.indirect.scatter [tilespmem:s30], [sflag:$0x2], $0x80, s2, s29, $0xb8;
	[tilespmem:$0x1E880] =	vst v63  }
0x71: {  	_ =	swait.ge [sflag:s19], $0x4000  }
0x72: {  	[sflag:s19] =	ssyncset.done $0x0  }
.LBB2_10:
0x73: {  	[sflag:s19] =	ssyncadd.s32 $0xFFFFC000  }
.LBB2_11:
0x74: {  	[dreg:$0xa] =	wrdreg s0  }
0x75: {  	[dreg:$0x3] =	wrdreg s3  }
0x76: {  	s7 =	simm.s32 $0x0;
	s23 =	simm.s32 $0x0;
	s9 =	simm.s32 $0x0  }
.LBB2_12:
0x77: {  	s2 =	sadd.s32 s15, s9  }
0x78: {  	s0 =	rddreg [dreg:$0x4];
	s2 =	sshll.u32 s2, $0x7  }
0x79: {  	s17 =	sadd.s32 s0, s2  }
0x7a: {  	[tilespmem:s7], [sflag:$0x2] =	stream.linear.gather [hbm4b:s17+s7], $0x400, $0x38;
	[tilespmem:$0x1E880] =	vst v63  }
0x7b: {  	_ =	swait.ge [sflag:s19], $0x400  }
0x7c: {  	[sflag:s19] =	ssyncset.done $0x0;
	s6 =	rddreg [dreg:$0x5]  }
0x7d: {  	s20 =	simm.s32 $0x400;
	[sflag:s19] =	ssyncadd.s32 $0xFFFFFC00;
	s8 =	sadd.s32 s6, s2  }
0x7e: {  	[tilespmem:s20], [sflag:$0x2] =	stream.linear.gather [hbm4b:s8+s7], $0x400, $0x38;
	[tilespmem:$0x1E880] =	vst v63  }
0x7f: {  	_ =	swait.ge [sflag:s19], $0x400  }
0x80: {  	[sflag:s19] =	ssyncset.done $0x0  }
0x81: {  	s24 =	simm.s32 $0x800;
	s2 =	sadd.s32 s5, s2;
	[sflag:s19] =	ssyncadd.s32 $0xFFFFFC00  }
0x82: {  	[tilespmem:s24], [sflag:$0x2] =	stream.linear.gather [hbm4b:s2+s7], $0x400, $0x38;
	[tilespmem:$0x1E880] =	vst v63  }
0x83: {  	_ =	swait.ge [sflag:s19], $0x400  }
0x84: {  	[sflag:s19] =	ssyncset.done $0x0  }
0x85: {  	s17 =	simm.s32 $0x0;
	[sflag:s19] =	ssyncadd.s32 $0xFFFFFC00  }
.LBB2_13:
0x86: {  	s2 =	sshra.s32 s17, $0x2  }
0x87: {  	v6 =	vld [tilespmem:s2+$0x400];
	_ =	sdelay $0x7  }
0x88: {  	v7 =	vld.idx.msk [tilespmem:v6+s18+$0x0], $0xffff;
	_ =	sdelay $0x4  }
0x89: {  	vm0 =	vlt.f32 v7, $0.0e+00;
	vm1 =	vgt.f32 v7, $0.0e+00  }
0x8a: {  	vm0 =	vmor vm1, vm0  }
0x8b: {  	v8 =	vmpcnt.ones.xlane vm0;
	_ =	sdelay $0x1  }
0x8c: {  	(v2sf) =	vpush v8, $0x0;
	_ =	sdelay $0xe  }
0x8d: {  	s20 =	spop (v2sf)  }
0x8e: {  	p1 =	slt.s32 s20, $0x1  }
0x8f: {  	vm0 =	vlt.f32 @!p1 v7, $0.0e+00;
	vm1 =	vgt.f32 @!p1 v7, $0.0e+00  }
0x90: {  	v7 =	vimm.s32 @!p1 $0x0;
	vm0 =	vmor @!p1 vm1, vm0  }
0x91: {  	s24 =	sshra.s32 @!p1 s17, $0x2;
	v7 =	vsel @!p1 vm0, $0x1, v7  }
0x92: {  	v8 =	vld @!p1 [tilespmem:s24+$0x0];
	(xrf0) =	vadd.scan.msk.s32 @!p1 $0xffff, v7;
	_ =	sdelay $0x2  }
0x93: {  	v7 =	vmov @!p1 s23  }
0x94: {  	v7 =	vadd.s32 @!p1 $0xFF, v7  }
0x95: {  	v7 =	vbroadcast @!p1 v7, $0x0  }
0x96: {  	v9, _, _ =	vpop @!p1 (xrf0)  }
0x97: {  	v10 =	vld @!p1 [tilespmem:s24+$0x800];
	s24 =	simm.s32 @!p1 $0x3400;
	v7 =	vadd.s32 @!p1 v9, v7  }
0x98: {  	s2 =	smov.u32 s23;
	s23 =	sadd.s32 s23, s20;
	v9 =	vld.idx.msk @!p1 [tilespmem:v8+s24+$0x0], $0xffff;
	v7 =	vand.u32 @!p1 $0xFF, v7  }
0x99: {  	s6 =	sshrl.u32 @!p1 s23, $0x7;
	s24 =	sshrl.u32 @!p1 s2, $0x7  }
0x9a: {  	p2 =	sle.u32 @!p1 s6, s24  }
0x9b: {  	p2 =	por p2, p1  }
0x9c: {  	s6 =	simm.s32 @!p1 $0x5C00;
	s24 =	sand.u32 @!p2 $0xFFFFFF80, s2  }
0x9d: {  	s24 =	sadd.s32 @!p2 s16, s24;
	[tilespmem:v7+s6+$0x0] =	vst.idx.msk @!p1 vm0, v8;
	s6 =	simm.s32 @!p1 $0x5D00;
	v8 =	vmul.f32 @!p1 v9, v10  }
0x9e: {  	s0 =	sand.u32 @!p2 $0x80, s2;
	s24 =	sshrl.u32 @!p2 s24, $0x3;
	[tilespmem:v7+s6+$0x0] =	vst.idx.msk @!p1 vm0, v6;
	s6 =	simm.s32 @!p1 $0x5E00  }
0x9f: {  	s3 =	simm.s32 @!p2 $0x0;
	s8 =	sor.u32 @!p2 $0x5C00, s0;
	[tilespmem:v7+s6+$0x0] =	vst.idx.msk @!p1 vm0, v8;
	s6 =	sadd.s32 @!p2 s11, s24  }
0xa0: {  	[hbm4b:s6+s3] =	stream.linear.scatter @!p2 [tilespmem:s8], [sflag:$0x3], $0x80, $0x38;
	[tilespmem:$0x1E880] =	vst v63  }
0xa1: {  	s6 =	simm.s32 @!p2 $0x3  }
0xa2: {  	_ =	swait.ge @!p2 [sflag:s6], $0x80  }
0xa3: {  	[sflag:s6] =	ssyncset.done @!p2 $0x0  }
0xa4: {  	s4 =	sor.u32 @!p2 $0x5D00, s0;
	s8 =	sadd.s32 @!p2 s12, s24;
	[sflag:s6] =	ssyncadd.s32 @!p2 $0xFFFFFF80  }
0xa5: {  	[hbm4b:s8+s3] =	stream.linear.scatter @!p2 [tilespmem:s4], [sflag:$0x3], $0x80, $0x38;
	[tilespmem:$0x1E880] =	vst v63  }
0xa6: {  	_ =	swait.ge @!p2 [sflag:s6], $0x80  }
0xa7: {  	s17 =	sadd.s32 $0x40, s17;
	s0 =	sor.u32 @!p2 $0x5E00, s0;
	[sflag:s6] =	ssyncset.done @!p2 $0x0  }
0xa8: {  	p1 =	sne.s32 s17, $0x1000;
	s4 =	sadd.s32 @!p2 s14, s24;
	[sflag:s6] =	ssyncadd.s32 @!p2 $0xFFFFFF80  }
0xa9: {  	[hbm4b:s4+s3] =	stream.linear.scatter @!p2 [tilespmem:s0], [sflag:$0x2], $0x80, $0x38;
	[tilespmem:$0x1E880] =	vst v63  }
.Ltmp8:
0xaa: {  	_ = 	snop;
	(pc) =	sbr.rel @p1 .LBB2_13-.Ltmp8, $4  }
0xab: {  	s0 =	simm.s32 @!p2 $0x2  }
0xac: {  	_ =	swait.ge @!p2 [sflag:s0], $0x80  }
0xad: {  	[sflag:s0] =	ssyncset.done @!p2 $0x0  }
0xae: {  	[sflag:s0] =	ssyncadd.s32 @!p2 $0xFFFFFF80  }
0xaf: {  	s9 =	sadd.s32 $0x1, s9  }
0xb0: {  	p1 =	sne.s32 s9, $0xA  }
.Ltmp9:
0xb1: {  	_ = 	snop;
	(pc) =	sbr.rel @p1 .LBB2_12-.Ltmp9, $1  }
0xb2: {  	_ =	sdelay $0x3  }
0xb3: {  	s7 =	sadd.s32 s2, s20  }
0xb4: {  	s0 =	sadd.s32 $0x0, s7  }
0xb5: {  	v6 =	vadd.s32 s0, v4  }
0xb6: {  	v6 =	vand.u32 $0xFF, v6  }
0xb7: {  	s17 =	sadd.s32 $0x10, s0  }
0xb8: {  	s3 =	sshrl.u32 s0, $0x7;
	s2 =	sshrl.u32 s17, $0x7  }
0xb9: {  	s4 =	simm.s32 $0x0;
	p1 =	sle.u32 s2, s3  }
0xba: {  	s20 =	simm.s32 $0x2780;
	v7 =	vor.u32 s4, v4;
	s3 =	sand.u32 @!p1 $0xFFFFFF80, s0  }
0xbb: {  	s2 =	sadd.s32 @!p1 s16, s3;
	p1 =	por p1, p1;
	[tilespmem:v6+s25+$0x0] =	vst.idx.msk $0xffff, v7;
	v7 =	vor.u32 s20, v4  }
0xbc: {  	s2 =	sshrl.u32 @!p1 s2, $0x3;
	s0 =	sand.u32 @!p1 $0x80, s0;
	s3 =	simm.s32 @!p1 $0x3;
	[tilespmem:v6+s26+$0x0] =	vst.idx.msk $0xffff, v7  }
0xbd: {  	s8 =	simm.s32 @!p1 $0x0;
	s4 =	sadd.s32 @!p1 s11, s2;
	s6 =	sor.u32 @!p1 $0x5C00, s0;
	[tilespmem:v6+s28+$0x0] =	vst.idx.msk $0xffff, v3  }
0xbe: {  	[hbm4b:s4+s8] =	stream.linear.scatter @!p1 [tilespmem:s6], [sflag:$0x3], $0x80, $0x38;
	[tilespmem:$0x1E880] =	vst v63  }
0xbf: {  	_ =	swait.ge @!p1 [sflag:s3], $0x80  }
0xc0: {  	[sflag:s3] =	ssyncset.done @!p1 $0x0  }
0xc1: {  	s4 =	sadd.s32 @!p1 s12, s2;
	s6 =	sor.u32 @!p1 $0x5D00, s0;
	[sflag:s3] =	ssyncadd.s32 @!p1 $0xFFFFFF80  }
0xc2: {  	[hbm4b:s4+s8] =	stream.linear.scatter @!p1 [tilespmem:s6], [sflag:$0x3], $0x80, $0x38;
	[tilespmem:$0x1E880] =	vst v63  }
0xc3: {  	s9 =	simm.s32 $0x20;
	s20 =	sadd.s32 $0x10, s7;
	_ =	swait.ge @!p1 [sflag:s3], $0x80  }
0xc4: {  	s24 =	sadd.s32 $0x10, s20;
	s0 =	sor.u32 @!p1 $0x5E00, s0;
	[sflag:s3] =	ssyncset.done @!p1 $0x0  }
0xc5: {  	v6 =	vadd.s32 s20, v4;
	s4 =	sadd.s32 @!p1 s14, s2;
	s2 =	simm.s32 @!p1 $0x2;
	[sflag:s3] =	ssyncadd.s32 @!p1 $0xFFFFFF80  }
0xc6: {  	v6 =	vand.u32 $0xFF, v6;
	[hbm4b:s4+s8] =	stream.linear.scatter @!p1 [tilespmem:s0], [sflag:$0x2], $0x80, $0x38;
	[tilespmem:$0x1E880] =	vst v63  }
0xc7: {  	s24 =	sshrl.u32 s24, $0x7;
	s8 =	sshrl.u32 s20, $0x7;
	_ =	swait.ge @!p1 [sflag:s2], $0x80  }
0xc8: {  	s17 =	simm.s32 $0x10;
	p3 =	sle.u32 s24, s8;
	[sflag:s2] =	ssyncset.done @!p1 $0x0  }
.LBB2_16:
0xc9: {  	[sflag:s2] =	ssyncadd.s32 @!p1 $0xFFFFFF80;
	s0 =	smov.u32 s9;
	s9 =	sadd.s32 $0x10, s9  }
0xca: {  	v7 =	vor.u32 s17, v4;
	s2 =	sadd.s32 $0x2780, s17;
	s3 =	sand.u32 @!p3 $0xFFFFFF80, s20;
	p2 =	sne.s32 s9, $0x80  }
0xcb: {  	p1 =	por p3, p3;
	s17 =	smov.u32 s0;
	[tilespmem:v6+s25+$0x0] =	vst.idx.msk $0xffff, v7;
	v7 =	vor.u32 s2, v4;
	s2 =	sadd.s32 @!p3 s16, s3  }
0xcc: {  	s3 =	simm.s32 @!p1 $0x3;
	[tilespmem:v6+s26+$0x0] =	vst.idx.msk $0xffff, v7;
	s0 =	sshrl.u32 @!p1 s2, $0x3;
	s2 =	sand.u32 @!p1 $0x80, s20  }
0xcd: {  	s8 =	simm.s32 @!p1 $0x0;
	[tilespmem:v6+s28+$0x0] =	vst.idx.msk $0xffff, v3;
	s4 =	sadd.s32 @!p1 s11, s0;
	s6 =	sor.u32 @!p1 $0x5C00, s2  }
0xce: {  	[hbm4b:s4+s8] =	stream.linear.scatter @!p1 [tilespmem:s6], [sflag:$0x3], $0x80, $0x38;
	[tilespmem:$0x1E880] =	vst v63  }
0xcf: {  	s4 =	sadd.s32 @!p1 s12, s0;
	s6 =	sor.u32 @!p1 $0x5D00, s2;
	_ =	swait.ge @!p1 [sflag:s3], $0x80  }
0xd0: {  	s24 =	sor.u32 @!p1 $0x5E00, s2;
	s0 =	sadd.s32 @!p1 s14, s0;
	[sflag:s3] =	ssyncset.done @!p1 $0x0  }
0xd1: {  	[sflag:s3] =	ssyncadd.s32 @!p1 $0xFFFFFF80  }
0xd2: {  	[hbm4b:s4+s8] =	stream.linear.scatter @!p1 [tilespmem:s6], [sflag:$0x3], $0x80, $0x38;
	[tilespmem:$0x1E880] =	vst v63  }
0xd3: {  	_ =	swait.ge @!p1 [sflag:s3], $0x80  }
.Ltmp10:
0xd4: {  	s20 =	sadd.s32 s17, s7;
	[sflag:s3] =	ssyncset.done @!p1 $0x0;
	(pc) =	sbr.rel @p2 .LBB2_16-.Ltmp10, $4  }
0xd5: {  	v6 =	vadd.s32 s20, v4;
	s2 =	simm.s32 @!p1 $0x2;
	s4 =	sadd.s32 $0x10, s20;
	[sflag:s3] =	ssyncadd.s32 @!p1 $0xFFFFFF80  }
0xd6: {  	v6 =	vand.u32 $0xFF, v6;
	[hbm4b:s0+s8] =	stream.linear.scatter @!p1 [tilespmem:s24], [sflag:$0x2], $0x80, $0x38;
	[tilespmem:$0x1E880] =	vst v63  }
0xd7: {  	s3 =	sshrl.u32 s4, $0x7;
	s0 =	sshrl.u32 s20, $0x7;
	_ =	swait.ge @!p1 [sflag:s2], $0x80  }
0xd8: {  	p3 =	sle.u32 s3, s0;
	[sflag:s2] =	ssyncset.done @!p1 $0x0  }
0xd9: {  	_ =	sdelay $0x2  }
0xda: {  	[sflag:s2] =	ssyncadd.s32 @!p1 $0xFFFFFF80;
	v7 =	vor.u32 s17, v4;
	s0 =	sadd.s32 $0x2780, s17;
	s2 =	sand.u32 @!p3 $0xFFFFFF80, s20  }
0xdb: {  	p1 =	por p3, p3;
	[tilespmem:v6+s25+$0x0] =	vst.idx.msk $0xffff, v7;
	v7 =	vor.u32 s0, v4;
	s0 =	sadd.s32 @!p3 s16, s2  }
0xdc: {  	s2 =	sand.u32 @!p1 $0x80, s20;
	s3 =	simm.s32 @!p1 $0x3;
	[tilespmem:v6+s26+$0x0] =	vst.idx.msk $0xffff, v7;
	s0 =	sshrl.u32 @!p1 s0, $0x3  }
0xdd: {  	s8 =	simm.s32 @!p1 $0x0;
	s6 =	sor.u32 @!p1 $0x5C00, s2;
	[tilespmem:v6+s28+$0x0] =	vst.idx.msk $0xffff, v3;
	s4 =	sadd.s32 @!p1 s11, s0  }
0xde: {  	[hbm4b:s4+s8] =	stream.linear.scatter @!p1 [tilespmem:s6], [sflag:$0x3], $0x80, $0x38;
	[tilespmem:$0x1E880] =	vst v63  }
0xdf: {  	_ =	swait.ge @!p1 [sflag:s3], $0x80  }
0xe0: {  	[sflag:s3] =	ssyncset.done @!p1 $0x0  }
0xe1: {  	s4 =	sadd.s32 @!p1 s12, s0;
	s6 =	sor.u32 @!p1 $0x5D00, s2;
	[sflag:s3] =	ssyncadd.s32 @!p1 $0xFFFFFF80  }
0xe2: {  	[hbm4b:s4+s8] =	stream.linear.scatter @!p1 [tilespmem:s6], [sflag:$0x3], $0x80, $0x38;
	[tilespmem:$0x1E880] =	vst v63  }
0xe3: {  	_ =	swait.ge @!p1 [sflag:s3], $0x80  }
0xe4: {  	s24 =	sadd.s32 s9, s7;
	[sflag:s3] =	ssyncset.done @!p1 $0x0  }
0xe5: {  	s0 =	sadd.s32 @!p1 s14, s0;
	s2 =	sor.u32 @!p1 $0x5E00, s2;
	[sflag:s3] =	ssyncadd.s32 @!p1 $0xFFFFFF80  }
0xe6: {  	[hbm4b:s0+s8] =	stream.linear.scatter @!p1 [tilespmem:s2], [sflag:$0x2], $0x80, $0x38;
	[tilespmem:$0x1E880] =	vst v63  }
0xe7: {  	s4 =	sand.u32 $0xFFFFFF80, s24;
	s0 =	simm.s32 @!p1 $0x2  }
0xe8: {  	s9 =	simm.s32 $0x0;
	s3 =	sadd.s32 s16, s4;
	_ =	swait.ge @!p1 [sflag:s0], $0x80  }
0xe9: {  	s6 =	sand.u32 $0x80, s24;
	s7 =	sshrl.u32 s3, $0x3;
	[sflag:s0] =	ssyncset.done @!p1 $0x0  }
0xea: {  	s8 =	sor.u32 $0x5C00, s6;
	s3 =	sadd.s32 s11, s7;
	[sflag:s0] =	ssyncadd.s32 @!p1 $0xFFFFFF80  }
0xeb: {  	[hbm4b:s3+s9] =	stream.linear.scatter [tilespmem:s8], [sflag:$0x2], $0x80, $0x38;
	[tilespmem:$0x1E880] =	vst v63  }
0xec: {  	_ =	swait.ge [sflag:s19], $0x80  }
0xed: {  	s24 =	sadd.s32 $0x7F, s23;
	[sflag:s19] =	ssyncset.done $0x0  }
0xee: {  	s20 =	sor.u32 $0x5D00, s6;
	s17 =	sadd.s32 s12, s7;
	[sflag:s19] =	ssyncadd.s32 $0xFFFFFF80  }
0xef: {  	[hbm4b:s17+s9] =	stream.linear.scatter [tilespmem:s20], [sflag:$0x2], $0x80, $0x38;
	[tilespmem:$0x1E880] =	vst v63  }
0xf0: {  	s17 =	sshrl.u32 s24, $0x7;
	_ =	swait.ge [sflag:s19], $0x80  }
0xf1: {  	s2 =	sadd.s32 s14, s7;
	p1 =	seq.s32 s17, $0x0;
	[sflag:s19] =	ssyncset.done $0x0  }
.Ltmp11:
0xf2: {  	s0 =	sor.u32 $0x5E00, s6;
	[sflag:s19] =	ssyncadd.s32 $0xFFFFFF80;
	(pc) =	sbr.rel @p1 .LBB2_21-.Ltmp11, $4  }
0xf3: {  	[hbm4b:s2+s9] =	stream.linear.scatter [tilespmem:s0], [sflag:$0x2], $0x80, $0x38;
	[tilespmem:$0x1E880] =	vst v63  }
0xf4: {  	s23 =	simm.s32 $0x6000;
	s7 =	simm.s32 $0x0;
	_ =	swait.ge [sflag:s19], $0x80  }
0xf5: {  	s6 =	simm.s32 $0x5F00;
	[sflag:s19] =	ssyncset.done $0x0;
	s3 =	rddreg [dreg:$0x3]  }
0xf6: {  	s8 =	simm.s32 $0x5F80;
	s4 =	rddreg [dreg:$0x6];
	[sflag:s19] =	ssyncadd.s32 $0xFFFFFF80  }
.LBB2_18:
0xf7: {  	s0 =	sshll.u32 s7, $0x7  }
0xf8: {  	s0 =	sadd.s32 s16, s0  }
0xf9: {  	s0 =	sshrl.u32 s0, $0x3  }
0xfa: {  	s2 =	sadd.s32 s11, s0  }
0xfb: {  	[tilespmem:s6], [sflag:$0x2] =	stream.linear.gather [hbm4b:s2+s9], $0x80, $0x38;
	[tilespmem:$0x1E880] =	vst v63  }
0xfc: {  	_ =	swait.ge [sflag:s19], $0x80  }
0xfd: {  	[sflag:s19] =	ssyncset.done $0x0  }
0xfe: {  	s24 =	sadd.s32 s12, s0;
	[sflag:s19] =	ssyncadd.s32 $0xFFFFFF80  }
0xff: {  	[tilespmem:s8], [sflag:$0x2] =	stream.linear.gather [hbm4b:s24+s9], $0x80, $0x38;
	[tilespmem:$0x1E880] =	vst v63  }
0x100: {  	_ =	swait.ge [sflag:s19], $0x80  }
0x101: {  	[sflag:s19] =	ssyncset.done $0x0  }
0x102: {  	s0 =	sadd.s32 s14, s0;
	[sflag:s19] =	ssyncadd.s32 $0xFFFFFF80  }
0x103: {  	[tilespmem:s23], [sflag:$0x2] =	stream.linear.gather [hbm4b:s0+s9], $0x80, $0x38;
	[tilespmem:$0x1E880] =	vst v63  }
0x104: {  	_ =	swait.ge [sflag:s19], $0x80  }
0x105: {  	[sflag:s19] =	ssyncset.done $0x0  }
0x106: {  	[sflag:s19] =	ssyncadd.s32 $0xFFFFFF80  }
0x107: {  	[tilespmem:s30], [sflag:$0x1] =	stream.indirect.gather [hbm4b:s4+s29], $0x80, s6, s29, $0xb8;
	[tilespmem:$0x1E880] =	vst v63  }
0x108: {  	_ =	swait.ge [sflag:s31], $0x4000  }
0x109: {  	[sflag:s31] =	ssyncset.done $0x0  }
0x10a: {  	s2 =	simm.s32 $0x0;
	[sflag:s31] =	ssyncadd.s32 $0xFFFFC000  }
.LBB2_19:
0x10b: {  	s0 =	sshll.u32 s2, $0x4  }
0x10c: {  	s0 =	sand.u32 $0x3FFFFFF0, s0  }
0x10d: {  	s24 =	sshll.u32 s2, $0xB;
	v6 =	vld [tilespmem:s0+$0x6000]  }
0x10e: {  	s20 =	sand.u32 $0x3FFFF800, s24  }
0x10f: {  	v7 =	vld [tilespmem:s20+$0x6080]  }
0x110: {  	v8 =	vld [tilespmem:s20+$0x6090]  }
0x111: {  	v9 =	vld [tilespmem:s20+$0x60A0]  }
0x112: {  	v11 =	vld [tilespmem:s20+$0x60B0];
	v10 =	vbroadcast v6, $0x0  }
0x113: {  	v12 =	vld [tilespmem:s20+$0x60C0]  }
0x114: {  	v13 =	vld [tilespmem:s20+$0x60D0];
	v7 =	vmul.f32 v10, v7  }
0x115: {  	v14 =	vld [tilespmem:s20+$0x60E0];
	v8 =	vmul.f32 v8, v10  }
0x116: {  	v54 =	vld [tilespmem:s20+$0x60F0];
	[tilespmem:s20+$0x6080] =	vst v7;
	v7 =	vmul.f32 v9, v10  }
0x117: {  	v56 =	vld [tilespmem:s20+$0x6100];
	v55 =	vmul.f32 v11, v10;
	[tilespmem:s20+$0x6090] =	vst v8  }
0x118: {  	v57 =	vld [tilespmem:s20+$0x6110];
	[tilespmem:s20+$0x60A0] =	vst v7;
	v7 =	vmul.f32 v12, v10  }
0x119: {  	v59 =	vld [tilespmem:s20+$0x6120];
	v58 =	vmul.f32 v13, v10;
	[tilespmem:s20+$0x60B0] =	vst v55  }
0x11a: {  	v15 =	vld [tilespmem:s20+$0x6130];
	v60 =	vbroadcast v6, $0x1;
	[tilespmem:s20+$0x60C0] =	vst v7;
	v7 =	vmul.f32 v14, v10  }
0x11b: {  	v62 =	vld [tilespmem:s20+$0x6140];
	v61 =	vmul.f32 v54, v10;
	[tilespmem:s20+$0x60D0] =	vst v58  }
0x11c: {  	v63 =	vld [tilespmem:s20+$0x6150];
	[tilespmem:s20+$0x60E0] =	vst v7;
	v7 =	vmul.f32 v56, v60  }
0x11d: {  	v17 =	vld [tilespmem:s20+$0x6160];
	v16 =	vmul.f32 v57, v60;
	[tilespmem:s20+$0x60F0] =	vst v61  }
0x11e: {  	v18 =	vld [tilespmem:s20+$0x6170];
	[tilespmem:s20+$0x6100] =	vst v7;
	v7 =	vmul.f32 v59, v60  }
0x11f: {  	v20 =	vld [tilespmem:s20+$0x6180];
	v19 =	vmul.f32 v15, v60;
	[tilespmem:s20+$0x6110] =	vst v16  }
0x120: {  	v21 =	vld [tilespmem:s20+$0x6190];
	[tilespmem:s20+$0x6120] =	vst v7;
	v7 =	vmul.f32 v62, v60  }
0x121: {  	v23 =	vld [tilespmem:s20+$0x61A0];
	v22 =	vmul.f32 v63, v60;
	[tilespmem:s20+$0x6130] =	vst v19  }
0x122: {  	v25 =	vld [tilespmem:s20+$0x61B0];
	v24 =	vbroadcast v6, $0x2;
	[tilespmem:s20+$0x6140] =	vst v7;
	v7 =	vmul.f32 v17, v60  }
0x123: {  	v27 =	vld [tilespmem:s20+$0x61C0];
	v26 =	vmul.f32 v18, v60;
	[tilespmem:s20+$0x6150] =	vst v22  }
0x124: {  	v28 =	vld [tilespmem:s20+$0x61D0];
	[tilespmem:s20+$0x6160] =	vst v7;
	v7 =	vmul.f32 v20, v24  }
0x125: {  	v30 =	vld [tilespmem:s20+$0x61E0];
	v29 =	vmul.f32 v21, v24;
	[tilespmem:s20+$0x6170] =	vst v26  }
0x126: {  	v31 =	vld [tilespmem:s20+$0x61F0];
	[tilespmem:s20+$0x6180] =	vst v7;
	v7 =	vmul.f32 v23, v24  }
0x127: {  	v33 =	vld [tilespmem:s20+$0x6200];
	v32 =	vmul.f32 v25, v24;
	[tilespmem:s20+$0x6190] =	vst v29  }
0x128: {  	v34 =	vld [tilespmem:s20+$0x6210];
	[tilespmem:s20+$0x61A0] =	vst v7;
	v7 =	vmul.f32 v27, v24  }
0x129: {  	v36 =	vld [tilespmem:s20+$0x6220];
	v35 =	vmul.f32 v28, v24;
	[tilespmem:s20+$0x61B0] =	vst v32  }
0x12a: {  	v38 =	vld [tilespmem:s20+$0x6230];
	v37 =	vbroadcast v6, $0x3;
	[tilespmem:s20+$0x61C0] =	vst v7;
	v7 =	vmul.f32 v30, v24  }
0x12b: {  	v40 =	vld [tilespmem:s20+$0x6240];
	v39 =	vmul.f32 v31, v24;
	[tilespmem:s20+$0x61D0] =	vst v35  }
0x12c: {  	v41 =	vld [tilespmem:s20+$0x6250];
	[tilespmem:s20+$0x61E0] =	vst v7;
	v7 =	vmul.f32 v33, v37  }
0x12d: {  	v43 =	vld [tilespmem:s20+$0x6260];
	v42 =	vmul.f32 v34, v37;
	[tilespmem:s20+$0x61F0] =	vst v39  }
0x12e: {  	v44 =	vld [tilespmem:s20+$0x6270];
	[tilespmem:s20+$0x6200] =	vst v7;
	v7 =	vmul.f32 v36, v37  }
0x12f: {  	v46 =	vld [tilespmem:s20+$0x6280];
	v45 =	vmul.f32 v38, v37;
	[tilespmem:s20+$0x6210] =	vst v42  }
0x130: {  	v47 =	vld [tilespmem:s20+$0x6290];
	[tilespmem:s20+$0x6220] =	vst v7;
	v7 =	vmul.f32 v40, v37  }
0x131: {  	v49 =	vld [tilespmem:s20+$0x62A0];
	v48 =	vmul.f32 v41, v37;
	[tilespmem:s20+$0x6230] =	vst v45  }
0x132: {  	v51 =	vld [tilespmem:s20+$0x62B0];
	v50 =	vbroadcast v6, $0x4;
	[tilespmem:s20+$0x6240] =	vst v7;
	v7 =	vmul.f32 v43, v37  }
0x133: {  	v53 =	vld [tilespmem:s20+$0x62C0];
	v52 =	vmul.f32 v44, v37;
	[tilespmem:s20+$0x6250] =	vst v48  }
0x134: {  	v54 =	vld [tilespmem:s20+$0x62D0];
	[tilespmem:s20+$0x6260] =	vst v7;
	v7 =	vmul.f32 v46, v50  }
0x135: {  	[tilespmem:s20+$0x6270] =	vst v52;
	v55 =	vmul.f32 v47, v50;
	v56 =	vld [tilespmem:s20+$0x62E0]  }
0x136: {  	v57 =	vld [tilespmem:s20+$0x62F0];
	[tilespmem:s20+$0x6280] =	vst v7;
	v7 =	vmul.f32 v49, v50  }
0x137: {  	v58 =	vmul.f32 v51, v50;
	[tilespmem:s20+$0x6290] =	vst v55;
	v59 =	vld [tilespmem:s20+$0x6300]  }
0x138: {  	v18 =	vld [tilespmem:s20+$0x6330];
	[tilespmem:s20+$0x62A0] =	vst v7;
	v7 =	vmul.f32 v53, v50  }
0x139: {  	[tilespmem:s20+$0x62B0] =	vst v58;
	v61 =	vmul.f32 v54, v50;
	v62 =	vld [tilespmem:s20+$0x6320]  }
0x13a: {  	v63 =	vbroadcast v6, $0x5;
	v21 =	vld [tilespmem:s20+$0x6350];
	[tilespmem:s20+$0x62C0] =	vst v7;
	v7 =	vmul.f32 v56, v50  }
0x13b: {  	v19 =	vmul.f32 v57, v50;
	[tilespmem:s20+$0x62D0] =	vst v61;
	v20 =	vld [tilespmem:s20+$0x6340]  }
0x13c: {  	v60 =	vld [tilespmem:s20+$0x6310];
	[tilespmem:s20+$0x62E0] =	vst v7;
	v7 =	vmul.f32 v59, v63  }
0x13d: {  	v25 =	vmul.f32 v18, v63;
	[tilespmem:s20+$0x62F0] =	vst v19;
	v23 =	vld [tilespmem:s20+$0x6360]  }
0x13e: {  	v31 =	vld [tilespmem:s20+$0x63B0];
	[tilespmem:s20+$0x6300] =	vst v7;
	v7 =	vmul.f32 v62, v63  }
0x13f: {  	v26 =	vld [tilespmem:s20+$0x6380];
	v28 =	vmul.f32 v21, v63;
	[tilespmem:s20+$0x6330] =	vst v25  }
0x140: {  	v34 =	vld [tilespmem:s20+$0x63D0];
	[tilespmem:s20+$0x6320] =	vst v7;
	v7 =	vmul.f32 v20, v63  }
0x141: {  	v29 =	vld [tilespmem:s20+$0x63A0];
	[tilespmem:s20+$0x6350] =	vst v28;
	v22 =	vmul.f32 v60, v63;
	v30 =	vbroadcast v6, $0x6  }
0x142: {  	v27 =	vld [tilespmem:s20+$0x6390];
	[tilespmem:s20+$0x6340] =	vst v7;
	v7 =	vmul.f32 v23, v63  }
0x143: {  	[tilespmem:s20+$0x6310] =	vst v22;
	v33 =	vld [tilespmem:s20+$0x63C0];
	v38 =	vmul.f32 v31, v30  }
0x144: {  	v24 =	vld [tilespmem:s20+$0x6370];
	[tilespmem:s20+$0x6360] =	vst v7;
	v7 =	vmul.f32 v26, v30  }
0x145: {  	v41 =	vmul.f32 v34, v30;
	v36 =	vld [tilespmem:s20+$0x63E0];
	[tilespmem:s20+$0x63B0] =	vst v38  }
0x146: {  	v44 =	vld [tilespmem:s20+$0x6430];
	[tilespmem:s20+$0x6380] =	vst v7;
	v7 =	vmul.f32 v29, v30  }
0x147: {  	v39 =	vld [tilespmem:s20+$0x6400];
	v35 =	vmul.f32 v27, v30;
	[tilespmem:s20+$0x63D0] =	vst v41  }
0x148: {  	v47 =	vld [tilespmem:s20+$0x6450];
	[tilespmem:s20+$0x63A0] =	vst v7;
	v7 =	vmul.f32 v33, v30  }
0x149: {  	v42 =	vld [tilespmem:s20+$0x6420];
	v32 =	vmul.f32 v24, v63;
	[tilespmem:s20+$0x6390] =	vst v35;
	v43 =	vbroadcast v6, $0x7  }
0x14a: {  	v40 =	vld [tilespmem:s20+$0x6410];
	[tilespmem:s20+$0x63C0] =	vst v7;
	v7 =	vmul.f32 v36, v30  }
0x14b: {  	[tilespmem:s20+$0x6370] =	vst v32;
	v46 =	vld [tilespmem:s20+$0x6440];
	v51 =	vmul.f32 v44, v43  }
0x14c: {  	v37 =	vld [tilespmem:s20+$0x63F0];
	[tilespmem:s20+$0x63E0] =	vst v7;
	v7 =	vmul.f32 v39, v43  }
0x14d: {  	v54 =	vmul.f32 v47, v43;
	v49 =	vld [tilespmem:s20+$0x6460];
	[tilespmem:s20+$0x6430] =	vst v51  }
0x14e: {  	v57 =	vld [tilespmem:s20+$0x64B0];
	[tilespmem:s20+$0x6400] =	vst v7;
	v7 =	vmul.f32 v42, v43  }
0x14f: {  	v52 =	vld [tilespmem:s20+$0x6480];
	v48 =	vmul.f32 v40, v43;
	[tilespmem:s20+$0x6450] =	vst v54  }
0x150: {  	v60 =	vld [tilespmem:s20+$0x64D0];
	[tilespmem:s20+$0x6420] =	vst v7;
	v7 =	vmul.f32 v46, v43  }
0x151: {  	v55 =	vld [tilespmem:s20+$0x64A0];
	v45 =	vmul.f32 v37, v30;
	[tilespmem:s20+$0x6410] =	vst v48;
	v56 =	vbroadcast v6, $0x8  }
0x152: {  	v53 =	vld [tilespmem:s20+$0x6490];
	[tilespmem:s20+$0x6440] =	vst v7;
	v7 =	vmul.f32 v49, v43  }
0x153: {  	[tilespmem:s20+$0x63F0] =	vst v45;
	v59 =	vld [tilespmem:s20+$0x64C0];
	v18 =	vmul.f32 v57, v56  }
0x154: {  	v50 =	vld [tilespmem:s20+$0x6470];
	[tilespmem:s20+$0x6460] =	vst v7;
	v7 =	vmul.f32 v52, v56  }
0x155: {  	v21 =	vmul.f32 v60, v56;
	v62 =	vld [tilespmem:s20+$0x64E0];
	[tilespmem:s20+$0x64B0] =	vst v18  }
0x156: {  	v24 =	vld [tilespmem:s20+$0x6530];
	[tilespmem:s20+$0x6480] =	vst v7;
	v7 =	vmul.f32 v55, v56  }
0x157: {  	v19 =	vld [tilespmem:s20+$0x6500];
	v61 =	vmul.f32 v53, v56;
	[tilespmem:s20+$0x64D0] =	vst v21  }
0x158: {  	v27 =	vld [tilespmem:s20+$0x6550];
	[tilespmem:s20+$0x64A0] =	vst v7;
	v7 =	vmul.f32 v59, v56  }
0x159: {  	v22 =	vld [tilespmem:s20+$0x6520];
	v58 =	vmul.f32 v50, v43;
	[tilespmem:s20+$0x6490] =	vst v61;
	v23 =	vbroadcast v6, $0x9  }
0x15a: {  	v20 =	vld [tilespmem:s20+$0x6510];
	[tilespmem:s20+$0x64C0] =	vst v7;
	v7 =	vmul.f32 v62, v56  }
0x15b: {  	[tilespmem:s20+$0x6470] =	vst v58;
	v26 =	vld [tilespmem:s20+$0x6540];
	v31 =	vmul.f32 v24, v23  }
0x15c: {  	v63 =	vld [tilespmem:s20+$0x64F0];
	[tilespmem:s20+$0x64E0] =	vst v7;
	v7 =	vmul.f32 v19, v23  }
0x15d: {  	v34 =	vmul.f32 v27, v23;
	v29 =	vld [tilespmem:s20+$0x6560];
	[tilespmem:s20+$0x6530] =	vst v31  }
0x15e: {  	v37 =	vld [tilespmem:s20+$0x65B0];
	[tilespmem:s20+$0x6500] =	vst v7;
	v7 =	vmul.f32 v22, v23  }
0x15f: {  	v32 =	vld [tilespmem:s20+$0x6580];
	v28 =	vmul.f32 v20, v23;
	[tilespmem:s20+$0x6550] =	vst v34  }
0x160: {  	v40 =	vld [tilespmem:s20+$0x65D0];
	[tilespmem:s20+$0x6520] =	vst v7;
	v7 =	vmul.f32 v26, v23  }
0x161: {  	v35 =	vld [tilespmem:s20+$0x65A0];
	v25 =	vmul.f32 v63, v56;
	[tilespmem:s20+$0x6510] =	vst v28;
	v36 =	vbroadcast v6, $0xA  }
0x162: {  	v33 =	vld [tilespmem:s20+$0x6590];
	[tilespmem:s20+$0x6540] =	vst v7;
	v7 =	vmul.f32 v29, v23  }
0x163: {  	[tilespmem:s20+$0x64F0] =	vst v25;
	v39 =	vld [tilespmem:s20+$0x65C0];
	v44 =	vmul.f32 v37, v36  }
0x164: {  	v30 =	vld [tilespmem:s20+$0x6570];
	[tilespmem:s20+$0x6560] =	vst v7;
	v7 =	vmul.f32 v32, v36  }
0x165: {  	v47 =	vmul.f32 v40, v36;
	v42 =	vld [tilespmem:s20+$0x65E0];
	[tilespmem:s20+$0x65B0] =	vst v44  }
0x166: {  	v50 =	vld [tilespmem:s20+$0x6630];
	[tilespmem:s20+$0x6580] =	vst v7;
	v7 =	vmul.f32 v35, v36  }
0x167: {  	v45 =	vld [tilespmem:s20+$0x6600];
	v41 =	vmul.f32 v33, v36;
	[tilespmem:s20+$0x65D0] =	vst v47  }
0x168: {  	v53 =	vld [tilespmem:s20+$0x6650];
	[tilespmem:s20+$0x65A0] =	vst v7;
	v7 =	vmul.f32 v39, v36  }
0x169: {  	v48 =	vld [tilespmem:s20+$0x6620];
	v38 =	vmul.f32 v30, v23;
	[tilespmem:s20+$0x6590] =	vst v41;
	v49 =	vbroadcast v6, $0xB  }
0x16a: {  	v46 =	vld [tilespmem:s20+$0x6610];
	[tilespmem:s20+$0x65C0] =	vst v7;
	v7 =	vmul.f32 v42, v36  }
0x16b: {  	[tilespmem:s20+$0x6570] =	vst v38;
	v52 =	vld [tilespmem:s20+$0x6640];
	v57 =	vmul.f32 v50, v49  }
0x16c: {  	v43 =	vld [tilespmem:s20+$0x65F0];
	[tilespmem:s20+$0x65E0] =	vst v7;
	v7 =	vmul.f32 v45, v49  }
0x16d: {  	v60 =	vmul.f32 v53, v49;
	v55 =	vld [tilespmem:s20+$0x6660];
	[tilespmem:s20+$0x6630] =	vst v57  }
0x16e: {  	v63 =	vld [tilespmem:s20+$0x66B0];
	[tilespmem:s20+$0x6600] =	vst v7;
	v7 =	vmul.f32 v48, v49  }
0x16f: {  	v58 =	vld [tilespmem:s20+$0x6680];
	v54 =	vmul.f32 v46, v49;
	[tilespmem:s20+$0x6650] =	vst v60  }
0x170: {  	v20 =	vld [tilespmem:s20+$0x66D0];
	[tilespmem:s20+$0x6620] =	vst v7;
	v7 =	vmul.f32 v52, v49  }
0x171: {  	v61 =	vld [tilespmem:s20+$0x66A0];
	v51 =	vmul.f32 v43, v36;
	[tilespmem:s20+$0x6610] =	vst v54;
	v62 =	vbroadcast v6, $0xC  }
0x172: {  	v59 =	vld [tilespmem:s20+$0x6690];
	[tilespmem:s20+$0x6640] =	vst v7;
	v7 =	vmul.f32 v55, v49  }
0x173: {  	[tilespmem:s20+$0x65F0] =	vst v51;
	v19 =	vld [tilespmem:s20+$0x66C0];
	v24 =	vmul.f32 v63, v62  }
0x174: {  	v56 =	vld [tilespmem:s20+$0x6670];
	[tilespmem:s20+$0x6660] =	vst v7;
	v7 =	vmul.f32 v58, v62  }
0x175: {  	v27 =	vmul.f32 v20, v62;
	v22 =	vld [tilespmem:s20+$0x66E0];
	[tilespmem:s20+$0x66B0] =	vst v24  }
0x176: {  	v30 =	vld [tilespmem:s20+$0x6730];
	[tilespmem:s20+$0x6680] =	vst v7;
	v7 =	vmul.f32 v61, v62  }
0x177: {  	v25 =	vld [tilespmem:s20+$0x6700];
	v21 =	vmul.f32 v59, v62;
	[tilespmem:s20+$0x66D0] =	vst v27  }
0x178: {  	v33 =	vld [tilespmem:s20+$0x6750];
	[tilespmem:s20+$0x66A0] =	vst v7;
	v7 =	vmul.f32 v19, v62  }
0x179: {  	v28 =	vld [tilespmem:s20+$0x6720];
	v18 =	vmul.f32 v56, v49;
	[tilespmem:s20+$0x6690] =	vst v21;
	v29 =	vbroadcast v6, $0xD  }
0x17a: {  	v26 =	vld [tilespmem:s20+$0x6710];
	[tilespmem:s20+$0x66C0] =	vst v7;
	v7 =	vmul.f32 v22, v62  }
0x17b: {  	[tilespmem:s20+$0x6670] =	vst v18;
	v32 =	vld [tilespmem:s20+$0x6740];
	v37 =	vmul.f32 v30, v29  }
0x17c: {  	v23 =	vld [tilespmem:s20+$0x66F0];
	[tilespmem:s20+$0x66E0] =	vst v7;
	v7 =	vmul.f32 v25, v29  }
0x17d: {  	v40 =	vmul.f32 v33, v29;
	v35 =	vld [tilespmem:s20+$0x6760];
	[tilespmem:s20+$0x6730] =	vst v37  }
0x17e: {  	v43 =	vld [tilespmem:s20+$0x67B0];
	[tilespmem:s20+$0x6700] =	vst v7;
	v7 =	vmul.f32 v28, v29  }
0x17f: {  	v38 =	vld [tilespmem:s20+$0x6780];
	v34 =	vmul.f32 v26, v29;
	[tilespmem:s20+$0x6750] =	vst v40  }
0x180: {  	v46 =	vld [tilespmem:s20+$0x67D0];
	[tilespmem:s20+$0x6720] =	vst v7;
	v7 =	vmul.f32 v32, v29  }
0x181: {  	v41 =	vld [tilespmem:s20+$0x67A0];
	v31 =	vmul.f32 v23, v62;
	[tilespmem:s20+$0x6710] =	vst v34;
	v42 =	vbroadcast v6, $0xE  }
0x182: {  	v39 =	vld [tilespmem:s20+$0x6790];
	[tilespmem:s20+$0x6740] =	vst v7;
	v7 =	vmul.f32 v35, v29  }
0x183: {  	[tilespmem:s20+$0x66F0] =	vst v31;
	v45 =	vld [tilespmem:s20+$0x67C0];
	v50 =	vmul.f32 v43, v42  }
0x184: {  	v36 =	vld [tilespmem:s20+$0x6770];
	[tilespmem:s20+$0x6760] =	vst v7;
	v7 =	vmul.f32 v38, v42  }
0x185: {  	v53 =	vmul.f32 v46, v42;
	v48 =	vld [tilespmem:s20+$0x67E0];
	[tilespmem:s20+$0x67B0] =	vst v50  }
0x186: {  	v52 =	vld [tilespmem:s20+$0x6810];
	[tilespmem:s20+$0x6780] =	vst v7;
	v7 =	vmul.f32 v41, v42  }
0x187: {  	v51 =	vld [tilespmem:s20+$0x6800];
	v47 =	vmul.f32 v39, v42;
	[tilespmem:s20+$0x67D0] =	vst v53  }
0x188: {  	v49 =	vld [tilespmem:s20+$0x67F0];
	[tilespmem:s20+$0x67A0] =	vst v7;
	v7 =	vmul.f32 v45, v42  }
0x189: {  	v54 =	vld [tilespmem:s20+$0x6820];
	v6 =	vbroadcast v6, $0xF;
	v44 =	vmul.f32 v36, v29;
	[tilespmem:s20+$0x6790] =	vst v47  }
0x18a: {  	v58 =	vld [tilespmem:s20+$0x6850];
	[tilespmem:s20+$0x67C0] =	vst v7;
	v7 =	vmul.f32 v48, v42  }
0x18b: {  	v57 =	vld [tilespmem:s20+$0x6840];
	[tilespmem:s20+$0x6770] =	vst v44;
	v59 =	vmul.f32 v52, v6  }
0x18c: {  	v55 =	vld [tilespmem:s20+$0x6830];
	[tilespmem:s20+$0x67E0] =	vst v7;
	v7 =	vmul.f32 v51, v6  }
0x18d: {  	v60 =	vld [tilespmem:s20+$0x6860];
	v56 =	vmul.f32 v49, v42;
	[tilespmem:s20+$0x6810] =	vst v59  }
0x18e: {  	v61 =	vld [tilespmem:s20+$0x6870];
	[tilespmem:s20+$0x6800] =	vst v7;
	v7 =	vmul.f32 v54, v6  }
0x18f: {  	[tilespmem:s20+$0x67F0] =	vst v56;
	v63 =	vmul.f32 v58, v6  }
0x190: {  	p1 =	sne.s32 s2, $0x7;
	[tilespmem:s20+$0x6820] =	vst v7;
	v7 =	vmul.f32 v57, v6  }
.Ltmp12:
0x191: {  	v62 =	vmul.f32 v55, v6;
	[tilespmem:s20+$0x6850] =	vst v63;
	(pc) =	sbr.rel @p1 .LBB2_19-.Ltmp12, $4  }
0x192: {  	[tilespmem:s20+$0x6840] =	vst v7;
	v7 =	vmul.f32 v60, v6  }
0x193: {  	[tilespmem:s20+$0x6830] =	vst v62;
	v6 =	vmul.f32 v61, v6  }
0x194: {  	[tilespmem:s20+$0x6860] =	vst v7  }
0x195: {  	s2 =	sadd.s32 $0x1, s2;
	[tilespmem:s20+$0x6870] =	vst v6  }
0x196: {  	s7 =	sadd.s32 $0x1, s7  }
0x197: {  	p1 =	sne.s32 s7, s17  }
.Ltmp13:
0x198: {  	_ = 	snop;
	(pc) =	sbr.rel @p1 .LBB2_18-.Ltmp13, $4  }
0x199: {  	[spmem:s1] =	stream.indirect.scatter.add.f32 [tilespmem:s30], [sflag:$0x2], $0x80, s8, s29, $0xb8;
	[tilespmem:$0x1E880] =	vst v63  }
0x19a: {  	_ =	swait.ge [sflag:s19], $0x4000  }
0x19b: {  	[sflag:s19] =	ssyncset.done $0x0  }
0x19c: {  	[sflag:s19] =	ssyncadd.s32 $0xFFFFC000  }
.LBB2_21:
.Ltmp14:
0x19d: {  	(pc) =	sbr.rel @p0 .LBB2_25-.Ltmp14, $2  }
0x19e: {  	_ =	sdelay $0x1  }
0x19f: {  	[bflag:$0x0] =	sbarrier.arrive $0xFFFF;
	_ =	sdelay $0x1  }
0x1a0: {  	s2 =	simm.s32 $0xA080  }
0x1a1: {  	[tilespmem:s30], [sflag:$0x1] =	stream.indirect.gather [spmem:s1], $0x80, s2, s29, $0xb8;
	[tilespmem:$0x1E880] =	vst v63  }
0x1a2: {  	_ =	swait.ge [sflag:s31], $0x4000  }
0x1a3: {  	s0 =	rddreg [dreg:$0xa]  }
0x1a4: {  	p0 =	sne.s32 s0, $0x1  }
.Ltmp15:
0x1a5: {  	[sflag:s31] =	ssyncset.done $0x0;
	(pc) =	sbr.rel @!p0 .LBB2_24-.Ltmp15, $4  }
0x1a6: {  	s7 =	simm.s32 $0xA480;
	[sflag:s31] =	ssyncadd.s32 $0xFFFFC000  }
0x1a7: {  	[hbm4b:s10+s29] =	stream.indirect.scatter [tilespmem:s30], [sflag:$0x1], $0x80, s7, s29, $0xb8;
	[tilespmem:$0x1E880] =	vst v63  }
0x1a8: {  	_ =	swait.ge [sflag:s31], $0x4000  }
0x1a9: {  	s9 =	sadd.s32 $0xFFFFFFFF, s0;
	[sflag:s31] =	ssyncset.done $0x0  }
.LBB2_23:
0x1aa: {  	[sflag:s31] =	ssyncadd.s32 $0xFFFFC000;
	s2 =	sadd.s32 $0x80, s2;
	s7 =	sadd.s32 $0x80, s7  }
0x1ab: {  	[tilespmem:s30], [sflag:$0x1] =	stream.indirect.gather [spmem:s1], $0x80, s2, s29, $0xb8;
	[tilespmem:$0x1E880] =	vst v63  }
0x1ac: {  	p0 =	sne.s32 s9, $0x1;
	s9 =	sadd.s32 $0xFFFFFFFF, s9;
	_ =	swait.ge [sflag:s31], $0x4000  }
.Ltmp16:
0x1ad: {  	[sflag:s31] =	ssyncset.done $0x0;
	(pc) =	sbr.rel @p0 .LBB2_23-.Ltmp16, $4  }
0x1ae: {  	[sflag:s31] =	ssyncadd.s32 $0xFFFFC000  }
0x1af: {  	[hbm4b:s10+s29] =	stream.indirect.scatter [tilespmem:s30], [sflag:$0x1], $0x80, s7, s29, $0xb8;
	[tilespmem:$0x1E880] =	vst v63  }
0x1b0: {  	_ =	swait.ge [sflag:s31], $0x4000  }
0x1b1: {  	[sflag:s31] =	ssyncset.done $0x0  }
.Ltmp17:
0x1b2: {  	_ = 	snop;
	(pc) =	sbr.rel .LBB2_24-.Ltmp17, $1  }
0x1b3: {  	_ =	sdelay $0x3  }
.LBB2_26:
0x1b4: {  	_ =	sfence.sel $0x180000  }
0x1b5: {  	[bflag:$0x0] =	sbarrier.arrive $0xFFFF  }
0x1b6: {  	_ =	strace $0x9000004A  }
0x1b7: {  	s0 =	stileid.u32;
	[bflag:$0x2] =	sbarrier.arrive $0xFFFF  }
0x1b8: {  	p0 =	sne.s32 s0, $0x0;
	s0 =	rddreg [dreg:$0x2]  }
0x1b9: {  	s0 =	sadd.s32 @!p0 $0x100000, s0  }
0x1ba: {  	[sflag:s0] =	ssyncadd.tile.s32 @!p0 $0x1;
	_ =	shalt  }
.Lfunc_end2:
_tile_overlayer_lowered:
.L_overlay_start_2:
0x1bb: {  	(tag) =	ssettag $0x2  }
0x1bc: {  	s0 =	rddreg [dreg:$0x0];
	s2 =	stileid.u32  }
0x1bd: {  	s1 =	rddreg [dreg:$0x1];
	p0 =	sne.s32 s2, $0x0  }
0x1be: {  	s3 =	rddreg [dreg:$0x2];
	[bflag:$0x3] =	sbarrier.arrive $0xFFFF;
	s2 =	simm.s32 @!p0 $0x1C02  }
0x1bf: {  	[timem:s3], [sflag:s2] =	dma.local @!p0 [hbm:s0], s1  }
0x1c0: {  	s0 =	simm.s32 @!p0 $0x2  }
0x1c1: {  	_ =	swait.ge @!p0 [sflag:s0], s1  }
0x1c2: {  	s1 =	ssub.s32 @!p0 $0x0, s1;
	[sflag:s0] =	ssyncset.done @!p0 $0x0  }
0x1c3: {  	[sflag:s0] =	ssyncadd.s32 @!p0 s1  }
0x1c4: {  	[bflag:$0x3] =	sbarrier.arrive $0xFFFF  }
0x1c5: {  	_ =	shalt  }

// kernel: kernel.7.cloned.1.call-start
scs
__scs_entry_jumppad:
0x0: {  	(pc) =	sbr.rel $0x88, $3  }
0x1: {  	(tag) =	ssettag $0x0;
	lr =	simm.s32 $0x1  }
0x2: {  	[smem:$0x3F97] =	sst lr;
	_ =	strace $0xD0000000  }
0x3: {  	_ = 	snop  }
0x4: {  	_ = 	snop  }
0x5: {  	_ = 	snop  }
0x6: {  	_ = 	snop  }
0x7: {  	_ = 	snop  }
__scs_overlays_trampoline_lowered:
0x8: {  	[smem:$0x3FA6] =	sst s0  }
0x9: {  	[smem:$0x3FA7] =	sst s1  }
0xa: {  	[smem:$0x3FA8] =	sst s2  }
0xb: {  	[smem:$0x3FA9] =	sst s3  }
0xc: {  	[smem:$0x3FAA] =	sst s4  }
0xd: {  	[smem:$0x3FAB] =	sst s5  }
0xe: {  	[smem:$0x3FAC] =	sst s6  }
0xf: {  	[smem:$0x3FAD] =	sst s7  }
0x10: {  	[smem:$0x3FAE] =	sst s8  }
0x11: {  	[smem:$0x3FAF] =	sst s9;
	s0 =	simm.s32 @!p0 $0x0  }
0x12: {  	s1 =	sld [smem:$0x3F95];
	s0 =	simm.s32 @p0 $0x1  }
0x13: {  	[smem:$0x3FB0] =	sst s0;
	s0 =	simm.s32 @!p1 $0x0  }
0x14: {  	s2 =	sld [smem:$0x3F94];
	s0 =	simm.s32 @p1 $0x1  }
0x15: {  	[smem:$0x3FB1] =	sst s0;
	s0 =	simm.s32 @!p2 $0x0  }
0x16: {  	s3 =	sld [smem:$0x3FDB];
	s0 =	simm.s32 @p2 $0x1  }
0x17: {  	s4 =	simm.s32 $0x1BF5;
	[smem:$0x3FB3] =	sst s0  }
0x18: {  	s0 =	sld [smem:$0x3F96];
	_ =	swait.ge [sflag:s4], $0x0  }
0x19: {  	s7 =	sld [smem:$0x3F97]  }
0x1a: {  	s8 =	sadd.s32 $0xFFFFE003, lr  }
0x1b: {  	s9 =	sadd.s32 $0xFFFFFEF7, lr;
	s5 =	simm.s32 $0xFFFFFFFF;
	p2 =	slt.u32 s8, $0xFFFFF086  }
0x1c: {  	p1 =	slt.u32 s9, $0xF7A;
	s5 =	simm.s32 @!p2 $0x0  }
0x1d: {  	s5 =	simm.s32 @p1 $0x1;
	p0 =	seq.s32 s7, s2  }
0x1e: {  	s7 =	smul.u32 @!p0 $0xF7A, s2;
	p2 =	seq.s32 @!p0 s5, $0x0  }
0x1f: {  	s9 =	smul.u32 $0xF7A, s1;
	s8 =	simm.s32 @!p0 $0x1BF5;
	p2 =	por !p2, p0  }
0x20: {  	[sflag:s8] =	ssyncset.s32 @!p0 $0xFFFFF086;
	s6 =	sadd.s32 @!p0 s3, s7;
	s7 =	simm.s32 @!p0 $0x108  }
0x21: {  	s3 =	sadd.s32 s3, s9;
	s6 =	sadd.s32 @!p0 $0x88, s6;
	s7 =	simm.s32 @p2 $0x1082  }
0x22: {  	[simem:s7], [sflag:s8] =	dma.local @!p0 [hbm:s6], $0xF7A  }
0x23: {  	s9 =	sor.u32 $0xD0000000, s2;
	s6 =	simm.s32 $0x108;
	_ =	swait.ge @!p0 [sflag:s8], $0x0  }
0x24: {  	s3 =	sadd.s32 $0x88, s3;
	s6 =	simm.s32 @!p1 $0x1082;
	[sflag:s4] =	ssyncset.s32 $0xFFFFF086  }
0x25: {  	[simem:s6], [sflag:s4] =	dma.local [hbm:s3], $0xF7A  }
0x26: {  	[smem:$0x3F97] =	sst s1;
	(tag) =	ssettag s2;
	_ =	strace s9  }
0x27: {  	s1 =	sld [smem:$0x3FA7]  }
0x28: {  	s2 =	sld [smem:$0x3FA8]  }
0x29: {  	s4 =	sld [smem:$0x3FAA]  }
0x2a: {  	p0 =	seq.s32 s5, $0x0;
	s5 =	sld [smem:$0x3FAB]  }
0x2b: {  	s6 =	sld [smem:$0x3FAC]  }
0x2c: {  	s7 =	sld [smem:$0x3FAD]  }
0x2d: {  	s3 =	simm.s32 $0x108;
	s8 =	sld [smem:$0x3FAE]  }
0x2e: {  	s3 =	simm.s32 @!p0 $0x1082;
	s9 =	sld [smem:$0x3FAF]  }
0x2f: {  	lr =	sadd.s32 s0, s3;
	s0 =	sld [smem:$0x3FA6]  }
0x30: {  	s3 =	sld [smem:$0x3FA9]  }
0x31: {  	[smem:$0x3FB2] =	sst s10  }
0x32: {  	s10 =	sld [smem:$0x3FB0];
	_ =	sdelay $0x3  }
0x33: {  	p0 =	seq.s32 s10, $0x1;
	s10 =	sld [smem:$0x3FB2];
	_ =	sdelay $0x3  }
0x34: {  	[smem:$0x3FB2] =	sst s10  }
0x35: {  	s10 =	sld [smem:$0x3FB1];
	_ =	sdelay $0x3  }
0x36: {  	p1 =	seq.s32 s10, $0x1;
	s10 =	sld [smem:$0x3FB2];
	_ =	sdelay $0x3  }
0x37: {  	[smem:$0x3FB2] =	sst s10  }
0x38: {  	s10 =	sld [smem:$0x3FB3]  }
0x39: {  	_ = 	snop;
	(pc) =	sbr.ind lr, $3  }
0x3a: {  	_ = 	snop  }
0x3b: {  	_ = 	snop  }
0x3c: {  	p2 =	seq.s32 s10, $0x1;
	s10 =	sld [smem:$0x3FB2]  }
0x3d: {  	_ =	shalt  }
0x3e: {  	_ =	shalt  }
0x3f: {  	_ =	shalt  }
0x40: {  	_ =	shalt  }
0x41: {  	_ =	shalt  }
0x42: {  	_ =	shalt  }
0x43: {  	_ =	shalt  }
0x44: {  	_ =	shalt  }
0x45: {  	_ =	shalt  }
0x46: {  	_ =	shalt  }
0x47: {  	_ =	shalt  }
0x48: {  	_ =	shalt  }
0x49: {  	_ =	shalt  }
0x4a: {  	_ =	shalt  }
0x4b: {  	_ =	shalt  }
0x4c: {  	_ =	shalt  }
0x4d: {  	_ =	shalt  }
0x4e: {  	_ =	shalt  }
0x4f: {  	_ =	shalt  }
0x50: {  	_ =	shalt  }
0x51: {  	_ =	shalt  }
0x52: {  	_ =	shalt  }
0x53: {  	_ =	shalt  }
0x54: {  	_ =	shalt  }
0x55: {  	_ =	shalt  }
0x56: {  	_ =	shalt  }
0x57: {  	_ =	shalt  }
0x58: {  	_ =	shalt  }
0x59: {  	_ =	shalt  }
0x5a: {  	_ =	shalt  }
0x5b: {  	_ =	shalt  }
0x5c: {  	_ =	shalt  }
0x5d: {  	_ =	shalt  }
0x5e: {  	_ =	shalt  }
0x5f: {  	_ =	shalt  }
0x60: {  	_ =	shalt  }
0x61: {  	_ =	shalt  }
0x62: {  	_ =	shalt  }
0x63: {  	_ =	shalt  }
0x64: {  	_ =	shalt  }
0x65: {  	_ =	shalt  }
0x66: {  	_ =	shalt  }
0x67: {  	_ =	shalt  }
0x68: {  	_ =	shalt  }
0x69: {  	_ =	shalt  }
0x6a: {  	_ =	shalt  }
0x6b: {  	_ =	shalt  }
0x6c: {  	_ =	shalt  }
0x6d: {  	_ =	shalt  }
0x6e: {  	_ =	shalt  }
0x6f: {  	_ =	shalt  }
0x70: {  	_ =	shalt  }
0x71: {  	_ =	shalt  }
0x72: {  	_ =	shalt  }
0x73: {  	_ =	shalt  }
0x74: {  	_ =	shalt  }
0x75: {  	_ =	shalt  }
0x76: {  	_ =	shalt  }
0x77: {  	_ =	shalt  }
0x78: {  	_ =	shalt  }
0x79: {  	_ =	shalt  }
0x7a: {  	_ =	shalt  }
0x7b: {  	_ =	shalt  }
0x7c: {  	_ =	shalt  }
0x7d: {  	_ =	shalt  }
0x7e: {  	_ =	shalt  }
0x7f: {  	_ =	shalt  }
0x80: {  	_ =	shalt  }
0x81: {  	_ =	shalt  }
0x82: {  	_ =	shalt  }
0x83: {  	_ =	shalt  }
0x84: {  	_ =	shalt  }
0x85: {  	_ =	shalt  }
0x86: {  	_ =	shalt  }
0x87: {  	_ =	shalt  }
.Lfunc_end0:
.L_simem_size_0:
called_computation_lowered:
.L_overlay_start_0:
0x88: {  	s2 =	sld [smem:$0x3FD9]  }
0x89: {  	s3 =	sld [smem:$0x3FFE];
	_ =	sdelay $0x1  }
0x8a: {  	s1 =	srdreg.scid  }
0x8b: {  	s0 =	sand.u32 $0x1, s1  }
0x8c: {  	s16 =	sshll.u32 s0, $0xA;
	s2 =	sadd.s32 s3, s2  }
0x8d: {  	s2 =	sadd.s32 s2, s16  }
0x8e: {  	[smem:$0x3FBE] =	sst s2  }
0x8f: {  	_ = 	snop  }
0x90: {  	(tm) =	ssettm $0x1  }
0x91: {  	s17 =	sld [smem:$0x3FFB];
	_ =	sdelay $0x3  }
0x92: {  	_ =	strace s17  }
0x93: {  	s2 =	sld [smem:$0x3FFC];
	_ =	sdelay $0x3  }
0x94: {  	_ =	strace s2  }
0x95: {  	s2 =	sld [smem:$0x3FFD];
	_ =	sdelay $0x3  }
0x96: {  	_ =	strace s2  }
0x97: {  	_ =	strace $0x8FFFFFFF  }
0x98: {  	s18 =	sld [smem:$0x3FDB];
	_ =	sdelay $0x1  }
0x99: {  	s19 =	simm.s32 $_scs_section_size  }
0x9a: {  	s4 =	simm.s32 $_size__tile_overlayer_lowered;
	s5 =	simm.s32 $_tile_overlayer_lowered  }
0x9b: {  	s22 =	simm.s32 $0x1BFF;
	s21 =	sshll.u32 s5, $0x1;
	s2 =	sadd.s32 s19, s18  }
0x9c: {  	s6 =	simm.s32 $0x0;
	s20 =	sshll.u32 s4, $0x1;
	s4 =	sadd.s32 s21, s2  }
0x9d: {  	[timem:s6], [sflag:s22] =	dma.local [hbm:s4], s20  }
0x9e: {  	_ =	swait.ge [sflag:s22], s20  }
0x9f: {  	s3 =	ssub.s32 $0x0, s20;
	[sflag:s22] =	ssyncset.done $0x0  }
0xa0: {  	[sflag:s22] =	ssyncadd.s32 s3;
	_ =	sdelay $0x1  }
0xa1: {  	s23 =	simm.s32 $0x1B8B  }
0xa2: {  	_ =	swait.ge [sflag:s23], $0x1  }
0xa3: {  	[sflag:s23] =	ssyncset.done $0x0  }
0xa4: {  	s25 =	simm.s32 $0x1B8E;
	s24 =	sld [smem:$0x3FFE];
	[sflag:s23] =	ssyncadd.s32 $0xFFFFFFFF  }
0xa5: {  	s26 =	simm.s32 $execute0_lowered;
	[smem:$0x3FD2] =	sst s25  }
0xa6: {  	s4 =	sshll.u32 s26, $0x1;
	_ =	strace $0x80000046;
	[dreg:$0x1] =	wrdreg $0xFFFFFFFF  }
0xa7: {  	s28 =	simm.s32 $_size_execute0_lowered;
	s2 =	sadd.s32 s2, s4;
	[dreg:$0x0] =	wrdreg $0x0  }
0xa8: {  	s4 =	sshll.u32 s28, $0x1;
	[dreg:$0x2] =	wrdreg s2  }
0xa9: {  	[dreg:$0x3] =	wrdreg s4  }
0xaa: {  	[dreg:$0x4] =	wrdreg $0xC0  }
0xab: {  	_ =	task [dreg:s6], $0x5FFFF  }
0xac: {  	[dreg:$0x1] =	wrdreg $0xFFFFFFFF  }
0xad: {  	[dreg:$0x0] =	wrdreg $0x60  }
0xae: {  	[dreg:$0x2] =	wrdreg s24  }
0xaf: {  	[dreg:$0x3] =	wrdreg $0xA2800  }
0xb0: {  	[dreg:$0x4] =	wrdreg $0xA5000  }
0xb1: {  	[dreg:$0x5] =	wrdreg $0x9  }
0xb2: {  	_ =	task.clear_ibuf [dreg:s6], $0x6FFFF;
	_ =	strace $0x90000046  }
0xb3: {  	s29 =	simm.s32 $0x9;
	_ =	strace $0x80000048  }
0xb4: {  	_ =	swait.ge [sflag:s29], $0x1  }
0xb5: {  	[sflag:s29] =	ssyncadd.s32 $0xFFFFFFFF  }
0xb6: {  	_ =	strace $0x90000048  }
0xb7: {  	_ =	sfence  }
0xb8: {  	s30 =	sld [smem:$0x0];
	_ =	sdelay $0x2  }
0xb9: {  	s31 =	sshll.u32 s1, $0xD;
	s1 =	sshrl.u32 s1, $0x2  }
0xba: {  	s3 =	sand.u32 $0x4000, s31;
	s1 =	sadd.s32 s1, s30  }
0xbb: {  	s0 =	sor.u32 s3, s0;
	s1 =	sshll.u32 s1, $0x11  }
0xbc: {  	s0 =	sor.u32 s1, s0  }
0xbd: {  	s0 =	sadd.s32 $0x8F2B, s0  }
0xbe: {  	[sflag:s0] =	ssyncadd.remote.s32 $0x1  }
0xbf: {  	_ =	sfence.sel $0xFFFF  }
0xc0: {  	[dreg:$0x0] =	wrdreg $0xFFFFFFFF;
	(pc) =	sbr.abs _section_cstart, $3  }
0xc1: {  	[dreg:$0x1] =	wrdreg $0xFFFFFFFF  }
0xc2: {  	_ =	task.clear_ibuf [dreg:s6], $0x2FFFF;
	_ =	strace $0x9FFFFFFF  }
0xc3: {  	(tm) =	ssettm $0x7FFFFFFF  }
tec
execute0_lowered:
.L_overlay_start_1:
0x0: {  	(tag) =	ssettag $0x1  }
0x1: {  	s5 =	rddreg [dreg:$0x0]  }
0x2: {  	s1 =	rddreg [dreg:$0x1]  }
0x3: {  	s2 =	rddreg [dreg:$0x2]  }
0x4: {  	s0 =	rddreg [dreg:$0x3];
	s4 =	simm.s32 $0x0  }
0x5: {  	s6 =	srdreg.scid;
	s3 =	stileid.u32;
	s14 =	simm.s32 $0x1  }
0x6: {  	s15 =	simm.s32 $0x2800;
	s16 =	simm.s32 $0x5000;
	s17 =	simm.s32 $0x80  }
0x7: {  	s18 =	simm.s32 $0x100;
	s19 =	simm.s32 $0x0;
	[smem:$0x7FF] =	sst s4  }
0x8: {  	s6 =	sand.u32 $0x1, s6;
	s7 =	sshll.u32 s3, $0x1;
	s8 =	smul.u32 $0x500, s3  }
0x9: {  	s10 =	smul.u32 $0x280, s3;
	s7 =	sor.u32 s6, s7;
	s9 =	sshll.u32 s6, $0x7  }
0xa: {  	s6 =	ssub.s32 $0x2, s6;
	s7 =	smul.u32 $0x500, s7;
	s8 =	sor.u32 s9, s8  }
0xb: {  	_ =	strace $0x80000047;
	s31 =	sshrl.u32 s6, $0x1;
	s8 =	sshrl.u32 s8, $0x3  }
0xc: {  	s13 =	ssub.s32 s6, s31;
	s6 =	sadd.s32 s10, s2;
	s11 =	sadd.s32 s7, s5  }
0xd: {  	s12 =	sadd.s32 s8, s5;
	s5 =	sadd.s32 s10, s1;
	s7 =	sadd.s32 $0x17600, s11  }
0xe: {  	s8 =	sadd.s32 $0xD600, s11;
	s9 =	sadd.s32 $0x3600, s11;
	s10 =	sadd.s32 $0x22000, s12  }
0xf: {  	v0 =	vimm.f32 $0.0e+00;
	s11 =	sadd.s32 $0x21600, s12;
	s12 =	smax.u32 s13, $0x1;
	s13 =	simm.s32 $0xA000  }
.LBB2_1:
0x10: {  	[tilespmem:$0xA000] =	vst v0  }
0x11: {  	[tilespmem:$0xA010] =	vst v0  }
0x12: {  	[tilespmem:$0xA020] =	vst v0  }
0x13: {  	[tilespmem:$0xA030] =	vst v0  }
0x14: {  	[tilespmem:$0xA040] =	vst v0  }
0x15: {  	[tilespmem:$0xA050] =	vst v0  }
0x16: {  	[tilespmem:$0xA060] =	vst v0  }
0x17: {  	[tilespmem:$0xA070] =	vst v0  }
0x18: {  	[tilespmem:$0xA080] =	vst v0  }
0x19: {  	[tilespmem:$0xA090] =	vst v0  }
0x1a: {  	[tilespmem:$0xA0A0] =	vst v0  }
0x1b: {  	[tilespmem:$0xA0B0] =	vst v0  }
0x1c: {  	[tilespmem:$0xA0C0] =	vst v0  }
0x1d: {  	[tilespmem:$0xA0D0] =	vst v0  }
0x1e: {  	[tilespmem:$0xA0E0] =	vst v0  }
0x1f: {  	[tilespmem:$0xA0F0] =	vst v0  }
0x20: {  	[tilespmem:$0xA100] =	vst v0  }
0x21: {  	[tilespmem:$0xA110] =	vst v0  }
0x22: {  	[tilespmem:$0xA120] =	vst v0  }
0x23: {  	[tilespmem:$0xA130] =	vst v0  }
0x24: {  	[tilespmem:$0xA140] =	vst v0  }
0x25: {  	[tilespmem:$0xA150] =	vst v0  }
0x26: {  	[tilespmem:$0xA160] =	vst v0  }
0x27: {  	[tilespmem:$0xA170] =	vst v0  }
0x28: {  	[tilespmem:$0xA180] =	vst v0  }
0x29: {  	[tilespmem:$0xA190] =	vst v0  }
0x2a: {  	[tilespmem:$0xA1A0] =	vst v0  }
0x2b: {  	[tilespmem:$0xA1B0] =	vst v0  }
0x2c: {  	[tilespmem:$0xA1C0] =	vst v0  }
0x2d: {  	[tilespmem:$0xA1D0] =	vst v0  }
0x2e: {  	[tilespmem:$0xA1E0] =	vst v0  }
0x2f: {  	[tilespmem:$0xA1F0] =	vst v0  }
0x30: {  	[tilespmem:$0xA200] =	vst v0  }
0x31: {  	[tilespmem:$0xA210] =	vst v0  }
0x32: {  	[tilespmem:$0xA220] =	vst v0  }
0x33: {  	[tilespmem:$0xA230] =	vst v0  }
0x34: {  	[tilespmem:$0xA240] =	vst v0  }
0x35: {  	[tilespmem:$0xA250] =	vst v0  }
0x36: {  	[tilespmem:$0xA260] =	vst v0  }
0x37: {  	[tilespmem:$0xA270] =	vst v0  }
0x38: {  	[spmem:s5] =	stream.linear.scatter [tilespmem:s13], [sflag:$0x1], $0x280, $0x38;
	[tilespmem:$0xA780] =	vst v63  }
0x39: {  	_ =	swait.ge [sflag:s14], $0x280  }
0x3a: {  	[sflag:s14] =	ssyncset.done $0x0  }
0x3b: {  	[sflag:s14] =	ssyncadd.s32 $0xFFFFFD80  }
0x3c: {  	[spmem:s6] =	stream.linear.scatter [tilespmem:s13], [sflag:$0x1], $0x280, $0x38;
	[tilespmem:$0xA780] =	vst v63  }
0x3d: {  	_ =	swait.ge [sflag:s14], $0x280  }
0x3e: {  	[sflag:s14] =	ssyncset.done $0x0  }
0x3f: {  	[sflag:s14] =	ssyncadd.s32 $0xFFFFFD80  }
0x40: {  	[tilespmem:s4], [sflag:$0x1] =	stream.linear.gather [hbm4b:s7+s4], $0x2800, $0x38;
	[tilespmem:$0xA780] =	vst v63  }
0x41: {  	_ =	swait.ge [sflag:s14], $0x2800  }
0x42: {  	[sflag:s14] =	ssyncset.done $0x0  }
0x43: {  	[sflag:s14] =	ssyncadd.s32 $0xFFFFD800  }
0x44: {  	[tilespmem:s15], [sflag:$0x1] =	stream.linear.gather [hbm4b:s8+s4], $0x2800, $0x38;
	[tilespmem:$0xA780] =	vst v63  }
0x45: {  	_ =	swait.ge [sflag:s14], $0x2800  }
0x46: {  	[sflag:s14] =	ssyncset.done $0x0  }
0x47: {  	[sflag:s14] =	ssyncadd.s32 $0xFFFFD800  }
0x48: {  	[tilespmem:s16], [sflag:$0x1] =	stream.linear.gather [hbm4b:s9+s4], $0x2800, $0x38;
	[tilespmem:$0xA780] =	vst v63  }
0x49: {  	_ =	swait.ge [sflag:s14], $0x2800  }
0x4a: {  	[sflag:s14] =	ssyncset.done $0x0  }
0x4b: {  	s20 =	simm.s32 $0x0;
	[sflag:s14] =	ssyncadd.s32 $0xFFFFD800  }
0x4c: {  	v1 =	vld [tilespmem:s20+$0x2870]  }
0x4d: {  	v2 =	vld [tilespmem:s20+$0x5070]  }
0x4e: {  	v5 =	vld [tilespmem:s20+$0x2800]  }
0x4f: {  	v6 =	vld [tilespmem:s20+$0x2810]  }
0x50: {  	v7 =	vld [tilespmem:s20+$0x2820]  }
0x51: {  	v8 =	vld [tilespmem:s20+$0x2830]  }
0x52: {  	v9 =	vld [tilespmem:s20+$0x2840]  }
0x53: {  	v10 =	vld [tilespmem:s20+$0x2850]  }
0x54: {  	v11 =	vld [tilespmem:s20+$0x2860];
	vm0 =	veq.s32 v1, $0x0  }
0x55: {  	v1 =	vnsel vm0, $0x0, v2;
	v2 =	vld [tilespmem:s20+$0x5000]  }
0x56: {  	v12 =	vld [tilespmem:s20+$0x5010]  }
0x57: {  	v4 =	vld [tilespmem:s20+$0x5020]  }
0x58: {  	v3 =	vld [tilespmem:s20+$0x5030]  }
0x59: {  	vm5 =	veq.s32 v6, $0x0;
	vm4 =	veq.s32 v7, $0x0;
	vm0 =	veq.s32 v5, $0x0;
	[tilespmem:s20+$0x7870] =	vst v1;
	v1 =	vld [tilespmem:s20+$0x5040]  }
0x5a: {  	vm3 =	veq.s32 v8, $0x0;
	vm2 =	veq.s32 v9, $0x0;
	v5 =	vnsel vm0, $0x0, v2;
	v2 =	vld [tilespmem:s20+$0x5050]  }
0x5b: {  	s21 =	simm.s32 $0x80;
	s22 =	simm.s32 $0x400;
	vm1 =	veq.s32 v10, $0x0;
	v6 =	vnsel vm5, $0x0, v12;
	vm0 =	veq.s32 v11, $0x0;
	[tilespmem:s20+$0x7800] =	vst v5;
	v5 =	vld [tilespmem:s20+$0x5060]  }
.LBB2_2:
0x5c: {  	p0 =	sne.s32 s22, $0x9E00;
	v7 =	vld [tilespmem:s21+$0x2870];
	[tilespmem:s20+$0x7810] =	vst v6;
	v4 =	vnsel vm4, $0x0, v4  }
0x5d: {  	v6 =	vld [tilespmem:s21+$0x5070];
	[tilespmem:s20+$0x7820] =	vst v4;
	v3 =	vnsel vm3, $0x0, v3  }
0x5e: {  	v4 =	vld [tilespmem:s21+$0x2800];
	[tilespmem:s20+$0x7830] =	vst v3;
	v1 =	vnsel vm2, $0x0, v1  }
0x5f: {  	v3 =	vld [tilespmem:s21+$0x2810];
	[tilespmem:s20+$0x7840] =	vst v1;
	v1 =	vnsel vm1, $0x0, v2  }
0x60: {  	v2 =	vld [tilespmem:s21+$0x2820];
	[tilespmem:s20+$0x7850] =	vst v1;
	v1 =	vnsel vm0, $0x0, v5  }
0x61: {  	v5 =	vld [tilespmem:s21+$0x2830];
	vm0 =	veq.s32 v7, $0x0;
	[tilespmem:s20+$0x7860] =	vst v1;
	s20 =	smov.u32 s21  }
0x62: {  	v1 =	vld [tilespmem:s20+$0x2840];
	v6 =	vnsel vm0, $0x0, v6  }
0x63: {  	vm5 =	veq.s32 v4, $0x0;
	v7 =	vld [tilespmem:s20+$0x2850];
	[tilespmem:s20+$0x7870] =	vst v6  }
0x64: {  	vm6 =	veq.s32 v3, $0x0;
	v6 =	vld [tilespmem:s20+$0x2860]  }
0x65: {  	v8 =	vld [tilespmem:s20+$0x5000];
	vm4 =	veq.s32 v2, $0x0  }
0x66: {  	v9 =	vld [tilespmem:s20+$0x5010];
	vm3 =	veq.s32 v5, $0x0  }
.Ltmp0:
0x67: {  	v4 =	vld [tilespmem:s20+$0x5020];
	vm2 =	veq.s32 v1, $0x0;
	(pc) =	sbr.rel @p0 .LBB2_2-.Ltmp0, $4  }
0x68: {  	v3 =	vld [tilespmem:s20+$0x5030];
	vm1 =	veq.s32 v7, $0x0  }
0x69: {  	v1 =	vld [tilespmem:s20+$0x5040];
	vm0 =	veq.s32 v6, $0x0  }
0x6a: {  	v5 =	vnsel vm5, $0x0, v8;
	v2 =	vld [tilespmem:s20+$0x5050]  }
0x6b: {  	s21 =	sshra.s32 s22, $0x2;
	s22 =	sadd.s32 $0x200, s22;
	[tilespmem:s20+$0x7800] =	vst v5;
	v6 =	vnsel vm6, $0x0, v9;
	v5 =	vld [tilespmem:s20+$0x5060]  }
0x6c: {  	v7 =	vld [tilespmem:s21+$0x2870];
	[tilespmem:s20+$0x7810] =	vst v6;
	v4 =	vnsel vm4, $0x0, v4  }
0x6d: {  	v6 =	vld [tilespmem:s21+$0x5070];
	[tilespmem:s20+$0x7820] =	vst v4;
	v3 =	vnsel vm3, $0x0, v3  }
0x6e: {  	v4 =	vld [tilespmem:s21+$0x2800];
	[tilespmem:s20+$0x7830] =	vst v3;
	v1 =	vnsel vm2, $0x0, v1  }
0x6f: {  	v3 =	vld [tilespmem:s21+$0x2810];
	[tilespmem:s20+$0x7840] =	vst v1;
	v1 =	vnsel vm1, $0x0, v2  }
0x70: {  	v2 =	vld [tilespmem:s21+$0x2820];
	[tilespmem:s20+$0x7850] =	vst v1;
	v1 =	vnsel vm0, $0x0, v5  }
0x71: {  	v60 =	vld [tilespmem:s21+$0x2830];
	[tilespmem:s20+$0x7860] =	vst v1  }
0x72: {  	v1 =	vld [tilespmem:s21+$0x2840]  }
0x73: {  	v61 =	vld [tilespmem:s21+$0x2850]  }
0x74: {  	v62 =	vld [tilespmem:s21+$0x2860]  }
0x75: {  	v8 =	vld [tilespmem:s21+$0x5000]  }
0x76: {  	v9 =	vld [tilespmem:s21+$0x5010]  }
0x77: {  	v11 =	vld [tilespmem:s21+$0x5030]  }
0x78: {  	vm8 =	veq.s32 v7, $0x0;
	v10 =	vld [tilespmem:s21+$0x5020]  }
0x79: {  	v6 =	vnsel vm8, $0x0, v6;
	v63 =	vld [tilespmem:s21+$0x5040];
	vm9 =	veq.s32 v4, $0x0  }
0x7a: {  	v12 =	vld [tilespmem:s21+$0x5050];
	[tilespmem:s21+$0x7870] =	vst v6;
	vm10 =	veq.s32 v3, $0x0;
	v8 =	vnsel vm9, $0x0, v8  }
0x7b: {  	v3 =	vld [tilespmem:s21+$0x5060];
	vm11 =	veq.s32 v2, $0x0;
	vm12 =	veq.s32 v60, $0x0;
	v2 =	vnsel vm10, $0x0, v9;
	[tilespmem:s21+$0x7800] =	vst v8  }
0x7c: {  	vm13 =	veq.s32 v1, $0x0;
	v1 =	vnsel vm12, $0x0, v11;
	[tilespmem:s21+$0x7810] =	vst v2  }
0x7d: {  	v2 =	vnsel vm11, $0x0, v10;
	[tilespmem:s21+$0x7830] =	vst v1  }
0x7e: {  	vm14 =	veq.s32 v61, $0x0;
	v1 =	vnsel vm13, $0x0, v63;
	[tilespmem:s21+$0x7820] =	vst v2  }
0x7f: {  	vm15 =	veq.s32 v62, $0x0;
	[tilespmem:s21+$0x7840] =	vst v1;
	v1 =	vnsel vm14, $0x0, v12  }
0x80: {  	[tilespmem:s21+$0x7850] =	vst v1;
	v1 =	vnsel vm15, $0x0, v3  }
0x81: {  	[tilespmem:s21+$0x7860] =	vst v1  }
0x82: {  	s28 =	simm.s32 $0x5000;
	s29 =	simm.s32 $0x2800;
	[bflag:$0x0] =	sbarrier.arrive $0xFFFF  }
0x83: {  	[spmem:s1] =	stream.indirect.scatter.add.f32 [tilespmem:s28], [sflag:$0x1], $0x1, s29, s17, $0xb8;
	[tilespmem:$0xA780] =	vst v63  }
0x84: {  	_ =	swait.ge [sflag:s14], $0x80  }
0x85: {  	[sflag:s14] =	ssyncset.done $0x0  }
0x86: {  	s30 =	simm.s32 $0x0;
	s31 =	simm.s32 $0x7800;
	[sflag:s14] =	ssyncadd.s32 $0xFFFFFF80  }
0x87: {  	[spmem:s2] =	stream.indirect.scatter.add.f32 [tilespmem:s31], [sflag:$0x1], $0x1, s30, s17, $0xb8;
	[tilespmem:$0xA780] =	vst v63  }
0x88: {  	_ =	swait.ge [sflag:s14], $0x80  }
0x89: {  	s20 =	simm.s32 $0x80;
	s21 =	simm.s32 $0x400;
	[sflag:s14] =	ssyncset.done $0x0  }
.LBB2_4:
0x8a: {  	s22 =	sadd.s32 $0x5000, s20  }
0x8b: {  	s23 =	sadd.s32 $0x2800, s20;
	[sflag:s14] =	ssyncadd.s32 $0xFFFFFF80;
	s24 =	smov.u32 s21  }
0x8c: {  	[spmem:s1] =	stream.indirect.scatter.add.f32 [tilespmem:s22], [sflag:$0x1], $0x1, s23, s17, $0xb8;
	[tilespmem:$0xA780] =	vst v63  }
0x8d: {  	p0 =	sne.s32 s21, $0x9E00;
	s21 =	sadd.s32 $0x200, s21;
	_ =	swait.ge [sflag:s14], $0x80  }
.Ltmp1:
0x8e: {  	[sflag:s14] =	ssyncset.done $0x0;
	(pc) =	sbr.rel @p0 .LBB2_4-.Ltmp1, $4  }
0x8f: {  	s22 =	sadd.s32 $0x7800, s20;
	[sflag:s14] =	ssyncadd.s32 $0xFFFFFF80  }
0x90: {  	[spmem:s2] =	stream.indirect.scatter.add.f32 [tilespmem:s22], [sflag:$0x1], $0x1, s20, s17, $0xb8;
	[tilespmem:$0xA780] =	vst v63  }
0x91: {  	_ =	swait.ge [sflag:s14], $0x80  }
0x92: {  	s20 =	sshra.s32 s24, $0x2;
	[sflag:s14] =	ssyncset.done $0x0  }
0x93: {  	s21 =	sadd.s32 $0x5000, s20;
	s22 =	sadd.s32 $0x2800, s20;
	[sflag:s14] =	ssyncadd.s32 $0xFFFFFF80  }
0x94: {  	[spmem:s1] =	stream.indirect.scatter.add.f32 [tilespmem:s21], [sflag:$0x1], $0x1, s22, s17, $0xb8;
	[tilespmem:$0xA780] =	vst v63  }
0x95: {  	_ =	swait.ge [sflag:s14], $0x80  }
0x96: {  	[sflag:s14] =	ssyncset.done $0x0  }
0x97: {  	s31 =	sadd.s32 $0x7800, s20;
	[sflag:s14] =	ssyncadd.s32 $0xFFFFFF80  }
0x98: {  	[spmem:s2] =	stream.indirect.scatter.add.f32 [tilespmem:s31], [sflag:$0x1], $0x1, s20, s17, $0xb8;
	[tilespmem:$0xA780] =	vst v63  }
0x99: {  	_ =	swait.ge [sflag:s14], $0x80  }
0x9a: {  	[sflag:s14] =	ssyncset.done $0x0  }
0x9b: {  	[sflag:s14] =	ssyncadd.s32 $0xFFFFFF80  }
0x9c: {  	[bflag:$0x0] =	sbarrier.arrive $0xFFFF  }
0x9d: {  	[tilespmem:s13], [sflag:$0x1] =	stream.linear.gather [spmem:s5], $0x280, $0x38;
	[tilespmem:$0xA780] =	vst v63  }
0x9e: {  	_ =	swait.ge [sflag:s14], $0x280  }
0x9f: {  	[sflag:s14] =	ssyncset.done $0x0  }
0xa0: {  	[sflag:s14] =	ssyncadd.s32 $0xFFFFFD80  }
0xa1: {  	[hbm4b:s10+s17] =	stream.strided.scatter [tilespmem:s13], [sflag:$0x1], $0x280, s18, s17, $0x38;
	[tilespmem:$0xA780] =	vst v63  }
0xa2: {  	_ =	swait.ge [sflag:s14], $0x280  }
0xa3: {  	[sflag:s14] =	ssyncset.done $0x0  }
0xa4: {  	[sflag:s14] =	ssyncadd.s32 $0xFFFFFD80  }
0xa5: {  	[tilespmem:s13], [sflag:$0x1] =	stream.linear.gather [spmem:s6], $0x280, $0x38;
	[tilespmem:$0xA780] =	vst v63  }
0xa6: {  	s19 =	sadd.s32 $0x1, s19;
	_ =	swait.ge [sflag:s14], $0x280  }
0xa7: {  	p0 =	sne.s32 s19, s12;
	[sflag:s14] =	ssyncset.done $0x0  }
.Ltmp2:
0xa8: {  	[sflag:s14] =	ssyncadd.s32 $0xFFFFFD80;
	(pc) =	sbr.rel @p0 .LBB2_1-.Ltmp2, $4  }
0xa9: {  	[hbm4b:s11+s17] =	stream.strided.scatter [tilespmem:s13], [sflag:$0x1], $0x280, s18, s17, $0x38;
	[tilespmem:$0xA780] =	vst v63  }
0xaa: {  	_ =	swait.ge [sflag:s14], $0x280  }
0xab: {  	[sflag:s14] =	ssyncset.done $0x0  }
0xac: {  	[sflag:s14] =	ssyncadd.s32 $0xFFFFFD80  }
0xad: {  	_ =	sfence.sel $0x180000  }
0xae: {  	[bflag:$0x0] =	sbarrier.arrive $0xFFFF  }
0xaf: {  	p0 =	sne.s32 s3, $0x0;
	_ =	strace $0x90000047  }
0xb0: {  	s0 =	sadd.s32 @!p0 $0x100000, s0;
	[bflag:$0x2] =	sbarrier.arrive $0xFFFF  }
0xb1: {  	[sflag:s0] =	ssyncadd.tile.s32 @!p0 $0x1;
	_ =	shalt  }
.Lfunc_end2:
_tile_overlayer_lowered:
.L_overlay_start_2:
0xb2: {  	(tag) =	ssettag $0x2  }
0xb3: {  	s0 =	rddreg [dreg:$0x0];
	s2 =	stileid.u32  }
0xb4: {  	s1 =	rddreg [dreg:$0x1];
	p0 =	sne.s32 s2, $0x0  }
0xb5: {  	s3 =	rddreg [dreg:$0x2];
	[bflag:$0x3] =	sbarrier.arrive $0xFFFF;
	s2 =	simm.s32 @!p0 $0x1C01  }
0xb6: {  	[timem:s3], [sflag:s2] =	dma.local @!p0 [hbm:s0], s1  }
0xb7: {  	s0 =	simm.s32 @!p0 $0x1  }
0xb8: {  	_ =	swait.ge @!p0 [sflag:s0], s1  }
0xb9: {  	s1 =	ssub.s32 @!p0 $0x0, s1;
	[sflag:s0] =	ssyncset.done @!p0 $0x0  }
0xba: {  	[sflag:s0] =	ssyncadd.s32 @!p0 s1  }
0xbb: {  	[bflag:$0x3] =	sbarrier.arrive $0xFFFF  }
0xbc: {  	_ =	shalt  }

</sc_bundles>
